<compile_context>
chip_gen: v7x
topology: tpu7x:2x2x1
jax: 0.10.2.dev20260603
libtpu: 0.0.44.dev20260713+nightly
codegen_flags: <defaults>
</compile_context>

<pallas_src>
import functools

import jax
import jax.numpy as jnp
from jax import lax
from jax.experimental import pallas as pl
from jax.experimental.pallas import tpu as pltpu
from jax.experimental.pallas import tpu_sc as plsc

NN = 10000
EE = 320000
DD = 128
RR = 10
KEYS = RR * NN
KEYS_PAD = 100096
CHUNK = 128
NTILES = 32
EP = 323584
EPW = EP // NTILES
NCHUNK = EPW // CHUNK
N_ACC = 10112
ROWS_PER_TILE_H = KEYS_PAD // 16
ROWS_PER_TILE_A = N_ACC // 16

_mesh = plsc.VectorSubcoreMesh(core_axis_name="c", subcore_axis_name="s")


HK = 896
HROWS_PER_TILE = HK // 16


def _sc_hist(pk):
    @functools.partial(
        pl.kernel,
        out_type=jax.ShapeDtypeStruct((2, HK, 128), jnp.float32),
        mesh=_mesh,
        compiler_params=pltpu.CompilerParams(needs_layout_passes=False),
        scratch_types=[
            pltpu.VMEM((3, CH_A), jnp.int32),
            pltpu.VMEM((3, CH_A), jnp.int32),
            pltpu.VMEM((CH_A + 16,), jnp.int32),
            pltpu.VMEM((CH_A + 16,), jnp.int32),
            pltpu.VMEM((CH_A,), jnp.int32),
            pltpu.VMEM((CH_A,), jnp.int32),
            pltpu.VMEM((CH_A, 128), jnp.float32),
            pltpu.VMEM((CH_A, 128), jnp.float32),
            pltpu.SemaphoreType.DMA,
            pltpu.SemaphoreType.DMA,
            pltpu.VMEM_SHARED((HK, 128), jnp.float32),
        ],
    )
    def hist_kernel(pk_hbm, out_hbm, ebuf0, ebuf1, lbuf0, lbuf1, ridx0, ridx1,
                    rows0, rows1, sem0, sem1, hist_sh):
        c = lax.axis_index("c")
        s = lax.axis_index("s")
        wid = c * 16 + s
        ebufs = (ebuf0, ebuf1)
        lbufs = (lbuf0, lbuf1)
        ridxs = (ridx0, ridx1)
        rows = (rows0, rows1)
        sems = (sem0, sem1)

        def zinit_body(i, _):
            for j in range(128 // 16):
                rows0[i, pl.ds(j * 16, 16)] = jnp.zeros((16,), jnp.float32)
            return 0
        lax.fori_loop(0, CH_A, zinit_body, 0)
        pltpu.sync_copy(rows0.at[pl.ds(0, HROWS_PER_TILE), :],
                        hist_sh.at[pl.ds(s * HROWS_PER_TILE, HROWS_PER_TILE), :])
        plsc.subcore_barrier()

        iotas = [lax.iota(jnp.int32, 16) + 16 * j for j in range(8)]

        def build_fire(b, g):
            pltpu.sync_copy(pk_hbm.at[wid * NCHUNK_A + g], ebufs[b])
            for j in range(CH_A // 16):
                sl = pl.ds(j * 16, 16)
                kw = ebufs[b][1, sl]
                ridxs[b][sl] = lax.shift_right_logical(kw, 7)
                lbufs[b][sl] = lax.bitwise_and(kw, 127)

            @plsc.parallel_loop(0, CH_A, unroll=2)
            def one_edge(e):
                l16 = jnp.full((16,), lbufs[b][pl.ds(e, 16)][0], jnp.int32)
                for j in range(8):
                    rows[b][e, pl.ds(j * 16, 16)] = jnp.where(
                        iotas[j] == l16, 1.0, 0.0)
            pltpu.async_copy(rows[b], hist_sh.at[ridxs[b]], sems[b], add=True)

        def wait_scatter(b):
            pltpu.make_async_copy(rows[b], hist_sh.at[ridxs[b]],
                                  sems[b]).wait()

        build_fire(0, 0)

        def edge_body(i, _):
            build_fire(1, 2 * i + 1)
            wait_scatter(0)

            @pl.when(2 * i + 2 < NCHUNK_A)
            def _():
                build_fire(0, 2 * i + 2)
            wait_scatter(1)
            return 0
        lax.fori_loop(0, NCHUNK_A // 2, edge_body, 0)
        plsc.subcore_barrier()

        pltpu.sync_copy(hist_sh.at[pl.ds(s * HROWS_PER_TILE, HROWS_PER_TILE), :],
                        out_hbm.at[c, pl.ds(s * HROWS_PER_TILE, HROWS_PER_TILE), :])

    return hist_kernel(pk)


CH_A = 64
NCHUNK_A = EPW // CH_A
EPC = EP // CH_A


def _sc_aggregate(pk, t_tab, w_tab):
    @functools.partial(
        pl.kernel,
        out_type=jax.ShapeDtypeStruct((2, N_ACC, DD), jnp.float32),
        mesh=_mesh,
        compiler_params=pltpu.CompilerParams(needs_layout_passes=False),
        scratch_types=[
            pltpu.VMEM((3, CH_A), jnp.int32),
            pltpu.VMEM((3, CH_A), jnp.int32),
            pltpu.VMEM((CH_A, DD), jnp.float32),
            pltpu.VMEM((CH_A, DD), jnp.float32),
            pltpu.VMEM((CH_A, DD), jnp.float32),
            pltpu.VMEM((CH_A, DD), jnp.float32),
            pltpu.SemaphoreType.DMA,
            pltpu.SemaphoreType.DMA,
            pltpu.VMEM_SHARED((N_ACC, DD), jnp.float32),
        ],
    )
    def agg_kernel(pk_hbm, ttab_hbm, wtab_hbm, out_hbm,
                   ebuf0, ebuf1, rows0, rows1, wrows0, wrows1,
                   sem0, sem1, acc_sh):
        c = lax.axis_index("c")
        s = lax.axis_index("s")
        wid = c * 16 + s
        ebufs = (ebuf0, ebuf1)
        rows = (rows0, rows1)
        wrows = (wrows0, wrows1)
        sems = (sem0, sem1)

        def zinit_body(i, _):
            for j in range(DD // 16):
                rows0[i, pl.ds(j * 16, 16)] = jnp.zeros((16,), jnp.float32)
            return 0
        lax.fori_loop(0, CH_A, zinit_body, 0)

        def zero_body(i, _):
            pltpu.sync_copy(
                rows0, acc_sh.at[pl.ds(s * ROWS_PER_TILE_A + i * CH_A, CH_A), :])
            return 0
        lax.fori_loop(0, 9, zero_body, 0)
        pltpu.sync_copy(rows0.at[pl.ds(0, 56)],
                        acc_sh.at[pl.ds(s * ROWS_PER_TILE_A + 9 * CH_A, 56), :])
        plsc.subcore_barrier()

        def stage_fire(b, g):
            pltpu.sync_copy(pk_hbm.at[wid * NCHUNK_A + g], ebufs[b])
            pltpu.async_copy(ttab_hbm.at[ebufs[b].at[0]], rows[b], sems[b])
            pltpu.async_copy(wtab_hbm.at[ebufs[b].at[1]], wrows[b], sems[b])

        def wait_scale_scatter(b):
            pltpu.make_async_copy(ttab_hbm.at[ebufs[b].at[0]], rows[b],
                                  sems[b]).wait()
            pltpu.make_async_copy(wtab_hbm.at[ebufs[b].at[1]], wrows[b],
                                  sems[b]).wait()

            @plsc.parallel_loop(0, CH_A, unroll=4)
            def scale_body(e):
                for j in range(DD // 16):
                    sl = pl.ds(j * 16, 16)
                    rows[b][e, sl] = rows[b][e, sl] * wrows[b][e, sl]

            pltpu.sync_copy(rows[b], acc_sh.at[ebufs[b].at[2]], add=True)

        stage_fire(0, 0)

        def edge_body(i, _):
            g1 = 2 * i + 1
            g2 = 2 * i + 2
            stage_fire(1, g1)
            wait_scale_scatter(0)

            @pl.when(g2 < NCHUNK_A)
            def _():
                stage_fire(0, g2)
            wait_scale_scatter(1)
            return 0
        lax.fori_loop(0, NCHUNK_A // 2, edge_body, 0)
        plsc.subcore_barrier()

        pltpu.sync_copy(acc_sh.at[pl.ds(s * ROWS_PER_TILE_A, ROWS_PER_TILE_A), :],
                        out_hbm.at[c, pl.ds(s * ROWS_PER_TILE_A, ROWS_PER_TILE_A), :])

    return agg_kernel(pk, t_tab, w_tab)


def _tc_pack_keys(src_p, dst_p, typ_p):
    s2 = src_p.reshape(EPC, CH_A)
    d2 = dst_p.reshape(EPC, CH_A)
    t2 = typ_p.reshape(EPC, CH_A)

    def body(s_ref, d_ref, t_ref, kt_ref, kw_ref, kd_ref):
        t = t_ref[:] * NN
        kt_ref[:] = t + s_ref[:]
        kw_ref[:] = t + d_ref[:]
        kd_ref[:] = d_ref[:]

    kt, kw, kd = pl.pallas_call(
        body,
        grid=(1,),
        in_specs=[pl.BlockSpec((EPC, CH_A), lambda i: (0, 0))] * 3,
        out_specs=[pl.BlockSpec((EPC, CH_A), lambda i: (0, 0))] * 3,
        out_shape=[jax.ShapeDtypeStruct((EPC, CH_A), jnp.int32)] * 3,
    )(s2, d2, t2)
    return jnp.stack([kt, kw, kd], axis=1)


_BN = 400


def _tc_rel_transform(h, wrel):
    def body(h_ref, w_ref, o_ref):
        o_ref[:] = jnp.dot(h_ref[:], w_ref[0],
                           preferred_element_type=jnp.float32)

    nb = NN // _BN
    return pl.pallas_call(
        body,
        grid=(RR, nb),
        in_specs=[
            pl.BlockSpec((_BN, DD), lambda r, n: (n, 0)),
            pl.BlockSpec((1, DD, DD), lambda r, n: (r, 0, 0)),
        ],
        out_specs=pl.BlockSpec((_BN, DD), lambda r, n: (r * nb + n, 0)),
        out_shape=jax.ShapeDtypeStruct((KEYS, DD), jnp.float32),
    )(h, wrel)


def _tc_weight_table(hist2):
    def body(a_ref, b_ref, o_ref):
        cnt = a_ref[0] + b_ref[0]
        o_ref[:] = 1.0 / jnp.maximum(cnt, 1.0)

    return pl.pallas_call(
        body,
        grid=(1,),
        in_specs=[
            pl.BlockSpec((1, HK, 128), lambda i: (0, 0, 0)),
            pl.BlockSpec((1, HK, 128), lambda i: (1, 0, 0)),
        ],
        out_specs=pl.BlockSpec((HK, 128), lambda i: (0, 0)),
        out_shape=jax.ShapeDtypeStruct((HK, 128), jnp.float32),
    )(hist2, hist2)


def _tc_combine(h, wroot, bias, gamma, beta, agg, relu, residual):
    b2 = bias.reshape(1, DD)
    g2 = gamma.reshape(1, DD)
    be2 = beta.reshape(1, DD)

    def body(h_ref, w_ref, b_ref, g_ref, be_ref, a0_ref, a1_ref, o_ref):
        y = jnp.dot(h_ref[:], w_ref[:], preferred_element_type=jnp.float32)
        y = y + b_ref[:] + a0_ref[0] + a1_ref[0]
        mu = jnp.mean(y, axis=-1, keepdims=True)
        yc = y - mu
        var = jnp.mean(yc * yc, axis=-1, keepdims=True)
        y = yc * lax.rsqrt(var + 1e-5) * g_ref[:] + be_ref[:]
        if relu:
            y = jnp.maximum(y, 0.0)
        if residual:
            y = y + h_ref[:]
        o_ref[:] = y

    return pl.pallas_call(
        body,
        grid=(NN // _BN,),
        in_specs=[
            pl.BlockSpec((_BN, DD), lambda n: (n, 0)),
            pl.BlockSpec((DD, DD), lambda n: (0, 0)),
            pl.BlockSpec((1, DD), lambda n: (0, 0)),
            pl.BlockSpec((1, DD), lambda n: (0, 0)),
            pl.BlockSpec((1, DD), lambda n: (0, 0)),
            pl.BlockSpec((1, _BN, DD), lambda n: (0, n, 0)),
            pl.BlockSpec((1, _BN, DD), lambda n: (1, n, 0)),
        ],
        out_specs=pl.BlockSpec((_BN, DD), lambda n: (n, 0)),
        out_shape=jax.ShapeDtypeStruct((NN, DD), jnp.float32),
    )(h, wroot, b2, g2, be2, agg, agg)


def kernel(x, edge_index, edge_type, Wrel0, Wroot0, b0, g0, be0,
           Wrel1, Wroot1, b1, g1, be1):
    src = edge_index[0]
    dst = edge_index[1]
    pad = EP - EE
    src_p = jnp.concatenate([src, jnp.zeros((pad,), jnp.int32)])
    dst_p = jnp.concatenate([dst, jnp.full((pad,), NN, jnp.int32)])
    typ_p = jnp.concatenate([edge_type, jnp.full((pad,), RR - 1, jnp.int32)])

    pk = _tc_pack_keys(src_p, dst_p, typ_p)
    hist2 = _sc_hist(pk)
    w_inv = _tc_weight_table(hist2)
    w_tab = jnp.broadcast_to(w_inv.reshape(HK * 128, 1), (HK * 128, DD))

    t0 = _tc_rel_transform(x, Wrel0)
    agg0 = _sc_aggregate(pk, t0, w_tab)
    h1 = _tc_combine(x, Wroot0, b0, g0, be0, agg0, relu=True, residual=False)

    t1 = _tc_rel_transform(h1, Wrel1)
    agg1 = _sc_aggregate(pk, t1, w_tab)
    h2 = _tc_combine(h1, Wroot1, b1, g1, be1, agg1, relu=False, residual=True)
    return h2

# --- scband reference (transcript-rebuilt; emitter-appended) ---
"""Pipeline reference for scband-graph-memory-22067541967020 (READ-ONLY COPY).

The authoritative reference and input builder live on the scoring server;
editing this copy changes nothing except your own understanding.
"""

import jax, jax.numpy as jnp
import numpy as np

N = 10000
E = 320000
D = 128
R = 10

def setup_inputs(seed: int = 0) -> dict:
    key = jax.random.key(seed)
    ks = jax.random.split(key, 16)
    inp = {}
    inp["x"] = jax.random.normal(ks[0], (N, D), dtype=jnp.float32)
    inp["edge_index"] = jax.random.randint(ks[1], (2, E), 0, N, dtype=jnp.int32)
    inp["edge_type"] = jax.random.randint(ks[2], (E,), 0, R, dtype=jnp.int32)
    # RGCNConv layer 0 params: relation weights [R, D, D], root weight [D, D], bias [D]
    inp["Wrel0"] = jax.random.normal(ks[3], (R, D, D), dtype=jnp.float32) * 0.05
    inp["Wroot0"] = jax.random.normal(ks[4], (D, D), dtype=jnp.float32) * 0.05
    inp["b0"] = jnp.zeros((D,), dtype=jnp.float32)
    inp["g0"] = jnp.ones((D,), dtype=jnp.float32)
    inp["be0"] = jnp.zeros((D,), dtype=jnp.float32)
    # RGCNConv layer 1 params
    inp["Wrel1"] = jax.random.normal(ks[5], (R, D, D), dtype=jnp.float32) * 0.05
    inp["Wroot1"] = jax.random.normal(ks[6], (D, D), dtype=jnp.float32) * 0.05
    inp["b1"] = jnp.zeros((D,), dtype=jnp.float32)
    inp["g1"] = jnp.ones((D,), dtype=jnp.float32)
    inp["be1"] = jnp.zeros((D,), dtype=jnp.float32)
    return inp

def _layer_norm(h, g, b):
    mu = jnp.mean(h, axis=-1, keepdims=True)
    var = jnp.var(h, axis=-1, keepdims=True)
    return (h - mu) / jnp.sqrt(var + 1e-5) * g + b

def _rgcn_conv(h, edge_index, edge_type, Wrel, Wroot, bias):
    # PyG RGCNConv with aggr='mean': out_i = x_i @ Wroot + bias
    #   + sum_r mean_{j in N_r(i)} (x_j @ Wrel[r])
    src = edge_index[0]
    dst = edge_index[1]
    out = h @ Wroot + bias
    for r in range(R):
        mask = (edge_type == r)
        msg = h[src] @ Wrel[r]
        msg = jnp.where(mask[:, None], msg, 0.0)
        s = jax.ops.segment_sum(msg, dst, num_segments=N)
        c = jax.ops.segment_sum(mask.astype(h.dtype), dst, num_segments=N)
        out = out + s / jnp.maximum(c, 1.0)[:, None]
    return out

def reference(x, edge_index, edge_type, Wrel0, Wroot0, b0, g0, be0, Wrel1, Wroot1, b1, g1, be1):
    # Layer 0: conv -> LN -> (no residual at i=0) -> dropout(p=0, identity) -> relu (i < num_layers-1)
    h = _rgcn_conv(x, edge_index, edge_type, Wrel0, Wroot0, b0)
    h = _layer_norm(h, g0, be0)
    h = jax.nn.relu(h)
    # Layer 1: conv -> LN -> residual -> dropout(identity), no relu (last layer)
    h_prev = h
    h = _rgcn_conv(h, edge_index, edge_type, Wrel1, Wroot1, b1)
    h = _layer_norm(h, g1, be1)
    h = h + h_prev
    return h

if __name__ == "__main__":
    import jax
    _d = setup_inputs()
    print(jax.jit(kernel)(*tuple(_d.values())))

</pallas_src>

<mosaic_0001>
#map = affine_map<(d0, d1) -> (0, 0, 0)>
#map1 = affine_map<(d0, d1) -> (0, 0)>
module attributes {stable_mosaic.version = 14 : i64} {
  func.func @agg_kernel(%arg0: i32, %arg1: i32, %arg2: memref<5056x3x64xi32, #tpu.memory_space<hbm>>, %arg3: memref<100000x128xf32, #tpu.memory_space<hbm>>, %arg4: memref<114688x128xf32, #tpu.memory_space<hbm>>, %arg5: memref<2x10112x128xf32, #tpu.memory_space<hbm>>, %arg6: memref<3x64xi32, #tpu.memory_space<vmem>>, %arg7: memref<3x64xi32, #tpu.memory_space<vmem>>, %arg8: memref<64x128xf32, #tpu.memory_space<vmem>>, %arg9: memref<64x128xf32, #tpu.memory_space<vmem>>, %arg10: memref<64x128xf32, #tpu.memory_space<vmem>>, %arg11: memref<64x128xf32, #tpu.memory_space<vmem>>, %arg12: memref<!tpu.dma_semaphore, #tpu.memory_space<semaphore_mem>>, %arg13: memref<!tpu.dma_semaphore, #tpu.memory_space<semaphore_mem>>, %arg14: memref<10112x128xf32, #tpu.memory_space<vmem_shared>>) attributes {dimension_semantics = [#tpu.dimension_semantics<core_parallel>, #tpu.dimension_semantics<subcore_parallel>], iteration_bounds = array<i64: 2, 16>, scalar_prefetch = 0 : i64, scratch_operands = 9 : i64, tpu.core_type = #tpu.core_type<sc_vector_subcore>, window_params = [{transform_indices = #map}, {transform_indices = #map1}, {transform_indices = #map1}, {transform_indices = #map}]} {
    %mul3A = arith.constant 16 : i32
    %mul3A_0 = arith.muli %arg0, %mul3A : i32
    %add3A = arith.addi %mul3A_0, %arg1 : i32
    %scan3A = arith.constant 0 : i32
    %scan3A_1 = arith.constant 0 : i32
    %scan3A_2 = arith.constant 64 : i32
    %scan3A_3 = arith.addi %scan3A_1, %scan3A_2 : i32
    %scan3A_4 = arith.constant 1 : i32
    %scan3A_5 = scf.for %scan3A_47 = %scan3A_1 to %scan3A_3 step %scan3A_4 iter_args(%scan3A_48 = %scan3A) -> (i32)  : i32 {
      %broadcast_in_dim3A = arith.constant 0.000000e+00 : f32
      %broadcast_in_dim3A_49 = vector.broadcast %broadcast_in_dim3A : f32 to vector<16xf32>
      %swap3A = arith.index_cast %scan3A_47 : i32 to index
      %swap3A_50 = arith.constant 0 : index
      %swap3A_51 = tpu.vector_load %arg8[%swap3A, %swap3A_50] {strides = array<i32>} : memref<64x128xf32, #tpu.memory_space<vmem>>, vector<16xf32>,
      tpu.vector_store %arg8[%swap3A, %swap3A_50], %broadcast_in_dim3A_49 {strides = array<i32>} : memref<64x128xf32, #tpu.memory_space<vmem>>, vector<16xf32>,
      %broadcast_in_dim3A_52 = arith.constant 0.000000e+00 : f32
      %broadcast_in_dim3A_53 = vector.broadcast %broadcast_in_dim3A_52 : f32 to vector<16xf32>
      %swap3A_54 = arith.index_cast %scan3A_47 : i32 to index
      %swap3A_55 = arith.constant 16 : index
      %swap3A_56 = tpu.vector_load %arg8[%swap3A_54, %swap3A_55] {strides = array<i32>} : memref<64x128xf32, #tpu.memory_space<vmem>>, vector<16xf32>,
      tpu.vector_store %arg8[%swap3A_54, %swap3A_55], %broadcast_in_dim3A_53 {strides = array<i32>} : memref<64x128xf32, #tpu.memory_space<vmem>>, vector<16xf32>,
      %broadcast_in_dim3A_57 = arith.constant 0.000000e+00 : f32
      %broadcast_in_dim3A_58 = vector.broadcast %broadcast_in_dim3A_57 : f32 to vector<16xf32>
      %swap3A_59 = arith.index_cast %scan3A_47 : i32 to index
      %swap3A_60 = arith.constant 32 : index
      %swap3A_61 = tpu.vector_load %arg8[%swap3A_59, %swap3A_60] {strides = array<i32>} : memref<64x128xf32, #tpu.memory_space<vmem>>, vector<16xf32>,
      tpu.vector_store %arg8[%swap3A_59, %swap3A_60], %broadcast_in_dim3A_58 {strides = array<i32>} : memref<64x128xf32, #tpu.memory_space<vmem>>, vector<16xf32>,
      %broadcast_in_dim3A_62 = arith.constant 0.000000e+00 : f32
      %broadcast_in_dim3A_63 = vector.broadcast %broadcast_in_dim3A_62 : f32 to vector<16xf32>
      %swap3A_64 = arith.index_cast %scan3A_47 : i32 to index
      %swap3A_65 = arith.constant 48 : index
      %swap3A_66 = tpu.vector_load %arg8[%swap3A_64, %swap3A_65] {strides = array<i32>} : memref<64x128xf32, #tpu.memory_space<vmem>>, vector<16xf32>,
      tpu.vector_store %arg8[%swap3A_64, %swap3A_65], %broadcast_in_dim3A_63 {strides = array<i32>} : memref<64x128xf32, #tpu.memory_space<vmem>>, vector<16xf32>,
      %broadcast_in_dim3A_67 = arith.constant 0.000000e+00 : f32
      %broadcast_in_dim3A_68 = vector.broadcast %broadcast_in_dim3A_67 : f32 to vector<16xf32>
      %swap3A_69 = arith.index_cast %scan3A_47 : i32 to index
      %swap3A_70 = arith.constant 64 : index
      %swap3A_71 = tpu.vector_load %arg8[%swap3A_69, %swap3A_70] {strides = array<i32>} : memref<64x128xf32, #tpu.memory_space<vmem>>, vector<16xf32>,
      tpu.vector_store %arg8[%swap3A_69, %swap3A_70], %broadcast_in_dim3A_68 {strides = array<i32>} : memref<64x128xf32, #tpu.memory_space<vmem>>, vector<16xf32>,
      %broadcast_in_dim3A_72 = arith.constant 0.000000e+00 : f32
      %broadcast_in_dim3A_73 = vector.broadcast %broadcast_in_dim3A_72 : f32 to vector<16xf32>
      %swap3A_74 = arith.index_cast %scan3A_47 : i32 to index
      %swap3A_75 = arith.constant 80 : index
      %swap3A_76 = tpu.vector_load %arg8[%swap3A_74, %swap3A_75] {strides = array<i32>} : memref<64x128xf32, #tpu.memory_space<vmem>>, vector<16xf32>,
      tpu.vector_store %arg8[%swap3A_74, %swap3A_75], %broadcast_in_dim3A_73 {strides = array<i32>} : memref<64x128xf32, #tpu.memory_space<vmem>>, vector<16xf32>,
      %broadcast_in_dim3A_77 = arith.constant 0.000000e+00 : f32
      %broadcast_in_dim3A_78 = vector.broadcast %broadcast_in_dim3A_77 : f32 to vector<16xf32>
      %swap3A_79 = arith.index_cast %scan3A_47 : i32 to index
      %swap3A_80 = arith.constant 96 : index
      %swap3A_81 = tpu.vector_load %arg8[%swap3A_79, %swap3A_80] {strides = array<i32>} : memref<64x128xf32, #tpu.memory_space<vmem>>, vector<16xf32>,
      tpu.vector_store %arg8[%swap3A_79, %swap3A_80], %broadcast_in_dim3A_78 {strides = array<i32>} : memref<64x128xf32, #tpu.memory_space<vmem>>, vector<16xf32>,
      %broadcast_in_dim3A_82 = arith.constant 0.000000e+00 : f32
      %broadcast_in_dim3A_83 = vector.broadcast %broadcast_in_dim3A_82 : f32 to vector<16xf32>
      %swap3A_84 = arith.index_cast %scan3A_47 : i32 to index
      %swap3A_85 = arith.constant 112 : index
      %swap3A_86 = tpu.vector_load %arg8[%swap3A_84, %swap3A_85] {strides = array<i32>} : memref<64x128xf32, #tpu.memory_space<vmem>>, vector<16xf32>,
      tpu.vector_store %arg8[%swap3A_84, %swap3A_85], %broadcast_in_dim3A_83 {strides = array<i32>} : memref<64x128xf32, #tpu.memory_space<vmem>>, vector<16xf32>,
      %scan3A_87 = arith.constant 0 : i32
      scf.yield %scan3A_87 : i32
    }
    %scan3A_6 = arith.constant 64 : i32
    %scan3A_7 = arith.constant 0 : i32
    %scan3A_8 = arith.constant 0 : i32
    %scan3A_9 = arith.constant 9 : i32
    %scan3A_10 = arith.addi %scan3A_8, %scan3A_9 : i32
    %scan3A_11 = arith.constant 1 : i32
    %scan3A_12 = scf.for %scan3A_47 = %scan3A_8 to %scan3A_10 step %scan3A_11 iter_args(%scan3A_48 = %scan3A_7) -> (i32)  : i32 {
      %mul3A_49 = arith.constant 632 : i32
      %mul3A_50 = arith.muli %arg1, %mul3A_49 : i32
      %mul3A_51 = arith.constant 64 : i32
      %mul3A_52 = arith.muli %scan3A_47, %mul3A_51 : i32
      %add3A_53 = arith.addi %mul3A_50, %mul3A_52 : i32
      "tpu.region"() ({
        %run_scoped3A = tpu.sem_alloc : memref<!tpu.dma_semaphore, #tpu.memory_space<semaphore_mem>>
        %dma_start3A_55 = arith.constant 0 : i32
        %dma_start3A_56 = tpu.memref_slice %arg14[%add3A_53, %dma_start3A_55] : memref<10112x128xf32, #tpu.memory_space<vmem_shared>> -> memref<64x128xf32, #tpu.memory_space<vmem_shared>>
        %dma_start3A_57 = arith.constant 0 : i32
        %dma_start3A_58 = tpu.memref_slice %arg14[%add3A_53, %dma_start3A_57] : memref<10112x128xf32, #tpu.memory_space<vmem_shared>> -> memref<64x128xf32, #tpu.memory_space<vmem_shared>>
        tpu.enqueue_dma source(%arg8 : memref<64x128xf32, #tpu.memory_space<vmem>>) target(%dma_start3A_58 : memref<64x128xf32, #tpu.memory_space<vmem_shared>>) target_semaphore(%run_scoped3A : memref<!tpu.dma_semaphore, #tpu.memory_space<semaphore_mem>>)
        %dma_wait3A = arith.constant 0 : i32
        %dma_wait3A_59 = tpu.memref_slice %arg14[%add3A_53, %dma_wait3A] : memref<10112x128xf32, #tpu.memory_space<vmem_shared>> -> memref<64x128xf32, #tpu.memory_space<vmem_shared>>
        %dma_wait3A_60 = arith.constant 0 : i32
        %dma_wait3A_61 = tpu.memref_slice %arg14[%add3A_53, %dma_wait3A_60] : memref<10112x128xf32, #tpu.memory_space<vmem_shared>> -> memref<64x128xf32, #tpu.memory_space<vmem_shared>>
        tpu.wait_dma2 semaphore(%run_scoped3A : memref<!tpu.dma_semaphore, #tpu.memory_space<semaphore_mem>>) src(%arg8 : memref<64x128xf32, #tpu.memory_space<vmem>>) dst(%dma_wait3A_61 : memref<64x128xf32, #tpu.memory_space<vmem_shared>>)
        tpu.yield
      }) : () -> ()
      %scan3A_54 = arith.constant 0 : i32
      scf.yield %scan3A_54 : i32
    }
    %scan3A_13 = arith.constant 9 : i32
    %mul3A_14 = arith.constant 632 : i32
    %mul3A_15 = arith.muli %arg1, %mul3A_14 : i32
    %add3A_16 = arith.constant 576 : i32
    %add3A_17 = arith.addi %mul3A_15, %add3A_16 : i32
    "tpu.region"() ({
      %run_scoped3A = tpu.sem_alloc : memref<!tpu.dma_semaphore, #tpu.memory_space<semaphore_mem>>
      %dma_start3A_47 = arith.constant 0 : i32
      %dma_start3A_48 = arith.constant 0 : i32
      %dma_start3A_49 = tpu.memref_slice %arg8[%dma_start3A_47, %dma_start3A_48] : memref<64x128xf32, #tpu.memory_space<vmem>> -> memref<56x128xf32, #tpu.memory_space<vmem>>
      %dma_start3A_50 = arith.constant 0 : i32
      %dma_start3A_51 = tpu.memref_slice %arg14[%add3A_17, %dma_start3A_50] : memref<10112x128xf32, #tpu.memory_space<vmem_shared>> -> memref<56x128xf32, #tpu.memory_space<vmem_shared>>
      %dma_start3A_52 = arith.constant 0 : i32
      %dma_start3A_53 = tpu.memref_slice %arg14[%add3A_17, %dma_start3A_52] : memref<10112x128xf32, #tpu.memory_space<vmem_shared>> -> memref<56x128xf32, #tpu.memory_space<vmem_shared>>
      %dma_start3A_54 = arith.constant 0 : i32
      %dma_start3A_55 = arith.constant 0 : i32
      %dma_start3A_56 = tpu.memref_slice %arg8[%dma_start3A_54, %dma_start3A_55] : memref<64x128xf32, #tpu.memory_space<vmem>> -> memref<56x128xf32, #tpu.memory_space<vmem>>
      tpu.enqueue_dma source(%dma_start3A_56 : memref<56x128xf32, #tpu.memory_space<vmem>>) target(%dma_start3A_53 : memref<56x128xf32, #tpu.memory_space<vmem_shared>>) target_semaphore(%run_scoped3A : memref<!tpu.dma_semaphore, #tpu.memory_space<semaphore_mem>>)
      %dma_wait3A = arith.constant 0 : i32
      %dma_wait3A_57 = arith.constant 0 : i32
      %dma_wait3A_58 = tpu.memref_slice %arg8[%dma_wait3A, %dma_wait3A_57] : memref<64x128xf32, #tpu.memory_space<vmem>> -> memref<56x128xf32, #tpu.memory_space<vmem>>
      %dma_wait3A_59 = arith.constant 0 : i32
      %dma_wait3A_60 = tpu.memref_slice %arg14[%add3A_17, %dma_wait3A_59] : memref<10112x128xf32, #tpu.memory_space<vmem_shared>> -> memref<56x128xf32, #tpu.memory_space<vmem_shared>>
      %dma_wait3A_61 = arith.constant 0 : i32
      %dma_wait3A_62 = tpu.memref_slice %arg14[%add3A_17, %dma_wait3A_61] : memref<10112x128xf32, #tpu.memory_space<vmem_shared>> -> memref<56x128xf32, #tpu.memory_space<vmem_shared>>
      %dma_wait3A_63 = arith.constant 0 : i32
      %dma_wait3A_64 = arith.constant 0 : i32
      %dma_wait3A_65 = tpu.memref_slice %arg8[%dma_wait3A_63, %dma_wait3A_64] : memref<64x128xf32, #tpu.memory_space<vmem>> -> memref<56x128xf32, #tpu.memory_space<vmem>>
      tpu.wait_dma2 semaphore(%run_scoped3A : memref<!tpu.dma_semaphore, #tpu.memory_space<semaphore_mem>>) src(%dma_wait3A_65 : memref<56x128xf32, #tpu.memory_space<vmem>>) dst(%dma_wait3A_62 : memref<56x128xf32, #tpu.memory_space<vmem_shared>>)
      tpu.yield
    }) : () -> ()
    %barrier3A = arith.constant 0 : index
    tpu.barrier barrier_id(%barrier3A)
    %mul3A_18 = arith.constant 158 : i32
    %mul3A_19 = arith.muli %add3A, %mul3A_18 : i32
    %add3A_20 = arith.constant 0 : i32
    %add3A_21 = arith.addi %mul3A_19, %add3A_20 : i32
    "tpu.region"() ({
      %run_scoped3A = tpu.sem_alloc : memref<!tpu.dma_semaphore, #tpu.memory_space<semaphore_mem>>
      %dma_start3A_47 = arith.constant 0 : i32
      %dma_start3A_48 = arith.constant 0 : i32
      %dma_start3A_49 = tpu.memref_slice %arg2[%add3A_21, %dma_start3A_47, %dma_start3A_48] : memref<5056x3x64xi32, #tpu.memory_space<hbm>> -> memref<1x3x64xi32, #tpu.memory_space<hbm>>
      %dma_start3A_50 = tpu.memref_squeeze %dma_start3A_49 : memref<1x3x64xi32, #tpu.memory_space<hbm>> -> memref<3x64xi32, #tpu.memory_space<hbm>>
      %dma_start3A_51 = arith.constant 0 : i32
      %dma_start3A_52 = arith.constant 0 : i32
      %dma_start3A_53 = tpu.memref_slice %arg2[%add3A_21, %dma_start3A_51, %dma_start3A_52] : memref<5056x3x64xi32, #tpu.memory_space<hbm>> -> memref<1x3x64xi32, #tpu.memory_space<hbm>>
      %dma_start3A_54 = tpu.memref_squeeze %dma_start3A_53 : memref<1x3x64xi32, #tpu.memory_space<hbm>> -> memref<3x64xi32, #tpu.memory_space<hbm>>
      tpu.enqueue_dma source(%dma_start3A_54 : memref<3x64xi32, #tpu.memory_space<hbm>>) target(%arg6 : memref<3x64xi32, #tpu.memory_space<vmem>>) target_semaphore(%run_scoped3A : memref<!tpu.dma_semaphore, #tpu.memory_space<semaphore_mem>>)
      %dma_wait3A = arith.constant 0 : i32
      %dma_wait3A_55 = arith.constant 0 : i32
      %dma_wait3A_56 = tpu.memref_slice %arg2[%add3A_21, %dma_wait3A, %dma_wait3A_55] : memref<5056x3x64xi32, #tpu.memory_space<hbm>> -> memref<1x3x64xi32, #tpu.memory_space<hbm>>
      %dma_wait3A_57 = tpu.memref_squeeze %dma_wait3A_56 : memref<1x3x64xi32, #tpu.memory_space<hbm>> -> memref<3x64xi32, #tpu.memory_space<hbm>>
      %dma_wait3A_58 = arith.constant 0 : i32
      %dma_wait3A_59 = arith.constant 0 : i32
      %dma_wait3A_60 = tpu.memref_slice %arg2[%add3A_21, %dma_wait3A_58, %dma_wait3A_59] : memref<5056x3x64xi32, #tpu.memory_space<hbm>> -> memref<1x3x64xi32, #tpu.memory_space<hbm>>
      %dma_wait3A_61 = tpu.memref_squeeze %dma_wait3A_60 : memref<1x3x64xi32, #tpu.memory_space<hbm>> -> memref<3x64xi32, #tpu.memory_space<hbm>>
      tpu.wait_dma2 semaphore(%run_scoped3A : memref<!tpu.dma_semaphore, #tpu.memory_space<semaphore_mem>>) src(%dma_wait3A_61 : memref<3x64xi32, #tpu.memory_space<hbm>>) dst(%arg6 : memref<3x64xi32, #tpu.memory_space<vmem>>)
      tpu.yield
    }) : () -> ()
    %dma_start3A = arith.constant 0 : i32
    %dma_start3A_22 = arith.constant 0 : i32
    %dma_start3A_23 = tpu.memref_slice %arg6[%dma_start3A, %dma_start3A_22] : memref<3x64xi32, #tpu.memory_space<vmem>> -> memref<1x64xi32, #tpu.memory_space<vmem>>
    %dma_start3A_24 = tpu.memref_squeeze %dma_start3A_23 : memref<1x64xi32, #tpu.memory_space<vmem>> -> memref<64xi32, #tpu.memory_space<vmem>>
    %dma_start3A_25 = arith.constant 0 : i32
    %dma_start3A_26 = arith.constant 0 : i32
    %dma_start3A_27 = tpu.memref_slice %arg3[%dma_start3A_25, %dma_start3A_26] : memref<100000x128xf32, #tpu.memory_space<hbm>> -> memref<100000x128xf32, #tpu.memory_space<hbm>>
    tpu.enqueue_indirect_dma source(%dma_start3A_27 : memref<100000x128xf32, #tpu.memory_space<hbm>>) target(%arg8 : memref<64x128xf32, #tpu.memory_space<vmem>>) offsets(%dma_start3A_24 : memref<64xi32, #tpu.memory_space<vmem>>) semaphore(%arg12 : memref<!tpu.dma_semaphore, #tpu.memory_space<semaphore_mem>>)
    %dma_start3A_28 = arith.constant 1 : i32
    %dma_start3A_29 = arith.constant 0 : i32
    %dma_start3A_30 = tpu.memref_slice %arg6[%dma_start3A_28, %dma_start3A_29] : memref<3x64xi32, #tpu.memory_space<vmem>> -> memref<1x64xi32, #tpu.memory_space<vmem>>
    %dma_start3A_31 = tpu.memref_squeeze %dma_start3A_30 : memref<1x64xi32, #tpu.memory_space<vmem>> -> memref<64xi32, #tpu.memory_space<vmem>>
    %dma_start3A_32 = arith.constant 0 : i32
    %dma_start3A_33 = arith.constant 0 : i32
    %dma_start3A_34 = tpu.memref_slice %arg4[%dma_start3A_32, %dma_start3A_33] : memref<114688x128xf32, #tpu.memory_space<hbm>> -> memref<114688x128xf32, #tpu.memory_space<hbm>>
    tpu.enqueue_indirect_dma source(%dma_start3A_34 : memref<114688x128xf32, #tpu.memory_space<hbm>>) target(%arg10 : memref<64x128xf32, #tpu.memory_space<vmem>>) offsets(%dma_start3A_31 : memref<64xi32, #tpu.memory_space<vmem>>) semaphore(%arg12 : memref<!tpu.dma_semaphore, #tpu.memory_space<semaphore_mem>>)
    %scan3A_35 = arith.constant 0 : i32
    %scan3A_36 = arith.constant 0 : i32
    %scan3A_37 = arith.constant 79 : i32
    %scan3A_38 = arith.addi %scan3A_36, %scan3A_37 : i32
    %scan3A_39 = arith.constant 1 : i32
    %scan3A_40 = scf.for %scan3A_47 = %scan3A_36 to %scan3A_38 step %scan3A_39 iter_args(%scan3A_48 = %scan3A_35) -> (i32)  : i32 {
      %mul3A_49 = arith.constant 2 : i32
      %mul3A_50 = arith.muli %mul3A_49, %scan3A_47 : i32
      %add3A_51 = arith.constant 1 : i32
      %add3A_52 = arith.addi %mul3A_50, %add3A_51 : i32
      %mul3A_53 = arith.constant 2 : i32
      %mul3A_54 = arith.muli %mul3A_53, %scan3A_47 : i32
      %add3A_55 = arith.constant 2 : i32
      %add3A_56 = arith.addi %mul3A_54, %add3A_55 : i32
      %mul3A_57 = arith.constant 158 : i32
      %mul3A_58 = arith.muli %add3A, %mul3A_57 : i32
      %add3A_59 = arith.addi %mul3A_58, %add3A_52 : i32
      "tpu.region"() ({
        %run_scoped3A_110 = tpu.sem_alloc : memref<!tpu.dma_semaphore, #tpu.memory_space<semaphore_mem>>
        %dma_start3A_111 = arith.constant 0 : i32
        %dma_start3A_112 = arith.constant 0 : i32
        %dma_start3A_113 = tpu.memref_slice %arg2[%add3A_59, %dma_start3A_111, %dma_start3A_112] : memref<5056x3x64xi32, #tpu.memory_space<hbm>> -> memref<1x3x64xi32, #tpu.memory_space<hbm>>
        %dma_start3A_114 = tpu.memref_squeeze %dma_start3A_113 : memref<1x3x64xi32, #tpu.memory_space<hbm>> -> memref<3x64xi32, #tpu.memory_space<hbm>>
        %dma_start3A_115 = arith.constant 0 : i32
        %dma_start3A_116 = arith.constant 0 : i32
        %dma_start3A_117 = tpu.memref_slice %arg2[%add3A_59, %dma_start3A_115, %dma_start3A_116] : memref<5056x3x64xi32, #tpu.memory_space<hbm>> -> memref<1x3x64xi32, #tpu.memory_space<hbm>>
        %dma_start3A_118 = tpu.memref_squeeze %dma_start3A_117 : memref<1x3x64xi32, #tpu.memory_space<hbm>> -> memref<3x64xi32, #tpu.memory_space<hbm>>
        tpu.enqueue_dma source(%dma_start3A_118 : memref<3x64xi32, #tpu.memory_space<hbm>>) target(%arg7 : memref<3x64xi32, #tpu.memory_space<vmem>>) target_semaphore(%run_scoped3A_110 : memref<!tpu.dma_semaphore, #tpu.memory_space<semaphore_mem>>)
        %dma_wait3A_119 = arith.constant 0 : i32
        %dma_wait3A_120 = arith.constant 0 : i32
        %dma_wait3A_121 = tpu.memref_slice %arg2[%add3A_59, %dma_wait3A_119, %dma_wait3A_120] : memref<5056x3x64xi32, #tpu.memory_space<hbm>> -> memref<1x3x64xi32, #tpu.memory_space<hbm>>
        %dma_wait3A_122 = tpu.memref_squeeze %dma_wait3A_121 : memref<1x3x64xi32, #tpu.memory_space<hbm>> -> memref<3x64xi32, #tpu.memory_space<hbm>>
        %dma_wait3A_123 = arith.constant 0 : i32
        %dma_wait3A_124 = arith.constant 0 : i32
        %dma_wait3A_125 = tpu.memref_slice %arg2[%add3A_59, %dma_wait3A_123, %dma_wait3A_124] : memref<5056x3x64xi32, #tpu.memory_space<hbm>> -> memref<1x3x64xi32, #tpu.memory_space<hbm>>
        %dma_wait3A_126 = tpu.memref_squeeze %dma_wait3A_125 : memref<1x3x64xi32, #tpu.memory_space<hbm>> -> memref<3x64xi32, #tpu.memory_space<hbm>>
        tpu.wait_dma2 semaphore(%run_scoped3A_110 : memref<!tpu.dma_semaphore, #tpu.memory_space<semaphore_mem>>) src(%dma_wait3A_126 : memref<3x64xi32, #tpu.memory_space<hbm>>) dst(%arg7 : memref<3x64xi32, #tpu.memory_space<vmem>>)
        tpu.yield
      }) : () -> ()
      %dma_start3A_60 = arith.constant 0 : i32
      %dma_start3A_61 = arith.constant 0 : i32
      %dma_start3A_62 = tpu.memref_slice %arg7[%dma_start3A_60, %dma_start3A_61] : memref<3x64xi32, #tpu.memory_space<vmem>> -> memref<1x64xi32, #tpu.memory_space<vmem>>
      %dma_start3A_63 = tpu.memref_squeeze %dma_start3A_62 : memref<1x64xi32, #tpu.memory_space<vmem>> -> memref<64xi32, #tpu.memory_space<vmem>>
      %dma_start3A_64 = arith.constant 0 : i32
      %dma_start3A_65 = arith.constant 0 : i32
      %dma_start3A_66 = tpu.memref_slice %arg3[%dma_start3A_64, %dma_start3A_65] : memref<100000x128xf32, #tpu.memory_space<hbm>> -> memref<100000x128xf32, #tpu.memory_space<hbm>>
      tpu.enqueue_indirect_dma source(%dma_start3A_66 : memref<100000x128xf32, #tpu.memory_space<hbm>>) target(%arg9 : memref<64x128xf32, #tpu.memory_space<vmem>>) offsets(%dma_start3A_63 : memref<64xi32, #tpu.memory_space<vmem>>) semaphore(%arg13 : memref<!tpu.dma_semaphore, #tpu.memory_space<semaphore_mem>>)
      %dma_start3A_67 = arith.constant 1 : i32
      %dma_start3A_68 = arith.constant 0 : i32
      %dma_start3A_69 = tpu.memref_slice %arg7[%dma_start3A_67, %dma_start3A_68] : memref<3x64xi32, #tpu.memory_space<vmem>> -> memref<1x64xi32, #tpu.memory_space<vmem>>
      %dma_start3A_70 = tpu.memref_squeeze %dma_start3A_69 : memref<1x64xi32, #tpu.memory_space<vmem>> -> memref<64xi32, #tpu.memory_space<vmem>>
      %dma_start3A_71 = arith.constant 0 : i32
      %dma_start3A_72 = arith.constant 0 : i32
      %dma_start3A_73 = tpu.memref_slice %arg4[%dma_start3A_71, %dma_start3A_72] : memref<114688x128xf32, #tpu.memory_space<hbm>> -> memref<114688x128xf32, #tpu.memory_space<hbm>>
      tpu.enqueue_indirect_dma source(%dma_start3A_73 : memref<114688x128xf32, #tpu.memory_space<hbm>>) target(%arg11 : memref<64x128xf32, #tpu.memory_space<vmem>>) offsets(%dma_start3A_70 : memref<64xi32, #tpu.memory_space<vmem>>) semaphore(%arg13 : memref<!tpu.dma_semaphore, #tpu.memory_space<semaphore_mem>>)
      %dma_wait3A = arith.constant 0 : i32
      %dma_wait3A_74 = arith.constant 0 : i32
      %dma_wait3A_75 = tpu.memref_slice %arg6[%dma_wait3A, %dma_wait3A_74] : memref<3x64xi32, #tpu.memory_space<vmem>> -> memref<1x64xi32, #tpu.memory_space<vmem>>
      %dma_wait3A_76 = tpu.memref_squeeze %dma_wait3A_75 : memref<1x64xi32, #tpu.memory_space<vmem>> -> memref<64xi32, #tpu.memory_space<vmem>>
      %dma_wait3A_77 = arith.constant 0 : i32
      %dma_wait3A_78 = arith.constant 0 : i32
      %dma_wait3A_79 = tpu.memref_slice %arg3[%dma_wait3A_77, %dma_wait3A_78] : memref<100000x128xf32, #tpu.memory_space<hbm>> -> memref<100000x128xf32, #tpu.memory_space<hbm>>
      tpu.wait_indirect_dma semaphore(%arg12 : memref<!tpu.dma_semaphore, #tpu.memory_space<semaphore_mem>>) src(%dma_wait3A_79 : memref<100000x128xf32, #tpu.memory_space<hbm>>) dst(%arg8 : memref<64x128xf32, #tpu.memory_space<vmem>>)
      %dma_wait3A_80 = arith.constant 1 : i32
      %dma_wait3A_81 = arith.constant 0 : i32
      %dma_wait3A_82 = tpu.memref_slice %arg6[%dma_wait3A_80, %dma_wait3A_81] : memref<3x64xi32, #tpu.memory_space<vmem>> -> memref<1x64xi32, #tpu.memory_space<vmem>>
      %dma_wait3A_83 = tpu.memref_squeeze %dma_wait3A_82 : memref<1x64xi32, #tpu.memory_space<vmem>> -> memref<64xi32, #tpu.memory_space<vmem>>
      %dma_wait3A_84 = arith.constant 0 : i32
      %dma_wait3A_85 = arith.constant 0 : i32
      %dma_wait3A_86 = tpu.memref_slice %arg4[%dma_wait3A_84, %dma_wait3A_85] : memref<114688x128xf32, #tpu.memory_space<hbm>> -> memref<114688x128xf32, #tpu.memory_space<hbm>>
      tpu.wait_indirect_dma semaphore(%arg12 : memref<!tpu.dma_semaphore, #tpu.memory_space<semaphore_mem>>) src(%dma_wait3A_86 : memref<114688x128xf32, #tpu.memory_space<hbm>>) dst(%arg10 : memref<64x128xf32, #tpu.memory_space<vmem>>)
      %parallel_loop3A = arith.constant 0 : i32
      %parallel_loop3A_87 = arith.constant 64 : i32
      %parallel_loop3A_88 = arith.constant 1 : i32
      scf.for %parallel_loop3A_110 = %parallel_loop3A to %parallel_loop3A_87 step %parallel_loop3A_88  : i32 {
        %parallel_loop3A_111 = arith.index_cast %parallel_loop3A_110 : i32 to index
        %parallel_loop3A_112 = arith.constant 0 : index
        %parallel_loop3A_113 = tpu.vector_load %arg8[%parallel_loop3A_111, %parallel_loop3A_112] {strides = array<i32>} : memref<64x128xf32, #tpu.memory_space<vmem>>, vector<16xf32>,
        %parallel_loop3A_114 = arith.index_cast %parallel_loop3A_110 : i32 to index
        %parallel_loop3A_115 = arith.constant 0 : index
        %parallel_loop3A_116 = tpu.vector_load %arg10[%parallel_loop3A_114, %parallel_loop3A_115] {strides = array<i32>} : memref<64x128xf32, #tpu.memory_space<vmem>>, vector<16xf32>,
        %parallel_loop3A_117 = arith.mulf %parallel_loop3A_113, %parallel_loop3A_116 : vector<16xf32>
        %parallel_loop3A_118 = arith.index_cast %parallel_loop3A_110 : i32 to index
        %parallel_loop3A_119 = arith.constant 0 : index
        %parallel_loop3A_120 = tpu.vector_load %arg8[%parallel_loop3A_118, %parallel_loop3A_119] {strides = array<i32>} : memref<64x128xf32, #tpu.memory_space<vmem>>, vector<16xf32>,
        tpu.vector_store %arg8[%parallel_loop3A_118, %parallel_loop3A_119], %parallel_loop3A_117 {strides = array<i32>} : memref<64x128xf32, #tpu.memory_space<vmem>>, vector<16xf32>,
        %parallel_loop3A_121 = arith.index_cast %parallel_loop3A_110 : i32 to index
        %parallel_loop3A_122 = arith.constant 16 : index
        %parallel_loop3A_123 = tpu.vector_load %arg8[%parallel_loop3A_121, %parallel_loop3A_122] {strides = array<i32>} : memref<64x128xf32, #tpu.memory_space<vmem>>, vector<16xf32>,
        %parallel_loop3A_124 = arith.index_cast %parallel_loop3A_110 : i32 to index
        %parallel_loop3A_125 = arith.constant 16 : index
        %parallel_loop3A_126 = tpu.vector_load %arg10[%parallel_loop3A_124, %parallel_loop3A_125] {strides = array<i32>} : memref<64x128xf32, #tpu.memory_space<vmem>>, vector<16xf32>,
        %parallel_loop3A_127 = arith.mulf %parallel_loop3A_123, %parallel_loop3A_126 : vector<16xf32>
        %parallel_loop3A_128 = arith.index_cast %parallel_loop3A_110 : i32 to index
        %parallel_loop3A_129 = arith.constant 16 : index
        %parallel_loop3A_130 = tpu.vector_load %arg8[%parallel_loop3A_128, %parallel_loop3A_129] {strides = array<i32>} : memref<64x128xf32, #tpu.memory_space<vmem>>, vector<16xf32>,
        tpu.vector_store %arg8[%parallel_loop3A_128, %parallel_loop3A_129], %parallel_loop3A_127 {strides = array<i32>} : memref<64x128xf32, #tpu.memory_space<vmem>>, vector<16xf32>,
        %parallel_loop3A_131 = arith.index_cast %parallel_loop3A_110 : i32 to index
        %parallel_loop3A_132 = arith.constant 32 : index
        %parallel_loop3A_133 = tpu.vector_load %arg8[%parallel_loop3A_131, %parallel_loop3A_132] {strides = array<i32>} : memref<64x128xf32, #tpu.memory_space<vmem>>, vector<16xf32>,
        %parallel_loop3A_134 = arith.index_cast %parallel_loop3A_110 : i32 to index
        %parallel_loop3A_135 = arith.constant 32 : index
        %parallel_loop3A_136 = tpu.vector_load %arg10[%parallel_loop3A_134, %parallel_loop3A_135] {strides = array<i32>} : memref<64x128xf32, #tpu.memory_space<vmem>>, vector<16xf32>,
        %parallel_loop3A_137 = arith.mulf %parallel_loop3A_133, %parallel_loop3A_136 : vector<16xf32>
        %parallel_loop3A_138 = arith.index_cast %parallel_loop3A_110 : i32 to index
        %parallel_loop3A_139 = arith.constant 32 : index
        %parallel_loop3A_140 = tpu.vector_load %arg8[%parallel_loop3A_138, %parallel_loop3A_139] {strides = array<i32>} : memref<64x128xf32, #tpu.memory_space<vmem>>, vector<16xf32>,
        tpu.vector_store %arg8[%parallel_loop3A_138, %parallel_loop3A_139], %parallel_loop3A_137 {strides = array<i32>} : memref<64x128xf32, #tpu.memory_space<vmem>>, vector<16xf32>,
        %parallel_loop3A_141 = arith.index_cast %parallel_loop3A_110 : i32 to index
        %parallel_loop3A_142 = arith.constant 48 : index
        %parallel_loop3A_143 = tpu.vector_load %arg8[%parallel_loop3A_141, %parallel_loop3A_142] {strides = array<i32>} : memref<64x128xf32, #tpu.memory_space<vmem>>, vector<16xf32>,
        %parallel_loop3A_144 = arith.index_cast %parallel_loop3A_110 : i32 to index
        %parallel_loop3A_145 = arith.constant 48 : index
        %parallel_loop3A_146 = tpu.vector_load %arg10[%parallel_loop3A_144, %parallel_loop3A_145] {strides = array<i32>} : memref<64x128xf32, #tpu.memory_space<vmem>>, vector<16xf32>,
        %parallel_loop3A_147 = arith.mulf %parallel_loop3A_143, %parallel_loop3A_146 : vector<16xf32>
        %parallel_loop3A_148 = arith.index_cast %parallel_loop3A_110 : i32 to index
        %parallel_loop3A_149 = arith.constant 48 : index
        %parallel_loop3A_150 = tpu.vector_load %arg8[%parallel_loop3A_148, %parallel_loop3A_149] {strides = array<i32>} : memref<64x128xf32, #tpu.memory_space<vmem>>, vector<16xf32>,
        tpu.vector_store %arg8[%parallel_loop3A_148, %parallel_loop3A_149], %parallel_loop3A_147 {strides = array<i32>} : memref<64x128xf32, #tpu.memory_space<vmem>>, vector<16xf32>,
        %parallel_loop3A_151 = arith.index_cast %parallel_loop3A_110 : i32 to index
        %parallel_loop3A_152 = arith.constant 64 : index
        %parallel_loop3A_153 = tpu.vector_load %arg8[%parallel_loop3A_151, %parallel_loop3A_152] {strides = array<i32>} : memref<64x128xf32, #tpu.memory_space<vmem>>, vector<16xf32>,
        %parallel_loop3A_154 = arith.index_cast %parallel_loop3A_110 : i32 to index
        %parallel_loop3A_155 = arith.constant 64 : index
        %parallel_loop3A_156 = tpu.vector_load %arg10[%parallel_loop3A_154, %parallel_loop3A_155] {strides = array<i32>} : memref<64x128xf32, #tpu.memory_space<vmem>>, vector<16xf32>,
        %parallel_loop3A_157 = arith.mulf %parallel_loop3A_153, %parallel_loop3A_156 : vector<16xf32>
        %parallel_loop3A_158 = arith.index_cast %parallel_loop3A_110 : i32 to index
        %parallel_loop3A_159 = arith.constant 64 : index
        %parallel_loop3A_160 = tpu.vector_load %arg8[%parallel_loop3A_158, %parallel_loop3A_159] {strides = array<i32>} : memref<64x128xf32, #tpu.memory_space<vmem>>, vector<16xf32>,
        tpu.vector_store %arg8[%parallel_loop3A_158, %parallel_loop3A_159], %parallel_loop3A_157 {strides = array<i32>} : memref<64x128xf32, #tpu.memory_space<vmem>>, vector<16xf32>,
        %parallel_loop3A_161 = arith.index_cast %parallel_loop3A_110 : i32 to index
        %parallel_loop3A_162 = arith.constant 80 : index
        %parallel_loop3A_163 = tpu.vector_load %arg8[%parallel_loop3A_161, %parallel_loop3A_162] {strides = array<i32>} : memref<64x128xf32, #tpu.memory_space<vmem>>, vector<16xf32>,
        %parallel_loop3A_164 = arith.index_cast %parallel_loop3A_110 : i32 to index
        %parallel_loop3A_165 = arith.constant 80 : index
        %parallel_loop3A_166 = tpu.vector_load %arg10[%parallel_loop3A_164, %parallel_loop3A_165] {strides = array<i32>} : memref<64x128xf32, #tpu.memory_space<vmem>>, vector<16xf32>,
        %parallel_loop3A_167 = arith.mulf %parallel_loop3A_163, %parallel_loop3A_166 : vector<16xf32>
        %parallel_loop3A_168 = arith.index_cast %parallel_loop3A_110 : i32 to index
        %parallel_loop3A_169 = arith.constant 80 : index
        %parallel_loop3A_170 = tpu.vector_load %arg8[%parallel_loop3A_168, %parallel_loop3A_169] {strides = array<i32>} : memref<64x128xf32, #tpu.memory_space<vmem>>, vector<16xf32>,
        tpu.vector_store %arg8[%parallel_loop3A_168, %parallel_loop3A_169], %parallel_loop3A_167 {strides = array<i32>} : memref<64x128xf32, #tpu.memory_space<vmem>>, vector<16xf32>,
        %parallel_loop3A_171 = arith.index_cast %parallel_loop3A_110 : i32 to index
        %parallel_loop3A_172 = arith.constant 96 : index
        %parallel_loop3A_173 = tpu.vector_load %arg8[%parallel_loop3A_171, %parallel_loop3A_172] {strides = array<i32>} : memref<64x128xf32, #tpu.memory_space<vmem>>, vector<16xf32>,
        %parallel_loop3A_174 = arith.index_cast %parallel_loop3A_110 : i32 to index
        %parallel_loop3A_175 = arith.constant 96 : index
        %parallel_loop3A_176 = tpu.vector_load %arg10[%parallel_loop3A_174, %parallel_loop3A_175] {strides = array<i32>} : memref<64x128xf32, #tpu.memory_space<vmem>>, vector<16xf32>,
        %parallel_loop3A_177 = arith.mulf %parallel_loop3A_173, %parallel_loop3A_176 : vector<16xf32>
        %parallel_loop3A_178 = arith.index_cast %parallel_loop3A_110 : i32 to index
        %parallel_loop3A_179 = arith.constant 96 : index
        %parallel_loop3A_180 = tpu.vector_load %arg8[%parallel_loop3A_178, %parallel_loop3A_179] {strides = array<i32>} : memref<64x128xf32, #tpu.memory_space<vmem>>, vector<16xf32>,
        tpu.vector_store %arg8[%parallel_loop3A_178, %parallel_loop3A_179], %parallel_loop3A_177 {strides = array<i32>} : memref<64x128xf32, #tpu.memory_space<vmem>>, vector<16xf32>,
        %parallel_loop3A_181 = arith.index_cast %parallel_loop3A_110 : i32 to index
        %parallel_loop3A_182 = arith.constant 112 : index
        %parallel_loop3A_183 = tpu.vector_load %arg8[%parallel_loop3A_181, %parallel_loop3A_182] {strides = array<i32>} : memref<64x128xf32, #tpu.memory_space<vmem>>, vector<16xf32>,
        %parallel_loop3A_184 = arith.index_cast %parallel_loop3A_110 : i32 to index
        %parallel_loop3A_185 = arith.constant 112 : index
        %parallel_loop3A_186 = tpu.vector_load %arg10[%parallel_loop3A_184, %parallel_loop3A_185] {strides = array<i32>} : memref<64x128xf32, #tpu.memory_space<vmem>>, vector<16xf32>,
        %parallel_loop3A_187 = arith.mulf %parallel_loop3A_183, %parallel_loop3A_186 : vector<16xf32>
        %parallel_loop3A_188 = arith.index_cast %parallel_loop3A_110 : i32 to index
        %parallel_loop3A_189 = arith.constant 112 : index
        %parallel_loop3A_190 = tpu.vector_load %arg8[%parallel_loop3A_188, %parallel_loop3A_189] {strides = array<i32>} : memref<64x128xf32, #tpu.memory_space<vmem>>, vector<16xf32>,
        tpu.vector_store %arg8[%parallel_loop3A_188, %parallel_loop3A_189], %parallel_loop3A_187 {strides = array<i32>} : memref<64x128xf32, #tpu.memory_space<vmem>>, vector<16xf32>,
      } {sc.loop_unroll_factor = 4 : i64, sc.parallel_access}
      %run_scoped3A = arith.constant 2 : i32
      "tpu.region"() ({
        %run_scoped3A_110 = tpu.sem_alloc : memref<!tpu.dma_semaphore, #tpu.memory_space<semaphore_mem>>
        %dma_start3A_111 = arith.constant 0 : i32
        %dma_start3A_112 = tpu.memref_slice %arg6[%run_scoped3A, %dma_start3A_111] : memref<3x64xi32, #tpu.memory_space<vmem>> -> memref<1x64xi32, #tpu.memory_space<vmem>>
        %dma_start3A_113 = tpu.memref_squeeze %dma_start3A_112 : memref<1x64xi32, #tpu.memory_space<vmem>> -> memref<64xi32, #tpu.memory_space<vmem>>
        %dma_start3A_114 = arith.constant 0 : i32
        %dma_start3A_115 = arith.constant 0 : i32
        %dma_start3A_116 = tpu.memref_slice %arg14[%dma_start3A_114, %dma_start3A_115] : memref<10112x128xf32, #tpu.memory_space<vmem_shared>> -> memref<10112x128xf32, #tpu.memory_space<vmem_shared>>
        tpu.enqueue_indirect_dma source(%arg8 : memref<64x128xf32, #tpu.memory_space<vmem>>) target(%dma_start3A_116 : memref<10112x128xf32, #tpu.memory_space<vmem_shared>>) offsets(%dma_start3A_113 : memref<64xi32, #tpu.memory_space<vmem>>) semaphore(%run_scoped3A_110 : memref<!tpu.dma_semaphore, #tpu.memory_space<semaphore_mem>>) {add = true}
        %dma_wait3A_117 = arith.constant 0 : i32
        %dma_wait3A_118 = tpu.memref_slice %arg6[%run_scoped3A, %dma_wait3A_117] : memref<3x64xi32, #tpu.memory_space<vmem>> -> memref<1x64xi32, #tpu.memory_space<vmem>>
        %dma_wait3A_119 = tpu.memref_squeeze %dma_wait3A_118 : memref<1x64xi32, #tpu.memory_space<vmem>> -> memref<64xi32, #tpu.memory_space<vmem>>
        %dma_wait3A_120 = arith.constant 0 : i32
        %dma_wait3A_121 = arith.constant 0 : i32
        %dma_wait3A_122 = tpu.memref_slice %arg14[%dma_wait3A_120, %dma_wait3A_121] : memref<10112x128xf32, #tpu.memory_space<vmem_shared>> -> memref<10112x128xf32, #tpu.memory_space<vmem_shared>>
        tpu.wait_indirect_dma semaphore(%run_scoped3A_110 : memref<!tpu.dma_semaphore, #tpu.memory_space<semaphore_mem>>) src(%arg8 : memref<64x128xf32, #tpu.memory_space<vmem>>) dst(%dma_wait3A_122 : memref<10112x128xf32, #tpu.memory_space<vmem_shared>>)
        tpu.yield
      }) : () -> ()
      %lt3A = arith.constant 158 : i32
      %lt3A_89 = arith.cmpi slt, %add3A_56, %lt3A : i32
      %convert_element_type3A = arith.extui %lt3A_89 : i1 to i32
      %cond3A = arith.constant 0 : i32
      %cond3A_90 = arith.cmpi ne, %convert_element_type3A, %cond3A : i32
      scf.if %cond3A_90 {
        %mul3A_110 = arith.constant 158 : i32
        %mul3A_111 = arith.muli %add3A, %mul3A_110 : i32
        %add3A_112 = arith.addi %mul3A_111, %add3A_56 : i32
        "tpu.region"() ({
          %run_scoped3A_127 = tpu.sem_alloc : memref<!tpu.dma_semaphore, #tpu.memory_space<semaphore_mem>>
          %dma_start3A_128 = arith.constant 0 : i32
          %dma_start3A_129 = arith.constant 0 : i32
          %dma_start3A_130 = tpu.memref_slice %arg2[%add3A_112, %dma_start3A_128, %dma_start3A_129] : memref<5056x3x64xi32, #tpu.memory_space<hbm>> -> memref<1x3x64xi32, #tpu.memory_space<hbm>>
          %dma_start3A_131 = tpu.memref_squeeze %dma_start3A_130 : memref<1x3x64xi32, #tpu.memory_space<hbm>> -> memref<3x64xi32, #tpu.memory_space<hbm>>
          %dma_start3A_132 = arith.constant 0 : i32
          %dma_start3A_133 = arith.constant 0 : i32
          %dma_start3A_134 = tpu.memref_slice %arg2[%add3A_112, %dma_start3A_132, %dma_start3A_133] : memref<5056x3x64xi32, #tpu.memory_space<hbm>> -> memref<1x3x64xi32, #tpu.memory_space<hbm>>
          %dma_start3A_135 = tpu.memref_squeeze %dma_start3A_134 : memref<1x3x64xi32, #tpu.memory_space<hbm>> -> memref<3x64xi32, #tpu.memory_space<hbm>>
          tpu.enqueue_dma source(%dma_start3A_135 : memref<3x64xi32, #tpu.memory_space<hbm>>) target(%arg6 : memref<3x64xi32, #tpu.memory_space<vmem>>) target_semaphore(%run_scoped3A_127 : memref<!tpu.dma_semaphore, #tpu.memory_space<semaphore_mem>>)
          %dma_wait3A_136 = arith.constant 0 : i32
          %dma_wait3A_137 = arith.constant 0 : i32
          %dma_wait3A_138 = tpu.memref_slice %arg2[%add3A_112, %dma_wait3A_136, %dma_wait3A_137] : memref<5056x3x64xi32, #tpu.memory_space<hbm>> -> memref<1x3x64xi32, #tpu.memory_space<hbm>>
          %dma_wait3A_139 = tpu.memref_squeeze %dma_wait3A_138 : memref<1x3x64xi32, #tpu.memory_space<hbm>> -> memref<3x64xi32, #tpu.memory_space<hbm>>
          %dma_wait3A_140 = arith.constant 0 : i32
          %dma_wait3A_141 = arith.constant 0 : i32
          %dma_wait3A_142 = tpu.memref_slice %arg2[%add3A_112, %dma_wait3A_140, %dma_wait3A_141] : memref<5056x3x64xi32, #tpu.memory_space<hbm>> -> memref<1x3x64xi32, #tpu.memory_space<hbm>>
          %dma_wait3A_143 = tpu.memref_squeeze %dma_wait3A_142 : memref<1x3x64xi32, #tpu.memory_space<hbm>> -> memref<3x64xi32, #tpu.memory_space<hbm>>
          tpu.wait_dma2 semaphore(%run_scoped3A_127 : memref<!tpu.dma_semaphore, #tpu.memory_space<semaphore_mem>>) src(%dma_wait3A_143 : memref<3x64xi32, #tpu.memory_space<hbm>>) dst(%arg6 : memref<3x64xi32, #tpu.memory_space<vmem>>)
          tpu.yield
        }) : () -> ()
        %dma_start3A_113 = arith.constant 0 : i32
        %dma_start3A_114 = arith.constant 0 : i32
        %dma_start3A_115 = tpu.memref_slice %arg6[%dma_start3A_113, %dma_start3A_114] : memref<3x64xi32, #tpu.memory_space<vmem>> -> memref<1x64xi32, #tpu.memory_space<vmem>>
        %dma_start3A_116 = tpu.memref_squeeze %dma_start3A_115 : memref<1x64xi32, #tpu.memory_space<vmem>> -> memref<64xi32, #tpu.memory_space<vmem>>
        %dma_start3A_117 = arith.constant 0 : i32
        %dma_start3A_118 = arith.constant 0 : i32
        %dma_start3A_119 = tpu.memref_slice %arg3[%dma_start3A_117, %dma_start3A_118] : memref<100000x128xf32, #tpu.memory_space<hbm>> -> memref<100000x128xf32, #tpu.memory_space<hbm>>
        tpu.enqueue_indirect_dma source(%dma_start3A_119 : memref<100000x128xf32, #tpu.memory_space<hbm>>) target(%arg8 : memref<64x128xf32, #tpu.memory_space<vmem>>) offsets(%dma_start3A_116 : memref<64xi32, #tpu.memory_space<vmem>>) semaphore(%arg12 : memref<!tpu.dma_semaphore, #tpu.memory_space<semaphore_mem>>)
        %dma_start3A_120 = arith.constant 1 : i32
        %dma_start3A_121 = arith.constant 0 : i32
        %dma_start3A_122 = tpu.memref_slice %arg6[%dma_start3A_120, %dma_start3A_121] : memref<3x64xi32, #tpu.memory_space<vmem>> -> memref<1x64xi32, #tpu.memory_space<vmem>>
        %dma_start3A_123 = tpu.memref_squeeze %dma_start3A_122 : memref<1x64xi32, #tpu.memory_space<vmem>> -> memref<64xi32, #tpu.memory_space<vmem>>
        %dma_start3A_124 = arith.constant 0 : i32
        %dma_start3A_125 = arith.constant 0 : i32
        %dma_start3A_126 = tpu.memref_slice %arg4[%dma_start3A_124, %dma_start3A_125] : memref<114688x128xf32, #tpu.memory_space<hbm>> -> memref<114688x128xf32, #tpu.memory_space<hbm>>
        tpu.enqueue_indirect_dma source(%dma_start3A_126 : memref<114688x128xf32, #tpu.memory_space<hbm>>) target(%arg10 : memref<64x128xf32, #tpu.memory_space<vmem>>) offsets(%dma_start3A_123 : memref<64xi32, #tpu.memory_space<vmem>>) semaphore(%arg12 : memref<!tpu.dma_semaphore, #tpu.memory_space<semaphore_mem>>)
      } else {
      }
      %dma_wait3A_91 = arith.constant 0 : i32
      %dma_wait3A_92 = arith.constant 0 : i32
      %dma_wait3A_93 = tpu.memref_slice %arg7[%dma_wait3A_91, %dma_wait3A_92] : memref<3x64xi32, #tpu.memory_space<vmem>> -> memref<1x64xi32, #tpu.memory_space<vmem>>
      %dma_wait3A_94 = tpu.memref_squeeze %dma_wait3A_93 : memref<1x64xi32, #tpu.memory_space<vmem>> -> memref<64xi32, #tpu.memory_space<vmem>>
      %dma_wait3A_95 = arith.constant 0 : i32
      %dma_wait3A_96 = arith.constant 0 : i32
      %dma_wait3A_97 = tpu.memref_slice %arg3[%dma_wait3A_95, %dma_wait3A_96] : memref<100000x128xf32, #tpu.memory_space<hbm>> -> memref<100000x128xf32, #tpu.memory_space<hbm>>
      tpu.wait_indirect_dma semaphore(%arg13 : memref<!tpu.dma_semaphore, #tpu.memory_space<semaphore_mem>>) src(%dma_wait3A_97 : memref<100000x128xf32, #tpu.memory_space<hbm>>) dst(%arg9 : memref<64x128xf32, #tpu.memory_space<vmem>>)
      %dma_wait3A_98 = arith.constant 1 : i32
      %dma_wait3A_99 = arith.constant 0 : i32
      %dma_wait3A_100 = tpu.memref_slice %arg7[%dma_wait3A_98, %dma_wait3A_99] : memref<3x64xi32, #tpu.memory_space<vmem>> -> memref<1x64xi32, #tpu.memory_space<vmem>>
      %dma_wait3A_101 = tpu.memref_squeeze %dma_wait3A_100 : memref<1x64xi32, #tpu.memory_space<vmem>> -> memref<64xi32, #tpu.memory_space<vmem>>
      %dma_wait3A_102 = arith.constant 0 : i32
      %dma_wait3A_103 = arith.constant 0 : i32
      %dma_wait3A_104 = tpu.memref_slice %arg4[%dma_wait3A_102, %dma_wait3A_103] : memref<114688x128xf32, #tpu.memory_space<hbm>> -> memref<114688x128xf32, #tpu.memory_space<hbm>>
      tpu.wait_indirect_dma semaphore(%arg13 : memref<!tpu.dma_semaphore, #tpu.memory_space<semaphore_mem>>) src(%dma_wait3A_104 : memref<114688x128xf32, #tpu.memory_space<hbm>>) dst(%arg11 : memref<64x128xf32, #tpu.memory_space<vmem>>)
      %parallel_loop3A_105 = arith.constant 0 : i32
      %parallel_loop3A_106 = arith.constant 64 : i32
      %parallel_loop3A_107 = arith.constant 1 : i32
      scf.for %parallel_loop3A_110 = %parallel_loop3A_105 to %parallel_loop3A_106 step %parallel_loop3A_107  : i32 {
        %parallel_loop3A_111 = arith.index_cast %parallel_loop3A_110 : i32 to index
        %parallel_loop3A_112 = arith.constant 0 : index
        %parallel_loop3A_113 = tpu.vector_load %arg9[%parallel_loop3A_111, %parallel_loop3A_112] {strides = array<i32>} : memref<64x128xf32, #tpu.memory_space<vmem>>, vector<16xf32>,
        %parallel_loop3A_114 = arith.index_cast %parallel_loop3A_110 : i32 to index
        %parallel_loop3A_115 = arith.constant 0 : index
        %parallel_loop3A_116 = tpu.vector_load %arg11[%parallel_loop3A_114, %parallel_loop3A_115] {strides = array<i32>} : memref<64x128xf32, #tpu.memory_space<vmem>>, vector<16xf32>,
        %parallel_loop3A_117 = arith.mulf %parallel_loop3A_113, %parallel_loop3A_116 : vector<16xf32>
        %parallel_loop3A_118 = arith.index_cast %parallel_loop3A_110 : i32 to index
        %parallel_loop3A_119 = arith.constant 0 : index
        %parallel_loop3A_120 = tpu.vector_load %arg9[%parallel_loop3A_118, %parallel_loop3A_119] {strides = array<i32>} : memref<64x128xf32, #tpu.memory_space<vmem>>, vector<16xf32>,
        tpu.vector_store %arg9[%parallel_loop3A_118, %parallel_loop3A_119], %parallel_loop3A_117 {strides = array<i32>} : memref<64x128xf32, #tpu.memory_space<vmem>>, vector<16xf32>,
        %parallel_loop3A_121 = arith.index_cast %parallel_loop3A_110 : i32 to index
        %parallel_loop3A_122 = arith.constant 16 : index
        %parallel_loop3A_123 = tpu.vector_load %arg9[%parallel_loop3A_121, %parallel_loop3A_122] {strides = array<i32>} : memref<64x128xf32, #tpu.memory_space<vmem>>, vector<16xf32>,
        %parallel_loop3A_124 = arith.index_cast %parallel_loop3A_110 : i32 to index
        %parallel_loop3A_125 = arith.constant 16 : index
        %parallel_loop3A_126 = tpu.vector_load %arg11[%parallel_loop3A_124, %parallel_loop3A_125] {strides = array<i32>} : memref<64x128xf32, #tpu.memory_space<vmem>>, vector<16xf32>,
        %parallel_loop3A_127 = arith.mulf %parallel_loop3A_123, %parallel_loop3A_126 : vector<16xf32>
        %parallel_loop3A_128 = arith.index_cast %parallel_loop3A_110 : i32 to index
        %parallel_loop3A_129 = arith.constant 16 : index
        %parallel_loop3A_130 = tpu.vector_load %arg9[%parallel_loop3A_128, %parallel_loop3A_129] {strides = array<i32>} : memref<64x128xf32, #tpu.memory_space<vmem>>, vector<16xf32>,
        tpu.vector_store %arg9[%parallel_loop3A_128, %parallel_loop3A_129], %parallel_loop3A_127 {strides = array<i32>} : memref<64x128xf32, #tpu.memory_space<vmem>>, vector<16xf32>,
        %parallel_loop3A_131 = arith.index_cast %parallel_loop3A_110 : i32 to index
        %parallel_loop3A_132 = arith.constant 32 : index
        %parallel_loop3A_133 = tpu.vector_load %arg9[%parallel_loop3A_131, %parallel_loop3A_132] {strides = array<i32>} : memref<64x128xf32, #tpu.memory_space<vmem>>, vector<16xf32>,
        %parallel_loop3A_134 = arith.index_cast %parallel_loop3A_110 : i32 to index
        %parallel_loop3A_135 = arith.constant 32 : index
        %parallel_loop3A_136 = tpu.vector_load %arg11[%parallel_loop3A_134, %parallel_loop3A_135] {strides = array<i32>} : memref<64x128xf32, #tpu.memory_space<vmem>>, vector<16xf32>,
        %parallel_loop3A_137 = arith.mulf %parallel_loop3A_133, %parallel_loop3A_136 : vector<16xf32>
        %parallel_loop3A_138 = arith.index_cast %parallel_loop3A_110 : i32 to index
        %parallel_loop3A_139 = arith.constant 32 : index
        %parallel_loop3A_140 = tpu.vector_load %arg9[%parallel_loop3A_138, %parallel_loop3A_139] {strides = array<i32>} : memref<64x128xf32, #tpu.memory_space<vmem>>, vector<16xf32>,
        tpu.vector_store %arg9[%parallel_loop3A_138, %parallel_loop3A_139], %parallel_loop3A_137 {strides = array<i32>} : memref<64x128xf32, #tpu.memory_space<vmem>>, vector<16xf32>,
        %parallel_loop3A_141 = arith.index_cast %parallel_loop3A_110 : i32 to index
        %parallel_loop3A_142 = arith.constant 48 : index
        %parallel_loop3A_143 = tpu.vector_load %arg9[%parallel_loop3A_141, %parallel_loop3A_142] {strides = array<i32>} : memref<64x128xf32, #tpu.memory_space<vmem>>, vector<16xf32>,
        %parallel_loop3A_144 = arith.index_cast %parallel_loop3A_110 : i32 to index
        %parallel_loop3A_145 = arith.constant 48 : index
        %parallel_loop3A_146 = tpu.vector_load %arg11[%parallel_loop3A_144, %parallel_loop3A_145] {strides = array<i32>} : memref<64x128xf32, #tpu.memory_space<vmem>>, vector<16xf32>,
        %parallel_loop3A_147 = arith.mulf %parallel_loop3A_143, %parallel_loop3A_146 : vector<16xf32>
        %parallel_loop3A_148 = arith.index_cast %parallel_loop3A_110 : i32 to index
        %parallel_loop3A_149 = arith.constant 48 : index
        %parallel_loop3A_150 = tpu.vector_load %arg9[%parallel_loop3A_148, %parallel_loop3A_149] {strides = array<i32>} : memref<64x128xf32, #tpu.memory_space<vmem>>, vector<16xf32>,
        tpu.vector_store %arg9[%parallel_loop3A_148, %parallel_loop3A_149], %parallel_loop3A_147 {strides = array<i32>} : memref<64x128xf32, #tpu.memory_space<vmem>>, vector<16xf32>,
        %parallel_loop3A_151 = arith.index_cast %parallel_loop3A_110 : i32 to index
        %parallel_loop3A_152 = arith.constant 64 : index
        %parallel_loop3A_153 = tpu.vector_load %arg9[%parallel_loop3A_151, %parallel_loop3A_152] {strides = array<i32>} : memref<64x128xf32, #tpu.memory_space<vmem>>, vector<16xf32>,
        %parallel_loop3A_154 = arith.index_cast %parallel_loop3A_110 : i32 to index
        %parallel_loop3A_155 = arith.constant 64 : index
        %parallel_loop3A_156 = tpu.vector_load %arg11[%parallel_loop3A_154, %parallel_loop3A_155] {strides = array<i32>} : memref<64x128xf32, #tpu.memory_space<vmem>>, vector<16xf32>,
        %parallel_loop3A_157 = arith.mulf %parallel_loop3A_153, %parallel_loop3A_156 : vector<16xf32>
        %parallel_loop3A_158 = arith.index_cast %parallel_loop3A_110 : i32 to index
        %parallel_loop3A_159 = arith.constant 64 : index
        %parallel_loop3A_160 = tpu.vector_load %arg9[%parallel_loop3A_158, %parallel_loop3A_159] {strides = array<i32>} : memref<64x128xf32, #tpu.memory_space<vmem>>, vector<16xf32>,
        tpu.vector_store %arg9[%parallel_loop3A_158, %parallel_loop3A_159], %parallel_loop3A_157 {strides = array<i32>} : memref<64x128xf32, #tpu.memory_space<vmem>>, vector<16xf32>,
        %parallel_loop3A_161 = arith.index_cast %parallel_loop3A_110 : i32 to index
        %parallel_loop3A_162 = arith.constant 80 : index
        %parallel_loop3A_163 = tpu.vector_load %arg9[%parallel_loop3A_161, %parallel_loop3A_162] {strides = array<i32>} : memref<64x128xf32, #tpu.memory_space<vmem>>, vector<16xf32>,
        %parallel_loop3A_164 = arith.index_cast %parallel_loop3A_110 : i32 to index
        %parallel_loop3A_165 = arith.constant 80 : index
        %parallel_loop3A_166 = tpu.vector_load %arg11[%parallel_loop3A_164, %parallel_loop3A_165] {strides = array<i32>} : memref<64x128xf32, #tpu.memory_space<vmem>>, vector<16xf32>,
        %parallel_loop3A_167 = arith.mulf %parallel_loop3A_163, %parallel_loop3A_166 : vector<16xf32>
        %parallel_loop3A_168 = arith.index_cast %parallel_loop3A_110 : i32 to index
        %parallel_loop3A_169 = arith.constant 80 : index
        %parallel_loop3A_170 = tpu.vector_load %arg9[%parallel_loop3A_168, %parallel_loop3A_169] {strides = array<i32>} : memref<64x128xf32, #tpu.memory_space<vmem>>, vector<16xf32>,
        tpu.vector_store %arg9[%parallel_loop3A_168, %parallel_loop3A_169], %parallel_loop3A_167 {strides = array<i32>} : memref<64x128xf32, #tpu.memory_space<vmem>>, vector<16xf32>,
        %parallel_loop3A_171 = arith.index_cast %parallel_loop3A_110 : i32 to index
        %parallel_loop3A_172 = arith.constant 96 : index
        %parallel_loop3A_173 = tpu.vector_load %arg9[%parallel_loop3A_171, %parallel_loop3A_172] {strides = array<i32>} : memref<64x128xf32, #tpu.memory_space<vmem>>, vector<16xf32>,
        %parallel_loop3A_174 = arith.index_cast %parallel_loop3A_110 : i32 to index
        %parallel_loop3A_175 = arith.constant 96 : index
        %parallel_loop3A_176 = tpu.vector_load %arg11[%parallel_loop3A_174, %parallel_loop3A_175] {strides = array<i32>} : memref<64x128xf32, #tpu.memory_space<vmem>>, vector<16xf32>,
        %parallel_loop3A_177 = arith.mulf %parallel_loop3A_173, %parallel_loop3A_176 : vector<16xf32>
        %parallel_loop3A_178 = arith.index_cast %parallel_loop3A_110 : i32 to index
        %parallel_loop3A_179 = arith.constant 96 : index
        %parallel_loop3A_180 = tpu.vector_load %arg9[%parallel_loop3A_178, %parallel_loop3A_179] {strides = array<i32>} : memref<64x128xf32, #tpu.memory_space<vmem>>, vector<16xf32>,
        tpu.vector_store %arg9[%parallel_loop3A_178, %parallel_loop3A_179], %parallel_loop3A_177 {strides = array<i32>} : memref<64x128xf32, #tpu.memory_space<vmem>>, vector<16xf32>,
        %parallel_loop3A_181 = arith.index_cast %parallel_loop3A_110 : i32 to index
        %parallel_loop3A_182 = arith.constant 112 : index
        %parallel_loop3A_183 = tpu.vector_load %arg9[%parallel_loop3A_181, %parallel_loop3A_182] {strides = array<i32>} : memref<64x128xf32, #tpu.memory_space<vmem>>, vector<16xf32>,
        %parallel_loop3A_184 = arith.index_cast %parallel_loop3A_110 : i32 to index
        %parallel_loop3A_185 = arith.constant 112 : index
        %parallel_loop3A_186 = tpu.vector_load %arg11[%parallel_loop3A_184, %parallel_loop3A_185] {strides = array<i32>} : memref<64x128xf32, #tpu.memory_space<vmem>>, vector<16xf32>,
        %parallel_loop3A_187 = arith.mulf %parallel_loop3A_183, %parallel_loop3A_186 : vector<16xf32>
        %parallel_loop3A_188 = arith.index_cast %parallel_loop3A_110 : i32 to index
        %parallel_loop3A_189 = arith.constant 112 : index
        %parallel_loop3A_190 = tpu.vector_load %arg9[%parallel_loop3A_188, %parallel_loop3A_189] {strides = array<i32>} : memref<64x128xf32, #tpu.memory_space<vmem>>, vector<16xf32>,
        tpu.vector_store %arg9[%parallel_loop3A_188, %parallel_loop3A_189], %parallel_loop3A_187 {strides = array<i32>} : memref<64x128xf32, #tpu.memory_space<vmem>>, vector<16xf32>,
      } {sc.loop_unroll_factor = 4 : i64, sc.parallel_access}
      %run_scoped3A_108 = arith.constant 2 : i32
      "tpu.region"() ({
        %run_scoped3A_110 = tpu.sem_alloc : memref<!tpu.dma_semaphore, #tpu.memory_space<semaphore_mem>>
        %dma_start3A_111 = arith.constant 0 : i32
        %dma_start3A_112 = tpu.memref_slice %arg7[%run_scoped3A_108, %dma_start3A_111] : memref<3x64xi32, #tpu.memory_space<vmem>> -> memref<1x64xi32, #tpu.memory_space<vmem>>
        %dma_start3A_113 = tpu.memref_squeeze %dma_start3A_112 : memref<1x64xi32, #tpu.memory_space<vmem>> -> memref<64xi32, #tpu.memory_space<vmem>>
        %dma_start3A_114 = arith.constant 0 : i32
        %dma_start3A_115 = arith.constant 0 : i32
        %dma_start3A_116 = tpu.memref_slice %arg14[%dma_start3A_114, %dma_start3A_115] : memref<10112x128xf32, #tpu.memory_space<vmem_shared>> -> memref<10112x128xf32, #tpu.memory_space<vmem_shared>>
        tpu.enqueue_indirect_dma source(%arg9 : memref<64x128xf32, #tpu.memory_space<vmem>>) target(%dma_start3A_116 : memref<10112x128xf32, #tpu.memory_space<vmem_shared>>) offsets(%dma_start3A_113 : memref<64xi32, #tpu.memory_space<vmem>>) semaphore(%run_scoped3A_110 : memref<!tpu.dma_semaphore, #tpu.memory_space<semaphore_mem>>) {add = true}
        %dma_wait3A_117 = arith.constant 0 : i32
        %dma_wait3A_118 = tpu.memref_slice %arg7[%run_scoped3A_108, %dma_wait3A_117] : memref<3x64xi32, #tpu.memory_space<vmem>> -> memref<1x64xi32, #tpu.memory_space<vmem>>
        %dma_wait3A_119 = tpu.memref_squeeze %dma_wait3A_118 : memref<1x64xi32, #tpu.memory_space<vmem>> -> memref<64xi32, #tpu.memory_space<vmem>>
        %dma_wait3A_120 = arith.constant 0 : i32
        %dma_wait3A_121 = arith.constant 0 : i32
        %dma_wait3A_122 = tpu.memref_slice %arg14[%dma_wait3A_120, %dma_wait3A_121] : memref<10112x128xf32, #tpu.memory_space<vmem_shared>> -> memref<10112x128xf32, #tpu.memory_space<vmem_shared>>
        tpu.wait_indirect_dma semaphore(%run_scoped3A_110 : memref<!tpu.dma_semaphore, #tpu.memory_space<semaphore_mem>>) src(%arg9 : memref<64x128xf32, #tpu.memory_space<vmem>>) dst(%dma_wait3A_122 : memref<10112x128xf32, #tpu.memory_space<vmem_shared>>)
        tpu.yield
      }) : () -> ()
      %scan3A_109 = arith.constant 0 : i32
      scf.yield %scan3A_109 : i32
    }
    %scan3A_41 = arith.constant 79 : i32
    %barrier3A_42 = arith.constant 0 : index
    tpu.barrier barrier_id(%barrier3A_42)
    %mul3A_43 = arith.constant 632 : i32
    %mul3A_44 = arith.muli %arg1, %mul3A_43 : i32
    %mul3A_45 = arith.constant 632 : i32
    %mul3A_46 = arith.muli %arg1, %mul3A_45 : i32
    "tpu.region"() ({
      %run_scoped3A = tpu.sem_alloc : memref<!tpu.dma_semaphore, #tpu.memory_space<semaphore_mem>>
      %dma_start3A_47 = arith.constant 0 : i32
      %dma_start3A_48 = tpu.memref_slice %arg5[%arg0, %mul3A_46, %dma_start3A_47] : memref<2x10112x128xf32, #tpu.memory_space<hbm>> -> memref<1x632x128xf32, #tpu.memory_space<hbm>>
      %dma_start3A_49 = tpu.memref_squeeze %dma_start3A_48 : memref<1x632x128xf32, #tpu.memory_space<hbm>> -> memref<632x128xf32, #tpu.memory_space<hbm>>
      %dma_start3A_50 = arith.constant 0 : i32
      %dma_start3A_51 = tpu.memref_slice %arg14[%mul3A_44, %dma_start3A_50] : memref<10112x128xf32, #tpu.memory_space<vmem_shared>> -> memref<632x128xf32, #tpu.memory_space<vmem_shared>>
      tpu.enqueue_dma source(%dma_start3A_51 : memref<632x128xf32, #tpu.memory_space<vmem_shared>>) target(%dma_start3A_49 : memref<632x128xf32, #tpu.memory_space<hbm>>) target_semaphore(%run_scoped3A : memref<!tpu.dma_semaphore, #tpu.memory_space<semaphore_mem>>)
      %dma_wait3A = arith.constant 0 : i32
      %dma_wait3A_52 = tpu.memref_slice %arg5[%arg0, %mul3A_46, %dma_wait3A] : memref<2x10112x128xf32, #tpu.memory_space<hbm>> -> memref<1x632x128xf32, #tpu.memory_space<hbm>>
      %dma_wait3A_53 = tpu.memref_squeeze %dma_wait3A_52 : memref<1x632x128xf32, #tpu.memory_space<hbm>> -> memref<632x128xf32, #tpu.memory_space<hbm>>
      %dma_wait3A_54 = arith.constant 0 : i32
      %dma_wait3A_55 = tpu.memref_slice %arg14[%mul3A_44, %dma_wait3A_54] : memref<10112x128xf32, #tpu.memory_space<vmem_shared>> -> memref<632x128xf32, #tpu.memory_space<vmem_shared>>
      tpu.wait_dma2 semaphore(%run_scoped3A : memref<!tpu.dma_semaphore, #tpu.memory_space<semaphore_mem>>) src(%dma_wait3A_55 : memref<632x128xf32, #tpu.memory_space<vmem_shared>>) dst(%dma_wait3A_53 : memref<632x128xf32, #tpu.memory_space<hbm>>)
      tpu.yield
    }) : () -> ()
    return
  }
}

#map = affine_map<(d0, d1) -> (0, 0, 0)>
#map1 = affine_map<(d0, d1) -> (0, 0)>
module attributes {stable_mosaic.version = 14 : i64} {
  func.func @agg_kernel(%arg0: i32, %arg1: i32, %arg2: memref<5056x3x64xi32, #tpu.memory_space<hbm>>, %arg3: memref<100000x128xf32, #tpu.memory_space<hbm>>, %arg4: memref<114688x128xf32, #tpu.memory_space<hbm>>, %arg5: memref<2x10112x128xf32, #tpu.memory_space<hbm>>, %arg6: memref<3x64xi32, #tpu.memory_space<vmem>>, %arg7: memref<3x64xi32, #tpu.memory_space<vmem>>, %arg8: memref<64x128xf32, #tpu.memory_space<vmem>>, %arg9: memref<64x128xf32, #tpu.memory_space<vmem>>, %arg10: memref<64x128xf32, #tpu.memory_space<vmem>>, %arg11: memref<64x128xf32, #tpu.memory_space<vmem>>, %arg12: memref<!tpu.dma_semaphore, #tpu.memory_space<semaphore_mem>>, %arg13: memref<!tpu.dma_semaphore, #tpu.memory_space<semaphore_mem>>, %arg14: memref<10112x128xf32, #tpu.memory_space<vmem_shared>>) attributes {dimension_semantics = [#tpu.dimension_semantics<core_parallel>, #tpu.dimension_semantics<subcore_parallel>], iteration_bounds = array<i64: 2, 16>, scalar_prefetch = 0 : i64, scratch_operands = 9 : i64, tpu.core_type = #tpu.core_type<sc_vector_subcore>, window_params = [{transform_indices = #map}, {transform_indices = #map1}, {transform_indices = #map1}, {transform_indices = #map}]} {
    %mul3A = arith.constant 16 : i32
    %mul3A_0 = arith.muli %arg0, %mul3A : i32
    %add3A = arith.addi %mul3A_0, %arg1 : i32
    %scan3A = arith.constant 0 : i32
    %scan3A_1 = arith.constant 0 : i32
    %scan3A_2 = arith.constant 64 : i32
    %scan3A_3 = arith.addi %scan3A_1, %scan3A_2 : i32
    %scan3A_4 = arith.constant 1 : i32
    %scan3A_5 = scf.for %scan3A_47 = %scan3A_1 to %scan3A_3 step %scan3A_4 iter_args(%scan3A_48 = %scan3A) -> (i32)  : i32 {
      %broadcast_in_dim3A = arith.constant 0.000000e+00 : f32
      %broadcast_in_dim3A_49 = vector.broadcast %broadcast_in_dim3A : f32 to vector<16xf32>
      %swap3A = arith.index_cast %scan3A_47 : i32 to index
      %swap3A_50 = arith.constant 0 : index
      %swap3A_51 = tpu.vector_load %arg8[%swap3A, %swap3A_50] {strides = array<i32>} : memref<64x128xf32, #tpu.memory_space<vmem>>, vector<16xf32>,
      tpu.vector_store %arg8[%swap3A, %swap3A_50], %broadcast_in_dim3A_49 {strides = array<i32>} : memref<64x128xf32, #tpu.memory_space<vmem>>, vector<16xf32>,
      %broadcast_in_dim3A_52 = arith.constant 0.000000e+00 : f32
      %broadcast_in_dim3A_53 = vector.broadcast %broadcast_in_dim3A_52 : f32 to vector<16xf32>
      %swap3A_54 = arith.index_cast %scan3A_47 : i32 to index
      %swap3A_55 = arith.constant 16 : index
      %swap3A_56 = tpu.vector_load %arg8[%swap3A_54, %swap3A_55] {strides = array<i32>} : memref<64x128xf32, #tpu.memory_space<vmem>>, vector<16xf32>,
      tpu.vector_store %arg8[%swap3A_54, %swap3A_55], %broadcast_in_dim3A_53 {strides = array<i32>} : memref<64x128xf32, #tpu.memory_space<vmem>>, vector<16xf32>,
      %broadcast_in_dim3A_57 = arith.constant 0.000000e+00 : f32
      %broadcast_in_dim3A_58 = vector.broadcast %broadcast_in_dim3A_57 : f32 to vector<16xf32>
      %swap3A_59 = arith.index_cast %scan3A_47 : i32 to index
      %swap3A_60 = arith.constant 32 : index
      %swap3A_61 = tpu.vector_load %arg8[%swap3A_59, %swap3A_60] {strides = array<i32>} : memref<64x128xf32, #tpu.memory_space<vmem>>, vector<16xf32>,
      tpu.vector_store %arg8[%swap3A_59, %swap3A_60], %broadcast_in_dim3A_58 {strides = array<i32>} : memref<64x128xf32, #tpu.memory_space<vmem>>, vector<16xf32>,
      %broadcast_in_dim3A_62 = arith.constant 0.000000e+00 : f32
      %broadcast_in_dim3A_63 = vector.broadcast %broadcast_in_dim3A_62 : f32 to vector<16xf32>
      %swap3A_64 = arith.index_cast %scan3A_47 : i32 to index
      %swap3A_65 = arith.constant 48 : index
      %swap3A_66 = tpu.vector_load %arg8[%swap3A_64, %swap3A_65] {strides = array<i32>} : memref<64x128xf32, #tpu.memory_space<vmem>>, vector<16xf32>,
      tpu.vector_store %arg8[%swap3A_64, %swap3A_65], %broadcast_in_dim3A_63 {strides = array<i32>} : memref<64x128xf32, #tpu.memory_space<vmem>>, vector<16xf32>,
      %broadcast_in_dim3A_67 = arith.constant 0.000000e+00 : f32
      %broadcast_in_dim3A_68 = vector.broadcast %broadcast_in_dim3A_67 : f32 to vector<16xf32>
      %swap3A_69 = arith.index_cast %scan3A_47 : i32 to index
      %swap3A_70 = arith.constant 64 : index
      %swap3A_71 = tpu.vector_load %arg8[%swap3A_69, %swap3A_70] {strides = array<i32>} : memref<64x128xf32, #tpu.memory_space<vmem>>, vector<16xf32>,
      tpu.vector_store %arg8[%swap3A_69, %swap3A_70], %broadcast_in_dim3A_68 {strides = array<i32>} : memref<64x128xf32, #tpu.memory_space<vmem>>, vector<16xf32>,
      %broadcast_in_dim3A_72 = arith.constant 0.000000e+00 : f32
      %broadcast_in_dim3A_73 = vector.broadcast %broadcast_in_dim3A_72 : f32 to vector<16xf32>
      %swap3A_74 = arith.index_cast %scan3A_47 : i32 to index
      %swap3A_75 = arith.constant 80 : index
      %swap3A_76 = tpu.vector_load %arg8[%swap3A_74, %swap3A_75] {strides = array<i32>} : memref<64x128xf32, #tpu.memory_space<vmem>>, vector<16xf32>,
      tpu.vector_store %arg8[%swap3A_74, %swap3A_75], %broadcast_in_dim3A_73 {strides = array<i32>} : memref<64x128xf32, #tpu.memory_space<vmem>>, vector<16xf32>,
      %broadcast_in_dim3A_77 = arith.constant 0.000000e+00 : f32
      %broadcast_in_dim3A_78 = vector.broadcast %broadcast_in_dim3A_77 : f32 to vector<16xf32>
      %swap3A_79 = arith.index_cast %scan3A_47 : i32 to index
      %swap3A_80 = arith.constant 96 : index
      %swap3A_81 = tpu.vector_load %arg8[%swap3A_79, %swap3A_80] {strides = array<i32>} : memref<64x128xf32, #tpu.memory_space<vmem>>, vector<16xf32>,
      tpu.vector_store %arg8[%swap3A_79, %swap3A_80], %broadcast_in_dim3A_78 {strides = array<i32>} : memref<64x128xf32, #tpu.memory_space<vmem>>, vector<16xf32>,
      %broadcast_in_dim3A_82 = arith.constant 0.000000e+00 : f32
      %broadcast_in_dim3A_83 = vector.broadcast %broadcast_in_dim3A_82 : f32 to vector<16xf32>
      %swap3A_84 = arith.index_cast %scan3A_47 : i32 to index
      %swap3A_85 = arith.constant 112 : index
      %swap3A_86 = tpu.vector_load %arg8[%swap3A_84, %swap3A_85] {strides = array<i32>} : memref<64x128xf32, #tpu.memory_space<vmem>>, vector<16xf32>,
      tpu.vector_store %arg8[%swap3A_84, %swap3A_85], %broadcast_in_dim3A_83 {strides = array<i32>} : memref<64x128xf32, #tpu.memory_space<vmem>>, vector<16xf32>,
      %scan3A_87 = arith.constant 0 : i32
      scf.yield %scan3A_87 : i32
    }
    %scan3A_6 = arith.constant 64 : i32
    %scan3A_7 = arith.constant 0 : i32
    %scan3A_8 = arith.constant 0 : i32
    %scan3A_9 = arith.constant 9 : i32
    %scan3A_10 = arith.addi %scan3A_8, %scan3A_9 : i32
    %scan3A_11 = arith.constant 1 : i32
    %scan3A_12 = scf.for %scan3A_47 = %scan3A_8 to %scan3A_10 step %scan3A_11 iter_args(%scan3A_48 = %scan3A_7) -> (i32)  : i32 {
      %mul3A_49 = arith.constant 632 : i32
      %mul3A_50 = arith.muli %arg1, %mul3A_49 : i32
      %mul3A_51 = arith.constant 64 : i32
      %mul3A_52 = arith.muli %scan3A_47, %mul3A_51 : i32
      %add3A_53 = arith.addi %mul3A_50, %mul3A_52 : i32
      "tpu.region"() ({
        %run_scoped3A = tpu.sem_alloc : memref<!tpu.dma_semaphore, #tpu.memory_space<semaphore_mem>>
        %dma_start3A_55 = arith.constant 0 : i32
        %dma_start3A_56 = tpu.memref_slice %arg14[%add3A_53, %dma_start3A_55] : memref<10112x128xf32, #tpu.memory_space<vmem_shared>> -> memref<64x128xf32, #tpu.memory_space<vmem_shared>>
        %dma_start3A_57 = arith.constant 0 : i32
        %dma_start3A_58 = tpu.memref_slice %arg14[%add3A_53, %dma_start3A_57] : memref<10112x128xf32, #tpu.memory_space<vmem_shared>> -> memref<64x128xf32, #tpu.memory_space<vmem_shared>>
        tpu.enqueue_dma source(%arg8 : memref<64x128xf32, #tpu.memory_space<vmem>>) target(%dma_start3A_58 : memref<64x128xf32, #tpu.memory_space<vmem_shared>>) target_semaphore(%run_scoped3A : memref<!tpu.dma_semaphore, #tpu.memory_space<semaphore_mem>>)
        %dma_wait3A = arith.constant 0 : i32
        %dma_wait3A_59 = tpu.memref_slice %arg14[%add3A_53, %dma_wait3A] : memref<10112x128xf32, #tpu.memory_space<vmem_shared>> -> memref<64x128xf32, #tpu.memory_space<vmem_shared>>
        %dma_wait3A_60 = arith.constant 0 : i32
        %dma_wait3A_61 = tpu.memref_slice %arg14[%add3A_53, %dma_wait3A_60] : memref<10112x128xf32, #tpu.memory_space<vmem_shared>> -> memref<64x128xf32, #tpu.memory_space<vmem_shared>>
        tpu.wait_dma2 semaphore(%run_scoped3A : memref<!tpu.dma_semaphore, #tpu.memory_space<semaphore_mem>>) src(%arg8 : memref<64x128xf32, #tpu.memory_space<vmem>>) dst(%dma_wait3A_61 : memref<64x128xf32, #tpu.memory_space<vmem_shared>>)
        tpu.yield
      }) : () -> ()
      %scan3A_54 = arith.constant 0 : i32
      scf.yield %scan3A_54 : i32
    }
    %scan3A_13 = arith.constant 9 : i32
    %mul3A_14 = arith.constant 632 : i32
    %mul3A_15 = arith.muli %arg1, %mul3A_14 : i32
    %add3A_16 = arith.constant 576 : i32
    %add3A_17 = arith.addi %mul3A_15, %add3A_16 : i32
    "tpu.region"() ({
      %run_scoped3A = tpu.sem_alloc : memref<!tpu.dma_semaphore, #tpu.memory_space<semaphore_mem>>
      %dma_start3A_47 = arith.constant 0 : i32
      %dma_start3A_48 = arith.constant 0 : i32
      %dma_start3A_49 = tpu.memref_slice %arg8[%dma_start3A_47, %dma_start3A_48] : memref<64x128xf32, #tpu.memory_space<vmem>> -> memref<56x128xf32, #tpu.memory_space<vmem>>
      %dma_start3A_50 = arith.constant 0 : i32
      %dma_start3A_51 = tpu.memref_slice %arg14[%add3A_17, %dma_start3A_50] : memref<10112x128xf32, #tpu.memory_space<vmem_shared>> -> memref<56x128xf32, #tpu.memory_space<vmem_shared>>
      %dma_start3A_52 = arith.constant 0 : i32
      %dma_start3A_53 = tpu.memref_slice %arg14[%add3A_17, %dma_start3A_52] : memref<10112x128xf32, #tpu.memory_space<vmem_shared>> -> memref<56x128xf32, #tpu.memory_space<vmem_shared>>
      %dma_start3A_54 = arith.constant 0 : i32
      %dma_start3A_55 = arith.constant 0 : i32
      %dma_start3A_56 = tpu.memref_slice %arg8[%dma_start3A_54, %dma_start3A_55] : memref<64x128xf32, #tpu.memory_space<vmem>> -> memref<56x128xf32, #tpu.memory_space<vmem>>
      tpu.enqueue_dma source(%dma_start3A_56 : memref<56x128xf32, #tpu.memory_space<vmem>>) target(%dma_start3A_53 : memref<56x128xf32, #tpu.memory_space<vmem_shared>>) target_semaphore(%run_scoped3A : memref<!tpu.dma_semaphore, #tpu.memory_space<semaphore_mem>>)
      %dma_wait3A = arith.constant 0 : i32
      %dma_wait3A_57 = arith.constant 0 : i32
      %dma_wait3A_58 = tpu.memref_slice %arg8[%dma_wait3A, %dma_wait3A_57] : memref<64x128xf32, #tpu.memory_space<vmem>> -> memref<56x128xf32, #tpu.memory_space<vmem>>
      %dma_wait3A_59 = arith.constant 0 : i32
      %dma_wait3A_60 = tpu.memref_slice %arg14[%add3A_17, %dma_wait3A_59] : memref<10112x128xf32, #tpu.memory_space<vmem_shared>> -> memref<56x128xf32, #tpu.memory_space<vmem_shared>>
      %dma_wait3A_61 = arith.constant 0 : i32
      %dma_wait3A_62 = tpu.memref_slice %arg14[%add3A_17, %dma_wait3A_61] : memref<10112x128xf32, #tpu.memory_space<vmem_shared>> -> memref<56x128xf32, #tpu.memory_space<vmem_shared>>
      %dma_wait3A_63 = arith.constant 0 : i32
      %dma_wait3A_64 = arith.constant 0 : i32
      %dma_wait3A_65 = tpu.memref_slice %arg8[%dma_wait3A_63, %dma_wait3A_64] : memref<64x128xf32, #tpu.memory_space<vmem>> -> memref<56x128xf32, #tpu.memory_space<vmem>>
      tpu.wait_dma2 semaphore(%run_scoped3A : memref<!tpu.dma_semaphore, #tpu.memory_space<semaphore_mem>>) src(%dma_wait3A_65 : memref<56x128xf32, #tpu.memory_space<vmem>>) dst(%dma_wait3A_62 : memref<56x128xf32, #tpu.memory_space<vmem_shared>>)
      tpu.yield
    }) : () -> ()
    %barrier3A = arith.constant 0 : index
    tpu.barrier barrier_id(%barrier3A)
    %mul3A_18 = arith.constant 158 : i32
    %mul3A_19 = arith.muli %add3A, %mul3A_18 : i32
    %add3A_20 = arith.constant 0 : i32
    %add3A_21 = arith.addi %mul3A_19, %add3A_20 : i32
    "tpu.region"() ({
      %run_scoped3A = tpu.sem_alloc : memref<!tpu.dma_semaphore, #tpu.memory_space<semaphore_mem>>
      %dma_start3A_47 = arith.constant 0 : i32
      %dma_start3A_48 = arith.constant 0 : i32
      %dma_start3A_49 = tpu.memref_slice %arg2[%add3A_21, %dma_start3A_47, %dma_start3A_48] : memref<5056x3x64xi32, #tpu.memory_space<hbm>> -> memref<1x3x64xi32, #tpu.memory_space<hbm>>
      %dma_start3A_50 = tpu.memref_squeeze %dma_start3A_49 : memref<1x3x64xi32, #tpu.memory_space<hbm>> -> memref<3x64xi32, #tpu.memory_space<hbm>>
      %dma_start3A_51 = arith.constant 0 : i32
      %dma_start3A_52 = arith.constant 0 : i32
      %dma_start3A_53 = tpu.memref_slice %arg2[%add3A_21, %dma_start3A_51, %dma_start3A_52] : memref<5056x3x64xi32, #tpu.memory_space<hbm>> -> memref<1x3x64xi32, #tpu.memory_space<hbm>>
      %dma_start3A_54 = tpu.memref_squeeze %dma_start3A_53 : memref<1x3x64xi32, #tpu.memory_space<hbm>> -> memref<3x64xi32, #tpu.memory_space<hbm>>
      tpu.enqueue_dma source(%dma_start3A_54 : memref<3x64xi32, #tpu.memory_space<hbm>>) target(%arg6 : memref<3x64xi32, #tpu.memory_space<vmem>>) target_semaphore(%run_scoped3A : memref<!tpu.dma_semaphore, #tpu.memory_space<semaphore_mem>>)
      %dma_wait3A = arith.constant 0 : i32
      %dma_wait3A_55 = arith.constant 0 : i32
      %dma_wait3A_56 = tpu.memref_slice %arg2[%add3A_21, %dma_wait3A, %dma_wait3A_55] : memref<5056x3x64xi32, #tpu.memory_space<hbm>> -> memref<1x3x64xi32, #tpu.memory_space<hbm>>
      %dma_wait3A_57 = tpu.memref_squeeze %dma_wait3A_56 : memref<1x3x64xi32, #tpu.memory_space<hbm>> -> memref<3x64xi32, #tpu.memory_space<hbm>>
      %dma_wait3A_58 = arith.constant 0 : i32
      %dma_wait3A_59 = arith.constant 0 : i32
      %dma_wait3A_60 = tpu.memref_slice %arg2[%add3A_21, %dma_wait3A_58, %dma_wait3A_59] : memref<5056x3x64xi32, #tpu.memory_space<hbm>> -> memref<1x3x64xi32, #tpu.memory_space<hbm>>
      %dma_wait3A_61 = tpu.memref_squeeze %dma_wait3A_60 : memref<1x3x64xi32, #tpu.memory_space<hbm>> -> memref<3x64xi32, #tpu.memory_space<hbm>>
      tpu.wait_dma2 semaphore(%run_scoped3A : memref<!tpu.dma_semaphore, #tpu.memory_space<semaphore_mem>>) src(%dma_wait3A_61 : memref<3x64xi32, #tpu.memory_space<hbm>>) dst(%arg6 : memref<3x64xi32, #tpu.memory_space<vmem>>)
      tpu.yield
    }) : () -> ()
    %dma_start3A = arith.constant 0 : i32
    %dma_start3A_22 = arith.constant 0 : i32
    %dma_start3A_23 = tpu.memref_slice %arg6[%dma_start3A, %dma_start3A_22] : memref<3x64xi32, #tpu.memory_space<vmem>> -> memref<1x64xi32, #tpu.memory_space<vmem>>
    %dma_start3A_24 = tpu.memref_squeeze %dma_start3A_23 : memref<1x64xi32, #tpu.memory_space<vmem>> -> memref<64xi32, #tpu.memory_space<vmem>>
    %dma_start3A_25 = arith.constant 0 : i32
    %dma_start3A_26 = arith.constant 0 : i32
    %dma_start3A_27 = tpu.memref_slice %arg3[%dma_start3A_25, %dma_start3A_26] : memref<100000x128xf32, #tpu.memory_space<hbm>> -> memref<100000x128xf32, #tpu.memory_space<hbm>>
    tpu.enqueue_indirect_dma source(%dma_start3A_27 : memref<100000x128xf32, #tpu.memory_space<hbm>>) target(%arg8 : memref<64x128xf32, #tpu.memory_space<vmem>>) offsets(%dma_start3A_24 : memref<64xi32, #tpu.memory_space<vmem>>) semaphore(%arg12 : memref<!tpu.dma_semaphore, #tpu.memory_space<semaphore_mem>>)
    %dma_start3A_28 = arith.constant 1 : i32
    %dma_start3A_29 = arith.constant 0 : i32
    %dma_start3A_30 = tpu.memref_slice %arg6[%dma_start3A_28, %dma_start3A_29] : memref<3x64xi32, #tpu.memory_space<vmem>> -> memref<1x64xi32, #tpu.memory_space<vmem>>
    %dma_start3A_31 = tpu.memref_squeeze %dma_start3A_30 : memref<1x64xi32, #tpu.memory_space<vmem>> -> memref<64xi32, #tpu.memory_space<vmem>>
    %dma_start3A_32 = arith.constant 0 : i32
    %dma_start3A_33 = arith.constant 0 : i32
    %dma_start3A_34 = tpu.memref_slice %arg4[%dma_start3A_32, %dma_start3A_33] : memref<114688x128xf32, #tpu.memory_space<hbm>> -> memref<114688x128xf32, #tpu.memory_space<hbm>>
    tpu.enqueue_indirect_dma source(%dma_start3A_34 : memref<114688x128xf32, #tpu.memory_space<hbm>>) target(%arg10 : memref<64x128xf32, #tpu.memory_space<vmem>>) offsets(%dma_start3A_31 : memref<64xi32, #tpu.memory_space<vmem>>) semaphore(%arg12 : memref<!tpu.dma_semaphore, #tpu.memory_space<semaphore_mem>>)
    %scan3A_35 = arith.constant 0 : i32
    %scan3A_36 = arith.constant 0 : i32
    %scan3A_37 = arith.constant 79 : i32
    %scan3A_38 = arith.addi %scan3A_36, %scan3A_37 : i32
    %scan3A_39 = arith.constant 1 : i32
    %scan3A_40 = scf.for %scan3A_47 = %scan3A_36 to %scan3A_38 step %scan3A_39 iter_args(%scan3A_48 = %scan3A_35) -> (i32)  : i32 {
      %mul3A_49 = arith.constant 2 : i32
      %mul3A_50 = arith.muli %mul3A_49, %scan3A_47 : i32
      %add3A_51 = arith.constant 1 : i32
      %add3A_52 = arith.addi %mul3A_50, %add3A_51 : i32
      %mul3A_53 = arith.constant 2 : i32
      %mul3A_54 = arith.muli %mul3A_53, %scan3A_47 : i32
      %add3A_55 = arith.constant 2 : i32
      %add3A_56 = arith.addi %mul3A_54, %add3A_55 : i32
      %mul3A_57 = arith.constant 158 : i32
      %mul3A_58 = arith.muli %add3A, %mul3A_57 : i32
      %add3A_59 = arith.addi %mul3A_58, %add3A_52 : i32
      "tpu.region"() ({
        %run_scoped3A_110 = tpu.sem_alloc : memref<!tpu.dma_semaphore, #tpu.memory_space<semaphore_mem>>
        %dma_start3A_111 = arith.constant 0 : i32
        %dma_start3A_112 = arith.constant 0 : i32
        %dma_start3A_113 = tpu.memref_slice %arg2[%add3A_59, %dma_start3A_111, %dma_start3A_112] : memref<5056x3x64xi32, #tpu.memory_space<hbm>> -> memref<1x3x64xi32, #tpu.memory_space<hbm>>
        %dma_start3A_114 = tpu.memref_squeeze %dma_start3A_113 : memref<1x3x64xi32, #tpu.memory_space<hbm>> -> memref<3x64xi32, #tpu.memory_space<hbm>>
        %dma_start3A_115 = arith.constant 0 : i32
        %dma_start3A_116 = arith.constant 0 : i32
        %dma_start3A_117 = tpu.memref_slice %arg2[%add3A_59, %dma_start3A_115, %dma_start3A_116] : memref<5056x3x64xi32, #tpu.memory_space<hbm>> -> memref<1x3x64xi32, #tpu.memory_space<hbm>>
        %dma_start3A_118 = tpu.memref_squeeze %dma_start3A_117 : memref<1x3x64xi32, #tpu.memory_space<hbm>> -> memref<3x64xi32, #tpu.memory_space<hbm>>
        tpu.enqueue_dma source(%dma_start3A_118 : memref<3x64xi32, #tpu.memory_space<hbm>>) target(%arg7 : memref<3x64xi32, #tpu.memory_space<vmem>>) target_semaphore(%run_scoped3A_110 : memref<!tpu.dma_semaphore, #tpu.memory_space<semaphore_mem>>)
        %dma_wait3A_119 = arith.constant 0 : i32
        %dma_wait3A_120 = arith.constant 0 : i32
        %dma_wait3A_121 = tpu.memref_slice %arg2[%add3A_59, %dma_wait3A_119, %dma_wait3A_120] : memref<5056x3x64xi32, #tpu.memory_space<hbm>> -> memref<1x3x64xi32, #tpu.memory_space<hbm>>
        %dma_wait3A_122 = tpu.memref_squeeze %dma_wait3A_121 : memref<1x3x64xi32, #tpu.memory_space<hbm>> -> memref<3x64xi32, #tpu.memory_space<hbm>>
        %dma_wait3A_123 = arith.constant 0 : i32
        %dma_wait3A_124 = arith.constant 0 : i32
        %dma_wait3A_125 = tpu.memref_slice %arg2[%add3A_59, %dma_wait3A_123, %dma_wait3A_124] : memref<5056x3x64xi32, #tpu.memory_space<hbm>> -> memref<1x3x64xi32, #tpu.memory_space<hbm>>
        %dma_wait3A_126 = tpu.memref_squeeze %dma_wait3A_125 : memref<1x3x64xi32, #tpu.memory_space<hbm>> -> memref<3x64xi32, #tpu.memory_space<hbm>>
        tpu.wait_dma2 semaphore(%run_scoped3A_110 : memref<!tpu.dma_semaphore, #tpu.memory_space<semaphore_mem>>) src(%dma_wait3A_126 : memref<3x64xi32, #tpu.memory_space<hbm>>) dst(%arg7 : memref<3x64xi32, #tpu.memory_space<vmem>>)
        tpu.yield
      }) : () -> ()
      %dma_start3A_60 = arith.constant 0 : i32
      %dma_start3A_61 = arith.constant 0 : i32
      %dma_start3A_62 = tpu.memref_slice %arg7[%dma_start3A_60, %dma_start3A_61] : memref<3x64xi32, #tpu.memory_space<vmem>> -> memref<1x64xi32, #tpu.memory_space<vmem>>
      %dma_start3A_63 = tpu.memref_squeeze %dma_start3A_62 : memref<1x64xi32, #tpu.memory_space<vmem>> -> memref<64xi32, #tpu.memory_space<vmem>>
      %dma_start3A_64 = arith.constant 0 : i32
      %dma_start3A_65 = arith.constant 0 : i32
      %dma_start3A_66 = tpu.memref_slice %arg3[%dma_start3A_64, %dma_start3A_65] : memref<100000x128xf32, #tpu.memory_space<hbm>> -> memref<100000x128xf32, #tpu.memory_space<hbm>>
      tpu.enqueue_indirect_dma source(%dma_start3A_66 : memref<100000x128xf32, #tpu.memory_space<hbm>>) target(%arg9 : memref<64x128xf32, #tpu.memory_space<vmem>>) offsets(%dma_start3A_63 : memref<64xi32, #tpu.memory_space<vmem>>) semaphore(%arg13 : memref<!tpu.dma_semaphore, #tpu.memory_space<semaphore_mem>>)
      %dma_start3A_67 = arith.constant 1 : i32
      %dma_start3A_68 = arith.constant 0 : i32
      %dma_start3A_69 = tpu.memref_slice %arg7[%dma_start3A_67, %dma_start3A_68] : memref<3x64xi32, #tpu.memory_space<vmem>> -> memref<1x64xi32, #tpu.memory_space<vmem>>
      %dma_start3A_70 = tpu.memref_squeeze %dma_start3A_69 : memref<1x64xi32, #tpu.memory_space<vmem>> -> memref<64xi32, #tpu.memory_space<vmem>>
      %dma_start3A_71 = arith.constant 0 : i32
      %dma_start3A_72 = arith.constant 0 : i32
      %dma_start3A_73 = tpu.memref_slice %arg4[%dma_start3A_71, %dma_start3A_72] : memref<114688x128xf32, #tpu.memory_space<hbm>> -> memref<114688x128xf32, #tpu.memory_space<hbm>>
      tpu.enqueue_indirect_dma source(%dma_start3A_73 : memref<114688x128xf32, #tpu.memory_space<hbm>>) target(%arg11 : memref<64x128xf32, #tpu.memory_space<vmem>>) offsets(%dma_start3A_70 : memref<64xi32, #tpu.memory_space<vmem>>) semaphore(%arg13 : memref<!tpu.dma_semaphore, #tpu.memory_space<semaphore_mem>>)
      %dma_wait3A = arith.constant 0 : i32
      %dma_wait3A_74 = arith.constant 0 : i32
      %dma_wait3A_75 = tpu.memref_slice %arg6[%dma_wait3A, %dma_wait3A_74] : memref<3x64xi32, #tpu.memory_space<vmem>> -> memref<1x64xi32, #tpu.memory_space<vmem>>
      %dma_wait3A_76 = tpu.memref_squeeze %dma_wait3A_75 : memref<1x64xi32, #tpu.memory_space<vmem>> -> memref<64xi32, #tpu.memory_space<vmem>>
      %dma_wait3A_77 = arith.constant 0 : i32
      %dma_wait3A_78 = arith.constant 0 : i32
      %dma_wait3A_79 = tpu.memref_slice %arg3[%dma_wait3A_77, %dma_wait3A_78] : memref<100000x128xf32, #tpu.memory_space<hbm>> -> memref<100000x128xf32, #tpu.memory_space<hbm>>
      tpu.wait_indirect_dma semaphore(%arg12 : memref<!tpu.dma_semaphore, #tpu.memory_space<semaphore_mem>>) src(%dma_wait3A_79 : memref<100000x128xf32, #tpu.memory_space<hbm>>) dst(%arg8 : memref<64x128xf32, #tpu.memory_space<vmem>>)
      %dma_wait3A_80 = arith.constant 1 : i32
      %dma_wait3A_81 = arith.constant 0 : i32
      %dma_wait3A_82 = tpu.memref_slice %arg6[%dma_wait3A_80, %dma_wait3A_81] : memref<3x64xi32, #tpu.memory_space<vmem>> -> memref<1x64xi32, #tpu.memory_space<vmem>>
      %dma_wait3A_83 = tpu.memref_squeeze %dma_wait3A_82 : memref<1x64xi32, #tpu.memory_space<vmem>> -> memref<64xi32, #tpu.memory_space<vmem>>
      %dma_wait3A_84 = arith.constant 0 : i32
      %dma_wait3A_85 = arith.constant 0 : i32
      %dma_wait3A_86 = tpu.memref_slice %arg4[%dma_wait3A_84, %dma_wait3A_85] : memref<114688x128xf32, #tpu.memory_space<hbm>> -> memref<114688x128xf32, #tpu.memory_space<hbm>>
      tpu.wait_indirect_dma semaphore(%arg12 : memref<!tpu.dma_semaphore, #tpu.memory_space<semaphore_mem>>) src(%dma_wait3A_86 : memref<114688x128xf32, #tpu.memory_space<hbm>>) dst(%arg10 : memref<64x128xf32, #tpu.memory_space<vmem>>)
      %parallel_loop3A = arith.constant 0 : i32
      %parallel_loop3A_87 = arith.constant 64 : i32
      %parallel_loop3A_88 = arith.constant 1 : i32
      scf.for %parallel_loop3A_110 = %parallel_loop3A to %parallel_loop3A_87 step %parallel_loop3A_88  : i32 {
        %parallel_loop3A_111 = arith.index_cast %parallel_loop3A_110 : i32 to index
        %parallel_loop3A_112 = arith.constant 0 : index
        %parallel_loop3A_113 = tpu.vector_load %arg8[%parallel_loop3A_111, %parallel_loop3A_112] {strides = array<i32>} : memref<64x128xf32, #tpu.memory_space<vmem>>, vector<16xf32>,
        %parallel_loop3A_114 = arith.index_cast %parallel_loop3A_110 : i32 to index
        %parallel_loop3A_115 = arith.constant 0 : index
        %parallel_loop3A_116 = tpu.vector_load %arg10[%parallel_loop3A_114, %parallel_loop3A_115] {strides = array<i32>} : memref<64x128xf32, #tpu.memory_space<vmem>>, vector<16xf32>,
        %parallel_loop3A_117 = arith.mulf %parallel_loop3A_113, %parallel_loop3A_116 : vector<16xf32>
        %parallel_loop3A_118 = arith.index_cast %parallel_loop3A_110 : i32 to index
        %parallel_loop3A_119 = arith.constant 0 : index
        %parallel_loop3A_120 = tpu.vector_load %arg8[%parallel_loop3A_118, %parallel_loop3A_119] {strides = array<i32>} : memref<64x128xf32, #tpu.memory_space<vmem>>, vector<16xf32>,
        tpu.vector_store %arg8[%parallel_loop3A_118, %parallel_loop3A_119], %parallel_loop3A_117 {strides = array<i32>} : memref<64x128xf32, #tpu.memory_space<vmem>>, vector<16xf32>,
        %parallel_loop3A_121 = arith.index_cast %parallel_loop3A_110 : i32 to index
        %parallel_loop3A_122 = arith.constant 16 : index
        %parallel_loop3A_123 = tpu.vector_load %arg8[%parallel_loop3A_121, %parallel_loop3A_122] {strides = array<i32>} : memref<64x128xf32, #tpu.memory_space<vmem>>, vector<16xf32>,
        %parallel_loop3A_124 = arith.index_cast %parallel_loop3A_110 : i32 to index
        %parallel_loop3A_125 = arith.constant 16 : index
        %parallel_loop3A_126 = tpu.vector_load %arg10[%parallel_loop3A_124, %parallel_loop3A_125] {strides = array<i32>} : memref<64x128xf32, #tpu.memory_space<vmem>>, vector<16xf32>,
        %parallel_loop3A_127 = arith.mulf %parallel_loop3A_123, %parallel_loop3A_126 : vector<16xf32>
        %parallel_loop3A_128 = arith.index_cast %parallel_loop3A_110 : i32 to index
        %parallel_loop3A_129 = arith.constant 16 : index
        %parallel_loop3A_130 = tpu.vector_load %arg8[%parallel_loop3A_128, %parallel_loop3A_129] {strides = array<i32>} : memref<64x128xf32, #tpu.memory_space<vmem>>, vector<16xf32>,
        tpu.vector_store %arg8[%parallel_loop3A_128, %parallel_loop3A_129], %parallel_loop3A_127 {strides = array<i32>} : memref<64x128xf32, #tpu.memory_space<vmem>>, vector<16xf32>,
        %parallel_loop3A_131 = arith.index_cast %parallel_loop3A_110 : i32 to index
        %parallel_loop3A_132 = arith.constant 32 : index
        %parallel_loop3A_133 = tpu.vector_load %arg8[%parallel_loop3A_131, %parallel_loop3A_132] {strides = array<i32>} : memref<64x128xf32, #tpu.memory_space<vmem>>, vector<16xf32>,
        %parallel_loop3A_134 = arith.index_cast %parallel_loop3A_110 : i32 to index
        %parallel_loop3A_135 = arith.constant 32 : index
        %parallel_loop3A_136 = tpu.vector_load %arg10[%parallel_loop3A_134, %parallel_loop3A_135] {strides = array<i32>} : memref<64x128xf32, #tpu.memory_space<vmem>>, vector<16xf32>,
        %parallel_loop3A_137 = arith.mulf %parallel_loop3A_133, %parallel_loop3A_136 : vector<16xf32>
        %parallel_loop3A_138 = arith.index_cast %parallel_loop3A_110 : i32 to index
        %parallel_loop3A_139 = arith.constant 32 : index
        %parallel_loop3A_140 = tpu.vector_load %arg8[%parallel_loop3A_138, %parallel_loop3A_139] {strides = array<i32>} : memref<64x128xf32, #tpu.memory_space<vmem>>, vector<16xf32>,
        tpu.vector_store %arg8[%parallel_loop3A_138, %parallel_loop3A_139], %parallel_loop3A_137 {strides = array<i32>} : memref<64x128xf32, #tpu.memory_space<vmem>>, vector<16xf32>,
        %parallel_loop3A_141 = arith.index_cast %parallel_loop3A_110 : i32 to index
        %parallel_loop3A_142 = arith.constant 48 : index
        %parallel_loop3A_143 = tpu.vector_load %arg8[%parallel_loop3A_141, %parallel_loop3A_142] {strides = array<i32>} : memref<64x128xf32, #tpu.memory_space<vmem>>, vector<16xf32>,
        %parallel_loop3A_144 = arith.index_cast %parallel_loop3A_110 : i32 to index
        %parallel_loop3A_145 = arith.constant 48 : index
        %parallel_loop3A_146 = tpu.vector_load %arg10[%parallel_loop3A_144, %parallel_loop3A_145] {strides = array<i32>} : memref<64x128xf32, #tpu.memory_space<vmem>>, vector<16xf32>,
        %parallel_loop3A_147 = arith.mulf %parallel_loop3A_143, %parallel_loop3A_146 : vector<16xf32>
        %parallel_loop3A_148 = arith.index_cast %parallel_loop3A_110 : i32 to index
        %parallel_loop3A_149 = arith.constant 48 : index
        %parallel_loop3A_150 = tpu.vector_load %arg8[%parallel_loop3A_148, %parallel_loop3A_149] {strides = array<i32>} : memref<64x128xf32, #tpu.memory_space<vmem>>, vector<16xf32>,
        tpu.vector_store %arg8[%parallel_loop3A_148, %parallel_loop3A_149], %parallel_loop3A_147 {strides = array<i32>} : memref<64x128xf32, #tpu.memory_space<vmem>>, vector<16xf32>,
        %parallel_loop3A_151 = arith.index_cast %parallel_loop3A_110 : i32 to index
        %parallel_loop3A_152 = arith.constant 64 : index
        %parallel_loop3A_153 = tpu.vector_load %arg8[%parallel_loop3A_151, %parallel_loop3A_152] {strides = array<i32>} : memref<64x128xf32, #tpu.memory_space<vmem>>, vector<16xf32>,
        %parallel_loop3A_154 = arith.index_cast %parallel_loop3A_110 : i32 to index
        %parallel_loop3A_155 = arith.constant 64 : index
        %parallel_loop3A_156 = tpu.vector_load %arg10[%parallel_loop3A_154, %parallel_loop3A_155] {strides = array<i32>} : memref<64x128xf32, #tpu.memory_space<vmem>>, vector<16xf32>,
        %parallel_loop3A_157 = arith.mulf %parallel_loop3A_153, %parallel_loop3A_156 : vector<16xf32>
        %parallel_loop3A_158 = arith.index_cast %parallel_loop3A_110 : i32 to index
        %parallel_loop3A_159 = arith.constant 64 : index
        %parallel_loop3A_160 = tpu.vector_load %arg8[%parallel_loop3A_158, %parallel_loop3A_159] {strides = array<i32>} : memref<64x128xf32, #tpu.memory_space<vmem>>, vector<16xf32>,
        tpu.vector_store %arg8[%parallel_loop3A_158, %parallel_loop3A_159], %parallel_loop3A_157 {strides = array<i32>} : memref<64x128xf32, #tpu.memory_space<vmem>>, vector<16xf32>,
        %parallel_loop3A_161 = arith.index_cast %parallel_loop3A_110 : i32 to index
        %parallel_loop3A_162 = arith.constant 80 : index
        %parallel_loop3A_163 = tpu.vector_load %arg8[%parallel_loop3A_161, %parallel_loop3A_162] {strides = array<i32>} : memref<64x128xf32, #tpu.memory_space<vmem>>, vector<16xf32>,
        %parallel_loop3A_164 = arith.index_cast %parallel_loop3A_110 : i32 to index
        %parallel_loop3A_165 = arith.constant 80 : index
        %parallel_loop3A_166 = tpu.vector_load %arg10[%parallel_loop3A_164, %parallel_loop3A_165] {strides = array<i32>} : memref<64x128xf32, #tpu.memory_space<vmem>>, vector<16xf32>,
        %parallel_loop3A_167 = arith.mulf %parallel_loop3A_163, %parallel_loop3A_166 : vector<16xf32>
        %parallel_loop3A_168 = arith.index_cast %parallel_loop3A_110 : i32 to index
        %parallel_loop3A_169 = arith.constant 80 : index
        %parallel_loop3A_170 = tpu.vector_load %arg8[%parallel_loop3A_168, %parallel_loop3A_169] {strides = array<i32>} : memref<64x128xf32, #tpu.memory_space<vmem>>, vector<16xf32>,
        tpu.vector_store %arg8[%parallel_loop3A_168, %parallel_loop3A_169], %parallel_loop3A_167 {strides = array<i32>} : memref<64x128xf32, #tpu.memory_space<vmem>>, vector<16xf32>,
        %parallel_loop3A_171 = arith.index_cast %parallel_loop3A_110 : i32 to index
        %parallel_loop3A_172 = arith.constant 96 : index
        %parallel_loop3A_173 = tpu.vector_load %arg8[%parallel_loop3A_171, %parallel_loop3A_172] {strides = array<i32>} : memref<64x128xf32, #tpu.memory_space<vmem>>, vector<16xf32>,
        %parallel_loop3A_174 = arith.index_cast %parallel_loop3A_110 : i32 to index
        %parallel_loop3A_175 = arith.constant 96 : index
        %parallel_loop3A_176 = tpu.vector_load %arg10[%parallel_loop3A_174, %parallel_loop3A_175] {strides = array<i32>} : memref<64x128xf32, #tpu.memory_space<vmem>>, vector<16xf32>,
        %parallel_loop3A_177 = arith.mulf %parallel_loop3A_173, %parallel_loop3A_176 : vector<16xf32>
        %parallel_loop3A_178 = arith.index_cast %parallel_loop3A_110 : i32 to index
        %parallel_loop3A_179 = arith.constant 96 : index
        %parallel_loop3A_180 = tpu.vector_load %arg8[%parallel_loop3A_178, %parallel_loop3A_179] {strides = array<i32>} : memref<64x128xf32, #tpu.memory_space<vmem>>, vector<16xf32>,
        tpu.vector_store %arg8[%parallel_loop3A_178, %parallel_loop3A_179], %parallel_loop3A_177 {strides = array<i32>} : memref<64x128xf32, #tpu.memory_space<vmem>>, vector<16xf32>,
        %parallel_loop3A_181 = arith.index_cast %parallel_loop3A_110 : i32 to index
        %parallel_loop3A_182 = arith.constant 112 : index
        %parallel_loop3A_183 = tpu.vector_load %arg8[%parallel_loop3A_181, %parallel_loop3A_182] {strides = array<i32>} : memref<64x128xf32, #tpu.memory_space<vmem>>, vector<16xf32>,
        %parallel_loop3A_184 = arith.index_cast %parallel_loop3A_110 : i32 to index
        %parallel_loop3A_185 = arith.constant 112 : index
        %parallel_loop3A_186 = tpu.vector_load %arg10[%parallel_loop3A_184, %parallel_loop3A_185] {strides = array<i32>} : memref<64x128xf32, #tpu.memory_space<vmem>>, vector<16xf32>,
        %parallel_loop3A_187 = arith.mulf %parallel_loop3A_183, %parallel_loop3A_186 : vector<16xf32>
        %parallel_loop3A_188 = arith.index_cast %parallel_loop3A_110 : i32 to index
        %parallel_loop3A_189 = arith.constant 112 : index
        %parallel_loop3A_190 = tpu.vector_load %arg8[%parallel_loop3A_188, %parallel_loop3A_189] {strides = array<i32>} : memref<64x128xf32, #tpu.memory_space<vmem>>, vector<16xf32>,
        tpu.vector_store %arg8[%parallel_loop3A_188, %parallel_loop3A_189], %parallel_loop3A_187 {strides = array<i32>} : memref<64x128xf32, #tpu.memory_space<vmem>>, vector<16xf32>,
      } {sc.loop_unroll_factor = 4 : i64, sc.parallel_access}
      %run_scoped3A = arith.constant 2 : i32
      "tpu.region"() ({
        %run_scoped3A_110 = tpu.sem_alloc : memref<!tpu.dma_semaphore, #tpu.memory_space<semaphore_mem>>
        %dma_start3A_111 = arith.constant 0 : i32
        %dma_start3A_112 = tpu.memref_slice %arg6[%run_scoped3A, %dma_start3A_111] : memref<3x64xi32, #tpu.memory_space<vmem>> -> memref<1x64xi32, #tpu.memory_space<vmem>>
        %dma_start3A_113 = tpu.memref_squeeze %dma_start3A_112 : memref<1x64xi32, #tpu.memory_space<vmem>> -> memref<64xi32, #tpu.memory_space<vmem>>
        %dma_start3A_114 = arith.constant 0 : i32
        %dma_start3A_115 = arith.constant 0 : i32
        %dma_start3A_116 = tpu.memref_slice %arg14[%dma_start3A_114, %dma_start3A_115] : memref<10112x128xf32, #tpu.memory_space<vmem_shared>> -> memref<10112x128xf32, #tpu.memory_space<vmem_shared>>
        tpu.enqueue_indirect_dma source(%arg8 : memref<64x128xf32, #tpu.memory_space<vmem>>) target(%dma_start3A_116 : memref<10112x128xf32, #tpu.memory_space<vmem_shared>>) offsets(%dma_start3A_113 : memref<64xi32, #tpu.memory_space<vmem>>) semaphore(%run_scoped3A_110 : memref<!tpu.dma_semaphore, #tpu.memory_space<semaphore_mem>>) {add = true}
        %dma_wait3A_117 = arith.constant 0 : i32
        %dma_wait3A_118 = tpu.memref_slice %arg6[%run_scoped3A, %dma_wait3A_117] : memref<3x64xi32, #tpu.memory_space<vmem>> -> memref<1x64xi32, #tpu.memory_space<vmem>>
        %dma_wait3A_119 = tpu.memref_squeeze %dma_wait3A_118 : memref<1x64xi32, #tpu.memory_space<vmem>> -> memref<64xi32, #tpu.memory_space<vmem>>
        %dma_wait3A_120 = arith.constant 0 : i32
        %dma_wait3A_121 = arith.constant 0 : i32
        %dma_wait3A_122 = tpu.memref_slice %arg14[%dma_wait3A_120, %dma_wait3A_121] : memref<10112x128xf32, #tpu.memory_space<vmem_shared>> -> memref<10112x128xf32, #tpu.memory_space<vmem_shared>>
        tpu.wait_indirect_dma semaphore(%run_scoped3A_110 : memref<!tpu.dma_semaphore, #tpu.memory_space<semaphore_mem>>) src(%arg8 : memref<64x128xf32, #tpu.memory_space<vmem>>) dst(%dma_wait3A_122 : memref<10112x128xf32, #tpu.memory_space<vmem_shared>>)
        tpu.yield
      }) : () -> ()
      %lt3A = arith.constant 158 : i32
      %lt3A_89 = arith.cmpi slt, %add3A_56, %lt3A : i32
      %convert_element_type3A = arith.extui %lt3A_89 : i1 to i32
      %cond3A = arith.constant 0 : i32
      %cond3A_90 = arith.cmpi ne, %convert_element_type3A, %cond3A : i32
      scf.if %cond3A_90 {
        %mul3A_110 = arith.constant 158 : i32
        %mul3A_111 = arith.muli %add3A, %mul3A_110 : i32
        %add3A_112 = arith.addi %mul3A_111, %add3A_56 : i32
        "tpu.region"() ({
          %run_scoped3A_127 = tpu.sem_alloc : memref<!tpu.dma_semaphore, #tpu.memory_space<semaphore_mem>>
          %dma_start3A_128 = arith.constant 0 : i32
          %dma_start3A_129 = arith.constant 0 : i32
          %dma_start3A_130 = tpu.memref_slice %arg2[%add3A_112, %dma_start3A_128, %dma_start3A_129] : memref<5056x3x64xi32, #tpu.memory_space<hbm>> -> memref<1x3x64xi32, #tpu.memory_space<hbm>>
          %dma_start3A_131 = tpu.memref_squeeze %dma_start3A_130 : memref<1x3x64xi32, #tpu.memory_space<hbm>> -> memref<3x64xi32, #tpu.memory_space<hbm>>
          %dma_start3A_132 = arith.constant 0 : i32
          %dma_start3A_133 = arith.constant 0 : i32
          %dma_start3A_134 = tpu.memref_slice %arg2[%add3A_112, %dma_start3A_132, %dma_start3A_133] : memref<5056x3x64xi32, #tpu.memory_space<hbm>> -> memref<1x3x64xi32, #tpu.memory_space<hbm>>
          %dma_start3A_135 = tpu.memref_squeeze %dma_start3A_134 : memref<1x3x64xi32, #tpu.memory_space<hbm>> -> memref<3x64xi32, #tpu.memory_space<hbm>>
          tpu.enqueue_dma source(%dma_start3A_135 : memref<3x64xi32, #tpu.memory_space<hbm>>) target(%arg6 : memref<3x64xi32, #tpu.memory_space<vmem>>) target_semaphore(%run_scoped3A_127 : memref<!tpu.dma_semaphore, #tpu.memory_space<semaphore_mem>>)
          %dma_wait3A_136 = arith.constant 0 : i32
          %dma_wait3A_137 = arith.constant 0 : i32
          %dma_wait3A_138 = tpu.memref_slice %arg2[%add3A_112, %dma_wait3A_136, %dma_wait3A_137] : memref<5056x3x64xi32, #tpu.memory_space<hbm>> -> memref<1x3x64xi32, #tpu.memory_space<hbm>>
          %dma_wait3A_139 = tpu.memref_squeeze %dma_wait3A_138 : memref<1x3x64xi32, #tpu.memory_space<hbm>> -> memref<3x64xi32, #tpu.memory_space<hbm>>
          %dma_wait3A_140 = arith.constant 0 : i32
          %dma_wait3A_141 = arith.constant 0 : i32
          %dma_wait3A_142 = tpu.memref_slice %arg2[%add3A_112, %dma_wait3A_140, %dma_wait3A_141] : memref<5056x3x64xi32, #tpu.memory_space<hbm>> -> memref<1x3x64xi32, #tpu.memory_space<hbm>>
          %dma_wait3A_143 = tpu.memref_squeeze %dma_wait3A_142 : memref<1x3x64xi32, #tpu.memory_space<hbm>> -> memref<3x64xi32, #tpu.memory_space<hbm>>
          tpu.wait_dma2 semaphore(%run_scoped3A_127 : memref<!tpu.dma_semaphore, #tpu.memory_space<semaphore_mem>>) src(%dma_wait3A_143 : memref<3x64xi32, #tpu.memory_space<hbm>>) dst(%arg6 : memref<3x64xi32, #tpu.memory_space<vmem>>)
          tpu.yield
        }) : () -> ()
        %dma_start3A_113 = arith.constant 0 : i32
        %dma_start3A_114 = arith.constant 0 : i32
        %dma_start3A_115 = tpu.memref_slice %arg6[%dma_start3A_113, %dma_start3A_114] : memref<3x64xi32, #tpu.memory_space<vmem>> -> memref<1x64xi32, #tpu.memory_space<vmem>>
        %dma_start3A_116 = tpu.memref_squeeze %dma_start3A_115 : memref<1x64xi32, #tpu.memory_space<vmem>> -> memref<64xi32, #tpu.memory_space<vmem>>
        %dma_start3A_117 = arith.constant 0 : i32
        %dma_start3A_118 = arith.constant 0 : i32
        %dma_start3A_119 = tpu.memref_slice %arg3[%dma_start3A_117, %dma_start3A_118] : memref<100000x128xf32, #tpu.memory_space<hbm>> -> memref<100000x128xf32, #tpu.memory_space<hbm>>
        tpu.enqueue_indirect_dma source(%dma_start3A_119 : memref<100000x128xf32, #tpu.memory_space<hbm>>) target(%arg8 : memref<64x128xf32, #tpu.memory_space<vmem>>) offsets(%dma_start3A_116 : memref<64xi32, #tpu.memory_space<vmem>>) semaphore(%arg12 : memref<!tpu.dma_semaphore, #tpu.memory_space<semaphore_mem>>)
        %dma_start3A_120 = arith.constant 1 : i32
        %dma_start3A_121 = arith.constant 0 : i32
        %dma_start3A_122 = tpu.memref_slice %arg6[%dma_start3A_120, %dma_start3A_121] : memref<3x64xi32, #tpu.memory_space<vmem>> -> memref<1x64xi32, #tpu.memory_space<vmem>>
        %dma_start3A_123 = tpu.memref_squeeze %dma_start3A_122 : memref<1x64xi32, #tpu.memory_space<vmem>> -> memref<64xi32, #tpu.memory_space<vmem>>
        %dma_start3A_124 = arith.constant 0 : i32
        %dma_start3A_125 = arith.constant 0 : i32
        %dma_start3A_126 = tpu.memref_slice %arg4[%dma_start3A_124, %dma_start3A_125] : memref<114688x128xf32, #tpu.memory_space<hbm>> -> memref<114688x128xf32, #tpu.memory_space<hbm>>
        tpu.enqueue_indirect_dma source(%dma_start3A_126 : memref<114688x128xf32, #tpu.memory_space<hbm>>) target(%arg10 : memref<64x128xf32, #tpu.memory_space<vmem>>) offsets(%dma_start3A_123 : memref<64xi32, #tpu.memory_space<vmem>>) semaphore(%arg12 : memref<!tpu.dma_semaphore, #tpu.memory_space<semaphore_mem>>)
      } else {
      }
      %dma_wait3A_91 = arith.constant 0 : i32
      %dma_wait3A_92 = arith.constant 0 : i32
      %dma_wait3A_93 = tpu.memref_slice %arg7[%dma_wait3A_91, %dma_wait3A_92] : memref<3x64xi32, #tpu.memory_space<vmem>> -> memref<1x64xi32, #tpu.memory_space<vmem>>
      %dma_wait3A_94 = tpu.memref_squeeze %dma_wait3A_93 : memref<1x64xi32, #tpu.memory_space<vmem>> -> memref<64xi32, #tpu.memory_space<vmem>>
      %dma_wait3A_95 = arith.constant 0 : i32
      %dma_wait3A_96 = arith.constant 0 : i32
      %dma_wait3A_97 = tpu.memref_slice %arg3[%dma_wait3A_95, %dma_wait3A_96] : memref<100000x128xf32, #tpu.memory_space<hbm>> -> memref<100000x128xf32, #tpu.memory_space<hbm>>
      tpu.wait_indirect_dma semaphore(%arg13 : memref<!tpu.dma_semaphore, #tpu.memory_space<semaphore_mem>>) src(%dma_wait3A_97 : memref<100000x128xf32, #tpu.memory_space<hbm>>) dst(%arg9 : memref<64x128xf32, #tpu.memory_space<vmem>>)
      %dma_wait3A_98 = arith.constant 1 : i32
      %dma_wait3A_99 = arith.constant 0 : i32
      %dma_wait3A_100 = tpu.memref_slice %arg7[%dma_wait3A_98, %dma_wait3A_99] : memref<3x64xi32, #tpu.memory_space<vmem>> -> memref<1x64xi32, #tpu.memory_space<vmem>>
      %dma_wait3A_101 = tpu.memref_squeeze %dma_wait3A_100 : memref<1x64xi32, #tpu.memory_space<vmem>> -> memref<64xi32, #tpu.memory_space<vmem>>
      %dma_wait3A_102 = arith.constant 0 : i32
      %dma_wait3A_103 = arith.constant 0 : i32
      %dma_wait3A_104 = tpu.memref_slice %arg4[%dma_wait3A_102, %dma_wait3A_103] : memref<114688x128xf32, #tpu.memory_space<hbm>> -> memref<114688x128xf32, #tpu.memory_space<hbm>>
      tpu.wait_indirect_dma semaphore(%arg13 : memref<!tpu.dma_semaphore, #tpu.memory_space<semaphore_mem>>) src(%dma_wait3A_104 : memref<114688x128xf32, #tpu.memory_space<hbm>>) dst(%arg11 : memref<64x128xf32, #tpu.memory_space<vmem>>)
      %parallel_loop3A_105 = arith.constant 0 : i32
      %parallel_loop3A_106 = arith.constant 64 : i32
      %parallel_loop3A_107 = arith.constant 1 : i32
      scf.for %parallel_loop3A_110 = %parallel_loop3A_105 to %parallel_loop3A_106 step %parallel_loop3A_107  : i32 {
        %parallel_loop3A_111 = arith.index_cast %parallel_loop3A_110 : i32 to index
        %parallel_loop3A_112 = arith.constant 0 : index
        %parallel_loop3A_113 = tpu.vector_load %arg9[%parallel_loop3A_111, %parallel_loop3A_112] {strides = array<i32>} : memref<64x128xf32, #tpu.memory_space<vmem>>, vector<16xf32>,
        %parallel_loop3A_114 = arith.index_cast %parallel_loop3A_110 : i32 to index
        %parallel_loop3A_115 = arith.constant 0 : index
        %parallel_loop3A_116 = tpu.vector_load %arg11[%parallel_loop3A_114, %parallel_loop3A_115] {strides = array<i32>} : memref<64x128xf32, #tpu.memory_space<vmem>>, vector<16xf32>,
        %parallel_loop3A_117 = arith.mulf %parallel_loop3A_113, %parallel_loop3A_116 : vector<16xf32>
        %parallel_loop3A_118 = arith.index_cast %parallel_loop3A_110 : i32 to index
        %parallel_loop3A_119 = arith.constant 0 : index
        %parallel_loop3A_120 = tpu.vector_load %arg9[%parallel_loop3A_118, %parallel_loop3A_119] {strides = array<i32>} : memref<64x128xf32, #tpu.memory_space<vmem>>, vector<16xf32>,
        tpu.vector_store %arg9[%parallel_loop3A_118, %parallel_loop3A_119], %parallel_loop3A_117 {strides = array<i32>} : memref<64x128xf32, #tpu.memory_space<vmem>>, vector<16xf32>,
        %parallel_loop3A_121 = arith.index_cast %parallel_loop3A_110 : i32 to index
        %parallel_loop3A_122 = arith.constant 16 : index
        %parallel_loop3A_123 = tpu.vector_load %arg9[%parallel_loop3A_121, %parallel_loop3A_122] {strides = array<i32>} : memref<64x128xf32, #tpu.memory_space<vmem>>, vector<16xf32>,
        %parallel_loop3A_124 = arith.index_cast %parallel_loop3A_110 : i32 to index
        %parallel_loop3A_125 = arith.constant 16 : index
        %parallel_loop3A_126 = tpu.vector_load %arg11[%parallel_loop3A_124, %parallel_loop3A_125] {strides = array<i32>} : memref<64x128xf32, #tpu.memory_space<vmem>>, vector<16xf32>,
        %parallel_loop3A_127 = arith.mulf %parallel_loop3A_123, %parallel_loop3A_126 : vector<16xf32>
        %parallel_loop3A_128 = arith.index_cast %parallel_loop3A_110 : i32 to index
        %parallel_loop3A_129 = arith.constant 16 : index
        %parallel_loop3A_130 = tpu.vector_load %arg9[%parallel_loop3A_128, %parallel_loop3A_129] {strides = array<i32>} : memref<64x128xf32, #tpu.memory_space<vmem>>, vector<16xf32>,
        tpu.vector_store %arg9[%parallel_loop3A_128, %parallel_loop3A_129], %parallel_loop3A_127 {strides = array<i32>} : memref<64x128xf32, #tpu.memory_space<vmem>>, vector<16xf32>,
        %parallel_loop3A_131 = arith.index_cast %parallel_loop3A_110 : i32 to index
        %parallel_loop3A_132 = arith.constant 32 : index
        %parallel_loop3A_133 = tpu.vector_load %arg9[%parallel_loop3A_131, %parallel_loop3A_132] {strides = array<i32>} : memref<64x128xf32, #tpu.memory_space<vmem>>, vector<16xf32>,
        %parallel_loop3A_134 = arith.index_cast %parallel_loop3A_110 : i32 to index
        %parallel_loop3A_135 = arith.constant 32 : index
        %parallel_loop3A_136 = tpu.vector_load %arg11[%parallel_loop3A_134, %parallel_loop3A_135] {strides = array<i32>} : memref<64x128xf32, #tpu.memory_space<vmem>>, vector<16xf32>,
        %parallel_loop3A_137 = arith.mulf %parallel_loop3A_133, %parallel_loop3A_136 : vector<16xf32>
        %parallel_loop3A_138 = arith.index_cast %parallel_loop3A_110 : i32 to index
        %parallel_loop3A_139 = arith.constant 32 : index
        %parallel_loop3A_140 = tpu.vector_load %arg9[%parallel_loop3A_138, %parallel_loop3A_139] {strides = array<i32>} : memref<64x128xf32, #tpu.memory_space<vmem>>, vector<16xf32>,
        tpu.vector_store %arg9[%parallel_loop3A_138, %parallel_loop3A_139], %parallel_loop3A_137 {strides = array<i32>} : memref<64x128xf32, #tpu.memory_space<vmem>>, vector<16xf32>,
        %parallel_loop3A_141 = arith.index_cast %parallel_loop3A_110 : i32 to index
        %parallel_loop3A_142 = arith.constant 48 : index
        %parallel_loop3A_143 = tpu.vector_load %arg9[%parallel_loop3A_141, %parallel_loop3A_142] {strides = array<i32>} : memref<64x128xf32, #tpu.memory_space<vmem>>, vector<16xf32>,
        %parallel_loop3A_144 = arith.index_cast %parallel_loop3A_110 : i32 to index
        %parallel_loop3A_145 = arith.constant 48 : index
        %parallel_loop3A_146 = tpu.vector_load %arg11[%parallel_loop3A_144, %parallel_loop3A_145] {strides = array<i32>} : memref<64x128xf32, #tpu.memory_space<vmem>>, vector<16xf32>,
        %parallel_loop3A_147 = arith.mulf %parallel_loop3A_143, %parallel_loop3A_146 : vector<16xf32>
        %parallel_loop3A_148 = arith.index_cast %parallel_loop3A_110 : i32 to index
        %parallel_loop3A_149 = arith.constant 48 : index
        %parallel_loop3A_150 = tpu.vector_load %arg9[%parallel_loop3A_148, %parallel_loop3A_149] {strides = array<i32>} : memref<64x128xf32, #tpu.memory_space<vmem>>, vector<16xf32>,
        tpu.vector_store %arg9[%parallel_loop3A_148, %parallel_loop3A_149], %parallel_loop3A_147 {strides = array<i32>} : memref<64x128xf32, #tpu.memory_space<vmem>>, vector<16xf32>,
        %parallel_loop3A_151 = arith.index_cast %parallel_loop3A_110 : i32 to index
        %parallel_loop3A_152 = arith.constant 64 : index
        %parallel_loop3A_153 = tpu.vector_load %arg9[%parallel_loop3A_151, %parallel_loop3A_152] {strides = array<i32>} : memref<64x128xf32, #tpu.memory_space<vmem>>, vector<16xf32>,
        %parallel_loop3A_154 = arith.index_cast %parallel_loop3A_110 : i32 to index
        %parallel_loop3A_155 = arith.constant 64 : index
        %parallel_loop3A_156 = tpu.vector_load %arg11[%parallel_loop3A_154, %parallel_loop3A_155] {strides = array<i32>} : memref<64x128xf32, #tpu.memory_space<vmem>>, vector<16xf32>,
        %parallel_loop3A_157 = arith.mulf %parallel_loop3A_153, %parallel_loop3A_156 : vector<16xf32>
        %parallel_loop3A_158 = arith.index_cast %parallel_loop3A_110 : i32 to index
        %parallel_loop3A_159 = arith.constant 64 : index
        %parallel_loop3A_160 = tpu.vector_load %arg9[%parallel_loop3A_158, %parallel_loop3A_159] {strides = array<i32>} : memref<64x128xf32, #tpu.memory_space<vmem>>, vector<16xf32>,
        tpu.vector_store %arg9[%parallel_loop3A_158, %parallel_loop3A_159], %parallel_loop3A_157 {strides = array<i32>} : memref<64x128xf32, #tpu.memory_space<vmem>>, vector<16xf32>,
        %parallel_loop3A_161 = arith.index_cast %parallel_loop3A_110 : i32 to index
        %parallel_loop3A_162 = arith.constant 80 : index
        %parallel_loop3A_163 = tpu.vector_load %arg9[%parallel_loop3A_161, %parallel_loop3A_162] {strides = array<i32>} : memref<64x128xf32, #tpu.memory_space<vmem>>, vector<16xf32>,
        %parallel_loop3A_164 = arith.index_cast %parallel_loop3A_110 : i32 to index
        %parallel_loop3A_165 = arith.constant 80 : index
        %parallel_loop3A_166 = tpu.vector_load %arg11[%parallel_loop3A_164, %parallel_loop3A_165] {strides = array<i32>} : memref<64x128xf32, #tpu.memory_space<vmem>>, vector<16xf32>,
        %parallel_loop3A_167 = arith.mulf %parallel_loop3A_163, %parallel_loop3A_166 : vector<16xf32>
        %parallel_loop3A_168 = arith.index_cast %parallel_loop3A_110 : i32 to index
        %parallel_loop3A_169 = arith.constant 80 : index
        %parallel_loop3A_170 = tpu.vector_load %arg9[%parallel_loop3A_168, %parallel_loop3A_169] {strides = array<i32>} : memref<64x128xf32, #tpu.memory_space<vmem>>, vector<16xf32>,
        tpu.vector_store %arg9[%parallel_loop3A_168, %parallel_loop3A_169], %parallel_loop3A_167 {strides = array<i32>} : memref<64x128xf32, #tpu.memory_space<vmem>>, vector<16xf32>,
        %parallel_loop3A_171 = arith.index_cast %parallel_loop3A_110 : i32 to index
        %parallel_loop3A_172 = arith.constant 96 : index
        %parallel_loop3A_173 = tpu.vector_load %arg9[%parallel_loop3A_171, %parallel_loop3A_172] {strides = array<i32>} : memref<64x128xf32, #tpu.memory_space<vmem>>, vector<16xf32>,
        %parallel_loop3A_174 = arith.index_cast %parallel_loop3A_110 : i32 to index
        %parallel_loop3A_175 = arith.constant 96 : index
        %parallel_loop3A_176 = tpu.vector_load %arg11[%parallel_loop3A_174, %parallel_loop3A_175] {strides = array<i32>} : memref<64x128xf32, #tpu.memory_space<vmem>>, vector<16xf32>,
        %parallel_loop3A_177 = arith.mulf %parallel_loop3A_173, %parallel_loop3A_176 : vector<16xf32>
        %parallel_loop3A_178 = arith.index_cast %parallel_loop3A_110 : i32 to index
        %parallel_loop3A_179 = arith.constant 96 : index
        %parallel_loop3A_180 = tpu.vector_load %arg9[%parallel_loop3A_178, %parallel_loop3A_179] {strides = array<i32>} : memref<64x128xf32, #tpu.memory_space<vmem>>, vector<16xf32>,
        tpu.vector_store %arg9[%parallel_loop3A_178, %parallel_loop3A_179], %parallel_loop3A_177 {strides = array<i32>} : memref<64x128xf32, #tpu.memory_space<vmem>>, vector<16xf32>,
        %parallel_loop3A_181 = arith.index_cast %parallel_loop3A_110 : i32 to index
        %parallel_loop3A_182 = arith.constant 112 : index
        %parallel_loop3A_183 = tpu.vector_load %arg9[%parallel_loop3A_181, %parallel_loop3A_182] {strides = array<i32>} : memref<64x128xf32, #tpu.memory_space<vmem>>, vector<16xf32>,
        %parallel_loop3A_184 = arith.index_cast %parallel_loop3A_110 : i32 to index
        %parallel_loop3A_185 = arith.constant 112 : index
        %parallel_loop3A_186 = tpu.vector_load %arg11[%parallel_loop3A_184, %parallel_loop3A_185] {strides = array<i32>} : memref<64x128xf32, #tpu.memory_space<vmem>>, vector<16xf32>,
        %parallel_loop3A_187 = arith.mulf %parallel_loop3A_183, %parallel_loop3A_186 : vector<16xf32>
        %parallel_loop3A_188 = arith.index_cast %parallel_loop3A_110 : i32 to index
        %parallel_loop3A_189 = arith.constant 112 : index
        %parallel_loop3A_190 = tpu.vector_load %arg9[%parallel_loop3A_188, %parallel_loop3A_189] {strides = array<i32>} : memref<64x128xf32, #tpu.memory_space<vmem>>, vector<16xf32>,
        tpu.vector_store %arg9[%parallel_loop3A_188, %parallel_loop3A_189], %parallel_loop3A_187 {strides = array<i32>} : memref<64x128xf32, #tpu.memory_space<vmem>>, vector<16xf32>,
      } {sc.loop_unroll_factor = 4 : i64, sc.parallel_access}
      %run_scoped3A_108 = arith.constant 2 : i32
      "tpu.region"() ({
        %run_scoped3A_110 = tpu.sem_alloc : memref<!tpu.dma_semaphore, #tpu.memory_space<semaphore_mem>>
        %dma_start3A_111 = arith.constant 0 : i32
        %dma_start3A_112 = tpu.memref_slice %arg7[%run_scoped3A_108, %dma_start3A_111] : memref<3x64xi32, #tpu.memory_space<vmem>> -> memref<1x64xi32, #tpu.memory_space<vmem>>
        %dma_start3A_113 = tpu.memref_squeeze %dma_start3A_112 : memref<1x64xi32, #tpu.memory_space<vmem>> -> memref<64xi32, #tpu.memory_space<vmem>>
        %dma_start3A_114 = arith.constant 0 : i32
        %dma_start3A_115 = arith.constant 0 : i32
        %dma_start3A_116 = tpu.memref_slice %arg14[%dma_start3A_114, %dma_start3A_115] : memref<10112x128xf32, #tpu.memory_space<vmem_shared>> -> memref<10112x128xf32, #tpu.memory_space<vmem_shared>>
        tpu.enqueue_indirect_dma source(%arg9 : memref<64x128xf32, #tpu.memory_space<vmem>>) target(%dma_start3A_116 : memref<10112x128xf32, #tpu.memory_space<vmem_shared>>) offsets(%dma_start3A_113 : memref<64xi32, #tpu.memory_space<vmem>>) semaphore(%run_scoped3A_110 : memref<!tpu.dma_semaphore, #tpu.memory_space<semaphore_mem>>) {add = true}
        %dma_wait3A_117 = arith.constant 0 : i32
        %dma_wait3A_118 = tpu.memref_slice %arg7[%run_scoped3A_108, %dma_wait3A_117] : memref<3x64xi32, #tpu.memory_space<vmem>> -> memref<1x64xi32, #tpu.memory_space<vmem>>
        %dma_wait3A_119 = tpu.memref_squeeze %dma_wait3A_118 : memref<1x64xi32, #tpu.memory_space<vmem>> -> memref<64xi32, #tpu.memory_space<vmem>>
        %dma_wait3A_120 = arith.constant 0 : i32
        %dma_wait3A_121 = arith.constant 0 : i32
        %dma_wait3A_122 = tpu.memref_slice %arg14[%dma_wait3A_120, %dma_wait3A_121] : memref<10112x128xf32, #tpu.memory_space<vmem_shared>> -> memref<10112x128xf32, #tpu.memory_space<vmem_shared>>
        tpu.wait_indirect_dma semaphore(%run_scoped3A_110 : memref<!tpu.dma_semaphore, #tpu.memory_space<semaphore_mem>>) src(%arg9 : memref<64x128xf32, #tpu.memory_space<vmem>>) dst(%dma_wait3A_122 : memref<10112x128xf32, #tpu.memory_space<vmem_shared>>)
        tpu.yield
      }) : () -> ()
      %scan3A_109 = arith.constant 0 : i32
      scf.yield %scan3A_109 : i32
    }
    %scan3A_41 = arith.constant 79 : i32
    %barrier3A_42 = arith.constant 0 : index
    tpu.barrier barrier_id(%barrier3A_42)
    %mul3A_43 = arith.constant 632 : i32
    %mul3A_44 = arith.muli %arg1, %mul3A_43 : i32
    %mul3A_45 = arith.constant 632 : i32
    %mul3A_46 = arith.muli %arg1, %mul3A_45 : i32
    "tpu.region"() ({
      %run_scoped3A = tpu.sem_alloc : memref<!tpu.dma_semaphore, #tpu.memory_space<semaphore_mem>>
      %dma_start3A_47 = arith.constant 0 : i32
      %dma_start3A_48 = tpu.memref_slice %arg5[%arg0, %mul3A_46, %dma_start3A_47] : memref<2x10112x128xf32, #tpu.memory_space<hbm>> -> memref<1x632x128xf32, #tpu.memory_space<hbm>>
      %dma_start3A_49 = tpu.memref_squeeze %dma_start3A_48 : memref<1x632x128xf32, #tpu.memory_space<hbm>> -> memref<632x128xf32, #tpu.memory_space<hbm>>
      %dma_start3A_50 = arith.constant 0 : i32
      %dma_start3A_51 = tpu.memref_slice %arg14[%mul3A_44, %dma_start3A_50] : memref<10112x128xf32, #tpu.memory_space<vmem_shared>> -> memref<632x128xf32, #tpu.memory_space<vmem_shared>>
      tpu.enqueue_dma source(%dma_start3A_51 : memref<632x128xf32, #tpu.memory_space<vmem_shared>>) target(%dma_start3A_49 : memref<632x128xf32, #tpu.memory_space<hbm>>) target_semaphore(%run_scoped3A : memref<!tpu.dma_semaphore, #tpu.memory_space<semaphore_mem>>)
      %dma_wait3A = arith.constant 0 : i32
      %dma_wait3A_52 = tpu.memref_slice %arg5[%arg0, %mul3A_46, %dma_wait3A] : memref<2x10112x128xf32, #tpu.memory_space<hbm>> -> memref<1x632x128xf32, #tpu.memory_space<hbm>>
      %dma_wait3A_53 = tpu.memref_squeeze %dma_wait3A_52 : memref<1x632x128xf32, #tpu.memory_space<hbm>> -> memref<632x128xf32, #tpu.memory_space<hbm>>
      %dma_wait3A_54 = arith.constant 0 : i32
      %dma_wait3A_55 = tpu.memref_slice %arg14[%mul3A_44, %dma_wait3A_54] : memref<10112x128xf32, #tpu.memory_space<vmem_shared>> -> memref<632x128xf32, #tpu.memory_space<vmem_shared>>
      tpu.wait_dma2 semaphore(%run_scoped3A : memref<!tpu.dma_semaphore, #tpu.memory_space<semaphore_mem>>) src(%dma_wait3A_55 : memref<632x128xf32, #tpu.memory_space<vmem_shared>>) dst(%dma_wait3A_53 : memref<632x128xf32, #tpu.memory_space<hbm>>)
      tpu.yield
    }) : () -> ()
    return
  }
}

#map = affine_map<(d0, d1) -> (0, 0, 0)>
module attributes {stable_mosaic.version = 14 : i64} {
  func.func @hist_kernel(%arg0: i32, %arg1: i32, %arg2: memref<5056x3x64xi32, #tpu.memory_space<hbm>>, %arg3: memref<2x896x128xf32, #tpu.memory_space<hbm>>, %arg4: memref<3x64xi32, #tpu.memory_space<vmem>>, %arg5: memref<3x64xi32, #tpu.memory_space<vmem>>, %arg6: memref<80xi32, #tpu.memory_space<vmem>>, %arg7: memref<80xi32, #tpu.memory_space<vmem>>, %arg8: memref<64xi32, #tpu.memory_space<vmem>>, %arg9: memref<64xi32, #tpu.memory_space<vmem>>, %arg10: memref<64x128xf32, #tpu.memory_space<vmem>>, %arg11: memref<64x128xf32, #tpu.memory_space<vmem>>, %arg12: memref<!tpu.dma_semaphore, #tpu.memory_space<semaphore_mem>>, %arg13: memref<!tpu.dma_semaphore, #tpu.memory_space<semaphore_mem>>, %arg14: memref<896x128xf32, #tpu.memory_space<vmem_shared>>) attributes {dimension_semantics = [#tpu.dimension_semantics<core_parallel>, #tpu.dimension_semantics<subcore_parallel>], iteration_bounds = array<i64: 2, 16>, scalar_prefetch = 0 : i64, scratch_operands = 11 : i64, tpu.core_type = #tpu.core_type<sc_vector_subcore>, window_params = [{transform_indices = #map}, {transform_indices = #map}]} {
    %mul3A = arith.constant 16 : i32
    %mul3A_0 = arith.muli %arg0, %mul3A : i32
    %add3A = arith.addi %mul3A_0, %arg1 : i32
    %scan3A = arith.constant 0 : i32
    %scan3A_1 = arith.constant 0 : i32
    %scan3A_2 = arith.constant 64 : i32
    %scan3A_3 = arith.addi %scan3A_1, %scan3A_2 : i32
    %scan3A_4 = arith.constant 1 : i32
    %scan3A_5 = scf.for %scan3A_112 = %scan3A_1 to %scan3A_3 step %scan3A_4 iter_args(%scan3A_113 = %scan3A) -> (i32)  : i32 {
      %broadcast_in_dim3A = arith.constant 0.000000e+00 : f32
      %broadcast_in_dim3A_114 = vector.broadcast %broadcast_in_dim3A : f32 to vector<16xf32>
      %swap3A_115 = arith.index_cast %scan3A_112 : i32 to index
      %swap3A_116 = arith.constant 0 : index
      %swap3A_117 = tpu.vector_load %arg10[%swap3A_115, %swap3A_116] {strides = array<i32>} : memref<64x128xf32, #tpu.memory_space<vmem>>, vector<16xf32>,
      tpu.vector_store %arg10[%swap3A_115, %swap3A_116], %broadcast_in_dim3A_114 {strides = array<i32>} : memref<64x128xf32, #tpu.memory_space<vmem>>, vector<16xf32>,
      %broadcast_in_dim3A_118 = arith.constant 0.000000e+00 : f32
      %broadcast_in_dim3A_119 = vector.broadcast %broadcast_in_dim3A_118 : f32 to vector<16xf32>
      %swap3A_120 = arith.index_cast %scan3A_112 : i32 to index
      %swap3A_121 = arith.constant 16 : index
      %swap3A_122 = tpu.vector_load %arg10[%swap3A_120, %swap3A_121] {strides = array<i32>} : memref<64x128xf32, #tpu.memory_space<vmem>>, vector<16xf32>,
      tpu.vector_store %arg10[%swap3A_120, %swap3A_121], %broadcast_in_dim3A_119 {strides = array<i32>} : memref<64x128xf32, #tpu.memory_space<vmem>>, vector<16xf32>,
      %broadcast_in_dim3A_123 = arith.constant 0.000000e+00 : f32
      %broadcast_in_dim3A_124 = vector.broadcast %broadcast_in_dim3A_123 : f32 to vector<16xf32>
      %swap3A_125 = arith.index_cast %scan3A_112 : i32 to index
      %swap3A_126 = arith.constant 32 : index
      %swap3A_127 = tpu.vector_load %arg10[%swap3A_125, %swap3A_126] {strides = array<i32>} : memref<64x128xf32, #tpu.memory_space<vmem>>, vector<16xf32>,
      tpu.vector_store %arg10[%swap3A_125, %swap3A_126], %broadcast_in_dim3A_124 {strides = array<i32>} : memref<64x128xf32, #tpu.memory_space<vmem>>, vector<16xf32>,
      %broadcast_in_dim3A_128 = arith.constant 0.000000e+00 : f32
      %broadcast_in_dim3A_129 = vector.broadcast %broadcast_in_dim3A_128 : f32 to vector<16xf32>
      %swap3A_130 = arith.index_cast %scan3A_112 : i32 to index
      %swap3A_131 = arith.constant 48 : index
      %swap3A_132 = tpu.vector_load %arg10[%swap3A_130, %swap3A_131] {strides = array<i32>} : memref<64x128xf32, #tpu.memory_space<vmem>>, vector<16xf32>,
      tpu.vector_store %arg10[%swap3A_130, %swap3A_131], %broadcast_in_dim3A_129 {strides = array<i32>} : memref<64x128xf32, #tpu.memory_space<vmem>>, vector<16xf32>,
      %broadcast_in_dim3A_133 = arith.constant 0.000000e+00 : f32
      %broadcast_in_dim3A_134 = vector.broadcast %broadcast_in_dim3A_133 : f32 to vector<16xf32>
      %swap3A_135 = arith.index_cast %scan3A_112 : i32 to index
      %swap3A_136 = arith.constant 64 : index
      %swap3A_137 = tpu.vector_load %arg10[%swap3A_135, %swap3A_136] {strides = array<i32>} : memref<64x128xf32, #tpu.memory_space<vmem>>, vector<16xf32>,
      tpu.vector_store %arg10[%swap3A_135, %swap3A_136], %broadcast_in_dim3A_134 {strides = array<i32>} : memref<64x128xf32, #tpu.memory_space<vmem>>, vector<16xf32>,
      %broadcast_in_dim3A_138 = arith.constant 0.000000e+00 : f32
      %broadcast_in_dim3A_139 = vector.broadcast %broadcast_in_dim3A_138 : f32 to vector<16xf32>
      %swap3A_140 = arith.index_cast %scan3A_112 : i32 to index
      %swap3A_141 = arith.constant 80 : index
      %swap3A_142 = tpu.vector_load %arg10[%swap3A_140, %swap3A_141] {strides = array<i32>} : memref<64x128xf32, #tpu.memory_space<vmem>>, vector<16xf32>,
      tpu.vector_store %arg10[%swap3A_140, %swap3A_141], %broadcast_in_dim3A_139 {strides = array<i32>} : memref<64x128xf32, #tpu.memory_space<vmem>>, vector<16xf32>,
      %broadcast_in_dim3A_143 = arith.constant 0.000000e+00 : f32
      %broadcast_in_dim3A_144 = vector.broadcast %broadcast_in_dim3A_143 : f32 to vector<16xf32>
      %swap3A_145 = arith.index_cast %scan3A_112 : i32 to index
      %swap3A_146 = arith.constant 96 : index
      %swap3A_147 = tpu.vector_load %arg10[%swap3A_145, %swap3A_146] {strides = array<i32>} : memref<64x128xf32, #tpu.memory_space<vmem>>, vector<16xf32>,
      tpu.vector_store %arg10[%swap3A_145, %swap3A_146], %broadcast_in_dim3A_144 {strides = array<i32>} : memref<64x128xf32, #tpu.memory_space<vmem>>, vector<16xf32>,
      %broadcast_in_dim3A_148 = arith.constant 0.000000e+00 : f32
      %broadcast_in_dim3A_149 = vector.broadcast %broadcast_in_dim3A_148 : f32 to vector<16xf32>
      %swap3A_150 = arith.index_cast %scan3A_112 : i32 to index
      %swap3A_151 = arith.constant 112 : index
      %swap3A_152 = tpu.vector_load %arg10[%swap3A_150, %swap3A_151] {strides = array<i32>} : memref<64x128xf32, #tpu.memory_space<vmem>>, vector<16xf32>,
      tpu.vector_store %arg10[%swap3A_150, %swap3A_151], %broadcast_in_dim3A_149 {strides = array<i32>} : memref<64x128xf32, #tpu.memory_space<vmem>>, vector<16xf32>,
      %scan3A_153 = arith.constant 0 : i32
      scf.yield %scan3A_153 : i32
    }
    %scan3A_6 = arith.constant 64 : i32
    %mul3A_7 = arith.constant 56 : i32
    %mul3A_8 = arith.muli %arg1, %mul3A_7 : i32
    "tpu.region"() ({
      %run_scoped3A = tpu.sem_alloc : memref<!tpu.dma_semaphore, #tpu.memory_space<semaphore_mem>>
      %dma_start3A_112 = arith.constant 0 : i32
      %dma_start3A_113 = arith.constant 0 : i32
      %dma_start3A_114 = tpu.memref_slice %arg10[%dma_start3A_112, %dma_start3A_113] : memref<64x128xf32, #tpu.memory_space<vmem>> -> memref<56x128xf32, #tpu.memory_space<vmem>>
      %dma_start3A_115 = arith.constant 0 : i32
      %dma_start3A_116 = tpu.memref_slice %arg14[%mul3A_8, %dma_start3A_115] : memref<896x128xf32, #tpu.memory_space<vmem_shared>> -> memref<56x128xf32, #tpu.memory_space<vmem_shared>>
      %dma_start3A_117 = arith.constant 0 : i32
      %dma_start3A_118 = tpu.memref_slice %arg14[%mul3A_8, %dma_start3A_117] : memref<896x128xf32, #tpu.memory_space<vmem_shared>> -> memref<56x128xf32, #tpu.memory_space<vmem_shared>>
      %dma_start3A_119 = arith.constant 0 : i32
      %dma_start3A_120 = arith.constant 0 : i32
      %dma_start3A_121 = tpu.memref_slice %arg10[%dma_start3A_119, %dma_start3A_120] : memref<64x128xf32, #tpu.memory_space<vmem>> -> memref<56x128xf32, #tpu.memory_space<vmem>>
      tpu.enqueue_dma source(%dma_start3A_121 : memref<56x128xf32, #tpu.memory_space<vmem>>) target(%dma_start3A_118 : memref<56x128xf32, #tpu.memory_space<vmem_shared>>) target_semaphore(%run_scoped3A : memref<!tpu.dma_semaphore, #tpu.memory_space<semaphore_mem>>)
      %dma_wait3A = arith.constant 0 : i32
      %dma_wait3A_122 = arith.constant 0 : i32
      %dma_wait3A_123 = tpu.memref_slice %arg10[%dma_wait3A, %dma_wait3A_122] : memref<64x128xf32, #tpu.memory_space<vmem>> -> memref<56x128xf32, #tpu.memory_space<vmem>>
      %dma_wait3A_124 = arith.constant 0 : i32
      %dma_wait3A_125 = tpu.memref_slice %arg14[%mul3A_8, %dma_wait3A_124] : memref<896x128xf32, #tpu.memory_space<vmem_shared>> -> memref<56x128xf32, #tpu.memory_space<vmem_shared>>
      %dma_wait3A_126 = arith.constant 0 : i32
      %dma_wait3A_127 = tpu.memref_slice %arg14[%mul3A_8, %dma_wait3A_126] : memref<896x128xf32, #tpu.memory_space<vmem_shared>> -> memref<56x128xf32, #tpu.memory_space<vmem_shared>>
      %dma_wait3A_128 = arith.constant 0 : i32
      %dma_wait3A_129 = arith.constant 0 : i32
      %dma_wait3A_130 = tpu.memref_slice %arg10[%dma_wait3A_128, %dma_wait3A_129] : memref<64x128xf32, #tpu.memory_space<vmem>> -> memref<56x128xf32, #tpu.memory_space<vmem>>
      tpu.wait_dma2 semaphore(%run_scoped3A : memref<!tpu.dma_semaphore, #tpu.memory_space<semaphore_mem>>) src(%dma_wait3A_130 : memref<56x128xf32, #tpu.memory_space<vmem>>) dst(%dma_wait3A_127 : memref<56x128xf32, #tpu.memory_space<vmem_shared>>)
      tpu.yield
    }) : () -> ()
    %barrier3A = arith.constant 0 : index
    tpu.barrier barrier_id(%barrier3A)
    %iota3A = tpu.iota {dimensions = array<i32: 0>} : vector<16xi32>
    %add3A_9 = arith.constant 0 : i32
    %add3A_10 = vector.broadcast %add3A_9 : i32 to vector<16xi32>
    %add3A_11 = arith.addi %iota3A, %add3A_10 : vector<16xi32>
    %iota3A_12 = tpu.iota {dimensions = array<i32: 0>} : vector<16xi32>
    %add3A_13 = arith.constant 16 : i32
    %add3A_14 = vector.broadcast %add3A_13 : i32 to vector<16xi32>
    %add3A_15 = arith.addi %iota3A_12, %add3A_14 : vector<16xi32>
    %iota3A_16 = tpu.iota {dimensions = array<i32: 0>} : vector<16xi32>
    %add3A_17 = arith.constant 32 : i32
    %add3A_18 = vector.broadcast %add3A_17 : i32 to vector<16xi32>
    %add3A_19 = arith.addi %iota3A_16, %add3A_18 : vector<16xi32>
    %iota3A_20 = tpu.iota {dimensions = array<i32: 0>} : vector<16xi32>
    %add3A_21 = arith.constant 48 : i32
    %add3A_22 = vector.broadcast %add3A_21 : i32 to vector<16xi32>
    %add3A_23 = arith.addi %iota3A_20, %add3A_22 : vector<16xi32>
    %iota3A_24 = tpu.iota {dimensions = array<i32: 0>} : vector<16xi32>
    %add3A_25 = arith.constant 64 : i32
    %add3A_26 = vector.broadcast %add3A_25 : i32 to vector<16xi32>
    %add3A_27 = arith.addi %iota3A_24, %add3A_26 : vector<16xi32>
    %iota3A_28 = tpu.iota {dimensions = array<i32: 0>} : vector<16xi32>
    %add3A_29 = arith.constant 80 : i32
    %add3A_30 = vector.broadcast %add3A_29 : i32 to vector<16xi32>
    %add3A_31 = arith.addi %iota3A_28, %add3A_30 : vector<16xi32>
    %iota3A_32 = tpu.iota {dimensions = array<i32: 0>} : vector<16xi32>
    %add3A_33 = arith.constant 96 : i32
    %add3A_34 = vector.broadcast %add3A_33 : i32 to vector<16xi32>
    %add3A_35 = arith.addi %iota3A_32, %add3A_34 : vector<16xi32>
    %iota3A_36 = tpu.iota {dimensions = array<i32: 0>} : vector<16xi32>
    %add3A_37 = arith.constant 112 : i32
    %add3A_38 = vector.broadcast %add3A_37 : i32 to vector<16xi32>
    %add3A_39 = arith.addi %iota3A_36, %add3A_38 : vector<16xi32>
    %mul3A_40 = arith.constant 158 : i32
    %mul3A_41 = arith.muli %add3A, %mul3A_40 : i32
    %add3A_42 = arith.constant 0 : i32
    %add3A_43 = arith.addi %mul3A_41, %add3A_42 : i32
    "tpu.region"() ({
      %run_scoped3A = tpu.sem_alloc : memref<!tpu.dma_semaphore, #tpu.memory_space<semaphore_mem>>
      %dma_start3A_112 = arith.constant 0 : i32
      %dma_start3A_113 = arith.constant 0 : i32
      %dma_start3A_114 = tpu.memref_slice %arg2[%add3A_43, %dma_start3A_112, %dma_start3A_113] : memref<5056x3x64xi32, #tpu.memory_space<hbm>> -> memref<1x3x64xi32, #tpu.memory_space<hbm>>
      %dma_start3A_115 = tpu.memref_squeeze %dma_start3A_114 : memref<1x3x64xi32, #tpu.memory_space<hbm>> -> memref<3x64xi32, #tpu.memory_space<hbm>>
      %dma_start3A_116 = arith.constant 0 : i32
      %dma_start3A_117 = arith.constant 0 : i32
      %dma_start3A_118 = tpu.memref_slice %arg2[%add3A_43, %dma_start3A_116, %dma_start3A_117] : memref<5056x3x64xi32, #tpu.memory_space<hbm>> -> memref<1x3x64xi32, #tpu.memory_space<hbm>>
      %dma_start3A_119 = tpu.memref_squeeze %dma_start3A_118 : memref<1x3x64xi32, #tpu.memory_space<hbm>> -> memref<3x64xi32, #tpu.memory_space<hbm>>
      tpu.enqueue_dma source(%dma_start3A_119 : memref<3x64xi32, #tpu.memory_space<hbm>>) target(%arg4 : memref<3x64xi32, #tpu.memory_space<vmem>>) target_semaphore(%run_scoped3A : memref<!tpu.dma_semaphore, #tpu.memory_space<semaphore_mem>>)
      %dma_wait3A = arith.constant 0 : i32
      %dma_wait3A_120 = arith.constant 0 : i32
      %dma_wait3A_121 = tpu.memref_slice %arg2[%add3A_43, %dma_wait3A, %dma_wait3A_120] : memref<5056x3x64xi32, #tpu.memory_space<hbm>> -> memref<1x3x64xi32, #tpu.memory_space<hbm>>
      %dma_wait3A_122 = tpu.memref_squeeze %dma_wait3A_121 : memref<1x3x64xi32, #tpu.memory_space<hbm>> -> memref<3x64xi32, #tpu.memory_space<hbm>>
      %dma_wait3A_123 = arith.constant 0 : i32
      %dma_wait3A_124 = arith.constant 0 : i32
      %dma_wait3A_125 = tpu.memref_slice %arg2[%add3A_43, %dma_wait3A_123, %dma_wait3A_124] : memref<5056x3x64xi32, #tpu.memory_space<hbm>> -> memref<1x3x64xi32, #tpu.memory_space<hbm>>
      %dma_wait3A_126 = tpu.memref_squeeze %dma_wait3A_125 : memref<1x3x64xi32, #tpu.memory_space<hbm>> -> memref<3x64xi32, #tpu.memory_space<hbm>>
      tpu.wait_dma2 semaphore(%run_scoped3A : memref<!tpu.dma_semaphore, #tpu.memory_space<semaphore_mem>>) src(%dma_wait3A_126 : memref<3x64xi32, #tpu.memory_space<hbm>>) dst(%arg4 : memref<3x64xi32, #tpu.memory_space<vmem>>)
      tpu.yield
    }) : () -> ()
    %get3A = arith.constant 1 : i32
    %get3A_44 = arith.index_cast %get3A : i32 to index
    %get3A_45 = arith.constant 0 : index
    %get3A_46 = tpu.vector_load %arg4[%get3A_44, %get3A_45] {strides = array<i32>} : memref<3x64xi32, #tpu.memory_space<vmem>>, vector<16xi32>,
    %shift_right_logical3A = arith.constant 7 : i32
    %shift_right_logical3A_47 = vector.broadcast %shift_right_logical3A : i32 to vector<16xi32>
    %shift_right_logical3A_48 = arith.shrui %get3A_46, %shift_right_logical3A_47 : vector<16xi32>
    %swap3A = arith.constant 0 : index
    %swap3A_49 = tpu.vector_load %arg8[%swap3A] {strides = array<i32>} : memref<64xi32, #tpu.memory_space<vmem>>, vector<16xi32>,
    tpu.vector_store %arg8[%swap3A], %shift_right_logical3A_48 {strides = array<i32>} : memref<64xi32, #tpu.memory_space<vmem>>, vector<16xi32>,
    %and3A = arith.constant 127 : i32
    %and3A_50 = vector.broadcast %and3A : i32 to vector<16xi32>
    %and3A_51 = arith.andi %get3A_46, %and3A_50 : vector<16xi32>
    %swap3A_52 = arith.constant 0 : index
    %swap3A_53 = tpu.vector_load %arg6[%swap3A_52] {strides = array<i32>} : memref<80xi32, #tpu.memory_space<vmem>>, vector<16xi32>,
    tpu.vector_store %arg6[%swap3A_52], %and3A_51 {strides = array<i32>} : memref<80xi32, #tpu.memory_space<vmem>>, vector<16xi32>,
    %get3A_54 = arith.constant 1 : i32
    %get3A_55 = arith.index_cast %get3A_54 : i32 to index
    %get3A_56 = arith.constant 16 : index
    %get3A_57 = tpu.vector_load %arg4[%get3A_55, %get3A_56] {strides = array<i32>} : memref<3x64xi32, #tpu.memory_space<vmem>>, vector<16xi32>,
    %shift_right_logical3A_58 = arith.constant 7 : i32
    %shift_right_logical3A_59 = vector.broadcast %shift_right_logical3A_58 : i32 to vector<16xi32>
    %shift_right_logical3A_60 = arith.shrui %get3A_57, %shift_right_logical3A_59 : vector<16xi32>
    %swap3A_61 = arith.constant 16 : index
    %swap3A_62 = tpu.vector_load %arg8[%swap3A_61] {strides = array<i32>} : memref<64xi32, #tpu.memory_space<vmem>>, vector<16xi32>,
    tpu.vector_store %arg8[%swap3A_61], %shift_right_logical3A_60 {strides = array<i32>} : memref<64xi32, #tpu.memory_space<vmem>>, vector<16xi32>,
    %and3A_63 = arith.constant 127 : i32
    %and3A_64 = vector.broadcast %and3A_63 : i32 to vector<16xi32>
    %and3A_65 = arith.andi %get3A_57, %and3A_64 : vector<16xi32>
    %swap3A_66 = arith.constant 16 : index
    %swap3A_67 = tpu.vector_load %arg6[%swap3A_66] {strides = array<i32>} : memref<80xi32, #tpu.memory_space<vmem>>, vector<16xi32>,
    tpu.vector_store %arg6[%swap3A_66], %and3A_65 {strides = array<i32>} : memref<80xi32, #tpu.memory_space<vmem>>, vector<16xi32>,
    %get3A_68 = arith.constant 1 : i32
    %get3A_69 = arith.index_cast %get3A_68 : i32 to index
    %get3A_70 = arith.constant 32 : index
    %get3A_71 = tpu.vector_load %arg4[%get3A_69, %get3A_70] {strides = array<i32>} : memref<3x64xi32, #tpu.memory_space<vmem>>, vector<16xi32>,
    %shift_right_logical3A_72 = arith.constant 7 : i32
    %shift_right_logical3A_73 = vector.broadcast %shift_right_logical3A_72 : i32 to vector<16xi32>
    %shift_right_logical3A_74 = arith.shrui %get3A_71, %shift_right_logical3A_73 : vector<16xi32>
    %swap3A_75 = arith.constant 32 : index
    %swap3A_76 = tpu.vector_load %arg8[%swap3A_75] {strides = array<i32>} : memref<64xi32, #tpu.memory_space<vmem>>, vector<16xi32>,
    tpu.vector_store %arg8[%swap3A_75], %shift_right_logical3A_74 {strides = array<i32>} : memref<64xi32, #tpu.memory_space<vmem>>, vector<16xi32>,
    %and3A_77 = arith.constant 127 : i32
    %and3A_78 = vector.broadcast %and3A_77 : i32 to vector<16xi32>
    %and3A_79 = arith.andi %get3A_71, %and3A_78 : vector<16xi32>
    %swap3A_80 = arith.constant 32 : index
    %swap3A_81 = tpu.vector_load %arg6[%swap3A_80] {strides = array<i32>} : memref<80xi32, #tpu.memory_space<vmem>>, vector<16xi32>,
    tpu.vector_store %arg6[%swap3A_80], %and3A_79 {strides = array<i32>} : memref<80xi32, #tpu.memory_space<vmem>>, vector<16xi32>,
    %get3A_82 = arith.constant 1 : i32
    %get3A_83 = arith.index_cast %get3A_82 : i32 to index
    %get3A_84 = arith.constant 48 : index
    %get3A_85 = tpu.vector_load %arg4[%get3A_83, %get3A_84] {strides = array<i32>} : memref<3x64xi32, #tpu.memory_space<vmem>>, vector<16xi32>,
    %shift_right_logical3A_86 = arith.constant 7 : i32
    %shift_right_logical3A_87 = vector.broadcast %shift_right_logical3A_86 : i32 to vector<16xi32>
    %shift_right_logical3A_88 = arith.shrui %get3A_85, %shift_right_logical3A_87 : vector<16xi32>
    %swap3A_89 = arith.constant 48 : index
    %swap3A_90 = tpu.vector_load %arg8[%swap3A_89] {strides = array<i32>} : memref<64xi32, #tpu.memory_space<vmem>>, vector<16xi32>,
    tpu.vector_store %arg8[%swap3A_89], %shift_right_logical3A_88 {strides = array<i32>} : memref<64xi32, #tpu.memory_space<vmem>>, vector<16xi32>,
    %and3A_91 = arith.constant 127 : i32
    %and3A_92 = vector.broadcast %and3A_91 : i32 to vector<16xi32>
    %and3A_93 = arith.andi %get3A_85, %and3A_92 : vector<16xi32>
    %swap3A_94 = arith.constant 48 : index
    %swap3A_95 = tpu.vector_load %arg6[%swap3A_94] {strides = array<i32>} : memref<80xi32, #tpu.memory_space<vmem>>, vector<16xi32>,
    tpu.vector_store %arg6[%swap3A_94], %and3A_93 {strides = array<i32>} : memref<80xi32, #tpu.memory_space<vmem>>, vector<16xi32>,
    %parallel_loop3A = arith.constant 0 : i32
    %parallel_loop3A_96 = arith.constant 64 : i32
    %parallel_loop3A_97 = arith.constant 1 : i32
    scf.for %parallel_loop3A_112 = %parallel_loop3A to %parallel_loop3A_96 step %parallel_loop3A_97  : i32 {
      %parallel_loop3A_113 = arith.index_cast %parallel_loop3A_112 : i32 to index
      %parallel_loop3A_114 = tpu.vector_load %arg6[%parallel_loop3A_113] {strides = array<i32>} : memref<80xi32, #tpu.memory_space<vmem>>, vector<16xi32>,
      %parallel_loop3A_115 = vector.extract_strided_slice %parallel_loop3A_114 {offsets = [0], sizes = [1], strides = [1]} : vector<16xi32> to vector<1xi32>
      %parallel_loop3A_116 = vector.extract %parallel_loop3A_115[0] : i32 from vector<1xi32>
      %parallel_loop3A_117 = vector.broadcast %parallel_loop3A_116 : i32 to vector<16xi32>
      %parallel_loop3A_118 = arith.cmpi eq, %add3A_11, %parallel_loop3A_117 : vector<16xi32>
      %parallel_loop3A_119 = arith.constant 1.000000e+00 : f32
      %parallel_loop3A_120 = arith.constant 0.000000e+00 : f32
      %parallel_loop3A_121 = vector.broadcast %parallel_loop3A_119 : f32 to vector<16xf32>
      %parallel_loop3A_122 = vector.broadcast %parallel_loop3A_120 : f32 to vector<16xf32>
      %parallel_loop3A_123 = arith.select %parallel_loop3A_118, %parallel_loop3A_121, %parallel_loop3A_122 : vector<16xi1>, vector<16xf32>
      %parallel_loop3A_124 = arith.index_cast %parallel_loop3A_112 : i32 to index
      %parallel_loop3A_125 = arith.constant 0 : index
      %parallel_loop3A_126 = tpu.vector_load %arg10[%parallel_loop3A_124, %parallel_loop3A_125] {strides = array<i32>} : memref<64x128xf32, #tpu.memory_space<vmem>>, vector<16xf32>,
      tpu.vector_store %arg10[%parallel_loop3A_124, %parallel_loop3A_125], %parallel_loop3A_123 {strides = array<i32>} : memref<64x128xf32, #tpu.memory_space<vmem>>, vector<16xf32>,
      %parallel_loop3A_127 = arith.cmpi eq, %add3A_15, %parallel_loop3A_117 : vector<16xi32>
      %parallel_loop3A_128 = arith.constant 1.000000e+00 : f32
      %parallel_loop3A_129 = arith.constant 0.000000e+00 : f32
      %parallel_loop3A_130 = vector.broadcast %parallel_loop3A_128 : f32 to vector<16xf32>
      %parallel_loop3A_131 = vector.broadcast %parallel_loop3A_129 : f32 to vector<16xf32>
      %parallel_loop3A_132 = arith.select %parallel_loop3A_127, %parallel_loop3A_130, %parallel_loop3A_131 : vector<16xi1>, vector<16xf32>
      %parallel_loop3A_133 = arith.index_cast %parallel_loop3A_112 : i32 to index
      %parallel_loop3A_134 = arith.constant 16 : index
      %parallel_loop3A_135 = tpu.vector_load %arg10[%parallel_loop3A_133, %parallel_loop3A_134] {strides = array<i32>} : memref<64x128xf32, #tpu.memory_space<vmem>>, vector<16xf32>,
      tpu.vector_store %arg10[%parallel_loop3A_133, %parallel_loop3A_134], %parallel_loop3A_132 {strides = array<i32>} : memref<64x128xf32, #tpu.memory_space<vmem>>, vector<16xf32>,
      %parallel_loop3A_136 = arith.cmpi eq, %add3A_19, %parallel_loop3A_117 : vector<16xi32>
      %parallel_loop3A_137 = arith.constant 1.000000e+00 : f32
      %parallel_loop3A_138 = arith.constant 0.000000e+00 : f32
      %parallel_loop3A_139 = vector.broadcast %parallel_loop3A_137 : f32 to vector<16xf32>
      %parallel_loop3A_140 = vector.broadcast %parallel_loop3A_138 : f32 to vector<16xf32>
      %parallel_loop3A_141 = arith.select %parallel_loop3A_136, %parallel_loop3A_139, %parallel_loop3A_140 : vector<16xi1>, vector<16xf32>
      %parallel_loop3A_142 = arith.index_cast %parallel_loop3A_112 : i32 to index
      %parallel_loop3A_143 = arith.constant 32 : index
      %parallel_loop3A_144 = tpu.vector_load %arg10[%parallel_loop3A_142, %parallel_loop3A_143] {strides = array<i32>} : memref<64x128xf32, #tpu.memory_space<vmem>>, vector<16xf32>,
      tpu.vector_store %arg10[%parallel_loop3A_142, %parallel_loop3A_143], %parallel_loop3A_141 {strides = array<i32>} : memref<64x128xf32, #tpu.memory_space<vmem>>, vector<16xf32>,
      %parallel_loop3A_145 = arith.cmpi eq, %add3A_23, %parallel_loop3A_117 : vector<16xi32>
      %parallel_loop3A_146 = arith.constant 1.000000e+00 : f32
      %parallel_loop3A_147 = arith.constant 0.000000e+00 : f32
      %parallel_loop3A_148 = vector.broadcast %parallel_loop3A_146 : f32 to vector<16xf32>
      %parallel_loop3A_149 = vector.broadcast %parallel_loop3A_147 : f32 to vector<16xf32>
      %parallel_loop3A_150 = arith.select %parallel_loop3A_145, %parallel_loop3A_148, %parallel_loop3A_149 : vector<16xi1>, vector<16xf32>
      %parallel_loop3A_151 = arith.index_cast %parallel_loop3A_112 : i32 to index
      %parallel_loop3A_152 = arith.constant 48 : index
      %parallel_loop3A_153 = tpu.vector_load %arg10[%parallel_loop3A_151, %parallel_loop3A_152] {strides = array<i32>} : memref<64x128xf32, #tpu.memory_space<vmem>>, vector<16xf32>,
      tpu.vector_store %arg10[%parallel_loop3A_151, %parallel_loop3A_152], %parallel_loop3A_150 {strides = array<i32>} : memref<64x128xf32, #tpu.memory_space<vmem>>, vector<16xf32>,
      %parallel_loop3A_154 = arith.cmpi eq, %add3A_27, %parallel_loop3A_117 : vector<16xi32>
      %parallel_loop3A_155 = arith.constant 1.000000e+00 : f32
      %parallel_loop3A_156 = arith.constant 0.000000e+00 : f32
      %parallel_loop3A_157 = vector.broadcast %parallel_loop3A_155 : f32 to vector<16xf32>
      %parallel_loop3A_158 = vector.broadcast %parallel_loop3A_156 : f32 to vector<16xf32>
      %parallel_loop3A_159 = arith.select %parallel_loop3A_154, %parallel_loop3A_157, %parallel_loop3A_158 : vector<16xi1>, vector<16xf32>
      %parallel_loop3A_160 = arith.index_cast %parallel_loop3A_112 : i32 to index
      %parallel_loop3A_161 = arith.constant 64 : index
      %parallel_loop3A_162 = tpu.vector_load %arg10[%parallel_loop3A_160, %parallel_loop3A_161] {strides = array<i32>} : memref<64x128xf32, #tpu.memory_space<vmem>>, vector<16xf32>,
      tpu.vector_store %arg10[%parallel_loop3A_160, %parallel_loop3A_161], %parallel_loop3A_159 {strides = array<i32>} : memref<64x128xf32, #tpu.memory_space<vmem>>, vector<16xf32>,
      %parallel_loop3A_163 = arith.cmpi eq, %add3A_31, %parallel_loop3A_117 : vector<16xi32>
      %parallel_loop3A_164 = arith.constant 1.000000e+00 : f32
      %parallel_loop3A_165 = arith.constant 0.000000e+00 : f32
      %parallel_loop3A_166 = vector.broadcast %parallel_loop3A_164 : f32 to vector<16xf32>
      %parallel_loop3A_167 = vector.broadcast %parallel_loop3A_165 : f32 to vector<16xf32>
      %parallel_loop3A_168 = arith.select %parallel_loop3A_163, %parallel_loop3A_166, %parallel_loop3A_167 : vector<16xi1>, vector<16xf32>
      %parallel_loop3A_169 = arith.index_cast %parallel_loop3A_112 : i32 to index
      %parallel_loop3A_170 = arith.constant 80 : index
      %parallel_loop3A_171 = tpu.vector_load %arg10[%parallel_loop3A_169, %parallel_loop3A_170] {strides = array<i32>} : memref<64x128xf32, #tpu.memory_space<vmem>>, vector<16xf32>,
      tpu.vector_store %arg10[%parallel_loop3A_169, %parallel_loop3A_170], %parallel_loop3A_168 {strides = array<i32>} : memref<64x128xf32, #tpu.memory_space<vmem>>, vector<16xf32>,
      %parallel_loop3A_172 = arith.cmpi eq, %add3A_35, %parallel_loop3A_117 : vector<16xi32>
      %parallel_loop3A_173 = arith.constant 1.000000e+00 : f32
      %parallel_loop3A_174 = arith.constant 0.000000e+00 : f32
      %parallel_loop3A_175 = vector.broadcast %parallel_loop3A_173 : f32 to vector<16xf32>
      %parallel_loop3A_176 = vector.broadcast %parallel_loop3A_174 : f32 to vector<16xf32>
      %parallel_loop3A_177 = arith.select %parallel_loop3A_172, %parallel_loop3A_175, %parallel_loop3A_176 : vector<16xi1>, vector<16xf32>
      %parallel_loop3A_178 = arith.index_cast %parallel_loop3A_112 : i32 to index
      %parallel_loop3A_179 = arith.constant 96 : index
      %parallel_loop3A_180 = tpu.vector_load %arg10[%parallel_loop3A_178, %parallel_loop3A_179] {strides = array<i32>} : memref<64x128xf32, #tpu.memory_space<vmem>>, vector<16xf32>,
      tpu.vector_store %arg10[%parallel_loop3A_178, %parallel_loop3A_179], %parallel_loop3A_177 {strides = array<i32>} : memref<64x128xf32, #tpu.memory_space<vmem>>, vector<16xf32>,
      %parallel_loop3A_181 = arith.cmpi eq, %add3A_39, %parallel_loop3A_117 : vector<16xi32>
      %parallel_loop3A_182 = arith.constant 1.000000e+00 : f32
      %parallel_loop3A_183 = arith.constant 0.000000e+00 : f32
      %parallel_loop3A_184 = vector.broadcast %parallel_loop3A_182 : f32 to vector<16xf32>
      %parallel_loop3A_185 = vector.broadcast %parallel_loop3A_183 : f32 to vector<16xf32>
      %parallel_loop3A_186 = arith.select %parallel_loop3A_181, %parallel_loop3A_184, %parallel_loop3A_185 : vector<16xi1>, vector<16xf32>
      %parallel_loop3A_187 = arith.index_cast %parallel_loop3A_112 : i32 to index
      %parallel_loop3A_188 = arith.constant 112 : index
      %parallel_loop3A_189 = tpu.vector_load %arg10[%parallel_loop3A_187, %parallel_loop3A_188] {strides = array<i32>} : memref<64x128xf32, #tpu.memory_space<vmem>>, vector<16xf32>,
      tpu.vector_store %arg10[%parallel_loop3A_187, %parallel_loop3A_188], %parallel_loop3A_186 {strides = array<i32>} : memref<64x128xf32, #tpu.memory_space<vmem>>, vector<16xf32>,
    } {sc.loop_unroll_factor = 2 : i64, sc.parallel_access}
    %dma_start3A = arith.constant 0 : i32
    %dma_start3A_98 = arith.constant 0 : i32
    %dma_start3A_99 = tpu.memref_slice %arg14[%dma_start3A, %dma_start3A_98] : memref<896x128xf32, #tpu.memory_space<vmem_shared>> -> memref<896x128xf32, #tpu.memory_space<vmem_shared>>
    tpu.enqueue_indirect_dma source(%arg10 : memref<64x128xf32, #tpu.memory_space<vmem>>) target(%dma_start3A_99 : memref<896x128xf32, #tpu.memory_space<vmem_shared>>) offsets(%arg8 : memref<64xi32, #tpu.memory_space<vmem>>) semaphore(%arg12 : memref<!tpu.dma_semaphore, #tpu.memory_space<semaphore_mem>>) {add = true}
    %scan3A_100 = arith.constant 0 : i32
    %scan3A_101 = arith.constant 0 : i32
    %scan3A_102 = arith.constant 79 : i32
    %scan3A_103 = arith.addi %scan3A_101, %scan3A_102 : i32
    %scan3A_104 = arith.constant 1 : i32
    %scan3A_105 = scf.for %scan3A_112 = %scan3A_101 to %scan3A_103 step %scan3A_104 iter_args(%scan3A_113 = %scan3A_100) -> (i32)  : i32 {
      %mul3A_114 = arith.constant 2 : i32
      %mul3A_115 = arith.muli %mul3A_114, %scan3A_112 : i32
      %add3A_116 = arith.constant 1 : i32
      %add3A_117 = arith.addi %mul3A_115, %add3A_116 : i32
      %mul3A_118 = arith.constant 158 : i32
      %mul3A_119 = arith.muli %add3A, %mul3A_118 : i32
      %add3A_120 = arith.addi %mul3A_119, %add3A_117 : i32
      "tpu.region"() ({
        %run_scoped3A = tpu.sem_alloc : memref<!tpu.dma_semaphore, #tpu.memory_space<semaphore_mem>>
        %dma_start3A_195 = arith.constant 0 : i32
        %dma_start3A_196 = arith.constant 0 : i32
        %dma_start3A_197 = tpu.memref_slice %arg2[%add3A_120, %dma_start3A_195, %dma_start3A_196] : memref<5056x3x64xi32, #tpu.memory_space<hbm>> -> memref<1x3x64xi32, #tpu.memory_space<hbm>>
        %dma_start3A_198 = tpu.memref_squeeze %dma_start3A_197 : memref<1x3x64xi32, #tpu.memory_space<hbm>> -> memref<3x64xi32, #tpu.memory_space<hbm>>
        %dma_start3A_199 = arith.constant 0 : i32
        %dma_start3A_200 = arith.constant 0 : i32
        %dma_start3A_201 = tpu.memref_slice %arg2[%add3A_120, %dma_start3A_199, %dma_start3A_200] : memref<5056x3x64xi32, #tpu.memory_space<hbm>> -> memref<1x3x64xi32, #tpu.memory_space<hbm>>
        %dma_start3A_202 = tpu.memref_squeeze %dma_start3A_201 : memref<1x3x64xi32, #tpu.memory_space<hbm>> -> memref<3x64xi32, #tpu.memory_space<hbm>>
        tpu.enqueue_dma source(%dma_start3A_202 : memref<3x64xi32, #tpu.memory_space<hbm>>) target(%arg5 : memref<3x64xi32, #tpu.memory_space<vmem>>) target_semaphore(%run_scoped3A : memref<!tpu.dma_semaphore, #tpu.memory_space<semaphore_mem>>)
        %dma_wait3A_203 = arith.constant 0 : i32
        %dma_wait3A_204 = arith.constant 0 : i32
        %dma_wait3A_205 = tpu.memref_slice %arg2[%add3A_120, %dma_wait3A_203, %dma_wait3A_204] : memref<5056x3x64xi32, #tpu.memory_space<hbm>> -> memref<1x3x64xi32, #tpu.memory_space<hbm>>
        %dma_wait3A_206 = tpu.memref_squeeze %dma_wait3A_205 : memref<1x3x64xi32, #tpu.memory_space<hbm>> -> memref<3x64xi32, #tpu.memory_space<hbm>>
        %dma_wait3A_207 = arith.constant 0 : i32
        %dma_wait3A_208 = arith.constant 0 : i32
        %dma_wait3A_209 = tpu.memref_slice %arg2[%add3A_120, %dma_wait3A_207, %dma_wait3A_208] : memref<5056x3x64xi32, #tpu.memory_space<hbm>> -> memref<1x3x64xi32, #tpu.memory_space<hbm>>
        %dma_wait3A_210 = tpu.memref_squeeze %dma_wait3A_209 : memref<1x3x64xi32, #tpu.memory_space<hbm>> -> memref<3x64xi32, #tpu.memory_space<hbm>>
        tpu.wait_dma2 semaphore(%run_scoped3A : memref<!tpu.dma_semaphore, #tpu.memory_space<semaphore_mem>>) src(%dma_wait3A_210 : memref<3x64xi32, #tpu.memory_space<hbm>>) dst(%arg5 : memref<3x64xi32, #tpu.memory_space<vmem>>)
        tpu.yield
      }) : () -> ()
      %get3A_121 = arith.constant 1 : i32
      %get3A_122 = arith.index_cast %get3A_121 : i32 to index
      %get3A_123 = arith.constant 0 : index
      %get3A_124 = tpu.vector_load %arg5[%get3A_122, %get3A_123] {strides = array<i32>} : memref<3x64xi32, #tpu.memory_space<vmem>>, vector<16xi32>,
      %shift_right_logical3A_125 = arith.constant 7 : i32
      %shift_right_logical3A_126 = vector.broadcast %shift_right_logical3A_125 : i32 to vector<16xi32>
      %shift_right_logical3A_127 = arith.shrui %get3A_124, %shift_right_logical3A_126 : vector<16xi32>
      %swap3A_128 = arith.constant 0 : index
      %swap3A_129 = tpu.vector_load %arg9[%swap3A_128] {strides = array<i32>} : memref<64xi32, #tpu.memory_space<vmem>>, vector<16xi32>,
      tpu.vector_store %arg9[%swap3A_128], %shift_right_logical3A_127 {strides = array<i32>} : memref<64xi32, #tpu.memory_space<vmem>>, vector<16xi32>,
      %and3A_130 = arith.constant 127 : i32
      %and3A_131 = vector.broadcast %and3A_130 : i32 to vector<16xi32>
      %and3A_132 = arith.andi %get3A_124, %and3A_131 : vector<16xi32>
      %swap3A_133 = arith.constant 0 : index
      %swap3A_134 = tpu.vector_load %arg7[%swap3A_133] {strides = array<i32>} : memref<80xi32, #tpu.memory_space<vmem>>, vector<16xi32>,
      tpu.vector_store %arg7[%swap3A_133], %and3A_132 {strides = array<i32>} : memref<80xi32, #tpu.memory_space<vmem>>, vector<16xi32>,
      %get3A_135 = arith.constant 1 : i32
      %get3A_136 = arith.index_cast %get3A_135 : i32 to index
      %get3A_137 = arith.constant 16 : index
      %get3A_138 = tpu.vector_load %arg5[%get3A_136, %get3A_137] {strides = array<i32>} : memref<3x64xi32, #tpu.memory_space<vmem>>, vector<16xi32>,
      %shift_right_logical3A_139 = arith.constant 7 : i32
      %shift_right_logical3A_140 = vector.broadcast %shift_right_logical3A_139 : i32 to vector<16xi32>
      %shift_right_logical3A_141 = arith.shrui %get3A_138, %shift_right_logical3A_140 : vector<16xi32>
      %swap3A_142 = arith.constant 16 : index
      %swap3A_143 = tpu.vector_load %arg9[%swap3A_142] {strides = array<i32>} : memref<64xi32, #tpu.memory_space<vmem>>, vector<16xi32>,
      tpu.vector_store %arg9[%swap3A_142], %shift_right_logical3A_141 {strides = array<i32>} : memref<64xi32, #tpu.memory_space<vmem>>, vector<16xi32>,
      %and3A_144 = arith.constant 127 : i32
      %and3A_145 = vector.broadcast %and3A_144 : i32 to vector<16xi32>
      %and3A_146 = arith.andi %get3A_138, %and3A_145 : vector<16xi32>
      %swap3A_147 = arith.constant 16 : index
      %swap3A_148 = tpu.vector_load %arg7[%swap3A_147] {strides = array<i32>} : memref<80xi32, #tpu.memory_space<vmem>>, vector<16xi32>,
      tpu.vector_store %arg7[%swap3A_147], %and3A_146 {strides = array<i32>} : memref<80xi32, #tpu.memory_space<vmem>>, vector<16xi32>,
      %get3A_149 = arith.constant 1 : i32
      %get3A_150 = arith.index_cast %get3A_149 : i32 to index
      %get3A_151 = arith.constant 32 : index
      %get3A_152 = tpu.vector_load %arg5[%get3A_150, %get3A_151] {strides = array<i32>} : memref<3x64xi32, #tpu.memory_space<vmem>>, vector<16xi32>,
      %shift_right_logical3A_153 = arith.constant 7 : i32
      %shift_right_logical3A_154 = vector.broadcast %shift_right_logical3A_153 : i32 to vector<16xi32>
      %shift_right_logical3A_155 = arith.shrui %get3A_152, %shift_right_logical3A_154 : vector<16xi32>
      %swap3A_156 = arith.constant 32 : index
      %swap3A_157 = tpu.vector_load %arg9[%swap3A_156] {strides = array<i32>} : memref<64xi32, #tpu.memory_space<vmem>>, vector<16xi32>,
      tpu.vector_store %arg9[%swap3A_156], %shift_right_logical3A_155 {strides = array<i32>} : memref<64xi32, #tpu.memory_space<vmem>>, vector<16xi32>,
      %and3A_158 = arith.constant 127 : i32
      %and3A_159 = vector.broadcast %and3A_158 : i32 to vector<16xi32>
      %and3A_160 = arith.andi %get3A_152, %and3A_159 : vector<16xi32>
      %swap3A_161 = arith.constant 32 : index
      %swap3A_162 = tpu.vector_load %arg7[%swap3A_161] {strides = array<i32>} : memref<80xi32, #tpu.memory_space<vmem>>, vector<16xi32>,
      tpu.vector_store %arg7[%swap3A_161], %and3A_160 {strides = array<i32>} : memref<80xi32, #tpu.memory_space<vmem>>, vector<16xi32>,
      %get3A_163 = arith.constant 1 : i32
      %get3A_164 = arith.index_cast %get3A_163 : i32 to index
      %get3A_165 = arith.constant 48 : index
      %get3A_166 = tpu.vector_load %arg5[%get3A_164, %get3A_165] {strides = array<i32>} : memref<3x64xi32, #tpu.memory_space<vmem>>, vector<16xi32>,
      %shift_right_logical3A_167 = arith.constant 7 : i32
      %shift_right_logical3A_168 = vector.broadcast %shift_right_logical3A_167 : i32 to vector<16xi32>
      %shift_right_logical3A_169 = arith.shrui %get3A_166, %shift_right_logical3A_168 : vector<16xi32>
      %swap3A_170 = arith.constant 48 : index
      %swap3A_171 = tpu.vector_load %arg9[%swap3A_170] {strides = array<i32>} : memref<64xi32, #tpu.memory_space<vmem>>, vector<16xi32>,
      tpu.vector_store %arg9[%swap3A_170], %shift_right_logical3A_169 {strides = array<i32>} : memref<64xi32, #tpu.memory_space<vmem>>, vector<16xi32>,
      %and3A_172 = arith.constant 127 : i32
      %and3A_173 = vector.broadcast %and3A_172 : i32 to vector<16xi32>
      %and3A_174 = arith.andi %get3A_166, %and3A_173 : vector<16xi32>
      %swap3A_175 = arith.constant 48 : index
      %swap3A_176 = tpu.vector_load %arg7[%swap3A_175] {strides = array<i32>} : memref<80xi32, #tpu.memory_space<vmem>>, vector<16xi32>,
      tpu.vector_store %arg7[%swap3A_175], %and3A_174 {strides = array<i32>} : memref<80xi32, #tpu.memory_space<vmem>>, vector<16xi32>,
      %parallel_loop3A_177 = arith.constant 0 : i32
      %parallel_loop3A_178 = arith.constant 64 : i32
      %parallel_loop3A_179 = arith.constant 1 : i32
      scf.for %parallel_loop3A_195 = %parallel_loop3A_177 to %parallel_loop3A_178 step %parallel_loop3A_179  : i32 {
        %parallel_loop3A_196 = arith.index_cast %parallel_loop3A_195 : i32 to index
        %parallel_loop3A_197 = tpu.vector_load %arg7[%parallel_loop3A_196] {strides = array<i32>} : memref<80xi32, #tpu.memory_space<vmem>>, vector<16xi32>,
        %parallel_loop3A_198 = vector.extract_strided_slice %parallel_loop3A_197 {offsets = [0], sizes = [1], strides = [1]} : vector<16xi32> to vector<1xi32>
        %parallel_loop3A_199 = vector.extract %parallel_loop3A_198[0] : i32 from vector<1xi32>
        %parallel_loop3A_200 = vector.broadcast %parallel_loop3A_199 : i32 to vector<16xi32>
        %parallel_loop3A_201 = arith.cmpi eq, %add3A_11, %parallel_loop3A_200 : vector<16xi32>
        %parallel_loop3A_202 = arith.constant 1.000000e+00 : f32
        %parallel_loop3A_203 = arith.constant 0.000000e+00 : f32
        %parallel_loop3A_204 = vector.broadcast %parallel_loop3A_202 : f32 to vector<16xf32>
        %parallel_loop3A_205 = vector.broadcast %parallel_loop3A_203 : f32 to vector<16xf32>
        %parallel_loop3A_206 = arith.select %parallel_loop3A_201, %parallel_loop3A_204, %parallel_loop3A_205 : vector<16xi1>, vector<16xf32>
        %parallel_loop3A_207 = arith.index_cast %parallel_loop3A_195 : i32 to index
        %parallel_loop3A_208 = arith.constant 0 : index
        %parallel_loop3A_209 = tpu.vector_load %arg11[%parallel_loop3A_207, %parallel_loop3A_208] {strides = array<i32>} : memref<64x128xf32, #tpu.memory_space<vmem>>, vector<16xf32>,
        tpu.vector_store %arg11[%parallel_loop3A_207, %parallel_loop3A_208], %parallel_loop3A_206 {strides = array<i32>} : memref<64x128xf32, #tpu.memory_space<vmem>>, vector<16xf32>,
        %parallel_loop3A_210 = arith.cmpi eq, %add3A_15, %parallel_loop3A_200 : vector<16xi32>
        %parallel_loop3A_211 = arith.constant 1.000000e+00 : f32
        %parallel_loop3A_212 = arith.constant 0.000000e+00 : f32
        %parallel_loop3A_213 = vector.broadcast %parallel_loop3A_211 : f32 to vector<16xf32>
        %parallel_loop3A_214 = vector.broadcast %parallel_loop3A_212 : f32 to vector<16xf32>
        %parallel_loop3A_215 = arith.select %parallel_loop3A_210, %parallel_loop3A_213, %parallel_loop3A_214 : vector<16xi1>, vector<16xf32>
        %parallel_loop3A_216 = arith.index_cast %parallel_loop3A_195 : i32 to index
        %parallel_loop3A_217 = arith.constant 16 : index
        %parallel_loop3A_218 = tpu.vector_load %arg11[%parallel_loop3A_216, %parallel_loop3A_217] {strides = array<i32>} : memref<64x128xf32, #tpu.memory_space<vmem>>, vector<16xf32>,
        tpu.vector_store %arg11[%parallel_loop3A_216, %parallel_loop3A_217], %parallel_loop3A_215 {strides = array<i32>} : memref<64x128xf32, #tpu.memory_space<vmem>>, vector<16xf32>,
        %parallel_loop3A_219 = arith.cmpi eq, %add3A_19, %parallel_loop3A_200 : vector<16xi32>
        %parallel_loop3A_220 = arith.constant 1.000000e+00 : f32
        %parallel_loop3A_221 = arith.constant 0.000000e+00 : f32
        %parallel_loop3A_222 = vector.broadcast %parallel_loop3A_220 : f32 to vector<16xf32>
        %parallel_loop3A_223 = vector.broadcast %parallel_loop3A_221 : f32 to vector<16xf32>
        %parallel_loop3A_224 = arith.select %parallel_loop3A_219, %parallel_loop3A_222, %parallel_loop3A_223 : vector<16xi1>, vector<16xf32>
        %parallel_loop3A_225 = arith.index_cast %parallel_loop3A_195 : i32 to index
        %parallel_loop3A_226 = arith.constant 32 : index
        %parallel_loop3A_227 = tpu.vector_load %arg11[%parallel_loop3A_225, %parallel_loop3A_226] {strides = array<i32>} : memref<64x128xf32, #tpu.memory_space<vmem>>, vector<16xf32>,
        tpu.vector_store %arg11[%parallel_loop3A_225, %parallel_loop3A_226], %parallel_loop3A_224 {strides = array<i32>} : memref<64x128xf32, #tpu.memory_space<vmem>>, vector<16xf32>,
        %parallel_loop3A_228 = arith.cmpi eq, %add3A_23, %parallel_loop3A_200 : vector<16xi32>
        %parallel_loop3A_229 = arith.constant 1.000000e+00 : f32
        %parallel_loop3A_230 = arith.constant 0.000000e+00 : f32
        %parallel_loop3A_231 = vector.broadcast %parallel_loop3A_229 : f32 to vector<16xf32>
        %parallel_loop3A_232 = vector.broadcast %parallel_loop3A_230 : f32 to vector<16xf32>
        %parallel_loop3A_233 = arith.select %parallel_loop3A_228, %parallel_loop3A_231, %parallel_loop3A_232 : vector<16xi1>, vector<16xf32>
        %parallel_loop3A_234 = arith.index_cast %parallel_loop3A_195 : i32 to index
        %parallel_loop3A_235 = arith.constant 48 : index
        %parallel_loop3A_236 = tpu.vector_load %arg11[%parallel_loop3A_234, %parallel_loop3A_235] {strides = array<i32>} : memref<64x128xf32, #tpu.memory_space<vmem>>, vector<16xf32>,
        tpu.vector_store %arg11[%parallel_loop3A_234, %parallel_loop3A_235], %parallel_loop3A_233 {strides = array<i32>} : memref<64x128xf32, #tpu.memory_space<vmem>>, vector<16xf32>,
        %parallel_loop3A_237 = arith.cmpi eq, %add3A_27, %parallel_loop3A_200 : vector<16xi32>
        %parallel_loop3A_238 = arith.constant 1.000000e+00 : f32
        %parallel_loop3A_239 = arith.constant 0.000000e+00 : f32
        %parallel_loop3A_240 = vector.broadcast %parallel_loop3A_238 : f32 to vector<16xf32>
        %parallel_loop3A_241 = vector.broadcast %parallel_loop3A_239 : f32 to vector<16xf32>
        %parallel_loop3A_242 = arith.select %parallel_loop3A_237, %parallel_loop3A_240, %parallel_loop3A_241 : vector<16xi1>, vector<16xf32>
        %parallel_loop3A_243 = arith.index_cast %parallel_loop3A_195 : i32 to index
        %parallel_loop3A_244 = arith.constant 64 : index
        %parallel_loop3A_245 = tpu.vector_load %arg11[%parallel_loop3A_243, %parallel_loop3A_244] {strides = array<i32>} : memref<64x128xf32, #tpu.memory_space<vmem>>, vector<16xf32>,
        tpu.vector_store %arg11[%parallel_loop3A_243, %parallel_loop3A_244], %parallel_loop3A_242 {strides = array<i32>} : memref<64x128xf32, #tpu.memory_space<vmem>>, vector<16xf32>,
        %parallel_loop3A_246 = arith.cmpi eq, %add3A_31, %parallel_loop3A_200 : vector<16xi32>
        %parallel_loop3A_247 = arith.constant 1.000000e+00 : f32
        %parallel_loop3A_248 = arith.constant 0.000000e+00 : f32
        %parallel_loop3A_249 = vector.broadcast %parallel_loop3A_247 : f32 to vector<16xf32>
        %parallel_loop3A_250 = vector.broadcast %parallel_loop3A_248 : f32 to vector<16xf32>
        %parallel_loop3A_251 = arith.select %parallel_loop3A_246, %parallel_loop3A_249, %parallel_loop3A_250 : vector<16xi1>, vector<16xf32>
        %parallel_loop3A_252 = arith.index_cast %parallel_loop3A_195 : i32 to index
        %parallel_loop3A_253 = arith.constant 80 : index
        %parallel_loop3A_254 = tpu.vector_load %arg11[%parallel_loop3A_252, %parallel_loop3A_253] {strides = array<i32>} : memref<64x128xf32, #tpu.memory_space<vmem>>, vector<16xf32>,
        tpu.vector_store %arg11[%parallel_loop3A_252, %parallel_loop3A_253], %parallel_loop3A_251 {strides = array<i32>} : memref<64x128xf32, #tpu.memory_space<vmem>>, vector<16xf32>,
        %parallel_loop3A_255 = arith.cmpi eq, %add3A_35, %parallel_loop3A_200 : vector<16xi32>
        %parallel_loop3A_256 = arith.constant 1.000000e+00 : f32
        %parallel_loop3A_257 = arith.constant 0.000000e+00 : f32
        %parallel_loop3A_258 = vector.broadcast %parallel_loop3A_256 : f32 to vector<16xf32>
        %parallel_loop3A_259 = vector.broadcast %parallel_loop3A_257 : f32 to vector<16xf32>
        %parallel_loop3A_260 = arith.select %parallel_loop3A_255, %parallel_loop3A_258, %parallel_loop3A_259 : vector<16xi1>, vector<16xf32>
        %parallel_loop3A_261 = arith.index_cast %parallel_loop3A_195 : i32 to index
        %parallel_loop3A_262 = arith.constant 96 : index
        %parallel_loop3A_263 = tpu.vector_load %arg11[%parallel_loop3A_261, %parallel_loop3A_262] {strides = array<i32>} : memref<64x128xf32, #tpu.memory_space<vmem>>, vector<16xf32>,
        tpu.vector_store %arg11[%parallel_loop3A_261, %parallel_loop3A_262], %parallel_loop3A_260 {strides = array<i32>} : memref<64x128xf32, #tpu.memory_space<vmem>>, vector<16xf32>,
        %parallel_loop3A_264 = arith.cmpi eq, %add3A_39, %parallel_loop3A_200 : vector<16xi32>
        %parallel_loop3A_265 = arith.constant 1.000000e+00 : f32
        %parallel_loop3A_266 = arith.constant 0.000000e+00 : f32
        %parallel_loop3A_267 = vector.broadcast %parallel_loop3A_265 : f32 to vector<16xf32>
        %parallel_loop3A_268 = vector.broadcast %parallel_loop3A_266 : f32 to vector<16xf32>
        %parallel_loop3A_269 = arith.select %parallel_loop3A_264, %parallel_loop3A_267, %parallel_loop3A_268 : vector<16xi1>, vector<16xf32>
        %parallel_loop3A_270 = arith.index_cast %parallel_loop3A_195 : i32 to index
        %parallel_loop3A_271 = arith.constant 112 : index
        %parallel_loop3A_272 = tpu.vector_load %arg11[%parallel_loop3A_270, %parallel_loop3A_271] {strides = array<i32>} : memref<64x128xf32, #tpu.memory_space<vmem>>, vector<16xf32>,
        tpu.vector_store %arg11[%parallel_loop3A_270, %parallel_loop3A_271], %parallel_loop3A_269 {strides = array<i32>} : memref<64x128xf32, #tpu.memory_space<vmem>>, vector<16xf32>,
      } {sc.loop_unroll_factor = 2 : i64, sc.parallel_access}
      %dma_start3A_180 = arith.constant 0 : i32
      %dma_start3A_181 = arith.constant 0 : i32
      %dma_start3A_182 = tpu.memref_slice %arg14[%dma_start3A_180, %dma_start3A_181] : memref<896x128xf32, #tpu.memory_space<vmem_shared>> -> memref<896x128xf32, #tpu.memory_space<vmem_shared>>
      tpu.enqueue_indirect_dma source(%arg11 : memref<64x128xf32, #tpu.memory_space<vmem>>) target(%dma_start3A_182 : memref<896x128xf32, #tpu.memory_space<vmem_shared>>) offsets(%arg9 : memref<64xi32, #tpu.memory_space<vmem>>) semaphore(%arg13 : memref<!tpu.dma_semaphore, #tpu.memory_space<semaphore_mem>>) {add = true}
      %dma_wait3A = arith.constant 0 : i32
      %dma_wait3A_183 = arith.constant 0 : i32
      %dma_wait3A_184 = tpu.memref_slice %arg14[%dma_wait3A, %dma_wait3A_183] : memref<896x128xf32, #tpu.memory_space<vmem_shared>> -> memref<896x128xf32, #tpu.memory_space<vmem_shared>>
      tpu.wait_indirect_dma semaphore(%arg12 : memref<!tpu.dma_semaphore, #tpu.memory_space<semaphore_mem>>) src(%arg10 : memref<64x128xf32, #tpu.memory_space<vmem>>) dst(%dma_wait3A_184 : memref<896x128xf32, #tpu.memory_space<vmem_shared>>)
      %mul3A_185 = arith.constant 2 : i32
      %mul3A_186 = arith.muli %mul3A_185, %scan3A_112 : i32
      %add3A_187 = arith.constant 2 : i32
      %add3A_188 = arith.addi %mul3A_186, %add3A_187 : i32
      %lt3A = arith.constant 158 : i32
      %lt3A_189 = arith.cmpi slt, %add3A_188, %lt3A : i32
      %convert_element_type3A = arith.extui %lt3A_189 : i1 to i32
      %cond3A = arith.constant 0 : i32
      %cond3A_190 = arith.cmpi ne, %convert_element_type3A, %cond3A : i32
      scf.if %cond3A_190 {
        %mul3A_195 = arith.constant 2 : i32
        %mul3A_196 = arith.muli %mul3A_195, %scan3A_112 : i32
        %add3A_197 = arith.constant 2 : i32
        %add3A_198 = arith.addi %mul3A_196, %add3A_197 : i32
        %mul3A_199 = arith.constant 158 : i32
        %mul3A_200 = arith.muli %add3A, %mul3A_199 : i32
        %add3A_201 = arith.addi %mul3A_200, %add3A_198 : i32
        "tpu.region"() ({
          %run_scoped3A = tpu.sem_alloc : memref<!tpu.dma_semaphore, #tpu.memory_space<semaphore_mem>>
          %dma_start3A_264 = arith.constant 0 : i32
          %dma_start3A_265 = arith.constant 0 : i32
          %dma_start3A_266 = tpu.memref_slice %arg2[%add3A_201, %dma_start3A_264, %dma_start3A_265] : memref<5056x3x64xi32, #tpu.memory_space<hbm>> -> memref<1x3x64xi32, #tpu.memory_space<hbm>>
          %dma_start3A_267 = tpu.memref_squeeze %dma_start3A_266 : memref<1x3x64xi32, #tpu.memory_space<hbm>> -> memref<3x64xi32, #tpu.memory_space<hbm>>
          %dma_start3A_268 = arith.constant 0 : i32
          %dma_start3A_269 = arith.constant 0 : i32
          %dma_start3A_270 = tpu.memref_slice %arg2[%add3A_201, %dma_start3A_268, %dma_start3A_269] : memref<5056x3x64xi32, #tpu.memory_space<hbm>> -> memref<1x3x64xi32, #tpu.memory_space<hbm>>
          %dma_start3A_271 = tpu.memref_squeeze %dma_start3A_270 : memref<1x3x64xi32, #tpu.memory_space<hbm>> -> memref<3x64xi32, #tpu.memory_space<hbm>>
          tpu.enqueue_dma source(%dma_start3A_271 : memref<3x64xi32, #tpu.memory_space<hbm>>) target(%arg4 : memref<3x64xi32, #tpu.memory_space<vmem>>) target_semaphore(%run_scoped3A : memref<!tpu.dma_semaphore, #tpu.memory_space<semaphore_mem>>)
          %dma_wait3A_272 = arith.constant 0 : i32
          %dma_wait3A_273 = arith.constant 0 : i32
          %dma_wait3A_274 = tpu.memref_slice %arg2[%add3A_201, %dma_wait3A_272, %dma_wait3A_273] : memref<5056x3x64xi32, #tpu.memory_space<hbm>> -> memref<1x3x64xi32, #tpu.memory_space<hbm>>
          %dma_wait3A_275 = tpu.memref_squeeze %dma_wait3A_274 : memref<1x3x64xi32, #tpu.memory_space<hbm>> -> memref<3x64xi32, #tpu.memory_space<hbm>>
          %dma_wait3A_276 = arith.constant 0 : i32
          %dma_wait3A_277 = arith.constant 0 : i32
          %dma_wait3A_278 = tpu.memref_slice %arg2[%add3A_201, %dma_wait3A_276, %dma_wait3A_277] : memref<5056x3x64xi32, #tpu.memory_space<hbm>> -> memref<1x3x64xi32, #tpu.memory_space<hbm>>
          %dma_wait3A_279 = tpu.memref_squeeze %dma_wait3A_278 : memref<1x3x64xi32, #tpu.memory_space<hbm>> -> memref<3x64xi32, #tpu.memory_space<hbm>>
          tpu.wait_dma2 semaphore(%run_scoped3A : memref<!tpu.dma_semaphore, #tpu.memory_space<semaphore_mem>>) src(%dma_wait3A_279 : memref<3x64xi32, #tpu.memory_space<hbm>>) dst(%arg4 : memref<3x64xi32, #tpu.memory_space<vmem>>)
          tpu.yield
        }) : () -> ()
        %get3A_202 = arith.constant 1 : i32
        %get3A_203 = arith.index_cast %get3A_202 : i32 to index
        %get3A_204 = arith.constant 0 : index
        %get3A_205 = tpu.vector_load %arg4[%get3A_203, %get3A_204] {strides = array<i32>} : memref<3x64xi32, #tpu.memory_space<vmem>>, vector<16xi32>,
        %shift_right_logical3A_206 = arith.constant 7 : i32
        %shift_right_logical3A_207 = vector.broadcast %shift_right_logical3A_206 : i32 to vector<16xi32>
        %shift_right_logical3A_208 = arith.shrui %get3A_205, %shift_right_logical3A_207 : vector<16xi32>
        %swap3A_209 = arith.constant 0 : index
        %swap3A_210 = tpu.vector_load %arg8[%swap3A_209] {strides = array<i32>} : memref<64xi32, #tpu.memory_space<vmem>>, vector<16xi32>,
        tpu.vector_store %arg8[%swap3A_209], %shift_right_logical3A_208 {strides = array<i32>} : memref<64xi32, #tpu.memory_space<vmem>>, vector<16xi32>,
        %and3A_211 = arith.constant 127 : i32
        %and3A_212 = vector.broadcast %and3A_211 : i32 to vector<16xi32>
        %and3A_213 = arith.andi %get3A_205, %and3A_212 : vector<16xi32>
        %swap3A_214 = arith.constant 0 : index
        %swap3A_215 = tpu.vector_load %arg6[%swap3A_214] {strides = array<i32>} : memref<80xi32, #tpu.memory_space<vmem>>, vector<16xi32>,
        tpu.vector_store %arg6[%swap3A_214], %and3A_213 {strides = array<i32>} : memref<80xi32, #tpu.memory_space<vmem>>, vector<16xi32>,
        %get3A_216 = arith.constant 1 : i32
        %get3A_217 = arith.index_cast %get3A_216 : i32 to index
        %get3A_218 = arith.constant 16 : index
        %get3A_219 = tpu.vector_load %arg4[%get3A_217, %get3A_218] {strides = array<i32>} : memref<3x64xi32, #tpu.memory_space<vmem>>, vector<16xi32>,
        %shift_right_logical3A_220 = arith.constant 7 : i32
        %shift_right_logical3A_221 = vector.broadcast %shift_right_logical3A_220 : i32 to vector<16xi32>
        %shift_right_logical3A_222 = arith.shrui %get3A_219, %shift_right_logical3A_221 : vector<16xi32>
        %swap3A_223 = arith.constant 16 : index
        %swap3A_224 = tpu.vector_load %arg8[%swap3A_223] {strides = array<i32>} : memref<64xi32, #tpu.memory_space<vmem>>, vector<16xi32>,
        tpu.vector_store %arg8[%swap3A_223], %shift_right_logical3A_222 {strides = array<i32>} : memref<64xi32, #tpu.memory_space<vmem>>, vector<16xi32>,
        %and3A_225 = arith.constant 127 : i32
        %and3A_226 = vector.broadcast %and3A_225 : i32 to vector<16xi32>
        %and3A_227 = arith.andi %get3A_219, %and3A_226 : vector<16xi32>
        %swap3A_228 = arith.constant 16 : index
        %swap3A_229 = tpu.vector_load %arg6[%swap3A_228] {strides = array<i32>} : memref<80xi32, #tpu.memory_space<vmem>>, vector<16xi32>,
        tpu.vector_store %arg6[%swap3A_228], %and3A_227 {strides = array<i32>} : memref<80xi32, #tpu.memory_space<vmem>>, vector<16xi32>,
        %get3A_230 = arith.constant 1 : i32
        %get3A_231 = arith.index_cast %get3A_230 : i32 to index
        %get3A_232 = arith.constant 32 : index
        %get3A_233 = tpu.vector_load %arg4[%get3A_231, %get3A_232] {strides = array<i32>} : memref<3x64xi32, #tpu.memory_space<vmem>>, vector<16xi32>,
        %shift_right_logical3A_234 = arith.constant 7 : i32
        %shift_right_logical3A_235 = vector.broadcast %shift_right_logical3A_234 : i32 to vector<16xi32>
        %shift_right_logical3A_236 = arith.shrui %get3A_233, %shift_right_logical3A_235 : vector<16xi32>
        %swap3A_237 = arith.constant 32 : index
        %swap3A_238 = tpu.vector_load %arg8[%swap3A_237] {strides = array<i32>} : memref<64xi32, #tpu.memory_space<vmem>>, vector<16xi32>,
        tpu.vector_store %arg8[%swap3A_237], %shift_right_logical3A_236 {strides = array<i32>} : memref<64xi32, #tpu.memory_space<vmem>>, vector<16xi32>,
        %and3A_239 = arith.constant 127 : i32
        %and3A_240 = vector.broadcast %and3A_239 : i32 to vector<16xi32>
        %and3A_241 = arith.andi %get3A_233, %and3A_240 : vector<16xi32>
        %swap3A_242 = arith.constant 32 : index
        %swap3A_243 = tpu.vector_load %arg6[%swap3A_242] {strides = array<i32>} : memref<80xi32, #tpu.memory_space<vmem>>, vector<16xi32>,
        tpu.vector_store %arg6[%swap3A_242], %and3A_241 {strides = array<i32>} : memref<80xi32, #tpu.memory_space<vmem>>, vector<16xi32>,
        %get3A_244 = arith.constant 1 : i32
        %get3A_245 = arith.index_cast %get3A_244 : i32 to index
        %get3A_246 = arith.constant 48 : index
        %get3A_247 = tpu.vector_load %arg4[%get3A_245, %get3A_246] {strides = array<i32>} : memref<3x64xi32, #tpu.memory_space<vmem>>, vector<16xi32>,
        %shift_right_logical3A_248 = arith.constant 7 : i32
        %shift_right_logical3A_249 = vector.broadcast %shift_right_logical3A_248 : i32 to vector<16xi32>
        %shift_right_logical3A_250 = arith.shrui %get3A_247, %shift_right_logical3A_249 : vector<16xi32>
        %swap3A_251 = arith.constant 48 : index
        %swap3A_252 = tpu.vector_load %arg8[%swap3A_251] {strides = array<i32>} : memref<64xi32, #tpu.memory_space<vmem>>, vector<16xi32>,
        tpu.vector_store %arg8[%swap3A_251], %shift_right_logical3A_250 {strides = array<i32>} : memref<64xi32, #tpu.memory_space<vmem>>, vector<16xi32>,
        %and3A_253 = arith.constant 127 : i32
        %and3A_254 = vector.broadcast %and3A_253 : i32 to vector<16xi32>
        %and3A_255 = arith.andi %get3A_247, %and3A_254 : vector<16xi32>
        %swap3A_256 = arith.constant 48 : index
        %swap3A_257 = tpu.vector_load %arg6[%swap3A_256] {strides = array<i32>} : memref<80xi32, #tpu.memory_space<vmem>>, vector<16xi32>,
        tpu.vector_store %arg6[%swap3A_256], %and3A_255 {strides = array<i32>} : memref<80xi32, #tpu.memory_space<vmem>>, vector<16xi32>,
        %parallel_loop3A_258 = arith.constant 0 : i32
        %parallel_loop3A_259 = arith.constant 64 : i32
        %parallel_loop3A_260 = arith.constant 1 : i32
        scf.for %parallel_loop3A_264 = %parallel_loop3A_258 to %parallel_loop3A_259 step %parallel_loop3A_260  : i32 {
          %parallel_loop3A_265 = arith.index_cast %parallel_loop3A_264 : i32 to index
          %parallel_loop3A_266 = tpu.vector_load %arg6[%parallel_loop3A_265] {strides = array<i32>} : memref<80xi32, #tpu.memory_space<vmem>>, vector<16xi32>,
          %parallel_loop3A_267 = vector.extract_strided_slice %parallel_loop3A_266 {offsets = [0], sizes = [1], strides = [1]} : vector<16xi32> to vector<1xi32>
          %parallel_loop3A_268 = vector.extract %parallel_loop3A_267[0] : i32 from vector<1xi32>
          %parallel_loop3A_269 = vector.broadcast %parallel_loop3A_268 : i32 to vector<16xi32>
          %parallel_loop3A_270 = arith.cmpi eq, %add3A_11, %parallel_loop3A_269 : vector<16xi32>
          %parallel_loop3A_271 = arith.constant 1.000000e+00 : f32
          %parallel_loop3A_272 = arith.constant 0.000000e+00 : f32
          %parallel_loop3A_273 = vector.broadcast %parallel_loop3A_271 : f32 to vector<16xf32>
          %parallel_loop3A_274 = vector.broadcast %parallel_loop3A_272 : f32 to vector<16xf32>
          %parallel_loop3A_275 = arith.select %parallel_loop3A_270, %parallel_loop3A_273, %parallel_loop3A_274 : vector<16xi1>, vector<16xf32>
          %parallel_loop3A_276 = arith.index_cast %parallel_loop3A_264 : i32 to index
          %parallel_loop3A_277 = arith.constant 0 : index
          %parallel_loop3A_278 = tpu.vector_load %arg10[%parallel_loop3A_276, %parallel_loop3A_277] {strides = array<i32>} : memref<64x128xf32, #tpu.memory_space<vmem>>, vector<16xf32>,
          tpu.vector_store %arg10[%parallel_loop3A_276, %parallel_loop3A_277], %parallel_loop3A_275 {strides = array<i32>} : memref<64x128xf32, #tpu.memory_space<vmem>>, vector<16xf32>,
          %parallel_loop3A_279 = arith.cmpi eq, %add3A_15, %parallel_loop3A_269 : vector<16xi32>
          %parallel_loop3A_280 = arith.constant 1.000000e+00 : f32
          %parallel_loop3A_281 = arith.constant 0.000000e+00 : f32
          %parallel_loop3A_282 = vector.broadcast %parallel_loop3A_280 : f32 to vector<16xf32>
          %parallel_loop3A_283 = vector.broadcast %parallel_loop3A_281 : f32 to vector<16xf32>
          %parallel_loop3A_284 = arith.select %parallel_loop3A_279, %parallel_loop3A_282, %parallel_loop3A_283 : vector<16xi1>, vector<16xf32>
          %parallel_loop3A_285 = arith.index_cast %parallel_loop3A_264 : i32 to index
          %parallel_loop3A_286 = arith.constant 16 : index
          %parallel_loop3A_287 = tpu.vector_load %arg10[%parallel_loop3A_285, %parallel_loop3A_286] {strides = array<i32>} : memref<64x128xf32, #tpu.memory_space<vmem>>, vector<16xf32>,
          tpu.vector_store %arg10[%parallel_loop3A_285, %parallel_loop3A_286], %parallel_loop3A_284 {strides = array<i32>} : memref<64x128xf32, #tpu.memory_space<vmem>>, vector<16xf32>,
          %parallel_loop3A_288 = arith.cmpi eq, %add3A_19, %parallel_loop3A_269 : vector<16xi32>
          %parallel_loop3A_289 = arith.constant 1.000000e+00 : f32
          %parallel_loop3A_290 = arith.constant 0.000000e+00 : f32
          %parallel_loop3A_291 = vector.broadcast %parallel_loop3A_289 : f32 to vector<16xf32>
          %parallel_loop3A_292 = vector.broadcast %parallel_loop3A_290 : f32 to vector<16xf32>
          %parallel_loop3A_293 = arith.select %parallel_loop3A_288, %parallel_loop3A_291, %parallel_loop3A_292 : vector<16xi1>, vector<16xf32>
          %parallel_loop3A_294 = arith.index_cast %parallel_loop3A_264 : i32 to index
          %parallel_loop3A_295 = arith.constant 32 : index
          %parallel_loop3A_296 = tpu.vector_load %arg10[%parallel_loop3A_294, %parallel_loop3A_295] {strides = array<i32>} : memref<64x128xf32, #tpu.memory_space<vmem>>, vector<16xf32>,
          tpu.vector_store %arg10[%parallel_loop3A_294, %parallel_loop3A_295], %parallel_loop3A_293 {strides = array<i32>} : memref<64x128xf32, #tpu.memory_space<vmem>>, vector<16xf32>,
          %parallel_loop3A_297 = arith.cmpi eq, %add3A_23, %parallel_loop3A_269 : vector<16xi32>
          %parallel_loop3A_298 = arith.constant 1.000000e+00 : f32
          %parallel_loop3A_299 = arith.constant 0.000000e+00 : f32
          %parallel_loop3A_300 = vector.broadcast %parallel_loop3A_298 : f32 to vector<16xf32>
          %parallel_loop3A_301 = vector.broadcast %parallel_loop3A_299 : f32 to vector<16xf32>
          %parallel_loop3A_302 = arith.select %parallel_loop3A_297, %parallel_loop3A_300, %parallel_loop3A_301 : vector<16xi1>, vector<16xf32>
          %parallel_loop3A_303 = arith.index_cast %parallel_loop3A_264 : i32 to index
          %parallel_loop3A_304 = arith.constant 48 : index
          %parallel_loop3A_305 = tpu.vector_load %arg10[%parallel_loop3A_303, %parallel_loop3A_304] {strides = array<i32>} : memref<64x128xf32, #tpu.memory_space<vmem>>, vector<16xf32>,
          tpu.vector_store %arg10[%parallel_loop3A_303, %parallel_loop3A_304], %parallel_loop3A_302 {strides = array<i32>} : memref<64x128xf32, #tpu.memory_space<vmem>>, vector<16xf32>,
          %parallel_loop3A_306 = arith.cmpi eq, %add3A_27, %parallel_loop3A_269 : vector<16xi32>
          %parallel_loop3A_307 = arith.constant 1.000000e+00 : f32
          %parallel_loop3A_308 = arith.constant 0.000000e+00 : f32
          %parallel_loop3A_309 = vector.broadcast %parallel_loop3A_307 : f32 to vector<16xf32>
          %parallel_loop3A_310 = vector.broadcast %parallel_loop3A_308 : f32 to vector<16xf32>
          %parallel_loop3A_311 = arith.select %parallel_loop3A_306, %parallel_loop3A_309, %parallel_loop3A_310 : vector<16xi1>, vector<16xf32>
          %parallel_loop3A_312 = arith.index_cast %parallel_loop3A_264 : i32 to index
          %parallel_loop3A_313 = arith.constant 64 : index
          %parallel_loop3A_314 = tpu.vector_load %arg10[%parallel_loop3A_312, %parallel_loop3A_313] {strides = array<i32>} : memref<64x128xf32, #tpu.memory_space<vmem>>, vector<16xf32>,
          tpu.vector_store %arg10[%parallel_loop3A_312, %parallel_loop3A_313], %parallel_loop3A_311 {strides = array<i32>} : memref<64x128xf32, #tpu.memory_space<vmem>>, vector<16xf32>,
          %parallel_loop3A_315 = arith.cmpi eq, %add3A_31, %parallel_loop3A_269 : vector<16xi32>
          %parallel_loop3A_316 = arith.constant 1.000000e+00 : f32
          %parallel_loop3A_317 = arith.constant 0.000000e+00 : f32
          %parallel_loop3A_318 = vector.broadcast %parallel_loop3A_316 : f32 to vector<16xf32>
          %parallel_loop3A_319 = vector.broadcast %parallel_loop3A_317 : f32 to vector<16xf32>
          %parallel_loop3A_320 = arith.select %parallel_loop3A_315, %parallel_loop3A_318, %parallel_loop3A_319 : vector<16xi1>, vector<16xf32>
          %parallel_loop3A_321 = arith.index_cast %parallel_loop3A_264 : i32 to index
          %parallel_loop3A_322 = arith.constant 80 : index
          %parallel_loop3A_323 = tpu.vector_load %arg10[%parallel_loop3A_321, %parallel_loop3A_322] {strides = array<i32>} : memref<64x128xf32, #tpu.memory_space<vmem>>, vector<16xf32>,
          tpu.vector_store %arg10[%parallel_loop3A_321, %parallel_loop3A_322], %parallel_loop3A_320 {strides = array<i32>} : memref<64x128xf32, #tpu.memory_space<vmem>>, vector<16xf32>,
          %parallel_loop3A_324 = arith.cmpi eq, %add3A_35, %parallel_loop3A_269 : vector<16xi32>
          %parallel_loop3A_325 = arith.constant 1.000000e+00 : f32
          %parallel_loop3A_326 = arith.constant 0.000000e+00 : f32
          %parallel_loop3A_327 = vector.broadcast %parallel_loop3A_325 : f32 to vector<16xf32>
          %parallel_loop3A_328 = vector.broadcast %parallel_loop3A_326 : f32 to vector<16xf32>
          %parallel_loop3A_329 = arith.select %parallel_loop3A_324, %parallel_loop3A_327, %parallel_loop3A_328 : vector<16xi1>, vector<16xf32>
          %parallel_loop3A_330 = arith.index_cast %parallel_loop3A_264 : i32 to index
          %parallel_loop3A_331 = arith.constant 96 : index
          %parallel_loop3A_332 = tpu.vector_load %arg10[%parallel_loop3A_330, %parallel_loop3A_331] {strides = array<i32>} : memref<64x128xf32, #tpu.memory_space<vmem>>, vector<16xf32>,
          tpu.vector_store %arg10[%parallel_loop3A_330, %parallel_loop3A_331], %parallel_loop3A_329 {strides = array<i32>} : memref<64x128xf32, #tpu.memory_space<vmem>>, vector<16xf32>,
          %parallel_loop3A_333 = arith.cmpi eq, %add3A_39, %parallel_loop3A_269 : vector<16xi32>
          %parallel_loop3A_334 = arith.constant 1.000000e+00 : f32
          %parallel_loop3A_335 = arith.constant 0.000000e+00 : f32
          %parallel_loop3A_336 = vector.broadcast %parallel_loop3A_334 : f32 to vector<16xf32>
          %parallel_loop3A_337 = vector.broadcast %parallel_loop3A_335 : f32 to vector<16xf32>
          %parallel_loop3A_338 = arith.select %parallel_loop3A_333, %parallel_loop3A_336, %parallel_loop3A_337 : vector<16xi1>, vector<16xf32>
          %parallel_loop3A_339 = arith.index_cast %parallel_loop3A_264 : i32 to index
          %parallel_loop3A_340 = arith.constant 112 : index
          %parallel_loop3A_341 = tpu.vector_load %arg10[%parallel_loop3A_339, %parallel_loop3A_340] {strides = array<i32>} : memref<64x128xf32, #tpu.memory_space<vmem>>, vector<16xf32>,
          tpu.vector_store %arg10[%parallel_loop3A_339, %parallel_loop3A_340], %parallel_loop3A_338 {strides = array<i32>} : memref<64x128xf32, #tpu.memory_space<vmem>>, vector<16xf32>,
        } {sc.loop_unroll_factor = 2 : i64, sc.parallel_access}
        %dma_start3A_261 = arith.constant 0 : i32
        %dma_start3A_262 = arith.constant 0 : i32
        %dma_start3A_263 = tpu.memref_slice %arg14[%dma_start3A_261, %dma_start3A_262] : memref<896x128xf32, #tpu.memory_space<vmem_shared>> -> memref<896x128xf32, #tpu.memory_space<vmem_shared>>
        tpu.enqueue_indirect_dma source(%arg10 : memref<64x128xf32, #tpu.memory_space<vmem>>) target(%dma_start3A_263 : memref<896x128xf32, #tpu.memory_space<vmem_shared>>) offsets(%arg8 : memref<64xi32, #tpu.memory_space<vmem>>) semaphore(%arg12 : memref<!tpu.dma_semaphore, #tpu.memory_space<semaphore_mem>>) {add = true}
      } else {
      }
      %dma_wait3A_191 = arith.constant 0 : i32
      %dma_wait3A_192 = arith.constant 0 : i32
      %dma_wait3A_193 = tpu.memref_slice %arg14[%dma_wait3A_191, %dma_wait3A_192] : memref<896x128xf32, #tpu.memory_space<vmem_shared>> -> memref<896x128xf32, #tpu.memory_space<vmem_shared>>
      tpu.wait_indirect_dma semaphore(%arg13 : memref<!tpu.dma_semaphore, #tpu.memory_space<semaphore_mem>>) src(%arg11 : memref<64x128xf32, #tpu.memory_space<vmem>>) dst(%dma_wait3A_193 : memref<896x128xf32, #tpu.memory_space<vmem_shared>>)
      %scan3A_194 = arith.constant 0 : i32
      scf.yield %scan3A_194 : i32
    }
    %scan3A_106 = arith.constant 79 : i32
    %barrier3A_107 = arith.constant 0 : index
    tpu.barrier barrier_id(%barrier3A_107)
    %mul3A_108 = arith.constant 56 : i32
    %mul3A_109 = arith.muli %arg1, %mul3A_108 : i32
    %mul3A_110 = arith.constant 56 : i32
    %mul3A_111 = arith.muli %arg1, %mul3A_110 : i32
    "tpu.region"() ({
      %run_scoped3A = tpu.sem_alloc : memref<!tpu.dma_semaphore, #tpu.memory_space<semaphore_mem>>
      %dma_start3A_112 = arith.constant 0 : i32
      %dma_start3A_113 = tpu.memref_slice %arg3[%arg0, %mul3A_111, %dma_start3A_112] : memref<2x896x128xf32, #tpu.memory_space<hbm>> -> memref<1x56x128xf32, #tpu.memory_space<hbm>>
      %dma_start3A_114 = tpu.memref_squeeze %dma_start3A_113 : memref<1x56x128xf32, #tpu.memory_space<hbm>> -> memref<56x128xf32, #tpu.memory_space<hbm>>
      %dma_start3A_115 = arith.constant 0 : i32
      %dma_start3A_116 = tpu.memref_slice %arg14[%mul3A_109, %dma_start3A_115] : memref<896x128xf32, #tpu.memory_space<vmem_shared>> -> memref<56x128xf32, #tpu.memory_space<vmem_shared>>
      tpu.enqueue_dma source(%dma_start3A_116 : memref<56x128xf32, #tpu.memory_space<vmem_shared>>) target(%dma_start3A_114 : memref<56x128xf32, #tpu.memory_space<hbm>>) target_semaphore(%run_scoped3A : memref<!tpu.dma_semaphore, #tpu.memory_space<semaphore_mem>>)
      %dma_wait3A = arith.constant 0 : i32
      %dma_wait3A_117 = tpu.memref_slice %arg3[%arg0, %mul3A_111, %dma_wait3A] : memref<2x896x128xf32, #tpu.memory_space<hbm>> -> memref<1x56x128xf32, #tpu.memory_space<hbm>>
      %dma_wait3A_118 = tpu.memref_squeeze %dma_wait3A_117 : memref<1x56x128xf32, #tpu.memory_space<hbm>> -> memref<56x128xf32, #tpu.memory_space<hbm>>
      %dma_wait3A_119 = arith.constant 0 : i32
      %dma_wait3A_120 = tpu.memref_slice %arg14[%mul3A_109, %dma_wait3A_119] : memref<896x128xf32, #tpu.memory_space<vmem_shared>> -> memref<56x128xf32, #tpu.memory_space<vmem_shared>>
      tpu.wait_dma2 semaphore(%run_scoped3A : memref<!tpu.dma_semaphore, #tpu.memory_space<semaphore_mem>>) src(%dma_wait3A_120 : memref<56x128xf32, #tpu.memory_space<vmem_shared>>) dst(%dma_wait3A_118 : memref<56x128xf32, #tpu.memory_space<hbm>>)
      tpu.yield
    }) : () -> ()
    return
  }
}

module attributes {stable_mosaic.version = 14 : i64} {
  func.func @body(%arg0: i32, %arg1: memref<5056x64xi32, #tpu.memory_space<vmem>>, %arg2: memref<5056x64xi32, #tpu.memory_space<vmem>>, %arg3: memref<5056x64xi32, #tpu.memory_space<vmem>>, %arg4: memref<5056x64xi32, #tpu.memory_space<vmem>>, %arg5: memref<5056x64xi32, #tpu.memory_space<vmem>>, %arg6: memref<5056x64xi32, #tpu.memory_space<vmem>>) attributes {dimension_semantics = [#tpu.dimension_semantics<arbitrary>], iteration_bounds = array<i64: 1>, scalar_prefetch = 0 : i64, scratch_operands = 0 : i64, tpu.core_type = #tpu.core_type<tc>, window_params = [{pipeline_mode = #tpu.pipeline_mode<synchronous>, transform_indices = @transform_0, window_bounds = array<i64: 5056, 64>}, {pipeline_mode = #tpu.pipeline_mode<synchronous>, transform_indices = @transform_1, window_bounds = array<i64: 5056, 64>}, {pipeline_mode = #tpu.pipeline_mode<synchronous>, transform_indices = @transform_2, window_bounds = array<i64: 5056, 64>}, {pipeline_mode = #tpu.pipeline_mode<synchronous>, transform_indices = @transform_3, window_bounds = array<i64: 5056, 64>}, {pipeline_mode = #tpu.pipeline_mode<synchronous>, transform_indices = @transform_4, window_bounds = array<i64: 5056, 64>}, {pipeline_mode = #tpu.pipeline_mode<synchronous>, transform_indices = @transform_5, window_bounds = array<i64: 5056, 64>}]} {
    %get3A = arith.constant 0 : index
    %get3A_0 = arith.constant 0 : index
    %get3A_1 = vector.load %arg3[%get3A, %get3A_0] : memref<5056x64xi32, #tpu.memory_space<vmem>>, vector<5056x64xi32>
    %mul3A = arith.constant 10000 : i32
    %mul3A_2 = vector.broadcast %mul3A : i32 to vector<5056x64xi32>
    %mul3A_3 = arith.muli %get3A_1, %mul3A_2 : vector<5056x64xi32>
    %get3A_4 = arith.constant 0 : index
    %get3A_5 = arith.constant 0 : index
    %get3A_6 = vector.load %arg1[%get3A_4, %get3A_5] : memref<5056x64xi32, #tpu.memory_space<vmem>>, vector<5056x64xi32>
    %add3A = arith.addi %mul3A_3, %get3A_6 : vector<5056x64xi32>
    %swap3A = arith.constant 0 : index
    %swap3A_7 = arith.constant 0 : index
    %swap3A_8 = vector.load %arg4[%swap3A, %swap3A_7] : memref<5056x64xi32, #tpu.memory_space<vmem>>, vector<5056x64xi32>
    tpu.vector_store %arg4[%swap3A, %swap3A_7], %add3A {strides = array<i32>} : memref<5056x64xi32, #tpu.memory_space<vmem>>, vector<5056x64xi32>,
    %get3A_9 = arith.constant 0 : index
    %get3A_10 = arith.constant 0 : index
    %get3A_11 = vector.load %arg2[%get3A_9, %get3A_10] : memref<5056x64xi32, #tpu.memory_space<vmem>>, vector<5056x64xi32>
    %add3A_12 = arith.addi %mul3A_3, %get3A_11 : vector<5056x64xi32>
    %swap3A_13 = arith.constant 0 : index
    %swap3A_14 = arith.constant 0 : index
    %swap3A_15 = vector.load %arg5[%swap3A_13, %swap3A_14] : memref<5056x64xi32, #tpu.memory_space<vmem>>, vector<5056x64xi32>
    tpu.vector_store %arg5[%swap3A_13, %swap3A_14], %add3A_12 {strides = array<i32>} : memref<5056x64xi32, #tpu.memory_space<vmem>>, vector<5056x64xi32>,
    %get3A_16 = arith.constant 0 : index
    %get3A_17 = arith.constant 0 : index
    %get3A_18 = vector.load %arg2[%get3A_16, %get3A_17] : memref<5056x64xi32, #tpu.memory_space<vmem>>, vector<5056x64xi32>
    %swap3A_19 = arith.constant 0 : index
    %swap3A_20 = arith.constant 0 : index
    %swap3A_21 = vector.load %arg6[%swap3A_19, %swap3A_20] : memref<5056x64xi32, #tpu.memory_space<vmem>>, vector<5056x64xi32>
    tpu.vector_store %arg6[%swap3A_19, %swap3A_20], %get3A_18 {strides = array<i32>} : memref<5056x64xi32, #tpu.memory_space<vmem>>, vector<5056x64xi32>,
    return
  }
  func.func @transform_0(%arg0: i32) -> (i32, i32) {
    %c0_i32 = arith.constant 0 : i32
    %c0_i32_0 = arith.constant 0 : i32
    %c0_i32_1 = arith.constant 0 : i32
    return %c0_i32, %c0_i32_0 : i32, i32
  }
  func.func @transform_1(%arg0: i32) -> (i32, i32) {
    %c0_i32 = arith.constant 0 : i32
    %c0_i32_0 = arith.constant 0 : i32
    %c0_i32_1 = arith.constant 0 : i32
    return %c0_i32, %c0_i32_0 : i32, i32
  }
  func.func @transform_2(%arg0: i32) -> (i32, i32) {
    %c0_i32 = arith.constant 0 : i32
    %c0_i32_0 = arith.constant 0 : i32
    %c0_i32_1 = arith.constant 0 : i32
    return %c0_i32, %c0_i32_0 : i32, i32
  }
  func.func @transform_3(%arg0: i32) -> (i32, i32) {
    %c0_i32 = arith.constant 0 : i32
    %c0_i32_0 = arith.constant 0 : i32
    %c0_i32_1 = arith.constant 0 : i32
    return %c0_i32, %c0_i32_0 : i32, i32
  }
  func.func @transform_4(%arg0: i32) -> (i32, i32) {
    %c0_i32 = arith.constant 0 : i32
    %c0_i32_0 = arith.constant 0 : i32
    %c0_i32_1 = arith.constant 0 : i32
    return %c0_i32, %c0_i32_0 : i32, i32
  }
  func.func @transform_5(%arg0: i32) -> (i32, i32) {
    %c0_i32 = arith.constant 0 : i32
    %c0_i32_0 = arith.constant 0 : i32
    %c0_i32_1 = arith.constant 0 : i32
    return %c0_i32, %c0_i32_0 : i32, i32
  }
}

module attributes {stable_mosaic.version = 14 : i64} {
  func.func @body(%arg0: i32, %arg1: i32, %arg2: memref<400x128xf32, #tpu.memory_space<vmem>>, %arg3: memref<1x128x128xf32, #tpu.memory_space<vmem>>, %arg4: memref<400x128xf32, #tpu.memory_space<vmem>>) attributes {dimension_semantics = [#tpu.dimension_semantics<arbitrary>, #tpu.dimension_semantics<arbitrary>], iteration_bounds = array<i64: 10, 25>, scalar_prefetch = 0 : i64, scratch_operands = 0 : i64, tpu.core_type = #tpu.core_type<tc>, window_params = [{transform_indices = @transform_0, window_bounds = array<i64: 400, 128>}, {transform_indices = @transform_1, window_bounds = array<i64: 1, 128, 128>}, {transform_indices = @transform_2, window_bounds = array<i64: 400, 128>}]} {
    %get3A = arith.constant 0 : index
    %get3A_0 = arith.constant 0 : index
    %get3A_1 = vector.load %arg2[%get3A, %get3A_0] : memref<400x128xf32, #tpu.memory_space<vmem>>, vector<400x128xf32>
    %get3A_2 = arith.constant 0 : index
    %get3A_3 = arith.constant 0 : index
    %get3A_4 = arith.constant 0 : index
    %get3A_5 = vector.load %arg3[%get3A_2, %get3A_3, %get3A_4] : memref<1x128x128xf32, #tpu.memory_space<vmem>>, vector<1x128x128xf32>
    %get3A_6 = vector.shape_cast %get3A_5 : vector<1x128x128xf32> to vector<128x128xf32>
    %dot_general3A = arith.constant dense<0.000000e+00> : vector<400x128xf32>
    %dot_general3A_7 = tpu.matmul %get3A_1, %get3A_6, %dot_general3A {dimension_numbers = #tpu.dot_dimension_numbers<[1], [0], [0], [1], [0, 0, 1, 1], [], []>, transpose_lhs_hint = false} : vector<400x128xf32>, vector<128x128xf32>, vector<400x128xf32> -> vector<400x128xf32>
    %swap3A = arith.constant 0 : index
    %swap3A_8 = arith.constant 0 : index
    %swap3A_9 = vector.load %arg4[%swap3A, %swap3A_8] : memref<400x128xf32, #tpu.memory_space<vmem>>, vector<400x128xf32>
    tpu.vector_store %arg4[%swap3A, %swap3A_8], %dot_general3A_7 {strides = array<i32>} : memref<400x128xf32, #tpu.memory_space<vmem>>, vector<400x128xf32>,
    return
  }
  func.func @transform_0(%arg0: i32, %arg1: i32) -> (i32, i32) {
    %c0_i32 = arith.constant 0 : i32
    %c0_i32_0 = arith.constant 0 : i32
    return %arg1, %c0_i32 : i32, i32
  }
  func.func @transform_1(%arg0: i32, %arg1: i32) -> (i32, i32, i32) {
    %c0_i32 = arith.constant 0 : i32
    %c0_i32_0 = arith.constant 0 : i32
    %c0_i32_1 = arith.constant 0 : i32
    return %arg0, %c0_i32, %c0_i32_0 : i32, i32, i32
  }
  func.func @transform_2(%arg0: i32, %arg1: i32) -> (i32, i32) {
    %mul3A = arith.constant 25 : i32
    %mul3A_0 = arith.muli %arg0, %mul3A : i32
    %add3A = arith.addi %mul3A_0, %arg1 : i32
    %c0_i32 = arith.constant 0 : i32
    %c0_i32_1 = arith.constant 0 : i32
    return %add3A, %c0_i32 : i32, i32
  }
}

module attributes {stable_mosaic.version = 14 : i64} {
  func.func @body(%arg0: i32, %arg1: memref<1x896x128xf32, #tpu.memory_space<vmem>>, %arg2: memref<1x896x128xf32, #tpu.memory_space<vmem>>, %arg3: memref<896x128xf32, #tpu.memory_space<vmem>>) attributes {dimension_semantics = [#tpu.dimension_semantics<arbitrary>], iteration_bounds = array<i64: 1>, scalar_prefetch = 0 : i64, scratch_operands = 0 : i64, tpu.core_type = #tpu.core_type<tc>, window_params = [{transform_indices = @transform_0, window_bounds = array<i64: 1, 896, 128>}, {transform_indices = @transform_1, window_bounds = array<i64: 1, 896, 128>}, {pipeline_mode = #tpu.pipeline_mode<synchronous>, transform_indices = @transform_2, window_bounds = array<i64: 896, 128>}]} {
    %get3A = arith.constant 0 : index
    %get3A_0 = arith.constant 0 : index
    %get3A_1 = arith.constant 0 : index
    %get3A_2 = vector.load %arg1[%get3A, %get3A_0, %get3A_1] : memref<1x896x128xf32, #tpu.memory_space<vmem>>, vector<1x896x128xf32>
    %get3A_3 = vector.shape_cast %get3A_2 : vector<1x896x128xf32> to vector<896x128xf32>
    %get3A_4 = arith.constant 0 : index
    %get3A_5 = arith.constant 0 : index
    %get3A_6 = arith.constant 0 : index
    %get3A_7 = vector.load %arg2[%get3A_4, %get3A_5, %get3A_6] : memref<1x896x128xf32, #tpu.memory_space<vmem>>, vector<1x896x128xf32>
    %get3A_8 = vector.shape_cast %get3A_7 : vector<1x896x128xf32> to vector<896x128xf32>
    %add3A = arith.addf %get3A_3, %get3A_8 : vector<896x128xf32>
    %max3A = arith.constant 1.000000e+00 : f32
    %max3A_9 = vector.broadcast %max3A : f32 to vector<896x128xf32>
    %max3A_10 = arith.maximumf %add3A, %max3A_9 : vector<896x128xf32>
    %div3A = arith.constant 1.000000e+00 : f32
    %div3A_11 = vector.broadcast %div3A : f32 to vector<896x128xf32>
    %div3A_12 = arith.divf %div3A_11, %max3A_10 : vector<896x128xf32>
    %swap3A = arith.constant 0 : index
    %swap3A_13 = arith.constant 0 : index
    %swap3A_14 = vector.load %arg3[%swap3A, %swap3A_13] : memref<896x128xf32, #tpu.memory_space<vmem>>, vector<896x128xf32>
    tpu.vector_store %arg3[%swap3A, %swap3A_13], %div3A_12 {strides = array<i32>} : memref<896x128xf32, #tpu.memory_space<vmem>>, vector<896x128xf32>,
    return
  }
  func.func @transform_0(%arg0: i32) -> (i32, i32, i32) {
    %c0_i32 = arith.constant 0 : i32
    %c0_i32_0 = arith.constant 0 : i32
    %c0_i32_1 = arith.constant 0 : i32
    %c0_i32_2 = arith.constant 0 : i32
    return %c0_i32, %c0_i32_0, %c0_i32_1 : i32, i32, i32
  }
  func.func @transform_1(%arg0: i32) -> (i32, i32, i32) {
    %c1_i32 = arith.constant 1 : i32
    %c0_i32 = arith.constant 0 : i32
    %c0_i32_0 = arith.constant 0 : i32
    %c0_i32_1 = arith.constant 0 : i32
    return %c1_i32, %c0_i32, %c0_i32_0 : i32, i32, i32
  }
  func.func @transform_2(%arg0: i32) -> (i32, i32) {
    %c0_i32 = arith.constant 0 : i32
    %c0_i32_0 = arith.constant 0 : i32
    %c0_i32_1 = arith.constant 0 : i32
    return %c0_i32, %c0_i32_0 : i32, i32
  }
}

module attributes {stable_mosaic.version = 14 : i64} {
  func.func @body(%arg0: i32, %arg1: memref<400x128xf32, #tpu.memory_space<vmem>>, %arg2: memref<128x128xf32, #tpu.memory_space<vmem>>, %arg3: memref<1x128xf32, #tpu.memory_space<vmem>>, %arg4: memref<1x128xf32, #tpu.memory_space<vmem>>, %arg5: memref<1x128xf32, #tpu.memory_space<vmem>>, %arg6: memref<1x400x128xf32, #tpu.memory_space<vmem>>, %arg7: memref<1x400x128xf32, #tpu.memory_space<vmem>>, %arg8: memref<400x128xf32, #tpu.memory_space<vmem>>) attributes {dimension_semantics = [#tpu.dimension_semantics<arbitrary>], iteration_bounds = array<i64: 25>, scalar_prefetch = 0 : i64, scratch_operands = 0 : i64, tpu.core_type = #tpu.core_type<tc>, window_params = [{transform_indices = @transform_0, window_bounds = array<i64: 400, 128>}, {pipeline_mode = #tpu.pipeline_mode<synchronous>, transform_indices = @transform_1, window_bounds = array<i64: 128, 128>}, {pipeline_mode = #tpu.pipeline_mode<synchronous>, transform_indices = @transform_2, window_bounds = array<i64: 1, 128>}, {pipeline_mode = #tpu.pipeline_mode<synchronous>, transform_indices = @transform_3, window_bounds = array<i64: 1, 128>}, {pipeline_mode = #tpu.pipeline_mode<synchronous>, transform_indices = @transform_4, window_bounds = array<i64: 1, 128>}, {transform_indices = @transform_5, window_bounds = array<i64: 1, 400, 128>}, {transform_indices = @transform_6, window_bounds = array<i64: 1, 400, 128>}, {transform_indices = @transform_7, window_bounds = array<i64: 400, 128>}]} {
    %get3A = arith.constant 0 : index
    %get3A_0 = arith.constant 0 : index
    %get3A_1 = vector.load %arg1[%get3A, %get3A_0] : memref<400x128xf32, #tpu.memory_space<vmem>>, vector<400x128xf32>
    %get3A_2 = arith.constant 0 : index
    %get3A_3 = arith.constant 0 : index
    %get3A_4 = vector.load %arg2[%get3A_2, %get3A_3] : memref<128x128xf32, #tpu.memory_space<vmem>>, vector<128x128xf32>
    %dot_general3A = arith.constant dense<0.000000e+00> : vector<400x128xf32>
    %dot_general3A_5 = tpu.matmul %get3A_1, %get3A_4, %dot_general3A {dimension_numbers = #tpu.dot_dimension_numbers<[1], [0], [0], [1], [0, 0, 1, 1], [], []>, transpose_lhs_hint = false} : vector<400x128xf32>, vector<128x128xf32>, vector<400x128xf32> -> vector<400x128xf32>
    %get3A_6 = arith.constant 0 : index
    %get3A_7 = arith.constant 0 : index
    %get3A_8 = vector.load %arg3[%get3A_6, %get3A_7] : memref<1x128xf32, #tpu.memory_space<vmem>>, vector<1x128xf32>
    %add3A = vector.broadcast %get3A_8 : vector<1x128xf32> to vector<400x128xf32>
    %add3A_9 = arith.addf %dot_general3A_5, %add3A : vector<400x128xf32>
    %get3A_10 = arith.constant 0 : index
    %get3A_11 = arith.constant 0 : index
    %get3A_12 = arith.constant 0 : index
    %get3A_13 = vector.load %arg6[%get3A_10, %get3A_11, %get3A_12] : memref<1x400x128xf32, #tpu.memory_space<vmem>>, vector<1x400x128xf32>
    %get3A_14 = vector.shape_cast %get3A_13 : vector<1x400x128xf32> to vector<400x128xf32>
    %add3A_15 = arith.addf %add3A_9, %get3A_14 : vector<400x128xf32>
    %get3A_16 = arith.constant 0 : index
    %get3A_17 = arith.constant 0 : index
    %get3A_18 = arith.constant 0 : index
    %get3A_19 = vector.load %arg7[%get3A_16, %get3A_17, %get3A_18] : memref<1x400x128xf32, #tpu.memory_space<vmem>>, vector<1x400x128xf32>
    %get3A_20 = vector.shape_cast %get3A_19 : vector<1x400x128xf32> to vector<400x128xf32>
    %add3A_21 = arith.addf %add3A_15, %get3A_20 : vector<400x128xf32>
    %reduce_sum3A = arith.constant dense<0.000000e+00> : vector<400xf32>
    %reduce_sum3A_22 = vector.multi_reduction <add>, %add3A_21, %reduce_sum3A [1] : vector<400x128xf32> to vector<400xf32>
    %broadcast_in_dim3A = vector.shape_cast %reduce_sum3A_22 : vector<400xf32> to vector<400x1xf32>
    %div3A = arith.constant 1.280000e+02 : f32
    %div3A_23 = vector.broadcast %div3A : f32 to vector<400x1xf32>
    %div3A_24 = arith.divf %broadcast_in_dim3A, %div3A_23 : vector<400x1xf32>
    %sub3A = vector.broadcast %div3A_24 : vector<400x1xf32> to vector<400x128xf32>
    %sub3A_25 = arith.subf %add3A_21, %sub3A : vector<400x128xf32>
    %mul3A = arith.mulf %sub3A_25, %sub3A_25 : vector<400x128xf32>
    %reduce_sum3A_26 = arith.constant dense<0.000000e+00> : vector<400xf32>
    %reduce_sum3A_27 = vector.multi_reduction <add>, %mul3A, %reduce_sum3A_26 [1] : vector<400x128xf32> to vector<400xf32>
    %broadcast_in_dim3A_28 = vector.shape_cast %reduce_sum3A_27 : vector<400xf32> to vector<400x1xf32>
    %div3A_29 = arith.constant 1.280000e+02 : f32
    %div3A_30 = vector.broadcast %div3A_29 : f32 to vector<400x1xf32>
    %div3A_31 = arith.divf %broadcast_in_dim3A_28, %div3A_30 : vector<400x1xf32>
    %add3A_32 = arith.constant 9.99999974E-6 : f32
    %add3A_33 = vector.broadcast %add3A_32 : f32 to vector<400x1xf32>
    %add3A_34 = arith.addf %div3A_31, %add3A_33 : vector<400x1xf32>
    %rsqrt3A = math.rsqrt %add3A_34 : vector<400x1xf32>
    %mul3A_35 = vector.broadcast %rsqrt3A : vector<400x1xf32> to vector<400x128xf32>
    %mul3A_36 = arith.mulf %sub3A_25, %mul3A_35 : vector<400x128xf32>
    %get3A_37 = arith.constant 0 : index
    %get3A_38 = arith.constant 0 : index
    %get3A_39 = vector.load %arg4[%get3A_37, %get3A_38] : memref<1x128xf32, #tpu.memory_space<vmem>>, vector<1x128xf32>
    %mul3A_40 = vector.broadcast %get3A_39 : vector<1x128xf32> to vector<400x128xf32>
    %mul3A_41 = arith.mulf %mul3A_36, %mul3A_40 : vector<400x128xf32>
    %get3A_42 = arith.constant 0 : index
    %get3A_43 = arith.constant 0 : index
    %get3A_44 = vector.load %arg5[%get3A_42, %get3A_43] : memref<1x128xf32, #tpu.memory_space<vmem>>, vector<1x128xf32>
    %add3A_45 = vector.broadcast %get3A_44 : vector<1x128xf32> to vector<400x128xf32>
    %add3A_46 = arith.addf %mul3A_41, %add3A_45 : vector<400x128xf32>
    %max3A = arith.constant 0.000000e+00 : f32
    %max3A_47 = vector.broadcast %max3A : f32 to vector<400x128xf32>
    %max3A_48 = arith.maximumf %add3A_46, %max3A_47 : vector<400x128xf32>
    %swap3A = arith.constant 0 : index
    %swap3A_49 = arith.constant 0 : index
    %swap3A_50 = vector.load %arg8[%swap3A, %swap3A_49] : memref<400x128xf32, #tpu.memory_space<vmem>>, vector<400x128xf32>
    tpu.vector_store %arg8[%swap3A, %swap3A_49], %max3A_48 {strides = array<i32>} : memref<400x128xf32, #tpu.memory_space<vmem>>, vector<400x128xf32>,
    return
  }
  func.func @transform_0(%arg0: i32) -> (i32, i32) {
    %c0_i32 = arith.constant 0 : i32
    %c0_i32_0 = arith.constant 0 : i32
    return %arg0, %c0_i32 : i32, i32
  }
  func.func @transform_1(%arg0: i32) -> (i32, i32) {
    %c0_i32 = arith.constant 0 : i32
    %c0_i32_0 = arith.constant 0 : i32
    %c0_i32_1 = arith.constant 0 : i32
    return %c0_i32, %c0_i32_0 : i32, i32
  }
  func.func @transform_2(%arg0: i32) -> (i32, i32) {
    %c0_i32 = arith.constant 0 : i32
    %c0_i32_0 = arith.constant 0 : i32
    %c0_i32_1 = arith.constant 0 : i32
    return %c0_i32, %c0_i32_0 : i32, i32
  }
  func.func @transform_3(%arg0: i32) -> (i32, i32) {
    %c0_i32 = arith.constant 0 : i32
    %c0_i32_0 = arith.constant 0 : i32
    %c0_i32_1 = arith.constant 0 : i32
    return %c0_i32, %c0_i32_0 : i32, i32
  }
  func.func @transform_4(%arg0: i32) -> (i32, i32) {
    %c0_i32 = arith.constant 0 : i32
    %c0_i32_0 = arith.constant 0 : i32
    %c0_i32_1 = arith.constant 0 : i32
    return %c0_i32, %c0_i32_0 : i32, i32
  }
  func.func @transform_5(%arg0: i32) -> (i32, i32, i32) {
    %c0_i32 = arith.constant 0 : i32
    %c0_i32_0 = arith.constant 0 : i32
    %c0_i32_1 = arith.constant 0 : i32
    return %c0_i32, %arg0, %c0_i32_0 : i32, i32, i32
  }
  func.func @transform_6(%arg0: i32) -> (i32, i32, i32) {
    %c1_i32 = arith.constant 1 : i32
    %c0_i32 = arith.constant 0 : i32
    %c0_i32_0 = arith.constant 0 : i32
    return %c1_i32, %arg0, %c0_i32 : i32, i32, i32
  }
  func.func @transform_7(%arg0: i32) -> (i32, i32) {
    %c0_i32 = arith.constant 0 : i32
    %c0_i32_0 = arith.constant 0 : i32
    return %arg0, %c0_i32 : i32, i32
  }
}

module attributes {stable_mosaic.version = 14 : i64} {
  func.func @body(%arg0: i32, %arg1: memref<400x128xf32, #tpu.memory_space<vmem>>, %arg2: memref<128x128xf32, #tpu.memory_space<vmem>>, %arg3: memref<1x128xf32, #tpu.memory_space<vmem>>, %arg4: memref<1x128xf32, #tpu.memory_space<vmem>>, %arg5: memref<1x128xf32, #tpu.memory_space<vmem>>, %arg6: memref<1x400x128xf32, #tpu.memory_space<vmem>>, %arg7: memref<1x400x128xf32, #tpu.memory_space<vmem>>, %arg8: memref<400x128xf32, #tpu.memory_space<vmem>>) attributes {dimension_semantics = [#tpu.dimension_semantics<arbitrary>], iteration_bounds = array<i64: 25>, scalar_prefetch = 0 : i64, scratch_operands = 0 : i64, tpu.core_type = #tpu.core_type<tc>, window_params = [{transform_indices = @transform_0, window_bounds = array<i64: 400, 128>}, {pipeline_mode = #tpu.pipeline_mode<synchronous>, transform_indices = @transform_1, window_bounds = array<i64: 128, 128>}, {pipeline_mode = #tpu.pipeline_mode<synchronous>, transform_indices = @transform_2, window_bounds = array<i64: 1, 128>}, {pipeline_mode = #tpu.pipeline_mode<synchronous>, transform_indices = @transform_3, window_bounds = array<i64: 1, 128>}, {pipeline_mode = #tpu.pipeline_mode<synchronous>, transform_indices = @transform_4, window_bounds = array<i64: 1, 128>}, {transform_indices = @transform_5, window_bounds = array<i64: 1, 400, 128>}, {transform_indices = @transform_6, window_bounds = array<i64: 1, 400, 128>}, {transform_indices = @transform_7, window_bounds = array<i64: 400, 128>}]} {
    %get3A = arith.constant 0 : index
    %get3A_0 = arith.constant 0 : index
    %get3A_1 = vector.load %arg1[%get3A, %get3A_0] : memref<400x128xf32, #tpu.memory_space<vmem>>, vector<400x128xf32>
    %get3A_2 = arith.constant 0 : index
    %get3A_3 = arith.constant 0 : index
    %get3A_4 = vector.load %arg2[%get3A_2, %get3A_3] : memref<128x128xf32, #tpu.memory_space<vmem>>, vector<128x128xf32>
    %dot_general3A = arith.constant dense<0.000000e+00> : vector<400x128xf32>
    %dot_general3A_5 = tpu.matmul %get3A_1, %get3A_4, %dot_general3A {dimension_numbers = #tpu.dot_dimension_numbers<[1], [0], [0], [1], [0, 0, 1, 1], [], []>, transpose_lhs_hint = false} : vector<400x128xf32>, vector<128x128xf32>, vector<400x128xf32> -> vector<400x128xf32>
    %get3A_6 = arith.constant 0 : index
    %get3A_7 = arith.constant 0 : index
    %get3A_8 = vector.load %arg3[%get3A_6, %get3A_7] : memref<1x128xf32, #tpu.memory_space<vmem>>, vector<1x128xf32>
    %add3A = vector.broadcast %get3A_8 : vector<1x128xf32> to vector<400x128xf32>
    %add3A_9 = arith.addf %dot_general3A_5, %add3A : vector<400x128xf32>
    %get3A_10 = arith.constant 0 : index
    %get3A_11 = arith.constant 0 : index
    %get3A_12 = arith.constant 0 : index
    %get3A_13 = vector.load %arg6[%get3A_10, %get3A_11, %get3A_12] : memref<1x400x128xf32, #tpu.memory_space<vmem>>, vector<1x400x128xf32>
    %get3A_14 = vector.shape_cast %get3A_13 : vector<1x400x128xf32> to vector<400x128xf32>
    %add3A_15 = arith.addf %add3A_9, %get3A_14 : vector<400x128xf32>
    %get3A_16 = arith.constant 0 : index
    %get3A_17 = arith.constant 0 : index
    %get3A_18 = arith.constant 0 : index
    %get3A_19 = vector.load %arg7[%get3A_16, %get3A_17, %get3A_18] : memref<1x400x128xf32, #tpu.memory_space<vmem>>, vector<1x400x128xf32>
    %get3A_20 = vector.shape_cast %get3A_19 : vector<1x400x128xf32> to vector<400x128xf32>
    %add3A_21 = arith.addf %add3A_15, %get3A_20 : vector<400x128xf32>
    %reduce_sum3A = arith.constant dense<0.000000e+00> : vector<400xf32>
    %reduce_sum3A_22 = vector.multi_reduction <add>, %add3A_21, %reduce_sum3A [1] : vector<400x128xf32> to vector<400xf32>
    %broadcast_in_dim3A = vector.shape_cast %reduce_sum3A_22 : vector<400xf32> to vector<400x1xf32>
    %div3A = arith.constant 1.280000e+02 : f32
    %div3A_23 = vector.broadcast %div3A : f32 to vector<400x1xf32>
    %div3A_24 = arith.divf %broadcast_in_dim3A, %div3A_23 : vector<400x1xf32>
    %sub3A = vector.broadcast %div3A_24 : vector<400x1xf32> to vector<400x128xf32>
    %sub3A_25 = arith.subf %add3A_21, %sub3A : vector<400x128xf32>
    %mul3A = arith.mulf %sub3A_25, %sub3A_25 : vector<400x128xf32>
    %reduce_sum3A_26 = arith.constant dense<0.000000e+00> : vector<400xf32>
    %reduce_sum3A_27 = vector.multi_reduction <add>, %mul3A, %reduce_sum3A_26 [1] : vector<400x128xf32> to vector<400xf32>
    %broadcast_in_dim3A_28 = vector.shape_cast %reduce_sum3A_27 : vector<400xf32> to vector<400x1xf32>
    %div3A_29 = arith.constant 1.280000e+02 : f32
    %div3A_30 = vector.broadcast %div3A_29 : f32 to vector<400x1xf32>
    %div3A_31 = arith.divf %broadcast_in_dim3A_28, %div3A_30 : vector<400x1xf32>
    %add3A_32 = arith.constant 9.99999974E-6 : f32
    %add3A_33 = vector.broadcast %add3A_32 : f32 to vector<400x1xf32>
    %add3A_34 = arith.addf %div3A_31, %add3A_33 : vector<400x1xf32>
    %rsqrt3A = math.rsqrt %add3A_34 : vector<400x1xf32>
    %mul3A_35 = vector.broadcast %rsqrt3A : vector<400x1xf32> to vector<400x128xf32>
    %mul3A_36 = arith.mulf %sub3A_25, %mul3A_35 : vector<400x128xf32>
    %get3A_37 = arith.constant 0 : index
    %get3A_38 = arith.constant 0 : index
    %get3A_39 = vector.load %arg4[%get3A_37, %get3A_38] : memref<1x128xf32, #tpu.memory_space<vmem>>, vector<1x128xf32>
    %mul3A_40 = vector.broadcast %get3A_39 : vector<1x128xf32> to vector<400x128xf32>
    %mul3A_41 = arith.mulf %mul3A_36, %mul3A_40 : vector<400x128xf32>
    %get3A_42 = arith.constant 0 : index
    %get3A_43 = arith.constant 0 : index
    %get3A_44 = vector.load %arg5[%get3A_42, %get3A_43] : memref<1x128xf32, #tpu.memory_space<vmem>>, vector<1x128xf32>
    %add3A_45 = vector.broadcast %get3A_44 : vector<1x128xf32> to vector<400x128xf32>
    %add3A_46 = arith.addf %mul3A_41, %add3A_45 : vector<400x128xf32>
    %get3A_47 = arith.constant 0 : index
    %get3A_48 = arith.constant 0 : index
    %get3A_49 = vector.load %arg1[%get3A_47, %get3A_48] : memref<400x128xf32, #tpu.memory_space<vmem>>, vector<400x128xf32>
    %add3A_50 = arith.addf %add3A_46, %get3A_49 : vector<400x128xf32>
    %swap3A = arith.constant 0 : index
    %swap3A_51 = arith.constant 0 : index
    %swap3A_52 = vector.load %arg8[%swap3A, %swap3A_51] : memref<400x128xf32, #tpu.memory_space<vmem>>, vector<400x128xf32>
    tpu.vector_store %arg8[%swap3A, %swap3A_51], %add3A_50 {strides = array<i32>} : memref<400x128xf32, #tpu.memory_space<vmem>>, vector<400x128xf32>,
    return
  }
  func.func @transform_0(%arg0: i32) -> (i32, i32) {
    %c0_i32 = arith.constant 0 : i32
    %c0_i32_0 = arith.constant 0 : i32
    return %arg0, %c0_i32 : i32, i32
  }
  func.func @transform_1(%arg0: i32) -> (i32, i32) {
    %c0_i32 = arith.constant 0 : i32
    %c0_i32_0 = arith.constant 0 : i32
    %c0_i32_1 = arith.constant 0 : i32
    return %c0_i32, %c0_i32_0 : i32, i32
  }
  func.func @transform_2(%arg0: i32) -> (i32, i32) {
    %c0_i32 = arith.constant 0 : i32
    %c0_i32_0 = arith.constant 0 : i32
    %c0_i32_1 = arith.constant 0 : i32
    return %c0_i32, %c0_i32_0 : i32, i32
  }
  func.func @transform_3(%arg0: i32) -> (i32, i32) {
    %c0_i32 = arith.constant 0 : i32
    %c0_i32_0 = arith.constant 0 : i32
    %c0_i32_1 = arith.constant 0 : i32
    return %c0_i32, %c0_i32_0 : i32, i32
  }
  func.func @transform_4(%arg0: i32) -> (i32, i32) {
    %c0_i32 = arith.constant 0 : i32
    %c0_i32_0 = arith.constant 0 : i32
    %c0_i32_1 = arith.constant 0 : i32
    return %c0_i32, %c0_i32_0 : i32, i32
  }
  func.func @transform_5(%arg0: i32) -> (i32, i32, i32) {
    %c0_i32 = arith.constant 0 : i32
    %c0_i32_0 = arith.constant 0 : i32
    %c0_i32_1 = arith.constant 0 : i32
    return %c0_i32, %arg0, %c0_i32_0 : i32, i32, i32
  }
  func.func @transform_6(%arg0: i32) -> (i32, i32, i32) {
    %c1_i32 = arith.constant 1 : i32
    %c0_i32 = arith.constant 0 : i32
    %c0_i32_0 = arith.constant 0 : i32
    return %c1_i32, %arg0, %c0_i32 : i32, i32, i32
  }
  func.func @transform_7(%arg0: i32) -> (i32, i32) {
    %c0_i32 = arith.constant 0 : i32
    %c0_i32_0 = arith.constant 0 : i32
    return %arg0, %c0_i32 : i32, i32
  }
}

</mosaic_0001>

<sc_bundles>
// kernel: kernel.11.cloned.1.call-start
scs
__scs_entry_jumppad:
0x0: {  	(pc) =	sbr.rel $0x88, $3  }
0x1: {  	(tag) =	ssettag $0x0;
	lr =	simm.s32 $0x1  }
0x2: {  	[smem:$0x3F94] =	sst lr;
	_ =	strace $0xD0000000  }
0x3: {  	_ = 	snop  }
0x4: {  	_ = 	snop  }
0x5: {  	_ = 	snop  }
0x6: {  	_ = 	snop  }
0x7: {  	_ = 	snop  }
__scs_overlays_trampoline_lowered:
0x8: {  	[smem:$0x3FA3] =	sst s0  }
0x9: {  	[smem:$0x3FA4] =	sst s1  }
0xa: {  	[smem:$0x3FA5] =	sst s2  }
0xb: {  	[smem:$0x3FA6] =	sst s3  }
0xc: {  	[smem:$0x3FA7] =	sst s4  }
0xd: {  	[smem:$0x3FA8] =	sst s5  }
0xe: {  	[smem:$0x3FA9] =	sst s6  }
0xf: {  	[smem:$0x3FAA] =	sst s7  }
0x10: {  	[smem:$0x3FAB] =	sst s8  }
0x11: {  	[smem:$0x3FAC] =	sst s9;
	s0 =	simm.s32 @!p0 $0x0  }
0x12: {  	s1 =	sld [smem:$0x3F92];
	s0 =	simm.s32 @p0 $0x1  }
0x13: {  	[smem:$0x3FAD] =	sst s0;
	s0 =	simm.s32 @!p1 $0x0  }
0x14: {  	s2 =	sld [smem:$0x3F91];
	s0 =	simm.s32 @p1 $0x1  }
0x15: {  	[smem:$0x3FAE] =	sst s0;
	s0 =	simm.s32 @!p2 $0x0  }
0x16: {  	s3 =	sld [smem:$0x3FDB];
	s0 =	simm.s32 @p2 $0x1  }
0x17: {  	s4 =	simm.s32 $0x1BF5;
	[smem:$0x3FB0] =	sst s0  }
0x18: {  	s0 =	sld [smem:$0x3F93];
	_ =	swait.ge [sflag:s4], $0x0  }
0x19: {  	s7 =	sld [smem:$0x3F94]  }
0x1a: {  	s8 =	sadd.s32 $0xFFFFE003, lr  }
0x1b: {  	s9 =	sadd.s32 $0xFFFFFEF7, lr;
	s5 =	simm.s32 $0xFFFFFFFF;
	p2 =	slt.u32 s8, $0xFFFFF086  }
0x1c: {  	p1 =	slt.u32 s9, $0xF7A;
	s5 =	simm.s32 @!p2 $0x0  }
0x1d: {  	s5 =	simm.s32 @p1 $0x1;
	p0 =	seq.s32 s7, s2  }
0x1e: {  	s7 =	smul.u32 @!p0 $0xF7A, s2;
	p2 =	seq.s32 @!p0 s5, $0x0  }
0x1f: {  	s9 =	smul.u32 $0xF7A, s1;
	s8 =	simm.s32 @!p0 $0x1BF5;
	p2 =	por !p2, p0  }
0x20: {  	[sflag:s8] =	ssyncset.s32 @!p0 $0xFFFFF086;
	s6 =	sadd.s32 @!p0 s3, s7;
	s7 =	simm.s32 @!p0 $0x108  }
0x21: {  	s3 =	sadd.s32 s3, s9;
	s6 =	sadd.s32 @!p0 $0x88, s6;
	s7 =	simm.s32 @p2 $0x1082  }
0x22: {  	[simem:s7], [sflag:s8] =	dma.local @!p0 [hbm:s6], $0xF7A  }
0x23: {  	s9 =	sor.u32 $0xD0000000, s2;
	s6 =	simm.s32 $0x108;
	_ =	swait.ge @!p0 [sflag:s8], $0x0  }
0x24: {  	s3 =	sadd.s32 $0x88, s3;
	s6 =	simm.s32 @!p1 $0x1082;
	[sflag:s4] =	ssyncset.s32 $0xFFFFF086  }
0x25: {  	[simem:s6], [sflag:s4] =	dma.local [hbm:s3], $0xF7A  }
0x26: {  	[smem:$0x3F94] =	sst s1;
	(tag) =	ssettag s2;
	_ =	strace s9  }
0x27: {  	s1 =	sld [smem:$0x3FA4]  }
0x28: {  	s2 =	sld [smem:$0x3FA5]  }
0x29: {  	s4 =	sld [smem:$0x3FA7]  }
0x2a: {  	p0 =	seq.s32 s5, $0x0;
	s5 =	sld [smem:$0x3FA8]  }
0x2b: {  	s6 =	sld [smem:$0x3FA9]  }
0x2c: {  	s7 =	sld [smem:$0x3FAA]  }
0x2d: {  	s3 =	simm.s32 $0x108;
	s8 =	sld [smem:$0x3FAB]  }
0x2e: {  	s3 =	simm.s32 @!p0 $0x1082;
	s9 =	sld [smem:$0x3FAC]  }
0x2f: {  	lr =	sadd.s32 s0, s3;
	s0 =	sld [smem:$0x3FA3]  }
0x30: {  	s3 =	sld [smem:$0x3FA6]  }
0x31: {  	[smem:$0x3FAF] =	sst s10  }
0x32: {  	s10 =	sld [smem:$0x3FAD];
	_ =	sdelay $0x3  }
0x33: {  	p0 =	seq.s32 s10, $0x1;
	s10 =	sld [smem:$0x3FAF];
	_ =	sdelay $0x3  }
0x34: {  	[smem:$0x3FAF] =	sst s10  }
0x35: {  	s10 =	sld [smem:$0x3FAE];
	_ =	sdelay $0x3  }
0x36: {  	p1 =	seq.s32 s10, $0x1;
	s10 =	sld [smem:$0x3FAF];
	_ =	sdelay $0x3  }
0x37: {  	[smem:$0x3FAF] =	sst s10  }
0x38: {  	s10 =	sld [smem:$0x3FB0]  }
0x39: {  	_ = 	snop;
	(pc) =	sbr.ind lr, $3  }
0x3a: {  	_ = 	snop  }
0x3b: {  	_ = 	snop  }
0x3c: {  	p2 =	seq.s32 s10, $0x1;
	s10 =	sld [smem:$0x3FAF]  }
0x3d: {  	_ =	shalt  }
0x3e: {  	_ =	shalt  }
0x3f: {  	_ =	shalt  }
0x40: {  	_ =	shalt  }
0x41: {  	_ =	shalt  }
0x42: {  	_ =	shalt  }
0x43: {  	_ =	shalt  }
0x44: {  	_ =	shalt  }
0x45: {  	_ =	shalt  }
0x46: {  	_ =	shalt  }
0x47: {  	_ =	shalt  }
0x48: {  	_ =	shalt  }
0x49: {  	_ =	shalt  }
0x4a: {  	_ =	shalt  }
0x4b: {  	_ =	shalt  }
0x4c: {  	_ =	shalt  }
0x4d: {  	_ =	shalt  }
0x4e: {  	_ =	shalt  }
0x4f: {  	_ =	shalt  }
0x50: {  	_ =	shalt  }
0x51: {  	_ =	shalt  }
0x52: {  	_ =	shalt  }
0x53: {  	_ =	shalt  }
0x54: {  	_ =	shalt  }
0x55: {  	_ =	shalt  }
0x56: {  	_ =	shalt  }
0x57: {  	_ =	shalt  }
0x58: {  	_ =	shalt  }
0x59: {  	_ =	shalt  }
0x5a: {  	_ =	shalt  }
0x5b: {  	_ =	shalt  }
0x5c: {  	_ =	shalt  }
0x5d: {  	_ =	shalt  }
0x5e: {  	_ =	shalt  }
0x5f: {  	_ =	shalt  }
0x60: {  	_ =	shalt  }
0x61: {  	_ =	shalt  }
0x62: {  	_ =	shalt  }
0x63: {  	_ =	shalt  }
0x64: {  	_ =	shalt  }
0x65: {  	_ =	shalt  }
0x66: {  	_ =	shalt  }
0x67: {  	_ =	shalt  }
0x68: {  	_ =	shalt  }
0x69: {  	_ =	shalt  }
0x6a: {  	_ =	shalt  }
0x6b: {  	_ =	shalt  }
0x6c: {  	_ =	shalt  }
0x6d: {  	_ =	shalt  }
0x6e: {  	_ =	shalt  }
0x6f: {  	_ =	shalt  }
0x70: {  	_ =	shalt  }
0x71: {  	_ =	shalt  }
0x72: {  	_ =	shalt  }
0x73: {  	_ =	shalt  }
0x74: {  	_ =	shalt  }
0x75: {  	_ =	shalt  }
0x76: {  	_ =	shalt  }
0x77: {  	_ =	shalt  }
0x78: {  	_ =	shalt  }
0x79: {  	_ =	shalt  }
0x7a: {  	_ =	shalt  }
0x7b: {  	_ =	shalt  }
0x7c: {  	_ =	shalt  }
0x7d: {  	_ =	shalt  }
0x7e: {  	_ =	shalt  }
0x7f: {  	_ =	shalt  }
0x80: {  	_ =	shalt  }
0x81: {  	_ =	shalt  }
0x82: {  	_ =	shalt  }
0x83: {  	_ =	shalt  }
0x84: {  	_ =	shalt  }
0x85: {  	_ =	shalt  }
0x86: {  	_ =	shalt  }
0x87: {  	_ =	shalt  }
.Lfunc_end0:
.L_simem_size_0:
called_computation_lowered:
.L_overlay_start_0:
0x88: {  	s2 =	sld [smem:$0x3FD9]  }
0x89: {  	s3 =	sld [smem:$0x3FFE];
	_ =	sdelay $0x1  }
0x8a: {  	s1 =	srdreg.scid  }
0x8b: {  	s0 =	sand.u32 $0x1, s1  }
0x8c: {  	s17 =	sshll.u32 s0, $0xA;
	s2 =	sadd.s32 s3, s2  }
0x8d: {  	s2 =	sadd.s32 s2, s17  }
0x8e: {  	[smem:$0x3FBB] =	sst s2  }
0x8f: {  	_ = 	snop  }
0x90: {  	s2 =	sld [smem:$0x3FD0];
	(tm) =	ssettm $0x1  }
0x91: {  	s18 =	sld [smem:$0x3FFB];
	_ =	sdelay $0x3  }
0x92: {  	_ =	strace s18  }
0x93: {  	s3 =	sld [smem:$0x3FFC];
	_ =	sdelay $0x3  }
0x94: {  	_ =	strace s3  }
0x95: {  	s3 =	sld [smem:$0x3FFD];
	_ =	sdelay $0x3  }
0x96: {  	_ =	strace s3  }
0x97: {  	_ =	strace $0x8FFFFFFF  }
0x98: {  	s19 =	sld [smem:$0x3FDB];
	_ =	sdelay $0x1  }
0x99: {  	s4 =	simm.s32 $_scs_section_size  }
0x9a: {  	s5 =	simm.s32 $_size__tile_overlayer_lowered;
	s6 =	simm.s32 $_tile_overlayer_lowered  }
0x9b: {  	s22 =	simm.s32 $0x1BFF;
	s21 =	sshll.u32 s6, $0x1;
	s3 =	sadd.s32 s4, s19  }
0x9c: {  	s7 =	simm.s32 $0x0;
	s20 =	sshll.u32 s5, $0x1;
	s5 =	sadd.s32 s21, s3  }
0x9d: {  	[timem:s7], [sflag:s22] =	dma.local [hbm:s5], s20  }
0x9e: {  	_ =	swait.ge [sflag:s22], s20  }
0x9f: {  	s4 =	ssub.s32 $0x0, s20;
	[sflag:s22] =	ssyncset.done $0x0  }
0xa0: {  	[sflag:s22] =	ssyncadd.s32 s4;
	_ =	sdelay $0x1  }
0xa1: {  	s23 =	simm.s32 $0x1B8B  }
0xa2: {  	_ =	swait.ge [sflag:s23], $0x1  }
0xa3: {  	[sflag:s23] =	ssyncset.done $0x0  }
0xa4: {  	s25 =	simm.s32 $0x1B8E;
	s24 =	sld [smem:$0x3FFE];
	[sflag:s23] =	ssyncadd.s32 $0xFFFFFFFF  }
0xa5: {  	s26 =	simm.s32 $execute0_lowered;
	[smem:$0x3FD2] =	sst s25  }
0xa6: {  	s5 =	sshll.u32 s26, $0x1;
	_ =	strace $0x80000046;
	[dreg:$0x1] =	wrdreg $0xFFFFFFFF  }
0xa7: {  	s28 =	simm.s32 $_size_execute0_lowered;
	s3 =	sadd.s32 s3, s5;
	[dreg:$0x0] =	wrdreg $0x0  }
0xa8: {  	s5 =	sshll.u32 s28, $0x1;
	[dreg:$0x2] =	wrdreg s3  }
0xa9: {  	[dreg:$0x3] =	wrdreg s5  }
0xaa: {  	[dreg:$0x4] =	wrdreg $0xC0  }
0xab: {  	_ =	task [dreg:s7], $0x5FFFF  }
0xac: {  	[dreg:$0x1] =	wrdreg $0xFFFFFFFF  }
0xad: {  	[dreg:$0x0] =	wrdreg $0x60  }
0xae: {  	[dreg:$0x2] =	wrdreg s24  }
0xaf: {  	[dreg:$0x3] =	wrdreg s2  }
0xb0: {  	[dreg:$0x4] =	wrdreg $0x46000  }
0xb1: {  	[dreg:$0x5] =	wrdreg $0x9  }
0xb2: {  	_ =	task.clear_ibuf [dreg:s7], $0x6FFFF;
	_ =	strace $0x90000046  }
0xb3: {  	s29 =	simm.s32 $0x9;
	_ =	strace $0x80000048  }
0xb4: {  	_ =	swait.ge [sflag:s29], $0x1  }
0xb5: {  	[sflag:s29] =	ssyncadd.s32 $0xFFFFFFFF  }
0xb6: {  	_ =	strace $0x90000048  }
0xb7: {  	_ =	sfence  }
0xb8: {  	s30 =	sld [smem:$0x0];
	_ =	sdelay $0x2  }
0xb9: {  	s31 =	sshll.u32 s1, $0xD;
	s1 =	sshrl.u32 s1, $0x2  }
0xba: {  	s3 =	sand.u32 $0x4000, s31;
	s1 =	sadd.s32 s1, s30  }
0xbb: {  	s0 =	sor.u32 s3, s0;
	s1 =	sshll.u32 s1, $0x11  }
0xbc: {  	s0 =	sor.u32 s1, s0  }
0xbd: {  	s0 =	sadd.s32 $0x8F2B, s0  }
0xbe: {  	[sflag:s0] =	ssyncadd.remote.s32 $0x1  }
0xbf: {  	_ =	sfence.sel $0xFFFF  }
0xc0: {  	[dreg:$0x0] =	wrdreg $0xFFFFFFFF;
	(pc) =	sbr.abs _section_cstart, $3  }
0xc1: {  	[dreg:$0x1] =	wrdreg $0xFFFFFFFF  }
0xc2: {  	_ =	task.clear_ibuf [dreg:s7], $0x2FFFF;
	_ =	strace $0x9FFFFFFF  }
0xc3: {  	(tm) =	ssettm $0x7FFFFFFF  }
tec
execute0_lowered:
.L_overlay_start_1:
0x0: {  	(tag) =	ssettag $0x1  }
0x1: {  	s4 =	rddreg [dreg:$0x0]  }
0x2: {  	s9 =	rddreg [dreg:$0x1];
	s0 =	srdreg.scid  }
0x3: {  	s2 =	rddreg [dreg:$0x2];
	s1 =	stileid.u32  }
0x4: {  	s3 =	simm.s32 $0x0;
	s14 =	simm.s32 $0x500;
	s15 =	simm.s32 $0x200  }
0x5: {  	s16 =	simm.s32 $0x580;
	s17 =	simm.s32 $0x2600;
	s18 =	simm.s32 $0x1  }
0x6: {  	s19 =	simm.s32 $0x2;
	s5 =	sand.u32 $0x1, s0;
	s0 =	rddreg [dreg:$0x3]  }
0x7: {  	s20 =	simm.s32 $0x0;
	s7 =	smul.u32 $0x7000, s1;
	[smem:$0x7FF] =	sst s3  }
0x8: {  	s4 =	sadd.s32 $0x2A00, s4;
	s12 =	smul.u32 $0x1C00, s1;
	s6 =	sshll.u32 s5, $0x4  }
0x9: {  	s10 =	ssub.s32 $0x2, s5;
	s11 =	smul.u32 $0x1C000, s5;
	s6 =	sor.u32 s1, s6  }
0xa: {  	_ =	strace $0x80000047;
	s30 =	sshrl.u32 s10, $0x1;
	s8 =	smul.u32 $0x2780, s6  }
.Ltmp0:
0xb: {  	s31 =	sshrl.u32 s7, $0x2;
	s10 =	ssub.s32 s10, s30;
	(pc) =	sbr.rel .LBB2_1-.Ltmp0, $4  }
0xc: {  	v0 =	vlaneseq.u32;
	s13 =	smul.u32 $0x9E, s6;
	s5 =	sadd.s32 s31, s2;
	s11 =	sadd.s32 s12, s11  }
0xd: {  	v1 =	vimm.f32 $0.0e+00;
	v2 =	vor.u32 $0x10, v0;
	s12 =	simm.s32 $0x3;
	s11 =	sshrl.u32 s11, $0x3;
	s10 =	smax.u32 s10, $0x1  }
0xe: {  	v3 =	vor.u32 $0x20, v0;
	v4 =	vor.u32 $0x30, v0;
	v5 =	vor.u32 $0x40, v0;
	s6 =	sadd.s32 s4, s8;
	s7 =	sor.u32 $0x1, s13;
	s8 =	sadd.s32 $0x2, s13  }
0xf: {  	v6 =	vor.u32 $0x50, v0;
	v7 =	vor.u32 $0x60, v0;
	v8 =	vor.u32 $0x70, v0;
	s9 =	sadd.s32 s9, s11;
	s11 =	simm.s32 $0x600;
	s13 =	simm.s32 $0x40  }
.LBB2_13:
0x10: {  	s20 =	sadd.s32 $0x1, s20  }
0x11: {  	s21 =	sshll.u32 s1, $0x6;
	[bflag:$0x0] =	sbarrier.arrive $0xFFFF;
	p0 =	sne.s32 s20, s10  }
.Ltmp1:
0x12: {  	s22 =	sshrl.u32 s5, $0x3;
	s21 =	sor.u32 $0x1C03, s21;
	(pc) =	sbr.rel @!p0 .LBB2_14-.Ltmp1, $4  }
0x13: {  	[hbm:s9], [sflag:s21] =	dma.local [spmem:s22], $0x380  }
0x14: {  	_ =	swait.ge [sflag:s12], $0x380  }
0x15: {  	[sflag:s12] =	ssyncset.done $0x0  }
0x16: {  	[sflag:s12] =	ssyncadd.s32 $0xFFFFFC80  }
.LBB2_1:
0x17: {  	s21 =	simm.s32 $0x0;
	s22 =	simm.s32 $0x200  }
.LBB2_2:
0x18: {  	p0 =	sne.s32 s22, $0x7E00;
	[tilespmem:s21+$0x670] =	vst v1  }
0x19: {  	[tilespmem:s21+$0x600] =	vst v1  }
0x1a: {  	[tilespmem:s21+$0x610] =	vst v1  }
.Ltmp2:
0x1b: {  	[tilespmem:s21+$0x620] =	vst v1;
	(pc) =	sbr.rel @p0 .LBB2_2-.Ltmp2, $4  }
0x1c: {  	[tilespmem:s21+$0x630] =	vst v1  }
0x1d: {  	[tilespmem:s21+$0x640] =	vst v1  }
0x1e: {  	[tilespmem:s21+$0x650] =	vst v1  }
0x1f: {  	[tilespmem:s21+$0x660] =	vst v1;
	s21 =	sshra.s32 s22, $0x2;
	s22 =	sadd.s32 $0x200, s22  }
0x20: {  	[tilespmem:s21+$0x670] =	vst v1  }
0x21: {  	[tilespmem:s21+$0x600] =	vst v1  }
0x22: {  	[tilespmem:s21+$0x610] =	vst v1  }
0x23: {  	[tilespmem:s21+$0x620] =	vst v1  }
0x24: {  	[tilespmem:s21+$0x630] =	vst v1  }
0x25: {  	[tilespmem:s21+$0x640] =	vst v1  }
0x26: {  	[tilespmem:s21+$0x650] =	vst v1  }
0x27: {  	[tilespmem:s21+$0x660] =	vst v1  }
0x28: {  	[spmem:s5] =	stream.linear.scatter [tilespmem:s11], [sflag:$0x3], $0x1C00, $0x38;
	[tilespmem:$0x6200] =	vst v63  }
0x29: {  	_ =	swait.ge [sflag:s12], $0x1C00  }
0x2a: {  	[sflag:s12] =	ssyncset.done $0x0  }
0x2b: {  	[sflag:s12] =	ssyncadd.s32 $0xFFFFE400  }
0x2c: {  	[bflag:$0x0] =	sbarrier.arrive $0xFFFF  }
0x2d: {  	[tilespmem:s3], [sflag:$0x3] =	stream.linear.gather [hbm4b:s6+s3], $0x180, $0x38;
	[tilespmem:$0x6200] =	vst v63  }
0x2e: {  	_ =	swait.ge [sflag:s12], $0x180  }
0x2f: {  	[sflag:s12] =	ssyncset.done $0x0  }
0x30: {  	[sflag:s12] =	ssyncadd.s32 $0xFFFFFE80  }
0x31: {  	v9 =	vld [tilespmem:$0x80];
	_ =	sdelay $0x1  }
0x32: {  	v10 =	vld [tilespmem:$0x90];
	_ =	sdelay $0x1  }
0x33: {  	v11 =	vld [tilespmem:$0xA0]  }
0x34: {  	v12 =	vshrl.u32 v9, $0x7  }
0x35: {  	v9 =	vand.u32 $0x7F, v9;
	[tilespmem:$0x500] =	vst v12;
	v12 =	vld [tilespmem:$0xB0]  }
0x36: {  	[tilespmem:$0x400] =	vst v9;
	v9 =	vshrl.u32 v10, $0x7  }
0x37: {  	[tilespmem:$0x510] =	vst v9;
	v9 =	vand.u32 $0x7F, v10  }
0x38: {  	[tilespmem:$0x410] =	vst v9;
	v9 =	vshrl.u32 v11, $0x7  }
0x39: {  	[tilespmem:$0x520] =	vst v9;
	v9 =	vand.u32 $0x7F, v11  }
0x3a: {  	[tilespmem:$0x420] =	vst v9;
	v9 =	vshrl.u32 v12, $0x7  }
0x3b: {  	[tilespmem:$0x530] =	vst v9;
	v9 =	vand.u32 $0x7F, v12  }
0x3c: {  	s31 =	simm.s32 $0x401;
	[tilespmem:$0x430] =	vst v9  }
0x3d: {  	v9 =	vld.msk [tilespmem:s31+$0x0 ss:$0x0], $0xffff  }
0x3e: {  	v10 =	vld.msk [tilespmem:s31+$0xFFFFFFFF ss:$0x0], $0xffff;
	_ =	sdelay $0x3  }
0x3f: {  	vm2 =	veq.s32 v9, v0;
	vm3 =	veq.s32 v9, v2;
	vm0 =	veq.s32 v9, v8  }
0x40: {  	vm1 =	veq.s32 v10, v0;
	vm4 =	veq.s32 v10, v2;
	vm5 =	veq.s32 v10, v3  }
0x41: {  	vm6 =	veq.s32 v10, v4;
	vm7 =	veq.s32 v10, v5;
	vm8 =	veq.s32 v10, v6  }
0x42: {  	vm9 =	veq.s32 v10, v7;
	vm10 =	veq.s32 v10, v8;
	vm11 =	veq.s32 v9, v3  }
0x43: {  	s21 =	simm.s32 $0x680;
	vm12 =	veq.s32 v9, v4;
	vm13 =	veq.s32 v9, v5;
	v11 =	vsel vm0, $0x3F800000, v1  }
0x44: {  	v10 =	vsel vm1, $0x3F800000, v1;
	vm1 =	veq.s32 v9, v6;
	vm0 =	veq.s32 v9, v7;
	[tilespmem:s21+$0x70] =	vst v11  }
0x45: {  	v9 =	vsel vm4, $0x3F800000, v1;
	v13 =	vsel vm6, $0x3F800000, v1;
	v17 =	vsel vm7, $0x3F800000, v1;
	[tilespmem:s21+$0xFFFFFF80] =	vst v10  }
0x46: {  	v14 =	vsel vm8, $0x3F800000, v1;
	v16 =	vsel vm10, $0x3F800000, v1;
	v15 =	vsel vm2, $0x3F800000, v1;
	[tilespmem:s21+$0xFFFFFF90] =	vst v9  }
0x47: {  	v12 =	vsel vm3, $0x3F800000, v1;
	v10 =	vsel vm5, $0x3F800000, v1;
	v11 =	vsel vm9, $0x3F800000, v1;
	[tilespmem:s21+$0xFFFFFFB0] =	vst v13  }
0x48: {  	s23 =	simm.s32 $0x0;
	s24 =	simm.s32 $0x403;
	s22 =	simm.s32 $0x680;
	v13 =	vsel vm11, $0x3F800000, v1;
	v9 =	vsel vm13, $0x3F800000, v1;
	[tilespmem:s21+$0xFFFFFFA0] =	vst v10;
	v10 =	vsel vm12, $0x3F800000, v1  }
.LBB2_4:
0x49: {  	v18 =	vld.msk [tilespmem:s24+$0x0 ss:$0x0], $0xffff;
	s23 =	sadd.s32 $0x2, s23;
	[tilespmem:s21+$0xFFFFFFC0] =	vst v17;
	v17 =	vsel vm1, $0x3F800000, v1;
	v19 =	vsel vm0, $0x3F800000, v1  }
0x4a: {  	v20 =	vld.msk [tilespmem:s24+$0xFFFFFFFF ss:$0x0], $0xffff;
	p0 =	slt.u32 s23, $0x3E;
	[tilespmem:s21+$0xFFFFFFD0] =	vst v14  }
0x4b: {  	[tilespmem:s21+$0xFFFFFFE0] =	vst v11  }
0x4c: {  	[tilespmem:s21+$0xFFFFFFF0] =	vst v16  }
0x4d: {  	[tilespmem:s21+$0x0] =	vst v15  }
0x4e: {  	[tilespmem:s21+$0x10] =	vst v12  }
0x4f: {  	vm2 =	veq.s32 v18, v0;
	vm3 =	veq.s32 v18, v2;
	vm0 =	veq.s32 v18, v8;
	[tilespmem:s21+$0x20] =	vst v13  }
0x50: {  	vm1 =	veq.s32 v20, v0;
	vm4 =	veq.s32 v20, v2;
	v11 =	vsel vm0, $0x3F800000, v1;
	s21 =	sadd.s32 $0x100, s21;
	[tilespmem:s22+$0x30] =	vst v10  }
0x51: {  	vm5 =	veq.s32 v20, v3;
	vm6 =	veq.s32 v20, v4;
	vm7 =	veq.s32 v20, v5;
	[tilespmem:s21+$0x70] =	vst v11  }
0x52: {  	vm8 =	veq.s32 v20, v6;
	vm9 =	veq.s32 v20, v7;
	vm10 =	veq.s32 v20, v8;
	[tilespmem:s22+$0x40] =	vst v9  }
0x53: {  	vm11 =	veq.s32 v18, v3;
	vm12 =	veq.s32 v18, v4;
	vm13 =	veq.s32 v18, v5;
	[tilespmem:s22+$0x50] =	vst v17  }
.Ltmp3:
0x54: {  	vm0 =	veq.s32 v18, v7;
	v9 =	vsel vm1, $0x3F800000, v1;
	vm1 =	veq.s32 v18, v6;
	[tilespmem:s22+$0x60] =	vst v19;
	s22 =	smov.u32 s21;
	(pc) =	sbr.rel @p0 .LBB2_4-.Ltmp3, $4  }
0x55: {  	v10 =	vsel vm5, $0x3F800000, v1;
	v13 =	vsel vm6, $0x3F800000, v1;
	[tilespmem:s21+$0xFFFFFF80] =	vst v9;
	v9 =	vsel vm4, $0x3F800000, v1  }
0x56: {  	v14 =	vsel vm8, $0x3F800000, v1;
	v11 =	vsel vm9, $0x3F800000, v1;
	v17 =	vsel vm7, $0x3F800000, v1;
	[tilespmem:s21+$0xFFFFFF90] =	vst v9  }
0x57: {  	v15 =	vsel vm2, $0x3F800000, v1;
	v12 =	vsel vm3, $0x3F800000, v1;
	v16 =	vsel vm10, $0x3F800000, v1;
	[tilespmem:s21+$0xFFFFFFA0] =	vst v10  }
0x58: {  	s24 =	sadd.s32 $0x2, s24;
	v9 =	vsel vm13, $0x3F800000, v1;
	v10 =	vsel vm12, $0x3F800000, v1;
	[tilespmem:s21+$0xFFFFFFB0] =	vst v13;
	v13 =	vsel vm11, $0x3F800000, v1  }
0x59: {  	[tilespmem:s21+$0xFFFFFFC0] =	vst v17  }
0x5a: {  	[tilespmem:s21+$0xFFFFFFD0] =	vst v14  }
0x5b: {  	[tilespmem:s21+$0xFFFFFFE0] =	vst v11  }
0x5c: {  	[tilespmem:s21+$0xFFFFFFF0] =	vst v16  }
0x5d: {  	[tilespmem:s21+$0x0] =	vst v15  }
0x5e: {  	[tilespmem:s21+$0x10] =	vst v12  }
0x5f: {  	[tilespmem:s21+$0x20] =	vst v13  }
.Ltmp4:
0x60: {  	[tilespmem:s22+$0x30] =	vst v10;
	(pc) =	sbr.rel .LBB2_6-.Ltmp4, $4  }
0x61: {  	v10 =	vsel vm1, $0x3F800000, v1;
	[tilespmem:s22+$0x40] =	vst v9  }
0x62: {  	v9 =	vsel vm0, $0x3F800000, v1;
	[tilespmem:s22+$0x50] =	vst v10  }
0x63: {  	s21 =	simm.s32 $0x0;
	[tilespmem:s22+$0x60] =	vst v9  }
0x64: {  	[spmem:s2] =	stream.indirect.scatter.add.f32 [tilespmem:s11], [sflag:$0x1], $0x80, s14, s13, $0xb8;
	[tilespmem:$0x6200] =	vst v63  }
.LBB2_12:
0x65: {  	s21 =	sadd.s32 $0x1, s21  }
0x66: {  	p0 =	sne.s32 s21, $0x4F  }
.Ltmp5:
0x67: {  	_ = 	snop;
	(pc) =	sbr.rel @!p0 .LBB2_13-.Ltmp5, $4  }
0x68: {  	_ = 	snop  }
0x69: {  	_ =	swait.ge [sflag:s19], $0x2000  }
0x6a: {  	[sflag:s19] =	ssyncset.done $0x0  }
0x6b: {  	[sflag:s19] =	ssyncadd.s32 $0xFFFFE000  }
.LBB2_6:
0x6c: {  	s22 =	sshll.u32 s21, $0x1  }
0x6d: {  	s23 =	sadd.s32 s22, s7  }
0x6e: {  	s23 =	sshll.u32 s23, $0x6  }
0x6f: {  	s23 =	sand.u32 $0x1FFFFFC0, s23  }
0x70: {  	s23 =	sadd.s32 s4, s23  }
0x71: {  	[tilespmem:s15], [sflag:$0x3] =	stream.linear.gather [hbm4b:s23+s3], $0x180, $0x38;
	[tilespmem:$0x6200] =	vst v63  }
0x72: {  	_ =	swait.ge [sflag:s12], $0x180  }
0x73: {  	[sflag:s12] =	ssyncset.done $0x0  }
0x74: {  	[sflag:s12] =	ssyncadd.s32 $0xFFFFFE80  }
0x75: {  	v9 =	vld [tilespmem:$0x280];
	_ =	sdelay $0x1  }
0x76: {  	v10 =	vld [tilespmem:$0x290];
	_ =	sdelay $0x1  }
0x77: {  	v11 =	vld [tilespmem:$0x2A0]  }
0x78: {  	v12 =	vshrl.u32 v9, $0x7  }
0x79: {  	v9 =	vand.u32 $0x7F, v9;
	[tilespmem:$0x580] =	vst v12;
	v12 =	vld [tilespmem:$0x2B0]  }
0x7a: {  	[tilespmem:$0x480] =	vst v9;
	v9 =	vshrl.u32 v10, $0x7  }
0x7b: {  	[tilespmem:$0x590] =	vst v9;
	v9 =	vand.u32 $0x7F, v10  }
0x7c: {  	[tilespmem:$0x490] =	vst v9;
	v9 =	vshrl.u32 v11, $0x7  }
0x7d: {  	[tilespmem:$0x5A0] =	vst v9;
	v9 =	vand.u32 $0x7F, v11  }
0x7e: {  	[tilespmem:$0x4A0] =	vst v9;
	v9 =	vshrl.u32 v12, $0x7  }
0x7f: {  	[tilespmem:$0x5B0] =	vst v9;
	v9 =	vand.u32 $0x7F, v12  }
0x80: {  	s31 =	simm.s32 $0x481;
	[tilespmem:$0x4B0] =	vst v9  }
0x81: {  	v9 =	vld.msk [tilespmem:s31+$0x0 ss:$0x0], $0xffff  }
0x82: {  	v10 =	vld.msk [tilespmem:s31+$0xFFFFFFFF ss:$0x0], $0xffff;
	_ =	sdelay $0x3  }
0x83: {  	vm2 =	veq.s32 v9, v0;
	vm3 =	veq.s32 v9, v2;
	vm0 =	veq.s32 v9, v8  }
0x84: {  	vm1 =	veq.s32 v10, v0;
	vm4 =	veq.s32 v10, v2;
	vm5 =	veq.s32 v10, v3  }
0x85: {  	vm6 =	veq.s32 v10, v4;
	vm7 =	veq.s32 v10, v5;
	vm8 =	veq.s32 v10, v6  }
0x86: {  	vm9 =	veq.s32 v10, v7;
	vm10 =	veq.s32 v10, v8;
	vm11 =	veq.s32 v9, v3  }
0x87: {  	s23 =	simm.s32 $0x2680;
	vm12 =	veq.s32 v9, v4;
	vm13 =	veq.s32 v9, v5;
	v11 =	vsel vm0, $0x3F800000, v1  }
0x88: {  	v10 =	vsel vm1, $0x3F800000, v1;
	vm1 =	veq.s32 v9, v6;
	vm0 =	veq.s32 v9, v7;
	[tilespmem:s23+$0x70] =	vst v11  }
0x89: {  	v9 =	vsel vm4, $0x3F800000, v1;
	v13 =	vsel vm6, $0x3F800000, v1;
	v17 =	vsel vm7, $0x3F800000, v1;
	[tilespmem:s23+$0xFFFFFF80] =	vst v10  }
0x8a: {  	v14 =	vsel vm8, $0x3F800000, v1;
	v16 =	vsel vm10, $0x3F800000, v1;
	v15 =	vsel vm2, $0x3F800000, v1;
	[tilespmem:s23+$0xFFFFFF90] =	vst v9  }
0x8b: {  	v12 =	vsel vm3, $0x3F800000, v1;
	v10 =	vsel vm5, $0x3F800000, v1;
	v11 =	vsel vm9, $0x3F800000, v1;
	[tilespmem:s23+$0xFFFFFFB0] =	vst v13  }
0x8c: {  	s25 =	simm.s32 $0x0;
	s26 =	simm.s32 $0x483;
	s24 =	simm.s32 $0x2680;
	v13 =	vsel vm11, $0x3F800000, v1;
	v9 =	vsel vm13, $0x3F800000, v1;
	[tilespmem:s23+$0xFFFFFFA0] =	vst v10;
	v10 =	vsel vm12, $0x3F800000, v1  }
.LBB2_7:
0x8d: {  	v18 =	vld.msk [tilespmem:s26+$0x0 ss:$0x0], $0xffff;
	s25 =	sadd.s32 $0x2, s25;
	[tilespmem:s23+$0xFFFFFFC0] =	vst v17;
	v17 =	vsel vm1, $0x3F800000, v1;
	v19 =	vsel vm0, $0x3F800000, v1  }
0x8e: {  	v20 =	vld.msk [tilespmem:s26+$0xFFFFFFFF ss:$0x0], $0xffff;
	p0 =	slt.u32 s25, $0x3E;
	[tilespmem:s23+$0xFFFFFFD0] =	vst v14  }
0x8f: {  	[tilespmem:s23+$0xFFFFFFE0] =	vst v11  }
0x90: {  	[tilespmem:s23+$0xFFFFFFF0] =	vst v16  }
0x91: {  	[tilespmem:s23+$0x0] =	vst v15  }
0x92: {  	[tilespmem:s23+$0x10] =	vst v12  }
0x93: {  	vm2 =	veq.s32 v18, v0;
	vm3 =	veq.s32 v18, v2;
	vm0 =	veq.s32 v18, v8;
	[tilespmem:s23+$0x20] =	vst v13  }
0x94: {  	vm1 =	veq.s32 v20, v0;
	vm4 =	veq.s32 v20, v2;
	v11 =	vsel vm0, $0x3F800000, v1;
	s23 =	sadd.s32 $0x100, s23;
	[tilespmem:s24+$0x30] =	vst v10  }
0x95: {  	vm5 =	veq.s32 v20, v3;
	vm6 =	veq.s32 v20, v4;
	vm7 =	veq.s32 v20, v5;
	[tilespmem:s23+$0x70] =	vst v11  }
0x96: {  	vm8 =	veq.s32 v20, v6;
	vm9 =	veq.s32 v20, v7;
	vm10 =	veq.s32 v20, v8;
	[tilespmem:s24+$0x40] =	vst v9  }
0x97: {  	vm11 =	veq.s32 v18, v3;
	vm12 =	veq.s32 v18, v4;
	vm13 =	veq.s32 v18, v5;
	[tilespmem:s24+$0x50] =	vst v17  }
.Ltmp6:
0x98: {  	vm0 =	veq.s32 v18, v7;
	v9 =	vsel vm1, $0x3F800000, v1;
	vm1 =	veq.s32 v18, v6;
	[tilespmem:s24+$0x60] =	vst v19;
	s24 =	smov.u32 s23;
	(pc) =	sbr.rel @p0 .LBB2_7-.Ltmp6, $4  }
0x99: {  	v10 =	vsel vm5, $0x3F800000, v1;
	v13 =	vsel vm6, $0x3F800000, v1;
	[tilespmem:s23+$0xFFFFFF80] =	vst v9;
	v9 =	vsel vm4, $0x3F800000, v1  }
0x9a: {  	v14 =	vsel vm8, $0x3F800000, v1;
	v11 =	vsel vm9, $0x3F800000, v1;
	v17 =	vsel vm7, $0x3F800000, v1;
	[tilespmem:s23+$0xFFFFFF90] =	vst v9  }
0x9b: {  	v15 =	vsel vm2, $0x3F800000, v1;
	v12 =	vsel vm3, $0x3F800000, v1;
	v16 =	vsel vm10, $0x3F800000, v1;
	[tilespmem:s23+$0xFFFFFFA0] =	vst v10  }
0x9c: {  	s26 =	sadd.s32 $0x2, s26;
	v9 =	vsel vm13, $0x3F800000, v1;
	v10 =	vsel vm12, $0x3F800000, v1;
	[tilespmem:s23+$0xFFFFFFB0] =	vst v13;
	v13 =	vsel vm11, $0x3F800000, v1  }
0x9d: {  	[tilespmem:s23+$0xFFFFFFC0] =	vst v17  }
0x9e: {  	[tilespmem:s23+$0xFFFFFFD0] =	vst v14  }
0x9f: {  	[tilespmem:s23+$0xFFFFFFE0] =	vst v11  }
0xa0: {  	[tilespmem:s23+$0xFFFFFFF0] =	vst v16  }
0xa1: {  	[tilespmem:s23+$0x0] =	vst v15  }
0xa2: {  	[tilespmem:s23+$0x10] =	vst v12  }
0xa3: {  	[tilespmem:s23+$0x20] =	vst v13  }
0xa4: {  	[tilespmem:s24+$0x30] =	vst v10  }
0xa5: {  	v10 =	vsel vm1, $0x3F800000, v1;
	[tilespmem:s24+$0x40] =	vst v9  }
0xa6: {  	p0 =	seq.s32 s21, $0x4E;
	v9 =	vsel vm0, $0x3F800000, v1;
	[tilespmem:s24+$0x50] =	vst v10  }
.Ltmp7:
0xa7: {  	[tilespmem:s24+$0x60] =	vst v9;
	(pc) =	sbr.rel @p0 .LBB2_12-.Ltmp7, $4  }
0xa8: {  	[spmem:s2] =	stream.indirect.scatter.add.f32 [tilespmem:s17], [sflag:$0x2], $0x80, s16, s13, $0xb8;
	[tilespmem:$0x6200] =	vst v63  }
0xa9: {  	_ =	swait.ge [sflag:s18], $0x2000  }
0xaa: {  	[sflag:s18] =	ssyncset.done $0x0  }
0xab: {  	[sflag:s18] =	ssyncadd.s32 $0xFFFFE000  }
0xac: {  	s22 =	sadd.s32 s22, s8  }
0xad: {  	s22 =	sshll.u32 s22, $0x6  }
0xae: {  	s22 =	sand.u32 $0x1FFFFF80, s22  }
0xaf: {  	s22 =	sadd.s32 s4, s22  }
0xb0: {  	[tilespmem:s3], [sflag:$0x3] =	stream.linear.gather [hbm4b:s22+s3], $0x180, $0x38;
	[tilespmem:$0x6200] =	vst v63  }
0xb1: {  	_ =	swait.ge [sflag:s12], $0x180  }
0xb2: {  	[sflag:s12] =	ssyncset.done $0x0  }
0xb3: {  	[sflag:s12] =	ssyncadd.s32 $0xFFFFFE80  }
0xb4: {  	v9 =	vld [tilespmem:$0x80];
	_ =	sdelay $0x1  }
0xb5: {  	v10 =	vld [tilespmem:$0x90];
	_ =	sdelay $0x1  }
0xb6: {  	v11 =	vld [tilespmem:$0xA0]  }
0xb7: {  	v12 =	vshrl.u32 v9, $0x7  }
0xb8: {  	v9 =	vand.u32 $0x7F, v9;
	[tilespmem:$0x500] =	vst v12;
	v12 =	vld [tilespmem:$0xB0]  }
0xb9: {  	[tilespmem:$0x400] =	vst v9;
	v9 =	vshrl.u32 v10, $0x7  }
0xba: {  	[tilespmem:$0x510] =	vst v9;
	v9 =	vand.u32 $0x7F, v10  }
0xbb: {  	[tilespmem:$0x410] =	vst v9;
	v9 =	vshrl.u32 v11, $0x7  }
0xbc: {  	[tilespmem:$0x520] =	vst v9;
	v9 =	vand.u32 $0x7F, v11  }
0xbd: {  	[tilespmem:$0x420] =	vst v9;
	v9 =	vshrl.u32 v12, $0x7  }
0xbe: {  	[tilespmem:$0x530] =	vst v9;
	v9 =	vand.u32 $0x7F, v12  }
0xbf: {  	s31 =	simm.s32 $0x401;
	[tilespmem:$0x430] =	vst v9  }
0xc0: {  	v9 =	vld.msk [tilespmem:s31+$0x0 ss:$0x0], $0xffff  }
0xc1: {  	v10 =	vld.msk [tilespmem:s31+$0xFFFFFFFF ss:$0x0], $0xffff;
	_ =	sdelay $0x3  }
0xc2: {  	vm2 =	veq.s32 v9, v0;
	vm3 =	veq.s32 v9, v2;
	vm0 =	veq.s32 v9, v8  }
0xc3: {  	vm1 =	veq.s32 v10, v0;
	vm4 =	veq.s32 v10, v2;
	vm5 =	veq.s32 v10, v3  }
0xc4: {  	vm6 =	veq.s32 v10, v4;
	vm7 =	veq.s32 v10, v5;
	vm8 =	veq.s32 v10, v6  }
0xc5: {  	vm9 =	veq.s32 v10, v7;
	vm10 =	veq.s32 v10, v8;
	vm11 =	veq.s32 v9, v3  }
0xc6: {  	s22 =	simm.s32 $0x680;
	vm12 =	veq.s32 v9, v4;
	vm13 =	veq.s32 v9, v5;
	v11 =	vsel vm0, $0x3F800000, v1  }
0xc7: {  	v10 =	vsel vm1, $0x3F800000, v1;
	vm1 =	veq.s32 v9, v6;
	vm0 =	veq.s32 v9, v7;
	[tilespmem:s22+$0x70] =	vst v11  }
0xc8: {  	v9 =	vsel vm4, $0x3F800000, v1;
	v13 =	vsel vm6, $0x3F800000, v1;
	v17 =	vsel vm7, $0x3F800000, v1;
	[tilespmem:s22+$0xFFFFFF80] =	vst v10  }
0xc9: {  	v14 =	vsel vm8, $0x3F800000, v1;
	v16 =	vsel vm10, $0x3F800000, v1;
	v15 =	vsel vm2, $0x3F800000, v1;
	[tilespmem:s22+$0xFFFFFF90] =	vst v9  }
0xca: {  	v12 =	vsel vm3, $0x3F800000, v1;
	v10 =	vsel vm5, $0x3F800000, v1;
	v11 =	vsel vm9, $0x3F800000, v1;
	[tilespmem:s22+$0xFFFFFFB0] =	vst v13  }
0xcb: {  	s24 =	simm.s32 $0x0;
	s25 =	simm.s32 $0x403;
	s23 =	simm.s32 $0x680;
	v13 =	vsel vm11, $0x3F800000, v1;
	v9 =	vsel vm13, $0x3F800000, v1;
	[tilespmem:s22+$0xFFFFFFA0] =	vst v10;
	v10 =	vsel vm12, $0x3F800000, v1  }
.LBB2_10:
0xcc: {  	v18 =	vld.msk [tilespmem:s25+$0x0 ss:$0x0], $0xffff;
	s24 =	sadd.s32 $0x2, s24;
	[tilespmem:s22+$0xFFFFFFC0] =	vst v17;
	v17 =	vsel vm1, $0x3F800000, v1;
	v19 =	vsel vm0, $0x3F800000, v1  }
0xcd: {  	v20 =	vld.msk [tilespmem:s25+$0xFFFFFFFF ss:$0x0], $0xffff;
	p0 =	slt.u32 s24, $0x3E;
	[tilespmem:s22+$0xFFFFFFD0] =	vst v14  }
0xce: {  	[tilespmem:s22+$0xFFFFFFE0] =	vst v11  }
0xcf: {  	[tilespmem:s22+$0xFFFFFFF0] =	vst v16  }
0xd0: {  	[tilespmem:s22+$0x0] =	vst v15  }
0xd1: {  	[tilespmem:s22+$0x10] =	vst v12  }
0xd2: {  	vm2 =	veq.s32 v18, v0;
	vm3 =	veq.s32 v18, v2;
	vm0 =	veq.s32 v18, v8;
	[tilespmem:s22+$0x20] =	vst v13  }
0xd3: {  	vm1 =	veq.s32 v20, v0;
	vm4 =	veq.s32 v20, v2;
	v11 =	vsel vm0, $0x3F800000, v1;
	s22 =	sadd.s32 $0x100, s22;
	[tilespmem:s23+$0x30] =	vst v10  }
0xd4: {  	vm5 =	veq.s32 v20, v3;
	vm6 =	veq.s32 v20, v4;
	vm7 =	veq.s32 v20, v5;
	[tilespmem:s22+$0x70] =	vst v11  }
0xd5: {  	vm8 =	veq.s32 v20, v6;
	vm9 =	veq.s32 v20, v7;
	vm10 =	veq.s32 v20, v8;
	[tilespmem:s23+$0x40] =	vst v9  }
0xd6: {  	vm11 =	veq.s32 v18, v3;
	vm12 =	veq.s32 v18, v4;
	vm13 =	veq.s32 v18, v5;
	[tilespmem:s23+$0x50] =	vst v17  }
.Ltmp8:
0xd7: {  	vm0 =	veq.s32 v18, v7;
	v9 =	vsel vm1, $0x3F800000, v1;
	vm1 =	veq.s32 v18, v6;
	[tilespmem:s23+$0x60] =	vst v19;
	s23 =	smov.u32 s22;
	(pc) =	sbr.rel @p0 .LBB2_10-.Ltmp8, $4  }
0xd8: {  	v10 =	vsel vm5, $0x3F800000, v1;
	v13 =	vsel vm6, $0x3F800000, v1;
	[tilespmem:s22+$0xFFFFFF80] =	vst v9;
	v9 =	vsel vm4, $0x3F800000, v1  }
0xd9: {  	v14 =	vsel vm8, $0x3F800000, v1;
	v11 =	vsel vm9, $0x3F800000, v1;
	v17 =	vsel vm7, $0x3F800000, v1;
	[tilespmem:s22+$0xFFFFFF90] =	vst v9  }
0xda: {  	v15 =	vsel vm2, $0x3F800000, v1;
	v12 =	vsel vm3, $0x3F800000, v1;
	v16 =	vsel vm10, $0x3F800000, v1;
	[tilespmem:s22+$0xFFFFFFA0] =	vst v10  }
0xdb: {  	s25 =	sadd.s32 $0x2, s25;
	v9 =	vsel vm13, $0x3F800000, v1;
	v10 =	vsel vm12, $0x3F800000, v1;
	[tilespmem:s22+$0xFFFFFFB0] =	vst v13;
	v13 =	vsel vm11, $0x3F800000, v1  }
0xdc: {  	[tilespmem:s22+$0xFFFFFFC0] =	vst v17  }
0xdd: {  	[tilespmem:s22+$0xFFFFFFD0] =	vst v14  }
0xde: {  	[tilespmem:s22+$0xFFFFFFE0] =	vst v11  }
0xdf: {  	[tilespmem:s22+$0xFFFFFFF0] =	vst v16  }
0xe0: {  	[tilespmem:s22+$0x0] =	vst v15  }
0xe1: {  	[tilespmem:s22+$0x10] =	vst v12  }
0xe2: {  	[tilespmem:s22+$0x20] =	vst v13  }
.Ltmp9:
0xe3: {  	[tilespmem:s23+$0x30] =	vst v10;
	(pc) =	sbr.rel .LBB2_12-.Ltmp9, $4  }
0xe4: {  	v10 =	vsel vm1, $0x3F800000, v1;
	[tilespmem:s23+$0x40] =	vst v9  }
0xe5: {  	v9 =	vsel vm0, $0x3F800000, v1;
	[tilespmem:s23+$0x50] =	vst v10  }
0xe6: {  	[tilespmem:s23+$0x60] =	vst v9  }
0xe7: {  	[spmem:s2] =	stream.indirect.scatter.add.f32 [tilespmem:s11], [sflag:$0x1], $0x80, s14, s13, $0xb8;
	[tilespmem:$0x6200] =	vst v63  }
.LBB2_14:
0xe8: {  	_ =	sfence.sel $0x180000  }
0xe9: {  	[bflag:$0x0] =	sbarrier.arrive $0xFFFF  }
0xea: {  	p0 =	sne.s32 s1, $0x0;
	_ =	strace $0x90000047  }
0xeb: {  	s0 =	sadd.s32 @!p0 $0x100000, s0;
	[bflag:$0x2] =	sbarrier.arrive $0xFFFF  }
0xec: {  	[sflag:s0] =	ssyncadd.tile.s32 @!p0 $0x1;
	_ =	shalt  }
.Lfunc_end2:
_tile_overlayer_lowered:
.L_overlay_start_2:
0xed: {  	(tag) =	ssettag $0x2  }
0xee: {  	s0 =	rddreg [dreg:$0x0];
	s2 =	stileid.u32  }
0xef: {  	s1 =	rddreg [dreg:$0x1];
	p0 =	sne.s32 s2, $0x0  }
0xf0: {  	s3 =	rddreg [dreg:$0x2];
	[bflag:$0x3] =	sbarrier.arrive $0xFFFF;
	s2 =	simm.s32 @!p0 $0x1C03  }
0xf1: {  	[timem:s3], [sflag:s2] =	dma.local @!p0 [hbm:s0], s1  }
0xf2: {  	s0 =	simm.s32 @!p0 $0x3  }
0xf3: {  	_ =	swait.ge @!p0 [sflag:s0], s1  }
0xf4: {  	s1 =	ssub.s32 @!p0 $0x0, s1;
	[sflag:s0] =	ssyncset.done @!p0 $0x0  }
0xf5: {  	[sflag:s0] =	ssyncadd.s32 @!p0 s1  }
0xf6: {  	[bflag:$0x3] =	sbarrier.arrive $0xFFFF  }
0xf7: {  	_ =	shalt  }

// kernel: kernel.14.cloned.1.call-start
scs
__scs_entry_jumppad:
0x0: {  	(pc) =	sbr.rel $0x88, $3  }
0x1: {  	(tag) =	ssettag $0x0;
	lr =	simm.s32 $0x1  }
0x2: {  	[smem:$0x3F94] =	sst lr;
	_ =	strace $0xD0000000  }
0x3: {  	_ = 	snop  }
0x4: {  	_ = 	snop  }
0x5: {  	_ = 	snop  }
0x6: {  	_ = 	snop  }
0x7: {  	_ = 	snop  }
__scs_overlays_trampoline_lowered:
0x8: {  	[smem:$0x3FA3] =	sst s0  }
0x9: {  	[smem:$0x3FA4] =	sst s1  }
0xa: {  	[smem:$0x3FA5] =	sst s2  }
0xb: {  	[smem:$0x3FA6] =	sst s3  }
0xc: {  	[smem:$0x3FA7] =	sst s4  }
0xd: {  	[smem:$0x3FA8] =	sst s5  }
0xe: {  	[smem:$0x3FA9] =	sst s6  }
0xf: {  	[smem:$0x3FAA] =	sst s7  }
0x10: {  	[smem:$0x3FAB] =	sst s8  }
0x11: {  	[smem:$0x3FAC] =	sst s9;
	s0 =	simm.s32 @!p0 $0x0  }
0x12: {  	s1 =	sld [smem:$0x3F92];
	s0 =	simm.s32 @p0 $0x1  }
0x13: {  	[smem:$0x3FAD] =	sst s0;
	s0 =	simm.s32 @!p1 $0x0  }
0x14: {  	s2 =	sld [smem:$0x3F91];
	s0 =	simm.s32 @p1 $0x1  }
0x15: {  	[smem:$0x3FAE] =	sst s0;
	s0 =	simm.s32 @!p2 $0x0  }
0x16: {  	s3 =	sld [smem:$0x3FDB];
	s0 =	simm.s32 @p2 $0x1  }
0x17: {  	s4 =	simm.s32 $0x1BF5;
	[smem:$0x3FB0] =	sst s0  }
0x18: {  	s0 =	sld [smem:$0x3F93];
	_ =	swait.ge [sflag:s4], $0x0  }
0x19: {  	s7 =	sld [smem:$0x3F94]  }
0x1a: {  	s8 =	sadd.s32 $0xFFFFE003, lr  }
0x1b: {  	s9 =	sadd.s32 $0xFFFFFEF7, lr;
	s5 =	simm.s32 $0xFFFFFFFF;
	p2 =	slt.u32 s8, $0xFFFFF086  }
0x1c: {  	p1 =	slt.u32 s9, $0xF7A;
	s5 =	simm.s32 @!p2 $0x0  }
0x1d: {  	s5 =	simm.s32 @p1 $0x1;
	p0 =	seq.s32 s7, s2  }
0x1e: {  	s7 =	smul.u32 @!p0 $0xF7A, s2;
	p2 =	seq.s32 @!p0 s5, $0x0  }
0x1f: {  	s9 =	smul.u32 $0xF7A, s1;
	s8 =	simm.s32 @!p0 $0x1BF5;
	p2 =	por !p2, p0  }
0x20: {  	[sflag:s8] =	ssyncset.s32 @!p0 $0xFFFFF086;
	s6 =	sadd.s32 @!p0 s3, s7;
	s7 =	simm.s32 @!p0 $0x108  }
0x21: {  	s3 =	sadd.s32 s3, s9;
	s6 =	sadd.s32 @!p0 $0x88, s6;
	s7 =	simm.s32 @p2 $0x1082  }
0x22: {  	[simem:s7], [sflag:s8] =	dma.local @!p0 [hbm:s6], $0xF7A  }
0x23: {  	s9 =	sor.u32 $0xD0000000, s2;
	s6 =	simm.s32 $0x108;
	_ =	swait.ge @!p0 [sflag:s8], $0x0  }
0x24: {  	s3 =	sadd.s32 $0x88, s3;
	s6 =	simm.s32 @!p1 $0x1082;
	[sflag:s4] =	ssyncset.s32 $0xFFFFF086  }
0x25: {  	[simem:s6], [sflag:s4] =	dma.local [hbm:s3], $0xF7A  }
0x26: {  	[smem:$0x3F94] =	sst s1;
	(tag) =	ssettag s2;
	_ =	strace s9  }
0x27: {  	s1 =	sld [smem:$0x3FA4]  }
0x28: {  	s2 =	sld [smem:$0x3FA5]  }
0x29: {  	s4 =	sld [smem:$0x3FA7]  }
0x2a: {  	p0 =	seq.s32 s5, $0x0;
	s5 =	sld [smem:$0x3FA8]  }
0x2b: {  	s6 =	sld [smem:$0x3FA9]  }
0x2c: {  	s7 =	sld [smem:$0x3FAA]  }
0x2d: {  	s3 =	simm.s32 $0x108;
	s8 =	sld [smem:$0x3FAB]  }
0x2e: {  	s3 =	simm.s32 @!p0 $0x1082;
	s9 =	sld [smem:$0x3FAC]  }
0x2f: {  	lr =	sadd.s32 s0, s3;
	s0 =	sld [smem:$0x3FA3]  }
0x30: {  	s3 =	sld [smem:$0x3FA6]  }
0x31: {  	[smem:$0x3FAF] =	sst s10  }
0x32: {  	s10 =	sld [smem:$0x3FAD];
	_ =	sdelay $0x3  }
0x33: {  	p0 =	seq.s32 s10, $0x1;
	s10 =	sld [smem:$0x3FAF];
	_ =	sdelay $0x3  }
0x34: {  	[smem:$0x3FAF] =	sst s10  }
0x35: {  	s10 =	sld [smem:$0x3FAE];
	_ =	sdelay $0x3  }
0x36: {  	p1 =	seq.s32 s10, $0x1;
	s10 =	sld [smem:$0x3FAF];
	_ =	sdelay $0x3  }
0x37: {  	[smem:$0x3FAF] =	sst s10  }
0x38: {  	s10 =	sld [smem:$0x3FB0]  }
0x39: {  	_ = 	snop;
	(pc) =	sbr.ind lr, $3  }
0x3a: {  	_ = 	snop  }
0x3b: {  	_ = 	snop  }
0x3c: {  	p2 =	seq.s32 s10, $0x1;
	s10 =	sld [smem:$0x3FAF]  }
0x3d: {  	_ =	shalt  }
0x3e: {  	_ =	shalt  }
0x3f: {  	_ =	shalt  }
0x40: {  	_ =	shalt  }
0x41: {  	_ =	shalt  }
0x42: {  	_ =	shalt  }
0x43: {  	_ =	shalt  }
0x44: {  	_ =	shalt  }
0x45: {  	_ =	shalt  }
0x46: {  	_ =	shalt  }
0x47: {  	_ =	shalt  }
0x48: {  	_ =	shalt  }
0x49: {  	_ =	shalt  }
0x4a: {  	_ =	shalt  }
0x4b: {  	_ =	shalt  }
0x4c: {  	_ =	shalt  }
0x4d: {  	_ =	shalt  }
0x4e: {  	_ =	shalt  }
0x4f: {  	_ =	shalt  }
0x50: {  	_ =	shalt  }
0x51: {  	_ =	shalt  }
0x52: {  	_ =	shalt  }
0x53: {  	_ =	shalt  }
0x54: {  	_ =	shalt  }
0x55: {  	_ =	shalt  }
0x56: {  	_ =	shalt  }
0x57: {  	_ =	shalt  }
0x58: {  	_ =	shalt  }
0x59: {  	_ =	shalt  }
0x5a: {  	_ =	shalt  }
0x5b: {  	_ =	shalt  }
0x5c: {  	_ =	shalt  }
0x5d: {  	_ =	shalt  }
0x5e: {  	_ =	shalt  }
0x5f: {  	_ =	shalt  }
0x60: {  	_ =	shalt  }
0x61: {  	_ =	shalt  }
0x62: {  	_ =	shalt  }
0x63: {  	_ =	shalt  }
0x64: {  	_ =	shalt  }
0x65: {  	_ =	shalt  }
0x66: {  	_ =	shalt  }
0x67: {  	_ =	shalt  }
0x68: {  	_ =	shalt  }
0x69: {  	_ =	shalt  }
0x6a: {  	_ =	shalt  }
0x6b: {  	_ =	shalt  }
0x6c: {  	_ =	shalt  }
0x6d: {  	_ =	shalt  }
0x6e: {  	_ =	shalt  }
0x6f: {  	_ =	shalt  }
0x70: {  	_ =	shalt  }
0x71: {  	_ =	shalt  }
0x72: {  	_ =	shalt  }
0x73: {  	_ =	shalt  }
0x74: {  	_ =	shalt  }
0x75: {  	_ =	shalt  }
0x76: {  	_ =	shalt  }
0x77: {  	_ =	shalt  }
0x78: {  	_ =	shalt  }
0x79: {  	_ =	shalt  }
0x7a: {  	_ =	shalt  }
0x7b: {  	_ =	shalt  }
0x7c: {  	_ =	shalt  }
0x7d: {  	_ =	shalt  }
0x7e: {  	_ =	shalt  }
0x7f: {  	_ =	shalt  }
0x80: {  	_ =	shalt  }
0x81: {  	_ =	shalt  }
0x82: {  	_ =	shalt  }
0x83: {  	_ =	shalt  }
0x84: {  	_ =	shalt  }
0x85: {  	_ =	shalt  }
0x86: {  	_ =	shalt  }
0x87: {  	_ =	shalt  }
.Lfunc_end0:
.L_simem_size_0:
called_computation.1_lowered:
.L_overlay_start_0:
0x88: {  	s2 =	sld [smem:$0x3FD9]  }
0x89: {  	s3 =	sld [smem:$0x3FFE];
	_ =	sdelay $0x1  }
0x8a: {  	s1 =	srdreg.scid  }
0x8b: {  	s0 =	sand.u32 $0x1, s1  }
0x8c: {  	s16 =	sshll.u32 s0, $0xA;
	s2 =	sadd.s32 s3, s2  }
0x8d: {  	s2 =	sadd.s32 s2, s16  }
0x8e: {  	[smem:$0x3FBB] =	sst s2  }
0x8f: {  	_ = 	snop  }
0x90: {  	(tm) =	ssettm $0x1  }
0x91: {  	s17 =	sld [smem:$0x3FFB];
	_ =	sdelay $0x3  }
0x92: {  	_ =	strace s17  }
0x93: {  	s2 =	sld [smem:$0x3FFC];
	_ =	sdelay $0x3  }
0x94: {  	_ =	strace s2  }
0x95: {  	s2 =	sld [smem:$0x3FFD];
	_ =	sdelay $0x3  }
0x96: {  	_ =	strace s2  }
0x97: {  	_ =	strace $0x8FFFFFFF  }
0x98: {  	s18 =	sld [smem:$0x3FDB];
	_ =	sdelay $0x1  }
0x99: {  	s19 =	simm.s32 $_scs_section_size  }
0x9a: {  	s4 =	simm.s32 $_size__tile_overlayer_lowered;
	s5 =	simm.s32 $_tile_overlayer_lowered  }
0x9b: {  	s22 =	simm.s32 $0x1BFF;
	s21 =	sshll.u32 s5, $0x1;
	s2 =	sadd.s32 s19, s18  }
0x9c: {  	s6 =	simm.s32 $0x0;
	s20 =	sshll.u32 s4, $0x1;
	s4 =	sadd.s32 s21, s2  }
0x9d: {  	[timem:s6], [sflag:s22] =	dma.local [hbm:s4], s20  }
0x9e: {  	_ =	swait.ge [sflag:s22], s20  }
0x9f: {  	s3 =	ssub.s32 $0x0, s20;
	[sflag:s22] =	ssyncset.done $0x0  }
0xa0: {  	[sflag:s22] =	ssyncadd.s32 s3;
	_ =	sdelay $0x1  }
0xa1: {  	s23 =	simm.s32 $0x1B8B  }
0xa2: {  	_ =	swait.ge [sflag:s23], $0x1  }
0xa3: {  	[sflag:s23] =	ssyncset.done $0x0  }
0xa4: {  	s25 =	simm.s32 $0x1B8E;
	s24 =	sld [smem:$0x3FFE];
	[sflag:s23] =	ssyncadd.s32 $0xFFFFFFFF  }
0xa5: {  	s26 =	simm.s32 $execute0_lowered;
	[smem:$0x3FD2] =	sst s25  }
0xa6: {  	s4 =	sshll.u32 s26, $0x1;
	_ =	strace $0x80000049;
	[dreg:$0x1] =	wrdreg $0xFFFFFFFF  }
0xa7: {  	s28 =	simm.s32 $_size_execute0_lowered;
	s2 =	sadd.s32 s2, s4;
	[dreg:$0x0] =	wrdreg $0x0  }
0xa8: {  	s4 =	sshll.u32 s28, $0x1;
	[dreg:$0x2] =	wrdreg s2  }
0xa9: {  	[dreg:$0x3] =	wrdreg s4  }
0xaa: {  	[dreg:$0x4] =	wrdreg $0xC0  }
0xab: {  	_ =	task [dreg:s6], $0x5FFFF  }
0xac: {  	[dreg:$0x1] =	wrdreg $0xFFFFFFFF  }
0xad: {  	[dreg:$0x0] =	wrdreg $0x60  }
0xae: {  	[dreg:$0x2] =	wrdreg s24  }
0xaf: {  	[dreg:$0x3] =	wrdreg $0x84000  }
0xb0: {  	[dreg:$0x4] =	wrdreg $0x9  }
0xb1: {  	_ =	task.clear_ibuf [dreg:s6], $0x5FFFF;
	_ =	strace $0x90000049  }
0xb2: {  	s29 =	simm.s32 $0x9;
	_ =	strace $0x8000004B  }
0xb3: {  	_ =	swait.ge [sflag:s29], $0x1  }
0xb4: {  	[sflag:s29] =	ssyncadd.s32 $0xFFFFFFFF  }
0xb5: {  	_ =	strace $0x9000004B  }
0xb6: {  	_ =	sfence  }
0xb7: {  	s30 =	sld [smem:$0x0];
	_ =	sdelay $0x2  }
0xb8: {  	s31 =	sshll.u32 s1, $0xD;
	s1 =	sshrl.u32 s1, $0x2  }
0xb9: {  	s3 =	sand.u32 $0x4000, s31;
	s1 =	sadd.s32 s1, s30  }
0xba: {  	s0 =	sor.u32 s3, s0;
	s1 =	sshll.u32 s1, $0x11  }
0xbb: {  	s0 =	sor.u32 s1, s0  }
0xbc: {  	s0 =	sadd.s32 $0x8F2B, s0  }
0xbd: {  	[sflag:s0] =	ssyncadd.remote.s32 $0x1  }
0xbe: {  	_ =	sfence.sel $0xFFFF  }
0xbf: {  	[dreg:$0x0] =	wrdreg $0xFFFFFFFF;
	(pc) =	sbr.abs _section_cstart, $3  }
0xc0: {  	[dreg:$0x1] =	wrdreg $0xFFFFFFFF  }
0xc1: {  	_ =	task.clear_ibuf [dreg:s6], $0x2FFFF;
	_ =	strace $0x9FFFFFFF  }
0xc2: {  	(tm) =	ssettm $0x7FFFFFFF  }
0xc3: {  	_ =	shalt  }
tec
execute0_lowered:
.L_overlay_start_1:
0x0: {  	(tag) =	ssettag $0x1  }
0x1: {  	s0 =	rddreg [dreg:$0x0]  }
0x2: {  	s1 =	rddreg [dreg:$0x1]  }
0x3: {  	s2 =	srdreg.scid;
	s3 =	simm.s32 $0x0;
	s11 =	stileid.u32  }
0x4: {  	s28 =	simm.s32 $0x200;
	s29 =	simm.s32 $0x2400;
	s30 =	simm.s32 $0x280  }
0x5: {  	s31 =	simm.s32 $0x6400;
	s2 =	sand.u32 $0x1, s2;
	s7 =	smul.u32 $0x13C00, s11  }
0x6: {  	[smem:$0x7FF] =	sst s3;
	s4 =	sadd.s32 $0x2A00, s0;
	s9 =	smul.u32 $0x4F000, s11  }
0x7: {  	s5 =	sadd.s32 $0x51A00, s0;
	s6 =	smul.u32 $0x13C000, s2;
	s8 =	sshll.u32 s2, $0x4  }
0x8: {  	_ =	strace $0x8000004A;
	s2 =	ssub.s32 $0x2, s2;
	s8 =	sor.u32 s11, s8  }
0x9: {  	s19 =	sshrl.u32 s9, $0x2;
	s21 =	sshrl.u32 s2, $0x1;
	s20 =	smul.u32 $0x9E, s8  }
0xa: {  	s7 =	sadd.s32 s7, s6;
	s6 =	sadd.s32 $0x1D8400, s0;
	s8 =	smul.u32 $0x2780, s8  }
0xb: {  	s2 =	ssub.s32 s2, s21;
	s10 =	sshrl.u32 s7, $0x3;
	s7 =	sadd.s32 s19, s1  }
0xc: {  	s23 =	smax.u32 s2, $0x1;
	s2 =	simm.s32 $0x300;
	s0 =	sadd.s32 s10, s0  }
0xd: {  	s22 =	sadd.s32 $0x12000, s7;
	s8 =	sadd.s32 s4, s8;
	s10 =	sor.u32 $0x1, s20  }
0xe: {  	s11 =	sadd.s32 $0x2, s20;
	[dreg:$0x6] =	wrdreg s23;
	s24 =	sadd.s32 $0x2000, s7  }
0xf: {  	s25 =	sadd.s32 $0x4000, s7;
	s26 =	sadd.s32 $0x6000, s7;
	[dreg:$0x3] =	wrdreg s22  }
0x10: {  	s17 =	sadd.s32 $0x8000, s7;
	s18 =	sadd.s32 $0xA000, s7;
	[dreg:$0x4] =	wrdreg s8  }
0x11: {  	s19 =	sadd.s32 $0xC000, s7;
	s20 =	sadd.s32 $0xE000, s7;
	[dreg:$0x7] =	wrdreg s24  }
0x12: {  	s21 =	sadd.s32 $0x10000, s7;
	s23 =	simm.s32 $0x3;
	[dreg:$0x8] =	wrdreg s25  }
0x13: {  	s0 =	sadd.s32 $0x398400, s0;
	[dreg:$0x9] =	wrdreg s26;
	s22 =	simm.s32 $0x400  }
0x14: {  	s24 =	simm.s32 $0x40;
	s25 =	simm.s32 $0x100;
	s26 =	simm.s32 $0x2  }
0x15: {  	v0 =	vimm.f32 $0.0e+00;
	s8 =	simm.s32 $0x0;
	[dreg:$0x5] =	wrdreg s0;
	s0 =	simm.s32 $0x1  }
.LBB2_1:
0x16: {  	s9 =	simm.s32 $0x0;
	s12 =	simm.s32 $0x200  }
.LBB2_2:
0x17: {  	p0 =	sne.s32 s12, $0x7E00;
	[tilespmem:s9+$0x470] =	vst v0  }
0x18: {  	[tilespmem:s9+$0x400] =	vst v0  }
0x19: {  	[tilespmem:s9+$0x410] =	vst v0  }
.Ltmp0:
0x1a: {  	[tilespmem:s9+$0x420] =	vst v0;
	(pc) =	sbr.rel @p0 .LBB2_2-.Ltmp0, $4  }
0x1b: {  	[tilespmem:s9+$0x430] =	vst v0  }
0x1c: {  	[tilespmem:s9+$0x440] =	vst v0  }
0x1d: {  	[tilespmem:s9+$0x450] =	vst v0  }
0x1e: {  	[tilespmem:s9+$0x460] =	vst v0;
	s9 =	sshra.s32 s12, $0x2;
	s12 =	sadd.s32 $0x200, s12  }
0x1f: {  	[tilespmem:s9+$0x470] =	vst v0  }
0x20: {  	[tilespmem:s9+$0x400] =	vst v0  }
0x21: {  	[tilespmem:s9+$0x410] =	vst v0  }
0x22: {  	[tilespmem:s9+$0x420] =	vst v0  }
0x23: {  	[tilespmem:s9+$0x430] =	vst v0  }
0x24: {  	[tilespmem:s9+$0x440] =	vst v0  }
0x25: {  	[tilespmem:s9+$0x450] =	vst v0  }
0x26: {  	[tilespmem:s9+$0x460] =	vst v0  }
0x27: {  	[spmem:s7] =	stream.linear.scatter [tilespmem:s22], [sflag:$0x3], $0x2000, $0x38;
	[tilespmem:$0x1C000] =	vst v63  }
0x28: {  	_ =	swait.ge [sflag:s23], $0x2000  }
0x29: {  	[sflag:s23] =	ssyncset.done $0x0  }
0x2a: {  	s12 =	rddreg [dreg:$0x7];
	[sflag:s23] =	ssyncadd.s32 $0xFFFFE000  }
0x2b: {  	[spmem:s12] =	stream.linear.scatter [tilespmem:s22], [sflag:$0x3], $0x2000, $0x38;
	[tilespmem:$0x1C000] =	vst v63  }
0x2c: {  	_ =	swait.ge [sflag:s23], $0x2000  }
0x2d: {  	[sflag:s23] =	ssyncset.done $0x0  }
0x2e: {  	s13 =	rddreg [dreg:$0x8];
	[sflag:s23] =	ssyncadd.s32 $0xFFFFE000  }
0x2f: {  	[spmem:s13] =	stream.linear.scatter [tilespmem:s22], [sflag:$0x3], $0x2000, $0x38;
	[tilespmem:$0x1C000] =	vst v63  }
0x30: {  	_ =	swait.ge [sflag:s23], $0x2000  }
0x31: {  	[sflag:s23] =	ssyncset.done $0x0  }
0x32: {  	s14 =	rddreg [dreg:$0x9];
	[sflag:s23] =	ssyncadd.s32 $0xFFFFE000  }
0x33: {  	[spmem:s14] =	stream.linear.scatter [tilespmem:s22], [sflag:$0x3], $0x2000, $0x38;
	[tilespmem:$0x1C000] =	vst v63  }
0x34: {  	_ =	swait.ge [sflag:s23], $0x2000  }
0x35: {  	[sflag:s23] =	ssyncset.done $0x0  }
0x36: {  	[sflag:s23] =	ssyncadd.s32 $0xFFFFE000  }
0x37: {  	[spmem:s17] =	stream.linear.scatter [tilespmem:s22], [sflag:$0x3], $0x2000, $0x38;
	[tilespmem:$0x1C000] =	vst v63  }
0x38: {  	_ =	swait.ge [sflag:s23], $0x2000  }
0x39: {  	[sflag:s23] =	ssyncset.done $0x0  }
0x3a: {  	[sflag:s23] =	ssyncadd.s32 $0xFFFFE000  }
0x3b: {  	[spmem:s18] =	stream.linear.scatter [tilespmem:s22], [sflag:$0x3], $0x2000, $0x38;
	[tilespmem:$0x1C000] =	vst v63  }
0x3c: {  	_ =	swait.ge [sflag:s23], $0x2000  }
0x3d: {  	[sflag:s23] =	ssyncset.done $0x0  }
0x3e: {  	[sflag:s23] =	ssyncadd.s32 $0xFFFFE000  }
0x3f: {  	[spmem:s19] =	stream.linear.scatter [tilespmem:s22], [sflag:$0x3], $0x2000, $0x38;
	[tilespmem:$0x1C000] =	vst v63  }
0x40: {  	_ =	swait.ge [sflag:s23], $0x2000  }
0x41: {  	[sflag:s23] =	ssyncset.done $0x0  }
0x42: {  	[sflag:s23] =	ssyncadd.s32 $0xFFFFE000  }
0x43: {  	[spmem:s20] =	stream.linear.scatter [tilespmem:s22], [sflag:$0x3], $0x2000, $0x38;
	[tilespmem:$0x1C000] =	vst v63  }
0x44: {  	_ =	swait.ge [sflag:s23], $0x2000  }
0x45: {  	[sflag:s23] =	ssyncset.done $0x0  }
0x46: {  	[sflag:s23] =	ssyncadd.s32 $0xFFFFE000  }
0x47: {  	[spmem:s21] =	stream.linear.scatter [tilespmem:s22], [sflag:$0x3], $0x2000, $0x38;
	[tilespmem:$0x1C000] =	vst v63  }
0x48: {  	_ =	swait.ge [sflag:s23], $0x2000  }
0x49: {  	[sflag:s23] =	ssyncset.done $0x0  }
0x4a: {  	s15 =	rddreg [dreg:$0x3];
	[sflag:s23] =	ssyncadd.s32 $0xFFFFE000  }
0x4b: {  	[spmem:s15] =	stream.linear.scatter [tilespmem:s22], [sflag:$0x3], $0x1C00, $0x38;
	[tilespmem:$0x1C000] =	vst v63  }
0x4c: {  	_ =	swait.ge [sflag:s23], $0x1C00  }
0x4d: {  	[sflag:s23] =	ssyncset.done $0x0  }
0x4e: {  	[sflag:s23] =	ssyncadd.s32 $0xFFFFE400  }
0x4f: {  	[bflag:$0x0] =	sbarrier.arrive $0xFFFF  }
0x50: {  	s9 =	simm.s32 $0x0;
	s12 =	rddreg [dreg:$0x4]  }
0x51: {  	[tilespmem:s9], [sflag:$0x3] =	stream.linear.gather [hbm4b:s12+s9], $0x180, $0x38;
	[tilespmem:$0x1C000] =	vst v63  }
0x52: {  	_ =	swait.ge [sflag:s23], $0x180  }
0x53: {  	[sflag:s23] =	ssyncset.done $0x0  }
0x54: {  	[sflag:s23] =	ssyncadd.s32 $0xFFFFFE80  }
0x55: {  	[tilespmem:s22], [sflag:$0x1] =	stream.indirect.gather [hbm4b:s5+s24], $0x80, s9, s24, $0xb8;
	[tilespmem:$0x1C000] =	vst v63  }
0x56: {  	s16 =	simm.s32 $0x80;
	s13 =	simm.s32 $0x4400  }
0x57: {  	[tilespmem:s13], [sflag:$0x1] =	stream.indirect.gather [hbm4b:s6+s24], $0x80, s16, s24, $0xb8;
	[tilespmem:$0x1C000] =	vst v63  }
.LBB2_4:
0x58: {  	s12 =	sshll.u32 s9, $0x1  }
0x59: {  	s13 =	sadd.s32 s12, s10  }
0x5a: {  	s13 =	sshll.u32 s13, $0x6  }
0x5b: {  	s13 =	sand.u32 $0x1FFFFFC0, s13  }
0x5c: {  	s13 =	sadd.s32 s4, s13  }
0x5d: {  	[tilespmem:s28], [sflag:$0x3] =	stream.linear.gather [hbm4b:s13+s3], $0x180, $0x38;
	[tilespmem:$0x1C000] =	vst v63  }
0x5e: {  	_ =	swait.ge [sflag:s23], $0x180  }
0x5f: {  	[sflag:s23] =	ssyncset.done $0x0  }
0x60: {  	[sflag:s23] =	ssyncadd.s32 $0xFFFFFE80  }
0x61: {  	[tilespmem:s29], [sflag:$0x2] =	stream.indirect.gather [hbm4b:s5+s24], $0x80, s28, s24, $0xb8;
	[tilespmem:$0x1C000] =	vst v63  }
0x62: {  	_ = 	snop  }
0x63: {  	[tilespmem:s31], [sflag:$0x2] =	stream.indirect.gather [hbm4b:s6+s24], $0x80, s30, s24, $0xb8;
	[tilespmem:$0x1C000] =	vst v63  }
0x64: {  	_ =	swait.ge [sflag:s0], $0x2000  }
0x65: {  	[sflag:s0] =	ssyncset.done $0x0  }
0x66: {  	[sflag:s0] =	ssyncadd.s32 $0xFFFFE000  }
0x67: {  	_ =	swait.ge [sflag:s0], $0x2000  }
0x68: {  	[sflag:s0] =	ssyncset.done $0x0  }
0x69: {  	s13 =	simm.s32 $0x500;
	[sflag:s0] =	ssyncadd.s32 $0xFFFFE000  }
0x6a: {  	s14 =	simm.s32 $0x4500;
	v1 =	vld [tilespmem:s13+$0x80]  }
0x6b: {  	v2 =	vld [tilespmem:s14+$0x80]  }
0x6c: {  	v3 =	vld [tilespmem:s13+$0xFFFFFF80]  }
0x6d: {  	v4 =	vld [tilespmem:s14+$0xFFFFFF80]  }
0x6e: {  	v5 =	vld [tilespmem:s13+$0x0]  }
0x6f: {  	v6 =	vld [tilespmem:s14+$0x0]  }
0x70: {  	v7 =	vld [tilespmem:s13+$0xFFFFFF00];
	v1 =	vmul.f32 v2, v1  }
0x71: {  	v2 =	vld [tilespmem:s14+$0xFFFFFF00]  }
0x72: {  	[tilespmem:s13+$0x80] =	vst v1;
	v1 =	vld [tilespmem:s13+$0x90]  }
0x73: {  	v3 =	vmul.f32 v4, v3;
	v4 =	vld [tilespmem:s14+$0x90]  }
0x74: {  	v8 =	vld [tilespmem:s13+$0xFFFFFF10]  }
0x75: {  	[tilespmem:s13+$0xFFFFFF80] =	vst v3;
	v3 =	vmul.f32 v6, v5;
	v5 =	vld [tilespmem:s13+$0xFFFFFF90]  }
0x76: {  	v6 =	vld [tilespmem:s14+$0xFFFFFF90];
	v2 =	vmul.f32 v2, v7  }
0x77: {  	[tilespmem:s13+$0x0] =	vst v3;
	v3 =	vld [tilespmem:s13+$0x10]  }
0x78: {  	v7 =	vld [tilespmem:s14+$0x10];
	[tilespmem:s13+$0xFFFFFF00] =	vst v2;
	v1 =	vmul.f32 v4, v1  }
0x79: {  	v2 =	vld [tilespmem:s14+$0xFFFFFF10]  }
0x7a: {  	[tilespmem:s13+$0x90] =	vst v1;
	v1 =	vld [tilespmem:s13+$0xA0]  }
0x7b: {  	v4 =	vmul.f32 v6, v5;
	v5 =	vld [tilespmem:s14+$0xA0]  }
0x7c: {  	v6 =	vld [tilespmem:s13+$0xFFFFFF20]  }
0x7d: {  	[tilespmem:s13+$0xFFFFFF90] =	vst v4;
	v3 =	vmul.f32 v7, v3;
	v4 =	vld [tilespmem:s13+$0xFFFFFFA0]  }
0x7e: {  	v7 =	vld [tilespmem:s14+$0xFFFFFFA0];
	v2 =	vmul.f32 v2, v8  }
0x7f: {  	[tilespmem:s13+$0x10] =	vst v3;
	v3 =	vld [tilespmem:s13+$0x20]  }
0x80: {  	v8 =	vld [tilespmem:s14+$0x20];
	[tilespmem:s13+$0xFFFFFF10] =	vst v2;
	v1 =	vmul.f32 v5, v1  }
0x81: {  	v2 =	vld [tilespmem:s14+$0xFFFFFF20]  }
0x82: {  	[tilespmem:s13+$0xA0] =	vst v1;
	v1 =	vld [tilespmem:s13+$0xB0]  }
0x83: {  	v4 =	vmul.f32 v7, v4;
	v5 =	vld [tilespmem:s14+$0xB0]  }
0x84: {  	v7 =	vld [tilespmem:s13+$0xFFFFFF30]  }
0x85: {  	[tilespmem:s13+$0xFFFFFFA0] =	vst v4;
	v3 =	vmul.f32 v8, v3;
	v4 =	vld [tilespmem:s13+$0xFFFFFFB0]  }
0x86: {  	v8 =	vld [tilespmem:s14+$0xFFFFFFB0];
	v2 =	vmul.f32 v2, v6  }
0x87: {  	[tilespmem:s13+$0x20] =	vst v3;
	v3 =	vld [tilespmem:s13+$0x30]  }
0x88: {  	v6 =	vld [tilespmem:s14+$0x30];
	[tilespmem:s13+$0xFFFFFF20] =	vst v2;
	v1 =	vmul.f32 v5, v1  }
0x89: {  	v2 =	vld [tilespmem:s14+$0xFFFFFF30]  }
0x8a: {  	[tilespmem:s13+$0xB0] =	vst v1;
	v1 =	vld [tilespmem:s13+$0xC0]  }
0x8b: {  	v4 =	vmul.f32 v8, v4;
	v5 =	vld [tilespmem:s14+$0xC0]  }
0x8c: {  	v8 =	vld [tilespmem:s13+$0xFFFFFF40]  }
0x8d: {  	[tilespmem:s13+$0xFFFFFFB0] =	vst v4;
	v3 =	vmul.f32 v6, v3;
	v4 =	vld [tilespmem:s13+$0xFFFFFFC0]  }
0x8e: {  	v6 =	vld [tilespmem:s14+$0xFFFFFFC0];
	v2 =	vmul.f32 v2, v7  }
0x8f: {  	[tilespmem:s13+$0x30] =	vst v3;
	v3 =	vld [tilespmem:s13+$0x40]  }
0x90: {  	v7 =	vld [tilespmem:s14+$0x40];
	[tilespmem:s13+$0xFFFFFF30] =	vst v2;
	v1 =	vmul.f32 v5, v1  }
0x91: {  	v2 =	vld [tilespmem:s14+$0xFFFFFF40]  }
0x92: {  	[tilespmem:s13+$0xC0] =	vst v1;
	v1 =	vld [tilespmem:s13+$0xD0]  }
0x93: {  	v4 =	vmul.f32 v6, v4;
	v5 =	vld [tilespmem:s14+$0xD0]  }
0x94: {  	v6 =	vld [tilespmem:s13+$0xFFFFFF50]  }
0x95: {  	[tilespmem:s13+$0xFFFFFFC0] =	vst v4;
	v3 =	vmul.f32 v7, v3;
	v4 =	vld [tilespmem:s13+$0xFFFFFFD0]  }
0x96: {  	v7 =	vld [tilespmem:s14+$0xFFFFFFD0];
	v2 =	vmul.f32 v2, v8  }
0x97: {  	[tilespmem:s13+$0x40] =	vst v3;
	v3 =	vld [tilespmem:s13+$0x50]  }
0x98: {  	v8 =	vld [tilespmem:s14+$0x50];
	[tilespmem:s13+$0xFFFFFF40] =	vst v2;
	v1 =	vmul.f32 v5, v1  }
0x99: {  	v2 =	vld [tilespmem:s14+$0xFFFFFF50]  }
0x9a: {  	[tilespmem:s13+$0xD0] =	vst v1;
	v1 =	vld [tilespmem:s13+$0xE0]  }
0x9b: {  	v4 =	vmul.f32 v7, v4;
	v5 =	vld [tilespmem:s14+$0xE0]  }
0x9c: {  	v7 =	vld [tilespmem:s13+$0xFFFFFF60]  }
0x9d: {  	[tilespmem:s13+$0xFFFFFFD0] =	vst v4;
	v3 =	vmul.f32 v8, v3;
	v4 =	vld [tilespmem:s13+$0xFFFFFFE0]  }
0x9e: {  	v8 =	vld [tilespmem:s14+$0xFFFFFFE0];
	v2 =	vmul.f32 v2, v6  }
0x9f: {  	[tilespmem:s13+$0x50] =	vst v3;
	v3 =	vld [tilespmem:s13+$0x60]  }
0xa0: {  	v6 =	vld [tilespmem:s14+$0x60];
	[tilespmem:s13+$0xFFFFFF50] =	vst v2;
	v1 =	vmul.f32 v5, v1  }
0xa1: {  	v5 =	vld [tilespmem:s14+$0xFFFFFF60]  }
0xa2: {  	v9 =	vld [tilespmem:s13+$0xF0];
	[tilespmem:s13+$0xE0] =	vst v1  }
0xa3: {  	v2 =	vmul.f32 v8, v4;
	v8 =	vld [tilespmem:s14+$0xF0]  }
0xa4: {  	v1 =	vld [tilespmem:s13+$0xFFFFFF70]  }
0xa5: {  	[tilespmem:s13+$0xFFFFFFE0] =	vst v2;
	v3 =	vmul.f32 v6, v3;
	v2 =	vld [tilespmem:s13+$0xFFFFFFF0]  }
0xa6: {  	v4 =	vld [tilespmem:s14+$0xFFFFFFF0];
	v5 =	vmul.f32 v5, v7  }
0xa7: {  	[tilespmem:s13+$0x60] =	vst v3;
	v3 =	vld [tilespmem:s13+$0x70]  }
0xa8: {  	[tilespmem:s13+$0xFFFFFF60] =	vst v5;
	v5 =	vld [tilespmem:s14+$0x70];
	v7 =	vmul.f32 v8, v9  }
0xa9: {  	s15 =	simm.s32 $0x0;
	s16 =	simm.s32 $0x700;
	v6 =	vld [tilespmem:s14+$0xFFFFFF70]  }
.LBB2_5:
0xaa: {  	v8 =	vld [tilespmem:s16+$0x80];
	[tilespmem:s13+$0xF0] =	vst v7;
	s14 =	sadd.s32 $0x200, s14  }
0xab: {  	s15 =	sadd.s32 $0x4, s15;
	v7 =	vld [tilespmem:s14+$0x80];
	v2 =	vmul.f32 v4, v2  }
0xac: {  	p0 =	slt.u32 s15, $0x3C;
	v4 =	vld [tilespmem:s14+$0xFFFFFF00]  }
0xad: {  	v9 =	vld [tilespmem:s16+$0xFFFFFF80];
	[tilespmem:s13+$0xFFFFFFF0] =	vst v2;
	v2 =	vmul.f32 v5, v3  }
0xae: {  	v3 =	vld [tilespmem:s14+$0xFFFFFF80];
	v1 =	vmul.f32 v6, v1  }
0xaf: {  	v5 =	vld [tilespmem:s16+$0x0];
	[tilespmem:s13+$0x70] =	vst v2  }
0xb0: {  	v2 =	vld [tilespmem:s14+$0x0];
	v6 =	vmul.f32 v7, v8;
	[tilespmem:s13+$0xFFFFFF70] =	vst v1;
	s13 =	smov.u32 s16  }
0xb1: {  	v1 =	vld [tilespmem:s16+$0xFFFFFF00]  }
0xb2: {  	[tilespmem:s16+$0x80] =	vst v6;
	v6 =	vld [tilespmem:s16+$0x90]  }
0xb3: {  	v3 =	vmul.f32 v3, v9;
	v7 =	vld [tilespmem:s14+$0x90]  }
0xb4: {  	v8 =	vld [tilespmem:s16+$0xFFFFFF10]  }
0xb5: {  	[tilespmem:s16+$0xFFFFFF80] =	vst v3;
	v3 =	vld [tilespmem:s16+$0xFFFFFF90];
	v2 =	vmul.f32 v2, v5  }
0xb6: {  	v1 =	vmul.f32 v4, v1;
	v4 =	vld [tilespmem:s14+$0xFFFFFF90]  }
0xb7: {  	[tilespmem:s16+$0x0] =	vst v2;
	v2 =	vld [tilespmem:s16+$0x10]  }
0xb8: {  	[tilespmem:s16+$0xFFFFFF00] =	vst v1;
	v1 =	vld [tilespmem:s14+$0x10];
	v5 =	vmul.f32 v7, v6  }
0xb9: {  	v6 =	vld [tilespmem:s14+$0xFFFFFF10]  }
0xba: {  	[tilespmem:s16+$0x90] =	vst v5;
	v5 =	vld [tilespmem:s16+$0xA0]  }
0xbb: {  	v3 =	vmul.f32 v4, v3;
	v4 =	vld [tilespmem:s14+$0xA0]  }
0xbc: {  	v7 =	vld [tilespmem:s16+$0xFFFFFF20]  }
0xbd: {  	[tilespmem:s16+$0xFFFFFF90] =	vst v3;
	v3 =	vld [tilespmem:s16+$0xFFFFFFA0];
	v1 =	vmul.f32 v1, v2  }
0xbe: {  	v2 =	vmul.f32 v6, v8;
	v6 =	vld [tilespmem:s14+$0xFFFFFFA0]  }
0xbf: {  	[tilespmem:s16+$0x10] =	vst v1;
	v1 =	vld [tilespmem:s16+$0x20]  }
0xc0: {  	[tilespmem:s16+$0xFFFFFF10] =	vst v2;
	v2 =	vld [tilespmem:s14+$0x20];
	v4 =	vmul.f32 v4, v5  }
0xc1: {  	v5 =	vld [tilespmem:s14+$0xFFFFFF20]  }
0xc2: {  	[tilespmem:s16+$0xA0] =	vst v4;
	v4 =	vld [tilespmem:s16+$0xB0]  }
0xc3: {  	v3 =	vmul.f32 v6, v3;
	v6 =	vld [tilespmem:s14+$0xB0]  }
0xc4: {  	v8 =	vld [tilespmem:s16+$0xFFFFFF30]  }
0xc5: {  	[tilespmem:s16+$0xFFFFFFA0] =	vst v3;
	v3 =	vld [tilespmem:s16+$0xFFFFFFB0];
	v1 =	vmul.f32 v2, v1  }
0xc6: {  	v2 =	vmul.f32 v5, v7;
	v5 =	vld [tilespmem:s14+$0xFFFFFFB0]  }
0xc7: {  	[tilespmem:s16+$0x20] =	vst v1;
	v1 =	vld [tilespmem:s16+$0x30]  }
0xc8: {  	[tilespmem:s16+$0xFFFFFF20] =	vst v2;
	v2 =	vld [tilespmem:s14+$0x30];
	v4 =	vmul.f32 v6, v4  }
0xc9: {  	v6 =	vld [tilespmem:s14+$0xFFFFFF30]  }
0xca: {  	[tilespmem:s16+$0xB0] =	vst v4;
	v4 =	vld [tilespmem:s16+$0xC0]  }
0xcb: {  	v3 =	vmul.f32 v5, v3;
	v5 =	vld [tilespmem:s14+$0xC0]  }
0xcc: {  	v7 =	vld [tilespmem:s16+$0xFFFFFF40]  }
0xcd: {  	[tilespmem:s16+$0xFFFFFFB0] =	vst v3;
	v3 =	vld [tilespmem:s16+$0xFFFFFFC0];
	v1 =	vmul.f32 v2, v1  }
0xce: {  	v2 =	vmul.f32 v6, v8;
	v6 =	vld [tilespmem:s14+$0xFFFFFFC0]  }
0xcf: {  	[tilespmem:s16+$0x30] =	vst v1;
	v1 =	vld [tilespmem:s16+$0x40]  }
0xd0: {  	[tilespmem:s16+$0xFFFFFF30] =	vst v2;
	v2 =	vld [tilespmem:s14+$0x40];
	v4 =	vmul.f32 v5, v4  }
0xd1: {  	v5 =	vld [tilespmem:s14+$0xFFFFFF40]  }
0xd2: {  	[tilespmem:s16+$0xC0] =	vst v4;
	v4 =	vld [tilespmem:s16+$0xD0]  }
0xd3: {  	v3 =	vmul.f32 v6, v3;
	v6 =	vld [tilespmem:s14+$0xD0]  }
0xd4: {  	v8 =	vld [tilespmem:s16+$0xFFFFFF50]  }
0xd5: {  	[tilespmem:s16+$0xFFFFFFC0] =	vst v3;
	v3 =	vld [tilespmem:s16+$0xFFFFFFD0];
	v1 =	vmul.f32 v2, v1  }
0xd6: {  	v2 =	vmul.f32 v5, v7;
	v5 =	vld [tilespmem:s14+$0xFFFFFFD0]  }
0xd7: {  	[tilespmem:s16+$0x40] =	vst v1;
	v1 =	vld [tilespmem:s16+$0x50]  }
0xd8: {  	[tilespmem:s16+$0xFFFFFF40] =	vst v2;
	v2 =	vld [tilespmem:s14+$0x50];
	v4 =	vmul.f32 v6, v4  }
0xd9: {  	v6 =	vld [tilespmem:s14+$0xFFFFFF50]  }
0xda: {  	[tilespmem:s16+$0xD0] =	vst v4;
	v4 =	vld [tilespmem:s16+$0xE0]  }
0xdb: {  	v3 =	vmul.f32 v5, v3;
	v5 =	vld [tilespmem:s14+$0xE0]  }
0xdc: {  	v7 =	vld [tilespmem:s16+$0xFFFFFF60]  }
0xdd: {  	[tilespmem:s16+$0xFFFFFFD0] =	vst v3;
	v3 =	vld [tilespmem:s16+$0xFFFFFFE0];
	v1 =	vmul.f32 v2, v1  }
0xde: {  	v2 =	vmul.f32 v6, v8;
	v6 =	vld [tilespmem:s14+$0xFFFFFFE0]  }
0xdf: {  	[tilespmem:s16+$0x50] =	vst v1;
	v8 =	vld [tilespmem:s16+$0x60]  }
0xe0: {  	[tilespmem:s16+$0xFFFFFF50] =	vst v2;
	v9 =	vld [tilespmem:s14+$0x60];
	v1 =	vmul.f32 v5, v4  }
0xe1: {  	v4 =	vld [tilespmem:s14+$0xFFFFFF60]  }
0xe2: {  	[tilespmem:s16+$0xE0] =	vst v1;
	v10 =	vld [tilespmem:s16+$0xF0]  }
0xe3: {  	v2 =	vmul.f32 v6, v3;
	v6 =	vld [tilespmem:s14+$0xF0]  }
0xe4: {  	v1 =	vld [tilespmem:s16+$0xFFFFFF70]  }
.Ltmp1:
0xe5: {  	[tilespmem:s16+$0xFFFFFFE0] =	vst v2;
	v2 =	vld [tilespmem:s16+$0xFFFFFFF0];
	v3 =	vmul.f32 v9, v8;
	(pc) =	sbr.rel @p0 .LBB2_5-.Ltmp1, $4  }
0xe6: {  	v5 =	vmul.f32 v4, v7;
	v4 =	vld [tilespmem:s14+$0xFFFFFFF0]  }
0xe7: {  	[tilespmem:s16+$0x60] =	vst v3;
	v3 =	vld [tilespmem:s16+$0x70]  }
0xe8: {  	[tilespmem:s16+$0xFFFFFF60] =	vst v5;
	v5 =	vld [tilespmem:s14+$0x70];
	v7 =	vmul.f32 v6, v10  }
0xe9: {  	s16 =	sadd.s32 $0x200, s16;
	v6 =	vld [tilespmem:s14+$0xFFFFFF70]  }
0xea: {  	_ =	sdelay $0x1  }
0xeb: {  	v2 =	vmul.f32 v4, v2  }
0xec: {  	[tilespmem:s13+$0xF0] =	vst v7;
	v3 =	vmul.f32 v5, v3  }
0xed: {  	[tilespmem:s13+$0xFFFFFFF0] =	vst v2;
	v1 =	vmul.f32 v6, v1  }
0xee: {  	p0 =	seq.s32 s9, $0x4E;
	[tilespmem:s13+$0x70] =	vst v3  }
0xef: {  	s12 =	sadd.s32 @!p0 s12, s11;
	[tilespmem:s13+$0xFFFFFF70] =	vst v1  }
0xf0: {  	[spmem:s1] =	stream.indirect.scatter.add.f32 [tilespmem:s22], [sflag:$0x3], $0x80, s25, s24, $0xb8;
	[tilespmem:$0x1C000] =	vst v63  }
0xf1: {  	s12 =	sshll.u32 @!p0 s12, $0x6;
	_ =	swait.ge [sflag:s23], $0x2000  }
0xf2: {  	s12 =	sand.u32 @!p0 $0x1FFFFF80, s12;
	[sflag:s23] =	ssyncset.done $0x0  }
0xf3: {  	s12 =	sadd.s32 @!p0 s4, s12;
	s13 =	simm.s32 @!p0 $0x0;
	[sflag:s23] =	ssyncadd.s32 $0xFFFFE000  }
0xf4: {  	[tilespmem:s13], [sflag:$0x3] =	stream.linear.gather @!p0 [hbm4b:s12+s13], $0x180, $0x38;
	[tilespmem:$0x1C000] =	vst v63  }
0xf5: {  	s12 =	simm.s32 @!p0 $0x3  }
0xf6: {  	_ =	swait.ge @!p0 [sflag:s12], $0x180  }
0xf7: {  	[sflag:s12] =	ssyncset.done @!p0 $0x0  }
0xf8: {  	s14 =	simm.s32 @!p0 $0x400;
	[sflag:s12] =	ssyncadd.s32 @!p0 $0xFFFFFE80;
	s12 =	simm.s32 @!p0 $0x40  }
0xf9: {  	[tilespmem:s14], [sflag:$0x1] =	stream.indirect.gather @!p0 [hbm4b:s5+s12], $0x80, s13, s12, $0xb8;
	[tilespmem:$0x1C000] =	vst v63  }
0xfa: {  	s13 =	simm.s32 @!p0 $0x80;
	s14 =	simm.s32 @!p0 $0x4400  }
0xfb: {  	[tilespmem:s14], [sflag:$0x1] =	stream.indirect.gather @!p0 [hbm4b:s6+s12], $0x80, s13, s12, $0xb8;
	[tilespmem:$0x1C000] =	vst v63  }
0xfc: {  	_ =	swait.ge [sflag:s26], $0x2000  }
0xfd: {  	[sflag:s26] =	ssyncset.done $0x0  }
0xfe: {  	[sflag:s26] =	ssyncadd.s32 $0xFFFFE000  }
0xff: {  	_ =	swait.ge [sflag:s26], $0x2000  }
0x100: {  	[sflag:s26] =	ssyncset.done $0x0  }
0x101: {  	s12 =	simm.s32 $0x2500;
	[sflag:s26] =	ssyncadd.s32 $0xFFFFE000  }
0x102: {  	s13 =	simm.s32 $0x6500;
	v1 =	vld [tilespmem:s12+$0x80]  }
0x103: {  	v2 =	vld [tilespmem:s13+$0x80]  }
0x104: {  	v3 =	vld [tilespmem:s12+$0xFFFFFF80]  }
0x105: {  	v4 =	vld [tilespmem:s13+$0xFFFFFF80]  }
0x106: {  	v5 =	vld [tilespmem:s12+$0x0]  }
0x107: {  	v6 =	vld [tilespmem:s13+$0x0]  }
0x108: {  	v7 =	vld [tilespmem:s12+$0xFFFFFF00];
	v1 =	vmul.f32 v2, v1  }
0x109: {  	v2 =	vld [tilespmem:s13+$0xFFFFFF00]  }
0x10a: {  	[tilespmem:s12+$0x80] =	vst v1;
	v1 =	vld [tilespmem:s12+$0x90]  }
0x10b: {  	v3 =	vmul.f32 v4, v3;
	v4 =	vld [tilespmem:s13+$0x90]  }
0x10c: {  	v8 =	vld [tilespmem:s12+$0xFFFFFF10]  }
0x10d: {  	[tilespmem:s12+$0xFFFFFF80] =	vst v3;
	v3 =	vmul.f32 v6, v5;
	v5 =	vld [tilespmem:s12+$0xFFFFFF90]  }
0x10e: {  	v6 =	vld [tilespmem:s13+$0xFFFFFF90];
	v2 =	vmul.f32 v2, v7  }
0x10f: {  	[tilespmem:s12+$0x0] =	vst v3;
	v3 =	vld [tilespmem:s12+$0x10]  }
0x110: {  	v7 =	vld [tilespmem:s13+$0x10];
	[tilespmem:s12+$0xFFFFFF00] =	vst v2;
	v1 =	vmul.f32 v4, v1  }
0x111: {  	v2 =	vld [tilespmem:s13+$0xFFFFFF10]  }
0x112: {  	[tilespmem:s12+$0x90] =	vst v1;
	v1 =	vld [tilespmem:s12+$0xA0]  }
0x113: {  	v4 =	vmul.f32 v6, v5;
	v5 =	vld [tilespmem:s13+$0xA0]  }
0x114: {  	v6 =	vld [tilespmem:s12+$0xFFFFFF20]  }
0x115: {  	[tilespmem:s12+$0xFFFFFF90] =	vst v4;
	v3 =	vmul.f32 v7, v3;
	v4 =	vld [tilespmem:s12+$0xFFFFFFA0]  }
0x116: {  	v7 =	vld [tilespmem:s13+$0xFFFFFFA0];
	v2 =	vmul.f32 v2, v8  }
0x117: {  	[tilespmem:s12+$0x10] =	vst v3;
	v3 =	vld [tilespmem:s12+$0x20]  }
0x118: {  	v8 =	vld [tilespmem:s13+$0x20];
	[tilespmem:s12+$0xFFFFFF10] =	vst v2;
	v1 =	vmul.f32 v5, v1  }
0x119: {  	v2 =	vld [tilespmem:s13+$0xFFFFFF20]  }
0x11a: {  	[tilespmem:s12+$0xA0] =	vst v1;
	v1 =	vld [tilespmem:s12+$0xB0]  }
0x11b: {  	v4 =	vmul.f32 v7, v4;
	v5 =	vld [tilespmem:s13+$0xB0]  }
0x11c: {  	v7 =	vld [tilespmem:s12+$0xFFFFFF30]  }
0x11d: {  	[tilespmem:s12+$0xFFFFFFA0] =	vst v4;
	v3 =	vmul.f32 v8, v3;
	v4 =	vld [tilespmem:s12+$0xFFFFFFB0]  }
0x11e: {  	v8 =	vld [tilespmem:s13+$0xFFFFFFB0];
	v2 =	vmul.f32 v2, v6  }
0x11f: {  	[tilespmem:s12+$0x20] =	vst v3;
	v3 =	vld [tilespmem:s12+$0x30]  }
0x120: {  	v6 =	vld [tilespmem:s13+$0x30];
	[tilespmem:s12+$0xFFFFFF20] =	vst v2;
	v1 =	vmul.f32 v5, v1  }
0x121: {  	v2 =	vld [tilespmem:s13+$0xFFFFFF30]  }
0x122: {  	[tilespmem:s12+$0xB0] =	vst v1;
	v1 =	vld [tilespmem:s12+$0xC0]  }
0x123: {  	v4 =	vmul.f32 v8, v4;
	v5 =	vld [tilespmem:s13+$0xC0]  }
0x124: {  	v8 =	vld [tilespmem:s12+$0xFFFFFF40]  }
0x125: {  	[tilespmem:s12+$0xFFFFFFB0] =	vst v4;
	v3 =	vmul.f32 v6, v3;
	v4 =	vld [tilespmem:s12+$0xFFFFFFC0]  }
0x126: {  	v6 =	vld [tilespmem:s13+$0xFFFFFFC0];
	v2 =	vmul.f32 v2, v7  }
0x127: {  	[tilespmem:s12+$0x30] =	vst v3;
	v3 =	vld [tilespmem:s12+$0x40]  }
0x128: {  	v7 =	vld [tilespmem:s13+$0x40];
	[tilespmem:s12+$0xFFFFFF30] =	vst v2;
	v1 =	vmul.f32 v5, v1  }
0x129: {  	v2 =	vld [tilespmem:s13+$0xFFFFFF40]  }
0x12a: {  	[tilespmem:s12+$0xC0] =	vst v1;
	v1 =	vld [tilespmem:s12+$0xD0]  }
0x12b: {  	v4 =	vmul.f32 v6, v4;
	v5 =	vld [tilespmem:s13+$0xD0]  }
0x12c: {  	v6 =	vld [tilespmem:s12+$0xFFFFFF50]  }
0x12d: {  	[tilespmem:s12+$0xFFFFFFC0] =	vst v4;
	v3 =	vmul.f32 v7, v3;
	v4 =	vld [tilespmem:s12+$0xFFFFFFD0]  }
0x12e: {  	v7 =	vld [tilespmem:s13+$0xFFFFFFD0];
	v2 =	vmul.f32 v2, v8  }
0x12f: {  	[tilespmem:s12+$0x40] =	vst v3;
	v3 =	vld [tilespmem:s12+$0x50]  }
0x130: {  	v8 =	vld [tilespmem:s13+$0x50];
	[tilespmem:s12+$0xFFFFFF40] =	vst v2;
	v1 =	vmul.f32 v5, v1  }
0x131: {  	v2 =	vld [tilespmem:s13+$0xFFFFFF50]  }
0x132: {  	[tilespmem:s12+$0xD0] =	vst v1;
	v1 =	vld [tilespmem:s12+$0xE0]  }
0x133: {  	v4 =	vmul.f32 v7, v4;
	v5 =	vld [tilespmem:s13+$0xE0]  }
0x134: {  	v7 =	vld [tilespmem:s12+$0xFFFFFF60]  }
0x135: {  	[tilespmem:s12+$0xFFFFFFD0] =	vst v4;
	v3 =	vmul.f32 v8, v3;
	v4 =	vld [tilespmem:s12+$0xFFFFFFE0]  }
0x136: {  	v8 =	vld [tilespmem:s13+$0xFFFFFFE0];
	v2 =	vmul.f32 v2, v6  }
0x137: {  	[tilespmem:s12+$0x50] =	vst v3;
	v3 =	vld [tilespmem:s12+$0x60]  }
0x138: {  	v6 =	vld [tilespmem:s13+$0x60];
	[tilespmem:s12+$0xFFFFFF50] =	vst v2;
	v1 =	vmul.f32 v5, v1  }
0x139: {  	v5 =	vld [tilespmem:s13+$0xFFFFFF60]  }
0x13a: {  	v9 =	vld [tilespmem:s12+$0xF0];
	[tilespmem:s12+$0xE0] =	vst v1  }
0x13b: {  	v2 =	vmul.f32 v8, v4;
	v8 =	vld [tilespmem:s13+$0xF0]  }
0x13c: {  	v1 =	vld [tilespmem:s12+$0xFFFFFF70]  }
0x13d: {  	[tilespmem:s12+$0xFFFFFFE0] =	vst v2;
	v3 =	vmul.f32 v6, v3;
	v2 =	vld [tilespmem:s12+$0xFFFFFFF0]  }
0x13e: {  	v4 =	vld [tilespmem:s13+$0xFFFFFFF0];
	v5 =	vmul.f32 v5, v7  }
0x13f: {  	[tilespmem:s12+$0x60] =	vst v3;
	v3 =	vld [tilespmem:s12+$0x70]  }
0x140: {  	[tilespmem:s12+$0xFFFFFF60] =	vst v5;
	v5 =	vld [tilespmem:s13+$0x70];
	v7 =	vmul.f32 v8, v9  }
0x141: {  	s15 =	simm.s32 $0x2700;
	s14 =	simm.s32 $0x0;
	v6 =	vld [tilespmem:s13+$0xFFFFFF70]  }
.LBB2_7:
0x142: {  	v8 =	vld [tilespmem:s15+$0x80];
	[tilespmem:s12+$0xF0] =	vst v7;
	s13 =	sadd.s32 $0x200, s13  }
0x143: {  	s14 =	sadd.s32 $0x4, s14;
	v7 =	vld [tilespmem:s13+$0x80];
	v2 =	vmul.f32 v4, v2  }
0x144: {  	p0 =	slt.u32 s14, $0x3C;
	v4 =	vld [tilespmem:s13+$0xFFFFFF00]  }
0x145: {  	v9 =	vld [tilespmem:s15+$0xFFFFFF80];
	[tilespmem:s12+$0xFFFFFFF0] =	vst v2;
	v2 =	vmul.f32 v5, v3  }
0x146: {  	v3 =	vld [tilespmem:s13+$0xFFFFFF80];
	v1 =	vmul.f32 v6, v1  }
0x147: {  	v5 =	vld [tilespmem:s15+$0x0];
	[tilespmem:s12+$0x70] =	vst v2  }
0x148: {  	v2 =	vld [tilespmem:s13+$0x0];
	v6 =	vmul.f32 v7, v8;
	[tilespmem:s12+$0xFFFFFF70] =	vst v1;
	s12 =	smov.u32 s15  }
0x149: {  	v1 =	vld [tilespmem:s15+$0xFFFFFF00]  }
0x14a: {  	[tilespmem:s15+$0x80] =	vst v6;
	v6 =	vld [tilespmem:s15+$0x90]  }
0x14b: {  	v3 =	vmul.f32 v3, v9;
	v7 =	vld [tilespmem:s13+$0x90]  }
0x14c: {  	v8 =	vld [tilespmem:s15+$0xFFFFFF10]  }
0x14d: {  	[tilespmem:s15+$0xFFFFFF80] =	vst v3;
	v3 =	vld [tilespmem:s15+$0xFFFFFF90];
	v2 =	vmul.f32 v2, v5  }
0x14e: {  	v1 =	vmul.f32 v4, v1;
	v4 =	vld [tilespmem:s13+$0xFFFFFF90]  }
0x14f: {  	[tilespmem:s15+$0x0] =	vst v2;
	v2 =	vld [tilespmem:s15+$0x10]  }
0x150: {  	[tilespmem:s15+$0xFFFFFF00] =	vst v1;
	v1 =	vld [tilespmem:s13+$0x10];
	v5 =	vmul.f32 v7, v6  }
0x151: {  	v6 =	vld [tilespmem:s13+$0xFFFFFF10]  }
0x152: {  	[tilespmem:s15+$0x90] =	vst v5;
	v5 =	vld [tilespmem:s15+$0xA0]  }
0x153: {  	v3 =	vmul.f32 v4, v3;
	v4 =	vld [tilespmem:s13+$0xA0]  }
0x154: {  	v7 =	vld [tilespmem:s15+$0xFFFFFF20]  }
0x155: {  	[tilespmem:s15+$0xFFFFFF90] =	vst v3;
	v3 =	vld [tilespmem:s15+$0xFFFFFFA0];
	v1 =	vmul.f32 v1, v2  }
0x156: {  	v2 =	vmul.f32 v6, v8;
	v6 =	vld [tilespmem:s13+$0xFFFFFFA0]  }
0x157: {  	[tilespmem:s15+$0x10] =	vst v1;
	v1 =	vld [tilespmem:s15+$0x20]  }
0x158: {  	[tilespmem:s15+$0xFFFFFF10] =	vst v2;
	v2 =	vld [tilespmem:s13+$0x20];
	v4 =	vmul.f32 v4, v5  }
0x159: {  	v5 =	vld [tilespmem:s13+$0xFFFFFF20]  }
0x15a: {  	[tilespmem:s15+$0xA0] =	vst v4;
	v4 =	vld [tilespmem:s15+$0xB0]  }
0x15b: {  	v3 =	vmul.f32 v6, v3;
	v6 =	vld [tilespmem:s13+$0xB0]  }
0x15c: {  	v8 =	vld [tilespmem:s15+$0xFFFFFF30]  }
0x15d: {  	[tilespmem:s15+$0xFFFFFFA0] =	vst v3;
	v3 =	vld [tilespmem:s15+$0xFFFFFFB0];
	v1 =	vmul.f32 v2, v1  }
0x15e: {  	v2 =	vmul.f32 v5, v7;
	v5 =	vld [tilespmem:s13+$0xFFFFFFB0]  }
0x15f: {  	[tilespmem:s15+$0x20] =	vst v1;
	v1 =	vld [tilespmem:s15+$0x30]  }
0x160: {  	[tilespmem:s15+$0xFFFFFF20] =	vst v2;
	v2 =	vld [tilespmem:s13+$0x30];
	v4 =	vmul.f32 v6, v4  }
0x161: {  	v6 =	vld [tilespmem:s13+$0xFFFFFF30]  }
0x162: {  	[tilespmem:s15+$0xB0] =	vst v4;
	v4 =	vld [tilespmem:s15+$0xC0]  }
0x163: {  	v3 =	vmul.f32 v5, v3;
	v5 =	vld [tilespmem:s13+$0xC0]  }
0x164: {  	v7 =	vld [tilespmem:s15+$0xFFFFFF40]  }
0x165: {  	[tilespmem:s15+$0xFFFFFFB0] =	vst v3;
	v3 =	vld [tilespmem:s15+$0xFFFFFFC0];
	v1 =	vmul.f32 v2, v1  }
0x166: {  	v2 =	vmul.f32 v6, v8;
	v6 =	vld [tilespmem:s13+$0xFFFFFFC0]  }
0x167: {  	[tilespmem:s15+$0x30] =	vst v1;
	v1 =	vld [tilespmem:s15+$0x40]  }
0x168: {  	[tilespmem:s15+$0xFFFFFF30] =	vst v2;
	v2 =	vld [tilespmem:s13+$0x40];
	v4 =	vmul.f32 v5, v4  }
0x169: {  	v5 =	vld [tilespmem:s13+$0xFFFFFF40]  }
0x16a: {  	[tilespmem:s15+$0xC0] =	vst v4;
	v4 =	vld [tilespmem:s15+$0xD0]  }
0x16b: {  	v3 =	vmul.f32 v6, v3;
	v6 =	vld [tilespmem:s13+$0xD0]  }
0x16c: {  	v8 =	vld [tilespmem:s15+$0xFFFFFF50]  }
0x16d: {  	[tilespmem:s15+$0xFFFFFFC0] =	vst v3;
	v3 =	vld [tilespmem:s15+$0xFFFFFFD0];
	v1 =	vmul.f32 v2, v1  }
0x16e: {  	v2 =	vmul.f32 v5, v7;
	v5 =	vld [tilespmem:s13+$0xFFFFFFD0]  }
0x16f: {  	[tilespmem:s15+$0x40] =	vst v1;
	v1 =	vld [tilespmem:s15+$0x50]  }
0x170: {  	[tilespmem:s15+$0xFFFFFF40] =	vst v2;
	v2 =	vld [tilespmem:s13+$0x50];
	v4 =	vmul.f32 v6, v4  }
0x171: {  	v6 =	vld [tilespmem:s13+$0xFFFFFF50]  }
0x172: {  	[tilespmem:s15+$0xD0] =	vst v4;
	v4 =	vld [tilespmem:s15+$0xE0]  }
0x173: {  	v3 =	vmul.f32 v5, v3;
	v5 =	vld [tilespmem:s13+$0xE0]  }
0x174: {  	v7 =	vld [tilespmem:s15+$0xFFFFFF60]  }
0x175: {  	[tilespmem:s15+$0xFFFFFFD0] =	vst v3;
	v3 =	vld [tilespmem:s15+$0xFFFFFFE0];
	v1 =	vmul.f32 v2, v1  }
0x176: {  	v2 =	vmul.f32 v6, v8;
	v6 =	vld [tilespmem:s13+$0xFFFFFFE0]  }
0x177: {  	[tilespmem:s15+$0x50] =	vst v1;
	v8 =	vld [tilespmem:s15+$0x60]  }
0x178: {  	[tilespmem:s15+$0xFFFFFF50] =	vst v2;
	v9 =	vld [tilespmem:s13+$0x60];
	v1 =	vmul.f32 v5, v4  }
0x179: {  	v4 =	vld [tilespmem:s13+$0xFFFFFF60]  }
0x17a: {  	[tilespmem:s15+$0xE0] =	vst v1;
	v10 =	vld [tilespmem:s15+$0xF0]  }
0x17b: {  	v2 =	vmul.f32 v6, v3;
	v6 =	vld [tilespmem:s13+$0xF0]  }
0x17c: {  	v1 =	vld [tilespmem:s15+$0xFFFFFF70]  }
.Ltmp2:
0x17d: {  	[tilespmem:s15+$0xFFFFFFE0] =	vst v2;
	v2 =	vld [tilespmem:s15+$0xFFFFFFF0];
	v3 =	vmul.f32 v9, v8;
	(pc) =	sbr.rel @p0 .LBB2_7-.Ltmp2, $4  }
0x17e: {  	v5 =	vmul.f32 v4, v7;
	v4 =	vld [tilespmem:s13+$0xFFFFFFF0]  }
0x17f: {  	[tilespmem:s15+$0x60] =	vst v3;
	v3 =	vld [tilespmem:s15+$0x70]  }
0x180: {  	[tilespmem:s15+$0xFFFFFF60] =	vst v5;
	v5 =	vld [tilespmem:s13+$0x70];
	v7 =	vmul.f32 v6, v10  }
0x181: {  	s15 =	sadd.s32 $0x200, s15;
	v6 =	vld [tilespmem:s13+$0xFFFFFF70]  }
0x182: {  	_ =	sdelay $0x1  }
0x183: {  	v2 =	vmul.f32 v4, v2  }
0x184: {  	[tilespmem:s12+$0xF0] =	vst v7;
	v3 =	vmul.f32 v5, v3  }
0x185: {  	s9 =	sadd.s32 $0x1, s9;
	[tilespmem:s12+$0xFFFFFFF0] =	vst v2;
	v1 =	vmul.f32 v6, v1  }
0x186: {  	p0 =	sne.s32 s9, $0x4F;
	[tilespmem:s12+$0x70] =	vst v3  }
.Ltmp3:
0x187: {  	[tilespmem:s12+$0xFFFFFF70] =	vst v1;
	(pc) =	sbr.rel @p0 .LBB2_4-.Ltmp3, $4  }
0x188: {  	[spmem:s1] =	stream.indirect.scatter.add.f32 [tilespmem:s29], [sflag:$0x3], $0x80, s2, s24, $0xb8;
	[tilespmem:$0x1C000] =	vst v63  }
0x189: {  	_ =	swait.ge [sflag:s23], $0x2000  }
0x18a: {  	[sflag:s23] =	ssyncset.done $0x0  }
0x18b: {  	[sflag:s23] =	ssyncadd.s32 $0xFFFFE000  }
0x18c: {  	s9 =	stileid.u32  }
0x18d: {  	[bflag:$0x0] =	sbarrier.arrive $0xFFFF;
	s9 =	sshll.u32 s9, $0x6  }
0x18e: {  	s12 =	sshrl.u32 s7, $0x3;
	s13 =	rddreg [dreg:$0x5];
	s9 =	sor.u32 $0x1C03, s9  }
0x18f: {  	[hbm:s13], [sflag:s9] =	dma.local [spmem:s12], $0x2780  }
0x190: {  	_ =	swait.ge [sflag:s23], $0x2780  }
0x191: {  	s8 =	sadd.s32 $0x1, s8;
	s16 =	rddreg [dreg:$0x6]  }
0x192: {  	p0 =	sne.s32 s8, s16  }
.Ltmp4:
0x193: {  	_ = 	snop;
	(pc) =	sbr.rel @p0 .LBB2_1-.Ltmp4, $3  }
0x194: {  	_ =	sdelay $0x1  }
0x195: {  	[sflag:s23] =	ssyncset.done $0x0  }
0x196: {  	[sflag:s23] =	ssyncadd.s32 $0xFFFFD880  }
0x197: {  	_ =	sfence.sel $0x180000  }
0x198: {  	[bflag:$0x0] =	sbarrier.arrive $0xFFFF  }
0x199: {  	_ =	strace $0x9000004A  }
0x19a: {  	s0 =	stileid.u32;
	[bflag:$0x2] =	sbarrier.arrive $0xFFFF  }
0x19b: {  	p0 =	sne.s32 s0, $0x0;
	s0 =	rddreg [dreg:$0x2]  }
0x19c: {  	s0 =	sadd.s32 @!p0 $0x100000, s0  }
0x19d: {  	[sflag:s0] =	ssyncadd.tile.s32 @!p0 $0x1;
	_ =	shalt  }
.Lfunc_end2:
_tile_overlayer_lowered:
.L_overlay_start_2:
0x19e: {  	(tag) =	ssettag $0x2  }
0x19f: {  	s0 =	rddreg [dreg:$0x0];
	s2 =	stileid.u32  }
0x1a0: {  	s1 =	rddreg [dreg:$0x1];
	p0 =	sne.s32 s2, $0x0  }
0x1a1: {  	s3 =	rddreg [dreg:$0x2];
	[bflag:$0x3] =	sbarrier.arrive $0xFFFF;
	s2 =	simm.s32 @!p0 $0x1C03  }
0x1a2: {  	[timem:s3], [sflag:s2] =	dma.local @!p0 [hbm:s0], s1  }
0x1a3: {  	s0 =	simm.s32 @!p0 $0x3  }
0x1a4: {  	_ =	swait.ge @!p0 [sflag:s0], s1  }
0x1a5: {  	s1 =	ssub.s32 @!p0 $0x0, s1;
	[sflag:s0] =	ssyncset.done @!p0 $0x0  }
0x1a6: {  	[sflag:s0] =	ssyncadd.s32 @!p0 s1  }
0x1a7: {  	[bflag:$0x3] =	sbarrier.arrive $0xFFFF  }
0x1a8: {  	_ =	shalt  }

// kernel: kernel.17.cloned.1.call-start
scs
__scs_entry_jumppad:
0x0: {  	(pc) =	sbr.rel $0x88, $3  }
0x1: {  	(tag) =	ssettag $0x0;
	lr =	simm.s32 $0x1  }
0x2: {  	[smem:$0x3F94] =	sst lr;
	_ =	strace $0xD0000000  }
0x3: {  	_ = 	snop  }
0x4: {  	_ = 	snop  }
0x5: {  	_ = 	snop  }
0x6: {  	_ = 	snop  }
0x7: {  	_ = 	snop  }
__scs_overlays_trampoline_lowered:
0x8: {  	[smem:$0x3FA3] =	sst s0  }
0x9: {  	[smem:$0x3FA4] =	sst s1  }
0xa: {  	[smem:$0x3FA5] =	sst s2  }
0xb: {  	[smem:$0x3FA6] =	sst s3  }
0xc: {  	[smem:$0x3FA7] =	sst s4  }
0xd: {  	[smem:$0x3FA8] =	sst s5  }
0xe: {  	[smem:$0x3FA9] =	sst s6  }
0xf: {  	[smem:$0x3FAA] =	sst s7  }
0x10: {  	[smem:$0x3FAB] =	sst s8  }
0x11: {  	[smem:$0x3FAC] =	sst s9;
	s0 =	simm.s32 @!p0 $0x0  }
0x12: {  	s1 =	sld [smem:$0x3F92];
	s0 =	simm.s32 @p0 $0x1  }
0x13: {  	[smem:$0x3FAD] =	sst s0;
	s0 =	simm.s32 @!p1 $0x0  }
0x14: {  	s2 =	sld [smem:$0x3F91];
	s0 =	simm.s32 @p1 $0x1  }
0x15: {  	[smem:$0x3FAE] =	sst s0;
	s0 =	simm.s32 @!p2 $0x0  }
0x16: {  	s3 =	sld [smem:$0x3FDB];
	s0 =	simm.s32 @p2 $0x1  }
0x17: {  	s4 =	simm.s32 $0x1BF5;
	[smem:$0x3FB0] =	sst s0  }
0x18: {  	s0 =	sld [smem:$0x3F93];
	_ =	swait.ge [sflag:s4], $0x0  }
0x19: {  	s7 =	sld [smem:$0x3F94]  }
0x1a: {  	s8 =	sadd.s32 $0xFFFFE003, lr  }
0x1b: {  	s9 =	sadd.s32 $0xFFFFFEF7, lr;
	s5 =	simm.s32 $0xFFFFFFFF;
	p2 =	slt.u32 s8, $0xFFFFF086  }
0x1c: {  	p1 =	slt.u32 s9, $0xF7A;
	s5 =	simm.s32 @!p2 $0x0  }
0x1d: {  	s5 =	simm.s32 @p1 $0x1;
	p0 =	seq.s32 s7, s2  }
0x1e: {  	s7 =	smul.u32 @!p0 $0xF7A, s2;
	p2 =	seq.s32 @!p0 s5, $0x0  }
0x1f: {  	s9 =	smul.u32 $0xF7A, s1;
	s8 =	simm.s32 @!p0 $0x1BF5;
	p2 =	por !p2, p0  }
0x20: {  	[sflag:s8] =	ssyncset.s32 @!p0 $0xFFFFF086;
	s6 =	sadd.s32 @!p0 s3, s7;
	s7 =	simm.s32 @!p0 $0x108  }
0x21: {  	s3 =	sadd.s32 s3, s9;
	s6 =	sadd.s32 @!p0 $0x88, s6;
	s7 =	simm.s32 @p2 $0x1082  }
0x22: {  	[simem:s7], [sflag:s8] =	dma.local @!p0 [hbm:s6], $0xF7A  }
0x23: {  	s9 =	sor.u32 $0xD0000000, s2;
	s6 =	simm.s32 $0x108;
	_ =	swait.ge @!p0 [sflag:s8], $0x0  }
0x24: {  	s3 =	sadd.s32 $0x88, s3;
	s6 =	simm.s32 @!p1 $0x1082;
	[sflag:s4] =	ssyncset.s32 $0xFFFFF086  }
0x25: {  	[simem:s6], [sflag:s4] =	dma.local [hbm:s3], $0xF7A  }
0x26: {  	[smem:$0x3F94] =	sst s1;
	(tag) =	ssettag s2;
	_ =	strace s9  }
0x27: {  	s1 =	sld [smem:$0x3FA4]  }
0x28: {  	s2 =	sld [smem:$0x3FA5]  }
0x29: {  	s4 =	sld [smem:$0x3FA7]  }
0x2a: {  	p0 =	seq.s32 s5, $0x0;
	s5 =	sld [smem:$0x3FA8]  }
0x2b: {  	s6 =	sld [smem:$0x3FA9]  }
0x2c: {  	s7 =	sld [smem:$0x3FAA]  }
0x2d: {  	s3 =	simm.s32 $0x108;
	s8 =	sld [smem:$0x3FAB]  }
0x2e: {  	s3 =	simm.s32 @!p0 $0x1082;
	s9 =	sld [smem:$0x3FAC]  }
0x2f: {  	lr =	sadd.s32 s0, s3;
	s0 =	sld [smem:$0x3FA3]  }
0x30: {  	s3 =	sld [smem:$0x3FA6]  }
0x31: {  	[smem:$0x3FAF] =	sst s10  }
0x32: {  	s10 =	sld [smem:$0x3FAD];
	_ =	sdelay $0x3  }
0x33: {  	p0 =	seq.s32 s10, $0x1;
	s10 =	sld [smem:$0x3FAF];
	_ =	sdelay $0x3  }
0x34: {  	[smem:$0x3FAF] =	sst s10  }
0x35: {  	s10 =	sld [smem:$0x3FAE];
	_ =	sdelay $0x3  }
0x36: {  	p1 =	seq.s32 s10, $0x1;
	s10 =	sld [smem:$0x3FAF];
	_ =	sdelay $0x3  }
0x37: {  	[smem:$0x3FAF] =	sst s10  }
0x38: {  	s10 =	sld [smem:$0x3FB0]  }
0x39: {  	_ = 	snop;
	(pc) =	sbr.ind lr, $3  }
0x3a: {  	_ = 	snop  }
0x3b: {  	_ = 	snop  }
0x3c: {  	p2 =	seq.s32 s10, $0x1;
	s10 =	sld [smem:$0x3FAF]  }
0x3d: {  	_ =	shalt  }
0x3e: {  	_ =	shalt  }
0x3f: {  	_ =	shalt  }
0x40: {  	_ =	shalt  }
0x41: {  	_ =	shalt  }
0x42: {  	_ =	shalt  }
0x43: {  	_ =	shalt  }
0x44: {  	_ =	shalt  }
0x45: {  	_ =	shalt  }
0x46: {  	_ =	shalt  }
0x47: {  	_ =	shalt  }
0x48: {  	_ =	shalt  }
0x49: {  	_ =	shalt  }
0x4a: {  	_ =	shalt  }
0x4b: {  	_ =	shalt  }
0x4c: {  	_ =	shalt  }
0x4d: {  	_ =	shalt  }
0x4e: {  	_ =	shalt  }
0x4f: {  	_ =	shalt  }
0x50: {  	_ =	shalt  }
0x51: {  	_ =	shalt  }
0x52: {  	_ =	shalt  }
0x53: {  	_ =	shalt  }
0x54: {  	_ =	shalt  }
0x55: {  	_ =	shalt  }
0x56: {  	_ =	shalt  }
0x57: {  	_ =	shalt  }
0x58: {  	_ =	shalt  }
0x59: {  	_ =	shalt  }
0x5a: {  	_ =	shalt  }
0x5b: {  	_ =	shalt  }
0x5c: {  	_ =	shalt  }
0x5d: {  	_ =	shalt  }
0x5e: {  	_ =	shalt  }
0x5f: {  	_ =	shalt  }
0x60: {  	_ =	shalt  }
0x61: {  	_ =	shalt  }
0x62: {  	_ =	shalt  }
0x63: {  	_ =	shalt  }
0x64: {  	_ =	shalt  }
0x65: {  	_ =	shalt  }
0x66: {  	_ =	shalt  }
0x67: {  	_ =	shalt  }
0x68: {  	_ =	shalt  }
0x69: {  	_ =	shalt  }
0x6a: {  	_ =	shalt  }
0x6b: {  	_ =	shalt  }
0x6c: {  	_ =	shalt  }
0x6d: {  	_ =	shalt  }
0x6e: {  	_ =	shalt  }
0x6f: {  	_ =	shalt  }
0x70: {  	_ =	shalt  }
0x71: {  	_ =	shalt  }
0x72: {  	_ =	shalt  }
0x73: {  	_ =	shalt  }
0x74: {  	_ =	shalt  }
0x75: {  	_ =	shalt  }
0x76: {  	_ =	shalt  }
0x77: {  	_ =	shalt  }
0x78: {  	_ =	shalt  }
0x79: {  	_ =	shalt  }
0x7a: {  	_ =	shalt  }
0x7b: {  	_ =	shalt  }
0x7c: {  	_ =	shalt  }
0x7d: {  	_ =	shalt  }
0x7e: {  	_ =	shalt  }
0x7f: {  	_ =	shalt  }
0x80: {  	_ =	shalt  }
0x81: {  	_ =	shalt  }
0x82: {  	_ =	shalt  }
0x83: {  	_ =	shalt  }
0x84: {  	_ =	shalt  }
0x85: {  	_ =	shalt  }
0x86: {  	_ =	shalt  }
0x87: {  	_ =	shalt  }
.Lfunc_end0:
.L_simem_size_0:
called_computation.2_lowered:
.L_overlay_start_0:
0x88: {  	s2 =	sld [smem:$0x3FD9]  }
0x89: {  	s3 =	sld [smem:$0x3FFE];
	_ =	sdelay $0x1  }
0x8a: {  	s1 =	srdreg.scid  }
0x8b: {  	s0 =	sand.u32 $0x1, s1  }
0x8c: {  	s16 =	sshll.u32 s0, $0xA;
	s2 =	sadd.s32 s3, s2  }
0x8d: {  	s2 =	sadd.s32 s2, s16  }
0x8e: {  	[smem:$0x3FBB] =	sst s2  }
0x8f: {  	_ = 	snop  }
0x90: {  	(tm) =	ssettm $0x1  }
0x91: {  	s17 =	sld [smem:$0x3FFB];
	_ =	sdelay $0x3  }
0x92: {  	_ =	strace s17  }
0x93: {  	s2 =	sld [smem:$0x3FFC];
	_ =	sdelay $0x3  }
0x94: {  	_ =	strace s2  }
0x95: {  	s2 =	sld [smem:$0x3FFD];
	_ =	sdelay $0x3  }
0x96: {  	_ =	strace s2  }
0x97: {  	_ =	strace $0x8FFFFFFF  }
0x98: {  	s18 =	sld [smem:$0x3FDB];
	_ =	sdelay $0x1  }
0x99: {  	s19 =	simm.s32 $_scs_section_size  }
0x9a: {  	s4 =	simm.s32 $_size__tile_overlayer_lowered;
	s5 =	simm.s32 $_tile_overlayer_lowered  }
0x9b: {  	s22 =	simm.s32 $0x1BFF;
	s21 =	sshll.u32 s5, $0x1;
	s2 =	sadd.s32 s19, s18  }
0x9c: {  	s6 =	simm.s32 $0x0;
	s20 =	sshll.u32 s4, $0x1;
	s4 =	sadd.s32 s21, s2  }
0x9d: {  	[timem:s6], [sflag:s22] =	dma.local [hbm:s4], s20  }
0x9e: {  	_ =	swait.ge [sflag:s22], s20  }
0x9f: {  	s3 =	ssub.s32 $0x0, s20;
	[sflag:s22] =	ssyncset.done $0x0  }
0xa0: {  	[sflag:s22] =	ssyncadd.s32 s3;
	_ =	sdelay $0x1  }
0xa1: {  	s23 =	simm.s32 $0x1B8B  }
0xa2: {  	_ =	swait.ge [sflag:s23], $0x1  }
0xa3: {  	[sflag:s23] =	ssyncset.done $0x0  }
0xa4: {  	s25 =	simm.s32 $0x1B8E;
	s24 =	sld [smem:$0x3FFE];
	[sflag:s23] =	ssyncadd.s32 $0xFFFFFFFF  }
0xa5: {  	s26 =	simm.s32 $execute0_lowered;
	[smem:$0x3FD2] =	sst s25  }
0xa6: {  	s4 =	sshll.u32 s26, $0x1;
	_ =	strace $0x8000004C;
	[dreg:$0x1] =	wrdreg $0xFFFFFFFF  }
0xa7: {  	s28 =	simm.s32 $_size_execute0_lowered;
	s2 =	sadd.s32 s2, s4;
	[dreg:$0x0] =	wrdreg $0x0  }
0xa8: {  	s4 =	sshll.u32 s28, $0x1;
	[dreg:$0x2] =	wrdreg s2  }
0xa9: {  	[dreg:$0x3] =	wrdreg s4  }
0xaa: {  	[dreg:$0x4] =	wrdreg $0xC0  }
0xab: {  	_ =	task [dreg:s6], $0x5FFFF  }
0xac: {  	[dreg:$0x1] =	wrdreg $0xFFFFFFFF  }
0xad: {  	[dreg:$0x0] =	wrdreg $0x60  }
0xae: {  	[dreg:$0x2] =	wrdreg s24  }
0xaf: {  	[dreg:$0x3] =	wrdreg $0x84000  }
0xb0: {  	[dreg:$0x4] =	wrdreg $0x9  }
0xb1: {  	_ =	task.clear_ibuf [dreg:s6], $0x5FFFF;
	_ =	strace $0x9000004C  }
0xb2: {  	s29 =	simm.s32 $0x9;
	_ =	strace $0x8000004E  }
0xb3: {  	_ =	swait.ge [sflag:s29], $0x1  }
0xb4: {  	[sflag:s29] =	ssyncadd.s32 $0xFFFFFFFF  }
0xb5: {  	_ =	strace $0x9000004E  }
0xb6: {  	_ =	sfence  }
0xb7: {  	s30 =	sld [smem:$0x0];
	_ =	sdelay $0x2  }
0xb8: {  	s31 =	sshll.u32 s1, $0xD;
	s1 =	sshrl.u32 s1, $0x2  }
0xb9: {  	s3 =	sand.u32 $0x4000, s31;
	s1 =	sadd.s32 s1, s30  }
0xba: {  	s0 =	sor.u32 s3, s0;
	s1 =	sshll.u32 s1, $0x11  }
0xbb: {  	s0 =	sor.u32 s1, s0  }
0xbc: {  	s0 =	sadd.s32 $0x8F2B, s0  }
0xbd: {  	[sflag:s0] =	ssyncadd.remote.s32 $0x1  }
0xbe: {  	_ =	sfence.sel $0xFFFF  }
0xbf: {  	[dreg:$0x0] =	wrdreg $0xFFFFFFFF;
	(pc) =	sbr.abs _section_cstart, $3  }
0xc0: {  	[dreg:$0x1] =	wrdreg $0xFFFFFFFF  }
0xc1: {  	_ =	task.clear_ibuf [dreg:s6], $0x2FFFF;
	_ =	strace $0x9FFFFFFF  }
0xc2: {  	(tm) =	ssettm $0x7FFFFFFF  }
0xc3: {  	_ =	shalt  }
tec
execute0_lowered:
.L_overlay_start_1:
0x0: {  	(tag) =	ssettag $0x1  }
0x1: {  	s0 =	rddreg [dreg:$0x0]  }
0x2: {  	s1 =	rddreg [dreg:$0x1]  }
0x3: {  	s2 =	srdreg.scid;
	s3 =	simm.s32 $0x0;
	s11 =	stileid.u32  }
0x4: {  	s28 =	simm.s32 $0x200;
	s29 =	simm.s32 $0x2400;
	s30 =	simm.s32 $0x280  }
0x5: {  	s31 =	simm.s32 $0x6400;
	s2 =	sand.u32 $0x1, s2;
	s7 =	smul.u32 $0x13C00, s11  }
0x6: {  	[smem:$0x7FF] =	sst s3;
	s4 =	sadd.s32 $0x2A00, s0;
	s9 =	smul.u32 $0x4F000, s11  }
0x7: {  	s5 =	sadd.s32 $0x51A00, s0;
	s6 =	smul.u32 $0x13C000, s2;
	s8 =	sshll.u32 s2, $0x4  }
0x8: {  	_ =	strace $0x8000004D;
	s2 =	ssub.s32 $0x2, s2;
	s8 =	sor.u32 s11, s8  }
0x9: {  	s19 =	sshrl.u32 s9, $0x2;
	s21 =	sshrl.u32 s2, $0x1;
	s20 =	smul.u32 $0x9E, s8  }
0xa: {  	s7 =	sadd.s32 s7, s6;
	s6 =	sadd.s32 $0x1D8400, s0;
	s8 =	smul.u32 $0x2780, s8  }
0xb: {  	s2 =	ssub.s32 s2, s21;
	s10 =	sshrl.u32 s7, $0x3;
	s7 =	sadd.s32 s19, s1  }
0xc: {  	s23 =	smax.u32 s2, $0x1;
	s2 =	simm.s32 $0x300;
	s0 =	sadd.s32 s10, s0  }
0xd: {  	s22 =	sadd.s32 $0x12000, s7;
	s8 =	sadd.s32 s4, s8;
	s10 =	sor.u32 $0x1, s20  }
0xe: {  	s11 =	sadd.s32 $0x2, s20;
	[dreg:$0x6] =	wrdreg s23;
	s24 =	sadd.s32 $0x2000, s7  }
0xf: {  	s25 =	sadd.s32 $0x4000, s7;
	s26 =	sadd.s32 $0x6000, s7;
	[dreg:$0x3] =	wrdreg s22  }
0x10: {  	s17 =	sadd.s32 $0x8000, s7;
	s18 =	sadd.s32 $0xA000, s7;
	[dreg:$0x4] =	wrdreg s8  }
0x11: {  	s19 =	sadd.s32 $0xC000, s7;
	s20 =	sadd.s32 $0xE000, s7;
	[dreg:$0x7] =	wrdreg s24  }
0x12: {  	s21 =	sadd.s32 $0x10000, s7;
	s23 =	simm.s32 $0x3;
	[dreg:$0x8] =	wrdreg s25  }
0x13: {  	s0 =	sadd.s32 $0x398400, s0;
	[dreg:$0x9] =	wrdreg s26;
	s22 =	simm.s32 $0x400  }
0x14: {  	s24 =	simm.s32 $0x40;
	s25 =	simm.s32 $0x100;
	s26 =	simm.s32 $0x2  }
0x15: {  	v0 =	vimm.f32 $0.0e+00;
	s8 =	simm.s32 $0x0;
	[dreg:$0x5] =	wrdreg s0;
	s0 =	simm.s32 $0x1  }
.LBB2_1:
0x16: {  	s9 =	simm.s32 $0x0;
	s12 =	simm.s32 $0x200  }
.LBB2_2:
0x17: {  	p0 =	sne.s32 s12, $0x7E00;
	[tilespmem:s9+$0x470] =	vst v0  }
0x18: {  	[tilespmem:s9+$0x400] =	vst v0  }
0x19: {  	[tilespmem:s9+$0x410] =	vst v0  }
.Ltmp0:
0x1a: {  	[tilespmem:s9+$0x420] =	vst v0;
	(pc) =	sbr.rel @p0 .LBB2_2-.Ltmp0, $4  }
0x1b: {  	[tilespmem:s9+$0x430] =	vst v0  }
0x1c: {  	[tilespmem:s9+$0x440] =	vst v0  }
0x1d: {  	[tilespmem:s9+$0x450] =	vst v0  }
0x1e: {  	[tilespmem:s9+$0x460] =	vst v0;
	s9 =	sshra.s32 s12, $0x2;
	s12 =	sadd.s32 $0x200, s12  }
0x1f: {  	[tilespmem:s9+$0x470] =	vst v0  }
0x20: {  	[tilespmem:s9+$0x400] =	vst v0  }
0x21: {  	[tilespmem:s9+$0x410] =	vst v0  }
0x22: {  	[tilespmem:s9+$0x420] =	vst v0  }
0x23: {  	[tilespmem:s9+$0x430] =	vst v0  }
0x24: {  	[tilespmem:s9+$0x440] =	vst v0  }
0x25: {  	[tilespmem:s9+$0x450] =	vst v0  }
0x26: {  	[tilespmem:s9+$0x460] =	vst v0  }
0x27: {  	[spmem:s7] =	stream.linear.scatter [tilespmem:s22], [sflag:$0x3], $0x2000, $0x38;
	[tilespmem:$0x1C000] =	vst v63  }
0x28: {  	_ =	swait.ge [sflag:s23], $0x2000  }
0x29: {  	[sflag:s23] =	ssyncset.done $0x0  }
0x2a: {  	s12 =	rddreg [dreg:$0x7];
	[sflag:s23] =	ssyncadd.s32 $0xFFFFE000  }
0x2b: {  	[spmem:s12] =	stream.linear.scatter [tilespmem:s22], [sflag:$0x3], $0x2000, $0x38;
	[tilespmem:$0x1C000] =	vst v63  }
0x2c: {  	_ =	swait.ge [sflag:s23], $0x2000  }
0x2d: {  	[sflag:s23] =	ssyncset.done $0x0  }
0x2e: {  	s13 =	rddreg [dreg:$0x8];
	[sflag:s23] =	ssyncadd.s32 $0xFFFFE000  }
0x2f: {  	[spmem:s13] =	stream.linear.scatter [tilespmem:s22], [sflag:$0x3], $0x2000, $0x38;
	[tilespmem:$0x1C000] =	vst v63  }
0x30: {  	_ =	swait.ge [sflag:s23], $0x2000  }
0x31: {  	[sflag:s23] =	ssyncset.done $0x0  }
0x32: {  	s14 =	rddreg [dreg:$0x9];
	[sflag:s23] =	ssyncadd.s32 $0xFFFFE000  }
0x33: {  	[spmem:s14] =	stream.linear.scatter [tilespmem:s22], [sflag:$0x3], $0x2000, $0x38;
	[tilespmem:$0x1C000] =	vst v63  }
0x34: {  	_ =	swait.ge [sflag:s23], $0x2000  }
0x35: {  	[sflag:s23] =	ssyncset.done $0x0  }
0x36: {  	[sflag:s23] =	ssyncadd.s32 $0xFFFFE000  }
0x37: {  	[spmem:s17] =	stream.linear.scatter [tilespmem:s22], [sflag:$0x3], $0x2000, $0x38;
	[tilespmem:$0x1C000] =	vst v63  }
0x38: {  	_ =	swait.ge [sflag:s23], $0x2000  }
0x39: {  	[sflag:s23] =	ssyncset.done $0x0  }
0x3a: {  	[sflag:s23] =	ssyncadd.s32 $0xFFFFE000  }
0x3b: {  	[spmem:s18] =	stream.linear.scatter [tilespmem:s22], [sflag:$0x3], $0x2000, $0x38;
	[tilespmem:$0x1C000] =	vst v63  }
0x3c: {  	_ =	swait.ge [sflag:s23], $0x2000  }
0x3d: {  	[sflag:s23] =	ssyncset.done $0x0  }
0x3e: {  	[sflag:s23] =	ssyncadd.s32 $0xFFFFE000  }
0x3f: {  	[spmem:s19] =	stream.linear.scatter [tilespmem:s22], [sflag:$0x3], $0x2000, $0x38;
	[tilespmem:$0x1C000] =	vst v63  }
0x40: {  	_ =	swait.ge [sflag:s23], $0x2000  }
0x41: {  	[sflag:s23] =	ssyncset.done $0x0  }
0x42: {  	[sflag:s23] =	ssyncadd.s32 $0xFFFFE000  }
0x43: {  	[spmem:s20] =	stream.linear.scatter [tilespmem:s22], [sflag:$0x3], $0x2000, $0x38;
	[tilespmem:$0x1C000] =	vst v63  }
0x44: {  	_ =	swait.ge [sflag:s23], $0x2000  }
0x45: {  	[sflag:s23] =	ssyncset.done $0x0  }
0x46: {  	[sflag:s23] =	ssyncadd.s32 $0xFFFFE000  }
0x47: {  	[spmem:s21] =	stream.linear.scatter [tilespmem:s22], [sflag:$0x3], $0x2000, $0x38;
	[tilespmem:$0x1C000] =	vst v63  }
0x48: {  	_ =	swait.ge [sflag:s23], $0x2000  }
0x49: {  	[sflag:s23] =	ssyncset.done $0x0  }
0x4a: {  	s15 =	rddreg [dreg:$0x3];
	[sflag:s23] =	ssyncadd.s32 $0xFFFFE000  }
0x4b: {  	[spmem:s15] =	stream.linear.scatter [tilespmem:s22], [sflag:$0x3], $0x1C00, $0x38;
	[tilespmem:$0x1C000] =	vst v63  }
0x4c: {  	_ =	swait.ge [sflag:s23], $0x1C00  }
0x4d: {  	[sflag:s23] =	ssyncset.done $0x0  }
0x4e: {  	[sflag:s23] =	ssyncadd.s32 $0xFFFFE400  }
0x4f: {  	[bflag:$0x0] =	sbarrier.arrive $0xFFFF  }
0x50: {  	s9 =	simm.s32 $0x0;
	s12 =	rddreg [dreg:$0x4]  }
0x51: {  	[tilespmem:s9], [sflag:$0x3] =	stream.linear.gather [hbm4b:s12+s9], $0x180, $0x38;
	[tilespmem:$0x1C000] =	vst v63  }
0x52: {  	_ =	swait.ge [sflag:s23], $0x180  }
0x53: {  	[sflag:s23] =	ssyncset.done $0x0  }
0x54: {  	[sflag:s23] =	ssyncadd.s32 $0xFFFFFE80  }
0x55: {  	[tilespmem:s22], [sflag:$0x1] =	stream.indirect.gather [hbm4b:s5+s24], $0x80, s9, s24, $0xb8;
	[tilespmem:$0x1C000] =	vst v63  }
0x56: {  	s16 =	simm.s32 $0x80;
	s13 =	simm.s32 $0x4400  }
0x57: {  	[tilespmem:s13], [sflag:$0x1] =	stream.indirect.gather [hbm4b:s6+s24], $0x80, s16, s24, $0xb8;
	[tilespmem:$0x1C000] =	vst v63  }
.LBB2_4:
0x58: {  	s12 =	sshll.u32 s9, $0x1  }
0x59: {  	s13 =	sadd.s32 s12, s10  }
0x5a: {  	s13 =	sshll.u32 s13, $0x6  }
0x5b: {  	s13 =	sand.u32 $0x1FFFFFC0, s13  }
0x5c: {  	s13 =	sadd.s32 s4, s13  }
0x5d: {  	[tilespmem:s28], [sflag:$0x3] =	stream.linear.gather [hbm4b:s13+s3], $0x180, $0x38;
	[tilespmem:$0x1C000] =	vst v63  }
0x5e: {  	_ =	swait.ge [sflag:s23], $0x180  }
0x5f: {  	[sflag:s23] =	ssyncset.done $0x0  }
0x60: {  	[sflag:s23] =	ssyncadd.s32 $0xFFFFFE80  }
0x61: {  	[tilespmem:s29], [sflag:$0x2] =	stream.indirect.gather [hbm4b:s5+s24], $0x80, s28, s24, $0xb8;
	[tilespmem:$0x1C000] =	vst v63  }
0x62: {  	_ = 	snop  }
0x63: {  	[tilespmem:s31], [sflag:$0x2] =	stream.indirect.gather [hbm4b:s6+s24], $0x80, s30, s24, $0xb8;
	[tilespmem:$0x1C000] =	vst v63  }
0x64: {  	_ =	swait.ge [sflag:s0], $0x2000  }
0x65: {  	[sflag:s0] =	ssyncset.done $0x0  }
0x66: {  	[sflag:s0] =	ssyncadd.s32 $0xFFFFE000  }
0x67: {  	_ =	swait.ge [sflag:s0], $0x2000  }
0x68: {  	[sflag:s0] =	ssyncset.done $0x0  }
0x69: {  	s13 =	simm.s32 $0x500;
	[sflag:s0] =	ssyncadd.s32 $0xFFFFE000  }
0x6a: {  	s14 =	simm.s32 $0x4500;
	v1 =	vld [tilespmem:s13+$0x80]  }
0x6b: {  	v2 =	vld [tilespmem:s14+$0x80]  }
0x6c: {  	v3 =	vld [tilespmem:s13+$0xFFFFFF80]  }
0x6d: {  	v4 =	vld [tilespmem:s14+$0xFFFFFF80]  }
0x6e: {  	v5 =	vld [tilespmem:s13+$0x0]  }
0x6f: {  	v6 =	vld [tilespmem:s14+$0x0]  }
0x70: {  	v7 =	vld [tilespmem:s13+$0xFFFFFF00];
	v1 =	vmul.f32 v2, v1  }
0x71: {  	v2 =	vld [tilespmem:s14+$0xFFFFFF00]  }
0x72: {  	[tilespmem:s13+$0x80] =	vst v1;
	v1 =	vld [tilespmem:s13+$0x90]  }
0x73: {  	v3 =	vmul.f32 v4, v3;
	v4 =	vld [tilespmem:s14+$0x90]  }
0x74: {  	v8 =	vld [tilespmem:s13+$0xFFFFFF10]  }
0x75: {  	[tilespmem:s13+$0xFFFFFF80] =	vst v3;
	v3 =	vmul.f32 v6, v5;
	v5 =	vld [tilespmem:s13+$0xFFFFFF90]  }
0x76: {  	v6 =	vld [tilespmem:s14+$0xFFFFFF90];
	v2 =	vmul.f32 v2, v7  }
0x77: {  	[tilespmem:s13+$0x0] =	vst v3;
	v3 =	vld [tilespmem:s13+$0x10]  }
0x78: {  	v7 =	vld [tilespmem:s14+$0x10];
	[tilespmem:s13+$0xFFFFFF00] =	vst v2;
	v1 =	vmul.f32 v4, v1  }
0x79: {  	v2 =	vld [tilespmem:s14+$0xFFFFFF10]  }
0x7a: {  	[tilespmem:s13+$0x90] =	vst v1;
	v1 =	vld [tilespmem:s13+$0xA0]  }
0x7b: {  	v4 =	vmul.f32 v6, v5;
	v5 =	vld [tilespmem:s14+$0xA0]  }
0x7c: {  	v6 =	vld [tilespmem:s13+$0xFFFFFF20]  }
0x7d: {  	[tilespmem:s13+$0xFFFFFF90] =	vst v4;
	v3 =	vmul.f32 v7, v3;
	v4 =	vld [tilespmem:s13+$0xFFFFFFA0]  }
0x7e: {  	v7 =	vld [tilespmem:s14+$0xFFFFFFA0];
	v2 =	vmul.f32 v2, v8  }
0x7f: {  	[tilespmem:s13+$0x10] =	vst v3;
	v3 =	vld [tilespmem:s13+$0x20]  }
0x80: {  	v8 =	vld [tilespmem:s14+$0x20];
	[tilespmem:s13+$0xFFFFFF10] =	vst v2;
	v1 =	vmul.f32 v5, v1  }
0x81: {  	v2 =	vld [tilespmem:s14+$0xFFFFFF20]  }
0x82: {  	[tilespmem:s13+$0xA0] =	vst v1;
	v1 =	vld [tilespmem:s13+$0xB0]  }
0x83: {  	v4 =	vmul.f32 v7, v4;
	v5 =	vld [tilespmem:s14+$0xB0]  }
0x84: {  	v7 =	vld [tilespmem:s13+$0xFFFFFF30]  }
0x85: {  	[tilespmem:s13+$0xFFFFFFA0] =	vst v4;
	v3 =	vmul.f32 v8, v3;
	v4 =	vld [tilespmem:s13+$0xFFFFFFB0]  }
0x86: {  	v8 =	vld [tilespmem:s14+$0xFFFFFFB0];
	v2 =	vmul.f32 v2, v6  }
0x87: {  	[tilespmem:s13+$0x20] =	vst v3;
	v3 =	vld [tilespmem:s13+$0x30]  }
0x88: {  	v6 =	vld [tilespmem:s14+$0x30];
	[tilespmem:s13+$0xFFFFFF20] =	vst v2;
	v1 =	vmul.f32 v5, v1  }
0x89: {  	v2 =	vld [tilespmem:s14+$0xFFFFFF30]  }
0x8a: {  	[tilespmem:s13+$0xB0] =	vst v1;
	v1 =	vld [tilespmem:s13+$0xC0]  }
0x8b: {  	v4 =	vmul.f32 v8, v4;
	v5 =	vld [tilespmem:s14+$0xC0]  }
0x8c: {  	v8 =	vld [tilespmem:s13+$0xFFFFFF40]  }
0x8d: {  	[tilespmem:s13+$0xFFFFFFB0] =	vst v4;
	v3 =	vmul.f32 v6, v3;
	v4 =	vld [tilespmem:s13+$0xFFFFFFC0]  }
0x8e: {  	v6 =	vld [tilespmem:s14+$0xFFFFFFC0];
	v2 =	vmul.f32 v2, v7  }
0x8f: {  	[tilespmem:s13+$0x30] =	vst v3;
	v3 =	vld [tilespmem:s13+$0x40]  }
0x90: {  	v7 =	vld [tilespmem:s14+$0x40];
	[tilespmem:s13+$0xFFFFFF30] =	vst v2;
	v1 =	vmul.f32 v5, v1  }
0x91: {  	v2 =	vld [tilespmem:s14+$0xFFFFFF40]  }
0x92: {  	[tilespmem:s13+$0xC0] =	vst v1;
	v1 =	vld [tilespmem:s13+$0xD0]  }
0x93: {  	v4 =	vmul.f32 v6, v4;
	v5 =	vld [tilespmem:s14+$0xD0]  }
0x94: {  	v6 =	vld [tilespmem:s13+$0xFFFFFF50]  }
0x95: {  	[tilespmem:s13+$0xFFFFFFC0] =	vst v4;
	v3 =	vmul.f32 v7, v3;
	v4 =	vld [tilespmem:s13+$0xFFFFFFD0]  }
0x96: {  	v7 =	vld [tilespmem:s14+$0xFFFFFFD0];
	v2 =	vmul.f32 v2, v8  }
0x97: {  	[tilespmem:s13+$0x40] =	vst v3;
	v3 =	vld [tilespmem:s13+$0x50]  }
0x98: {  	v8 =	vld [tilespmem:s14+$0x50];
	[tilespmem:s13+$0xFFFFFF40] =	vst v2;
	v1 =	vmul.f32 v5, v1  }
0x99: {  	v2 =	vld [tilespmem:s14+$0xFFFFFF50]  }
0x9a: {  	[tilespmem:s13+$0xD0] =	vst v1;
	v1 =	vld [tilespmem:s13+$0xE0]  }
0x9b: {  	v4 =	vmul.f32 v7, v4;
	v5 =	vld [tilespmem:s14+$0xE0]  }
0x9c: {  	v7 =	vld [tilespmem:s13+$0xFFFFFF60]  }
0x9d: {  	[tilespmem:s13+$0xFFFFFFD0] =	vst v4;
	v3 =	vmul.f32 v8, v3;
	v4 =	vld [tilespmem:s13+$0xFFFFFFE0]  }
0x9e: {  	v8 =	vld [tilespmem:s14+$0xFFFFFFE0];
	v2 =	vmul.f32 v2, v6  }
0x9f: {  	[tilespmem:s13+$0x50] =	vst v3;
	v3 =	vld [tilespmem:s13+$0x60]  }
0xa0: {  	v6 =	vld [tilespmem:s14+$0x60];
	[tilespmem:s13+$0xFFFFFF50] =	vst v2;
	v1 =	vmul.f32 v5, v1  }
0xa1: {  	v5 =	vld [tilespmem:s14+$0xFFFFFF60]  }
0xa2: {  	v9 =	vld [tilespmem:s13+$0xF0];
	[tilespmem:s13+$0xE0] =	vst v1  }
0xa3: {  	v2 =	vmul.f32 v8, v4;
	v8 =	vld [tilespmem:s14+$0xF0]  }
0xa4: {  	v1 =	vld [tilespmem:s13+$0xFFFFFF70]  }
0xa5: {  	[tilespmem:s13+$0xFFFFFFE0] =	vst v2;
	v3 =	vmul.f32 v6, v3;
	v2 =	vld [tilespmem:s13+$0xFFFFFFF0]  }
0xa6: {  	v4 =	vld [tilespmem:s14+$0xFFFFFFF0];
	v5 =	vmul.f32 v5, v7  }
0xa7: {  	[tilespmem:s13+$0x60] =	vst v3;
	v3 =	vld [tilespmem:s13+$0x70]  }
0xa8: {  	[tilespmem:s13+$0xFFFFFF60] =	vst v5;
	v5 =	vld [tilespmem:s14+$0x70];
	v7 =	vmul.f32 v8, v9  }
0xa9: {  	s15 =	simm.s32 $0x0;
	s16 =	simm.s32 $0x700;
	v6 =	vld [tilespmem:s14+$0xFFFFFF70]  }
.LBB2_5:
0xaa: {  	v8 =	vld [tilespmem:s16+$0x80];
	[tilespmem:s13+$0xF0] =	vst v7;
	s14 =	sadd.s32 $0x200, s14  }
0xab: {  	s15 =	sadd.s32 $0x4, s15;
	v7 =	vld [tilespmem:s14+$0x80];
	v2 =	vmul.f32 v4, v2  }
0xac: {  	p0 =	slt.u32 s15, $0x3C;
	v4 =	vld [tilespmem:s14+$0xFFFFFF00]  }
0xad: {  	v9 =	vld [tilespmem:s16+$0xFFFFFF80];
	[tilespmem:s13+$0xFFFFFFF0] =	vst v2;
	v2 =	vmul.f32 v5, v3  }
0xae: {  	v3 =	vld [tilespmem:s14+$0xFFFFFF80];
	v1 =	vmul.f32 v6, v1  }
0xaf: {  	v5 =	vld [tilespmem:s16+$0x0];
	[tilespmem:s13+$0x70] =	vst v2  }
0xb0: {  	v2 =	vld [tilespmem:s14+$0x0];
	v6 =	vmul.f32 v7, v8;
	[tilespmem:s13+$0xFFFFFF70] =	vst v1;
	s13 =	smov.u32 s16  }
0xb1: {  	v1 =	vld [tilespmem:s16+$0xFFFFFF00]  }
0xb2: {  	[tilespmem:s16+$0x80] =	vst v6;
	v6 =	vld [tilespmem:s16+$0x90]  }
0xb3: {  	v3 =	vmul.f32 v3, v9;
	v7 =	vld [tilespmem:s14+$0x90]  }
0xb4: {  	v8 =	vld [tilespmem:s16+$0xFFFFFF10]  }
0xb5: {  	[tilespmem:s16+$0xFFFFFF80] =	vst v3;
	v3 =	vld [tilespmem:s16+$0xFFFFFF90];
	v2 =	vmul.f32 v2, v5  }
0xb6: {  	v1 =	vmul.f32 v4, v1;
	v4 =	vld [tilespmem:s14+$0xFFFFFF90]  }
0xb7: {  	[tilespmem:s16+$0x0] =	vst v2;
	v2 =	vld [tilespmem:s16+$0x10]  }
0xb8: {  	[tilespmem:s16+$0xFFFFFF00] =	vst v1;
	v1 =	vld [tilespmem:s14+$0x10];
	v5 =	vmul.f32 v7, v6  }
0xb9: {  	v6 =	vld [tilespmem:s14+$0xFFFFFF10]  }
0xba: {  	[tilespmem:s16+$0x90] =	vst v5;
	v5 =	vld [tilespmem:s16+$0xA0]  }
0xbb: {  	v3 =	vmul.f32 v4, v3;
	v4 =	vld [tilespmem:s14+$0xA0]  }
0xbc: {  	v7 =	vld [tilespmem:s16+$0xFFFFFF20]  }
0xbd: {  	[tilespmem:s16+$0xFFFFFF90] =	vst v3;
	v3 =	vld [tilespmem:s16+$0xFFFFFFA0];
	v1 =	vmul.f32 v1, v2  }
0xbe: {  	v2 =	vmul.f32 v6, v8;
	v6 =	vld [tilespmem:s14+$0xFFFFFFA0]  }
0xbf: {  	[tilespmem:s16+$0x10] =	vst v1;
	v1 =	vld [tilespmem:s16+$0x20]  }
0xc0: {  	[tilespmem:s16+$0xFFFFFF10] =	vst v2;
	v2 =	vld [tilespmem:s14+$0x20];
	v4 =	vmul.f32 v4, v5  }
0xc1: {  	v5 =	vld [tilespmem:s14+$0xFFFFFF20]  }
0xc2: {  	[tilespmem:s16+$0xA0] =	vst v4;
	v4 =	vld [tilespmem:s16+$0xB0]  }
0xc3: {  	v3 =	vmul.f32 v6, v3;
	v6 =	vld [tilespmem:s14+$0xB0]  }
0xc4: {  	v8 =	vld [tilespmem:s16+$0xFFFFFF30]  }
0xc5: {  	[tilespmem:s16+$0xFFFFFFA0] =	vst v3;
	v3 =	vld [tilespmem:s16+$0xFFFFFFB0];
	v1 =	vmul.f32 v2, v1  }
0xc6: {  	v2 =	vmul.f32 v5, v7;
	v5 =	vld [tilespmem:s14+$0xFFFFFFB0]  }
0xc7: {  	[tilespmem:s16+$0x20] =	vst v1;
	v1 =	vld [tilespmem:s16+$0x30]  }
0xc8: {  	[tilespmem:s16+$0xFFFFFF20] =	vst v2;
	v2 =	vld [tilespmem:s14+$0x30];
	v4 =	vmul.f32 v6, v4  }
0xc9: {  	v6 =	vld [tilespmem:s14+$0xFFFFFF30]  }
0xca: {  	[tilespmem:s16+$0xB0] =	vst v4;
	v4 =	vld [tilespmem:s16+$0xC0]  }
0xcb: {  	v3 =	vmul.f32 v5, v3;
	v5 =	vld [tilespmem:s14+$0xC0]  }
0xcc: {  	v7 =	vld [tilespmem:s16+$0xFFFFFF40]  }
0xcd: {  	[tilespmem:s16+$0xFFFFFFB0] =	vst v3;
	v3 =	vld [tilespmem:s16+$0xFFFFFFC0];
	v1 =	vmul.f32 v2, v1  }
0xce: {  	v2 =	vmul.f32 v6, v8;
	v6 =	vld [tilespmem:s14+$0xFFFFFFC0]  }
0xcf: {  	[tilespmem:s16+$0x30] =	vst v1;
	v1 =	vld [tilespmem:s16+$0x40]  }
0xd0: {  	[tilespmem:s16+$0xFFFFFF30] =	vst v2;
	v2 =	vld [tilespmem:s14+$0x40];
	v4 =	vmul.f32 v5, v4  }
0xd1: {  	v5 =	vld [tilespmem:s14+$0xFFFFFF40]  }
0xd2: {  	[tilespmem:s16+$0xC0] =	vst v4;
	v4 =	vld [tilespmem:s16+$0xD0]  }
0xd3: {  	v3 =	vmul.f32 v6, v3;
	v6 =	vld [tilespmem:s14+$0xD0]  }
0xd4: {  	v8 =	vld [tilespmem:s16+$0xFFFFFF50]  }
0xd5: {  	[tilespmem:s16+$0xFFFFFFC0] =	vst v3;
	v3 =	vld [tilespmem:s16+$0xFFFFFFD0];
	v1 =	vmul.f32 v2, v1  }
0xd6: {  	v2 =	vmul.f32 v5, v7;
	v5 =	vld [tilespmem:s14+$0xFFFFFFD0]  }
0xd7: {  	[tilespmem:s16+$0x40] =	vst v1;
	v1 =	vld [tilespmem:s16+$0x50]  }
0xd8: {  	[tilespmem:s16+$0xFFFFFF40] =	vst v2;
	v2 =	vld [tilespmem:s14+$0x50];
	v4 =	vmul.f32 v6, v4  }
0xd9: {  	v6 =	vld [tilespmem:s14+$0xFFFFFF50]  }
0xda: {  	[tilespmem:s16+$0xD0] =	vst v4;
	v4 =	vld [tilespmem:s16+$0xE0]  }
0xdb: {  	v3 =	vmul.f32 v5, v3;
	v5 =	vld [tilespmem:s14+$0xE0]  }
0xdc: {  	v7 =	vld [tilespmem:s16+$0xFFFFFF60]  }
0xdd: {  	[tilespmem:s16+$0xFFFFFFD0] =	vst v3;
	v3 =	vld [tilespmem:s16+$0xFFFFFFE0];
	v1 =	vmul.f32 v2, v1  }
0xde: {  	v2 =	vmul.f32 v6, v8;
	v6 =	vld [tilespmem:s14+$0xFFFFFFE0]  }
0xdf: {  	[tilespmem:s16+$0x50] =	vst v1;
	v8 =	vld [tilespmem:s16+$0x60]  }
0xe0: {  	[tilespmem:s16+$0xFFFFFF50] =	vst v2;
	v9 =	vld [tilespmem:s14+$0x60];
	v1 =	vmul.f32 v5, v4  }
0xe1: {  	v4 =	vld [tilespmem:s14+$0xFFFFFF60]  }
0xe2: {  	[tilespmem:s16+$0xE0] =	vst v1;
	v10 =	vld [tilespmem:s16+$0xF0]  }
0xe3: {  	v2 =	vmul.f32 v6, v3;
	v6 =	vld [tilespmem:s14+$0xF0]  }
0xe4: {  	v1 =	vld [tilespmem:s16+$0xFFFFFF70]  }
.Ltmp1:
0xe5: {  	[tilespmem:s16+$0xFFFFFFE0] =	vst v2;
	v2 =	vld [tilespmem:s16+$0xFFFFFFF0];
	v3 =	vmul.f32 v9, v8;
	(pc) =	sbr.rel @p0 .LBB2_5-.Ltmp1, $4  }
0xe6: {  	v5 =	vmul.f32 v4, v7;
	v4 =	vld [tilespmem:s14+$0xFFFFFFF0]  }
0xe7: {  	[tilespmem:s16+$0x60] =	vst v3;
	v3 =	vld [tilespmem:s16+$0x70]  }
0xe8: {  	[tilespmem:s16+$0xFFFFFF60] =	vst v5;
	v5 =	vld [tilespmem:s14+$0x70];
	v7 =	vmul.f32 v6, v10  }
0xe9: {  	s16 =	sadd.s32 $0x200, s16;
	v6 =	vld [tilespmem:s14+$0xFFFFFF70]  }
0xea: {  	_ =	sdelay $0x1  }
0xeb: {  	v2 =	vmul.f32 v4, v2  }
0xec: {  	[tilespmem:s13+$0xF0] =	vst v7;
	v3 =	vmul.f32 v5, v3  }
0xed: {  	[tilespmem:s13+$0xFFFFFFF0] =	vst v2;
	v1 =	vmul.f32 v6, v1  }
0xee: {  	p0 =	seq.s32 s9, $0x4E;
	[tilespmem:s13+$0x70] =	vst v3  }
0xef: {  	s12 =	sadd.s32 @!p0 s12, s11;
	[tilespmem:s13+$0xFFFFFF70] =	vst v1  }
0xf0: {  	[spmem:s1] =	stream.indirect.scatter.add.f32 [tilespmem:s22], [sflag:$0x3], $0x80, s25, s24, $0xb8;
	[tilespmem:$0x1C000] =	vst v63  }
0xf1: {  	s12 =	sshll.u32 @!p0 s12, $0x6;
	_ =	swait.ge [sflag:s23], $0x2000  }
0xf2: {  	s12 =	sand.u32 @!p0 $0x1FFFFF80, s12;
	[sflag:s23] =	ssyncset.done $0x0  }
0xf3: {  	s12 =	sadd.s32 @!p0 s4, s12;
	s13 =	simm.s32 @!p0 $0x0;
	[sflag:s23] =	ssyncadd.s32 $0xFFFFE000  }
0xf4: {  	[tilespmem:s13], [sflag:$0x3] =	stream.linear.gather @!p0 [hbm4b:s12+s13], $0x180, $0x38;
	[tilespmem:$0x1C000] =	vst v63  }
0xf5: {  	s12 =	simm.s32 @!p0 $0x3  }
0xf6: {  	_ =	swait.ge @!p0 [sflag:s12], $0x180  }
0xf7: {  	[sflag:s12] =	ssyncset.done @!p0 $0x0  }
0xf8: {  	s14 =	simm.s32 @!p0 $0x400;
	[sflag:s12] =	ssyncadd.s32 @!p0 $0xFFFFFE80;
	s12 =	simm.s32 @!p0 $0x40  }
0xf9: {  	[tilespmem:s14], [sflag:$0x1] =	stream.indirect.gather @!p0 [hbm4b:s5+s12], $0x80, s13, s12, $0xb8;
	[tilespmem:$0x1C000] =	vst v63  }
0xfa: {  	s13 =	simm.s32 @!p0 $0x80;
	s14 =	simm.s32 @!p0 $0x4400  }
0xfb: {  	[tilespmem:s14], [sflag:$0x1] =	stream.indirect.gather @!p0 [hbm4b:s6+s12], $0x80, s13, s12, $0xb8;
	[tilespmem:$0x1C000] =	vst v63  }
0xfc: {  	_ =	swait.ge [sflag:s26], $0x2000  }
0xfd: {  	[sflag:s26] =	ssyncset.done $0x0  }
0xfe: {  	[sflag:s26] =	ssyncadd.s32 $0xFFFFE000  }
0xff: {  	_ =	swait.ge [sflag:s26], $0x2000  }
0x100: {  	[sflag:s26] =	ssyncset.done $0x0  }
0x101: {  	s12 =	simm.s32 $0x2500;
	[sflag:s26] =	ssyncadd.s32 $0xFFFFE000  }
0x102: {  	s13 =	simm.s32 $0x6500;
	v1 =	vld [tilespmem:s12+$0x80]  }
0x103: {  	v2 =	vld [tilespmem:s13+$0x80]  }
0x104: {  	v3 =	vld [tilespmem:s12+$0xFFFFFF80]  }
0x105: {  	v4 =	vld [tilespmem:s13+$0xFFFFFF80]  }
0x106: {  	v5 =	vld [tilespmem:s12+$0x0]  }
0x107: {  	v6 =	vld [tilespmem:s13+$0x0]  }
0x108: {  	v7 =	vld [tilespmem:s12+$0xFFFFFF00];
	v1 =	vmul.f32 v2, v1  }
0x109: {  	v2 =	vld [tilespmem:s13+$0xFFFFFF00]  }
0x10a: {  	[tilespmem:s12+$0x80] =	vst v1;
	v1 =	vld [tilespmem:s12+$0x90]  }
0x10b: {  	v3 =	vmul.f32 v4, v3;
	v4 =	vld [tilespmem:s13+$0x90]  }
0x10c: {  	v8 =	vld [tilespmem:s12+$0xFFFFFF10]  }
0x10d: {  	[tilespmem:s12+$0xFFFFFF80] =	vst v3;
	v3 =	vmul.f32 v6, v5;
	v5 =	vld [tilespmem:s12+$0xFFFFFF90]  }
0x10e: {  	v6 =	vld [tilespmem:s13+$0xFFFFFF90];
	v2 =	vmul.f32 v2, v7  }
0x10f: {  	[tilespmem:s12+$0x0] =	vst v3;
	v3 =	vld [tilespmem:s12+$0x10]  }
0x110: {  	v7 =	vld [tilespmem:s13+$0x10];
	[tilespmem:s12+$0xFFFFFF00] =	vst v2;
	v1 =	vmul.f32 v4, v1  }
0x111: {  	v2 =	vld [tilespmem:s13+$0xFFFFFF10]  }
0x112: {  	[tilespmem:s12+$0x90] =	vst v1;
	v1 =	vld [tilespmem:s12+$0xA0]  }
0x113: {  	v4 =	vmul.f32 v6, v5;
	v5 =	vld [tilespmem:s13+$0xA0]  }
0x114: {  	v6 =	vld [tilespmem:s12+$0xFFFFFF20]  }
0x115: {  	[tilespmem:s12+$0xFFFFFF90] =	vst v4;
	v3 =	vmul.f32 v7, v3;
	v4 =	vld [tilespmem:s12+$0xFFFFFFA0]  }
0x116: {  	v7 =	vld [tilespmem:s13+$0xFFFFFFA0];
	v2 =	vmul.f32 v2, v8  }
0x117: {  	[tilespmem:s12+$0x10] =	vst v3;
	v3 =	vld [tilespmem:s12+$0x20]  }
0x118: {  	v8 =	vld [tilespmem:s13+$0x20];
	[tilespmem:s12+$0xFFFFFF10] =	vst v2;
	v1 =	vmul.f32 v5, v1  }
0x119: {  	v2 =	vld [tilespmem:s13+$0xFFFFFF20]  }
0x11a: {  	[tilespmem:s12+$0xA0] =	vst v1;
	v1 =	vld [tilespmem:s12+$0xB0]  }
0x11b: {  	v4 =	vmul.f32 v7, v4;
	v5 =	vld [tilespmem:s13+$0xB0]  }
0x11c: {  	v7 =	vld [tilespmem:s12+$0xFFFFFF30]  }
0x11d: {  	[tilespmem:s12+$0xFFFFFFA0] =	vst v4;
	v3 =	vmul.f32 v8, v3;
	v4 =	vld [tilespmem:s12+$0xFFFFFFB0]  }
0x11e: {  	v8 =	vld [tilespmem:s13+$0xFFFFFFB0];
	v2 =	vmul.f32 v2, v6  }
0x11f: {  	[tilespmem:s12+$0x20] =	vst v3;
	v3 =	vld [tilespmem:s12+$0x30]  }
0x120: {  	v6 =	vld [tilespmem:s13+$0x30];
	[tilespmem:s12+$0xFFFFFF20] =	vst v2;
	v1 =	vmul.f32 v5, v1  }
0x121: {  	v2 =	vld [tilespmem:s13+$0xFFFFFF30]  }
0x122: {  	[tilespmem:s12+$0xB0] =	vst v1;
	v1 =	vld [tilespmem:s12+$0xC0]  }
0x123: {  	v4 =	vmul.f32 v8, v4;
	v5 =	vld [tilespmem:s13+$0xC0]  }
0x124: {  	v8 =	vld [tilespmem:s12+$0xFFFFFF40]  }
0x125: {  	[tilespmem:s12+$0xFFFFFFB0] =	vst v4;
	v3 =	vmul.f32 v6, v3;
	v4 =	vld [tilespmem:s12+$0xFFFFFFC0]  }
0x126: {  	v6 =	vld [tilespmem:s13+$0xFFFFFFC0];
	v2 =	vmul.f32 v2, v7  }
0x127: {  	[tilespmem:s12+$0x30] =	vst v3;
	v3 =	vld [tilespmem:s12+$0x40]  }
0x128: {  	v7 =	vld [tilespmem:s13+$0x40];
	[tilespmem:s12+$0xFFFFFF30] =	vst v2;
	v1 =	vmul.f32 v5, v1  }
0x129: {  	v2 =	vld [tilespmem:s13+$0xFFFFFF40]  }
0x12a: {  	[tilespmem:s12+$0xC0] =	vst v1;
	v1 =	vld [tilespmem:s12+$0xD0]  }
0x12b: {  	v4 =	vmul.f32 v6, v4;
	v5 =	vld [tilespmem:s13+$0xD0]  }
0x12c: {  	v6 =	vld [tilespmem:s12+$0xFFFFFF50]  }
0x12d: {  	[tilespmem:s12+$0xFFFFFFC0] =	vst v4;
	v3 =	vmul.f32 v7, v3;
	v4 =	vld [tilespmem:s12+$0xFFFFFFD0]  }
0x12e: {  	v7 =	vld [tilespmem:s13+$0xFFFFFFD0];
	v2 =	vmul.f32 v2, v8  }
0x12f: {  	[tilespmem:s12+$0x40] =	vst v3;
	v3 =	vld [tilespmem:s12+$0x50]  }
0x130: {  	v8 =	vld [tilespmem:s13+$0x50];
	[tilespmem:s12+$0xFFFFFF40] =	vst v2;
	v1 =	vmul.f32 v5, v1  }
0x131: {  	v2 =	vld [tilespmem:s13+$0xFFFFFF50]  }
0x132: {  	[tilespmem:s12+$0xD0] =	vst v1;
	v1 =	vld [tilespmem:s12+$0xE0]  }
0x133: {  	v4 =	vmul.f32 v7, v4;
	v5 =	vld [tilespmem:s13+$0xE0]  }
0x134: {  	v7 =	vld [tilespmem:s12+$0xFFFFFF60]  }
0x135: {  	[tilespmem:s12+$0xFFFFFFD0] =	vst v4;
	v3 =	vmul.f32 v8, v3;
	v4 =	vld [tilespmem:s12+$0xFFFFFFE0]  }
0x136: {  	v8 =	vld [tilespmem:s13+$0xFFFFFFE0];
	v2 =	vmul.f32 v2, v6  }
0x137: {  	[tilespmem:s12+$0x50] =	vst v3;
	v3 =	vld [tilespmem:s12+$0x60]  }
0x138: {  	v6 =	vld [tilespmem:s13+$0x60];
	[tilespmem:s12+$0xFFFFFF50] =	vst v2;
	v1 =	vmul.f32 v5, v1  }
0x139: {  	v5 =	vld [tilespmem:s13+$0xFFFFFF60]  }
0x13a: {  	v9 =	vld [tilespmem:s12+$0xF0];
	[tilespmem:s12+$0xE0] =	vst v1  }
0x13b: {  	v2 =	vmul.f32 v8, v4;
	v8 =	vld [tilespmem:s13+$0xF0]  }
0x13c: {  	v1 =	vld [tilespmem:s12+$0xFFFFFF70]  }
0x13d: {  	[tilespmem:s12+$0xFFFFFFE0] =	vst v2;
	v3 =	vmul.f32 v6, v3;
	v2 =	vld [tilespmem:s12+$0xFFFFFFF0]  }
0x13e: {  	v4 =	vld [tilespmem:s13+$0xFFFFFFF0];
	v5 =	vmul.f32 v5, v7  }
0x13f: {  	[tilespmem:s12+$0x60] =	vst v3;
	v3 =	vld [tilespmem:s12+$0x70]  }
0x140: {  	[tilespmem:s12+$0xFFFFFF60] =	vst v5;
	v5 =	vld [tilespmem:s13+$0x70];
	v7 =	vmul.f32 v8, v9  }
0x141: {  	s15 =	simm.s32 $0x2700;
	s14 =	simm.s32 $0x0;
	v6 =	vld [tilespmem:s13+$0xFFFFFF70]  }
.LBB2_7:
0x142: {  	v8 =	vld [tilespmem:s15+$0x80];
	[tilespmem:s12+$0xF0] =	vst v7;
	s13 =	sadd.s32 $0x200, s13  }
0x143: {  	s14 =	sadd.s32 $0x4, s14;
	v7 =	vld [tilespmem:s13+$0x80];
	v2 =	vmul.f32 v4, v2  }
0x144: {  	p0 =	slt.u32 s14, $0x3C;
	v4 =	vld [tilespmem:s13+$0xFFFFFF00]  }
0x145: {  	v9 =	vld [tilespmem:s15+$0xFFFFFF80];
	[tilespmem:s12+$0xFFFFFFF0] =	vst v2;
	v2 =	vmul.f32 v5, v3  }
0x146: {  	v3 =	vld [tilespmem:s13+$0xFFFFFF80];
	v1 =	vmul.f32 v6, v1  }
0x147: {  	v5 =	vld [tilespmem:s15+$0x0];
	[tilespmem:s12+$0x70] =	vst v2  }
0x148: {  	v2 =	vld [tilespmem:s13+$0x0];
	v6 =	vmul.f32 v7, v8;
	[tilespmem:s12+$0xFFFFFF70] =	vst v1;
	s12 =	smov.u32 s15  }
0x149: {  	v1 =	vld [tilespmem:s15+$0xFFFFFF00]  }
0x14a: {  	[tilespmem:s15+$0x80] =	vst v6;
	v6 =	vld [tilespmem:s15+$0x90]  }
0x14b: {  	v3 =	vmul.f32 v3, v9;
	v7 =	vld [tilespmem:s13+$0x90]  }
0x14c: {  	v8 =	vld [tilespmem:s15+$0xFFFFFF10]  }
0x14d: {  	[tilespmem:s15+$0xFFFFFF80] =	vst v3;
	v3 =	vld [tilespmem:s15+$0xFFFFFF90];
	v2 =	vmul.f32 v2, v5  }
0x14e: {  	v1 =	vmul.f32 v4, v1;
	v4 =	vld [tilespmem:s13+$0xFFFFFF90]  }
0x14f: {  	[tilespmem:s15+$0x0] =	vst v2;
	v2 =	vld [tilespmem:s15+$0x10]  }
0x150: {  	[tilespmem:s15+$0xFFFFFF00] =	vst v1;
	v1 =	vld [tilespmem:s13+$0x10];
	v5 =	vmul.f32 v7, v6  }
0x151: {  	v6 =	vld [tilespmem:s13+$0xFFFFFF10]  }
0x152: {  	[tilespmem:s15+$0x90] =	vst v5;
	v5 =	vld [tilespmem:s15+$0xA0]  }
0x153: {  	v3 =	vmul.f32 v4, v3;
	v4 =	vld [tilespmem:s13+$0xA0]  }
0x154: {  	v7 =	vld [tilespmem:s15+$0xFFFFFF20]  }
0x155: {  	[tilespmem:s15+$0xFFFFFF90] =	vst v3;
	v3 =	vld [tilespmem:s15+$0xFFFFFFA0];
	v1 =	vmul.f32 v1, v2  }
0x156: {  	v2 =	vmul.f32 v6, v8;
	v6 =	vld [tilespmem:s13+$0xFFFFFFA0]  }
0x157: {  	[tilespmem:s15+$0x10] =	vst v1;
	v1 =	vld [tilespmem:s15+$0x20]  }
0x158: {  	[tilespmem:s15+$0xFFFFFF10] =	vst v2;
	v2 =	vld [tilespmem:s13+$0x20];
	v4 =	vmul.f32 v4, v5  }
0x159: {  	v5 =	vld [tilespmem:s13+$0xFFFFFF20]  }
0x15a: {  	[tilespmem:s15+$0xA0] =	vst v4;
	v4 =	vld [tilespmem:s15+$0xB0]  }
0x15b: {  	v3 =	vmul.f32 v6, v3;
	v6 =	vld [tilespmem:s13+$0xB0]  }
0x15c: {  	v8 =	vld [tilespmem:s15+$0xFFFFFF30]  }
0x15d: {  	[tilespmem:s15+$0xFFFFFFA0] =	vst v3;
	v3 =	vld [tilespmem:s15+$0xFFFFFFB0];
	v1 =	vmul.f32 v2, v1  }
0x15e: {  	v2 =	vmul.f32 v5, v7;
	v5 =	vld [tilespmem:s13+$0xFFFFFFB0]  }
0x15f: {  	[tilespmem:s15+$0x20] =	vst v1;
	v1 =	vld [tilespmem:s15+$0x30]  }
0x160: {  	[tilespmem:s15+$0xFFFFFF20] =	vst v2;
	v2 =	vld [tilespmem:s13+$0x30];
	v4 =	vmul.f32 v6, v4  }
0x161: {  	v6 =	vld [tilespmem:s13+$0xFFFFFF30]  }
0x162: {  	[tilespmem:s15+$0xB0] =	vst v4;
	v4 =	vld [tilespmem:s15+$0xC0]  }
0x163: {  	v3 =	vmul.f32 v5, v3;
	v5 =	vld [tilespmem:s13+$0xC0]  }
0x164: {  	v7 =	vld [tilespmem:s15+$0xFFFFFF40]  }
0x165: {  	[tilespmem:s15+$0xFFFFFFB0] =	vst v3;
	v3 =	vld [tilespmem:s15+$0xFFFFFFC0];
	v1 =	vmul.f32 v2, v1  }
0x166: {  	v2 =	vmul.f32 v6, v8;
	v6 =	vld [tilespmem:s13+$0xFFFFFFC0]  }
0x167: {  	[tilespmem:s15+$0x30] =	vst v1;
	v1 =	vld [tilespmem:s15+$0x40]  }
0x168: {  	[tilespmem:s15+$0xFFFFFF30] =	vst v2;
	v2 =	vld [tilespmem:s13+$0x40];
	v4 =	vmul.f32 v5, v4  }
0x169: {  	v5 =	vld [tilespmem:s13+$0xFFFFFF40]  }
0x16a: {  	[tilespmem:s15+$0xC0] =	vst v4;
	v4 =	vld [tilespmem:s15+$0xD0]  }
0x16b: {  	v3 =	vmul.f32 v6, v3;
	v6 =	vld [tilespmem:s13+$0xD0]  }
0x16c: {  	v8 =	vld [tilespmem:s15+$0xFFFFFF50]  }
0x16d: {  	[tilespmem:s15+$0xFFFFFFC0] =	vst v3;
	v3 =	vld [tilespmem:s15+$0xFFFFFFD0];
	v1 =	vmul.f32 v2, v1  }
0x16e: {  	v2 =	vmul.f32 v5, v7;
	v5 =	vld [tilespmem:s13+$0xFFFFFFD0]  }
0x16f: {  	[tilespmem:s15+$0x40] =	vst v1;
	v1 =	vld [tilespmem:s15+$0x50]  }
0x170: {  	[tilespmem:s15+$0xFFFFFF40] =	vst v2;
	v2 =	vld [tilespmem:s13+$0x50];
	v4 =	vmul.f32 v6, v4  }
0x171: {  	v6 =	vld [tilespmem:s13+$0xFFFFFF50]  }
0x172: {  	[tilespmem:s15+$0xD0] =	vst v4;
	v4 =	vld [tilespmem:s15+$0xE0]  }
0x173: {  	v3 =	vmul.f32 v5, v3;
	v5 =	vld [tilespmem:s13+$0xE0]  }
0x174: {  	v7 =	vld [tilespmem:s15+$0xFFFFFF60]  }
0x175: {  	[tilespmem:s15+$0xFFFFFFD0] =	vst v3;
	v3 =	vld [tilespmem:s15+$0xFFFFFFE0];
	v1 =	vmul.f32 v2, v1  }
0x176: {  	v2 =	vmul.f32 v6, v8;
	v6 =	vld [tilespmem:s13+$0xFFFFFFE0]  }
0x177: {  	[tilespmem:s15+$0x50] =	vst v1;
	v8 =	vld [tilespmem:s15+$0x60]  }
0x178: {  	[tilespmem:s15+$0xFFFFFF50] =	vst v2;
	v9 =	vld [tilespmem:s13+$0x60];
	v1 =	vmul.f32 v5, v4  }
0x179: {  	v4 =	vld [tilespmem:s13+$0xFFFFFF60]  }
0x17a: {  	[tilespmem:s15+$0xE0] =	vst v1;
	v10 =	vld [tilespmem:s15+$0xF0]  }
0x17b: {  	v2 =	vmul.f32 v6, v3;
	v6 =	vld [tilespmem:s13+$0xF0]  }
0x17c: {  	v1 =	vld [tilespmem:s15+$0xFFFFFF70]  }
.Ltmp2:
0x17d: {  	[tilespmem:s15+$0xFFFFFFE0] =	vst v2;
	v2 =	vld [tilespmem:s15+$0xFFFFFFF0];
	v3 =	vmul.f32 v9, v8;
	(pc) =	sbr.rel @p0 .LBB2_7-.Ltmp2, $4  }
0x17e: {  	v5 =	vmul.f32 v4, v7;
	v4 =	vld [tilespmem:s13+$0xFFFFFFF0]  }
0x17f: {  	[tilespmem:s15+$0x60] =	vst v3;
	v3 =	vld [tilespmem:s15+$0x70]  }
0x180: {  	[tilespmem:s15+$0xFFFFFF60] =	vst v5;
	v5 =	vld [tilespmem:s13+$0x70];
	v7 =	vmul.f32 v6, v10  }
0x181: {  	s15 =	sadd.s32 $0x200, s15;
	v6 =	vld [tilespmem:s13+$0xFFFFFF70]  }
0x182: {  	_ =	sdelay $0x1  }
0x183: {  	v2 =	vmul.f32 v4, v2  }
0x184: {  	[tilespmem:s12+$0xF0] =	vst v7;
	v3 =	vmul.f32 v5, v3  }
0x185: {  	s9 =	sadd.s32 $0x1, s9;
	[tilespmem:s12+$0xFFFFFFF0] =	vst v2;
	v1 =	vmul.f32 v6, v1  }
0x186: {  	p0 =	sne.s32 s9, $0x4F;
	[tilespmem:s12+$0x70] =	vst v3  }
.Ltmp3:
0x187: {  	[tilespmem:s12+$0xFFFFFF70] =	vst v1;
	(pc) =	sbr.rel @p0 .LBB2_4-.Ltmp3, $4  }
0x188: {  	[spmem:s1] =	stream.indirect.scatter.add.f32 [tilespmem:s29], [sflag:$0x3], $0x80, s2, s24, $0xb8;
	[tilespmem:$0x1C000] =	vst v63  }
0x189: {  	_ =	swait.ge [sflag:s23], $0x2000  }
0x18a: {  	[sflag:s23] =	ssyncset.done $0x0  }
0x18b: {  	[sflag:s23] =	ssyncadd.s32 $0xFFFFE000  }
0x18c: {  	s9 =	stileid.u32  }
0x18d: {  	[bflag:$0x0] =	sbarrier.arrive $0xFFFF;
	s9 =	sshll.u32 s9, $0x6  }
0x18e: {  	s12 =	sshrl.u32 s7, $0x3;
	s13 =	rddreg [dreg:$0x5];
	s9 =	sor.u32 $0x1C03, s9  }
0x18f: {  	[hbm:s13], [sflag:s9] =	dma.local [spmem:s12], $0x2780  }
0x190: {  	_ =	swait.ge [sflag:s23], $0x2780  }
0x191: {  	s8 =	sadd.s32 $0x1, s8;
	s16 =	rddreg [dreg:$0x6]  }
0x192: {  	p0 =	sne.s32 s8, s16  }
.Ltmp4:
0x193: {  	_ = 	snop;
	(pc) =	sbr.rel @p0 .LBB2_1-.Ltmp4, $3  }
0x194: {  	_ =	sdelay $0x1  }
0x195: {  	[sflag:s23] =	ssyncset.done $0x0  }
0x196: {  	[sflag:s23] =	ssyncadd.s32 $0xFFFFD880  }
0x197: {  	_ =	sfence.sel $0x180000  }
0x198: {  	[bflag:$0x0] =	sbarrier.arrive $0xFFFF  }
0x199: {  	_ =	strace $0x9000004D  }
0x19a: {  	s0 =	stileid.u32;
	[bflag:$0x2] =	sbarrier.arrive $0xFFFF  }
0x19b: {  	p0 =	sne.s32 s0, $0x0;
	s0 =	rddreg [dreg:$0x2]  }
0x19c: {  	s0 =	sadd.s32 @!p0 $0x100000, s0  }
0x19d: {  	[sflag:s0] =	ssyncadd.tile.s32 @!p0 $0x1;
	_ =	shalt  }
.Lfunc_end2:
_tile_overlayer_lowered:
.L_overlay_start_2:
0x19e: {  	(tag) =	ssettag $0x2  }
0x19f: {  	s0 =	rddreg [dreg:$0x0];
	s2 =	stileid.u32  }
0x1a0: {  	s1 =	rddreg [dreg:$0x1];
	p0 =	sne.s32 s2, $0x0  }
0x1a1: {  	s3 =	rddreg [dreg:$0x2];
	[bflag:$0x3] =	sbarrier.arrive $0xFFFF;
	s2 =	simm.s32 @!p0 $0x1C03  }
0x1a2: {  	[timem:s3], [sflag:s2] =	dma.local @!p0 [hbm:s0], s1  }
0x1a3: {  	s0 =	simm.s32 @!p0 $0x3  }
0x1a4: {  	_ =	swait.ge @!p0 [sflag:s0], s1  }
0x1a5: {  	s1 =	ssub.s32 @!p0 $0x0, s1;
	[sflag:s0] =	ssyncset.done @!p0 $0x0  }
0x1a6: {  	[sflag:s0] =	ssyncadd.s32 @!p0 s1  }
0x1a7: {  	[bflag:$0x3] =	sbarrier.arrive $0xFFFF  }
0x1a8: {  	_ =	shalt  }

</sc_bundles>
